<compile_context>
chip_gen: v7x
topology: tpu7x:2x2x1
jax: 0.10.2.dev20260603
libtpu: 0.0.44.dev20260713+nightly
codegen_flags: <defaults>
</compile_context>

<pallas_src>
import functools

import jax
import jax.numpy as jnp
from jax import lax
from jax.experimental import pallas as pl
from jax.experimental.pallas import tpu as pltpu
from jax.experimental.pallas import tpu_sc as plsc

_VOCAB = 1_000_000
_DIM = 32
_B = 16384
_L = 200
_N = _B * _L
_NW = 32
_NPW = _N // _NW
_C = 640
_SUB = _C // 128
_NCHUNK = _NPW // _C
_ROWS_PER_W = _NPW // 128


def _rsqrt(x):
    i = lax.bitcast_convert_type(x, jnp.int32)
    y = lax.bitcast_convert_type(jnp.int32(0x5F3759DF) - (i >> 1),
                                 jnp.float32)
    half = jnp.float32(0.5)
    three_half = jnp.float32(1.5)
    for _ in range(3):
        y = y * (three_half - half * x * y * y)
    return y


_mesh = plsc.VectorSubcoreMesh(core_axis_name="c", subcore_axis_name="s")

_TV = 512
_TSTRIDE = _TV + 1
_VPW_T = 31232
_TCH_FULL = 61
_TTAIL = _VOCAB - _NW * _VPW_T


@functools.partial(
    pl.kernel,
    mesh=_mesh,
    compiler_params=pltpu.CompilerParams(needs_layout_passes=False),
    out_type=jax.ShapeDtypeStruct((_VOCAB * _DIM,), jnp.float32),
    scratch_types=[
        pltpu.VMEM((2, _DIM, _TSTRIDE), jnp.float32),
        pltpu.VMEM((_TV * _DIM,), jnp.float32),
        pltpu.VMEM((_TV * _DIM,), jnp.float32),
        pltpu.SemaphoreType.DMA((2,)),
        pltpu.SemaphoreType.DMA((2,)),
    ],
)
def _transpose_kernel(tt_hbm, out_hbm, bin_, bout0, bout1, sems, semw):
    bouts = (bout0, bout1)
    w = lax.axis_index("s") * 2 + lax.axis_index("c")
    v0 = w * _VPW_T

    def issue(vbase, n, b):
        vbase = pl.multiple_of(vbase, 128)
        for td in range(_DIM // 8):
            pltpu.async_copy(
                tt_hbm.at[pl.ds(td * 8, 8), pl.ds(vbase, n)],
                bin_.at[b, pl.ds(td * 8, 8), pl.ds(0, n)],
                sems.at[b])

    def drain(n, b):
        for td in range(_DIM // 8):
            pltpu.make_async_copy(
                tt_hbm.at[pl.ds(0, 8), pl.ds(0, n)],
                bin_.at[b, pl.ds(td * 8, 8), pl.ds(0, n)],
                sems.at[b]).wait()

    lane = lax.iota(jnp.int32, 16)
    hi_lane = lane + 16

    def compute(n, b):
        @plsc.parallel_loop(0, n, unroll=8)
        def transpose_v(v):
            col = jnp.full((16,), v, jnp.int32)
            bouts[b][pl.ds(v * _DIM, 16)] = plsc.load_gather(
                bin_.at[b], [lane, col])
            bouts[b][pl.ds(v * _DIM + 16, 16)] = plsc.load_gather(
                bin_.at[b], [hi_lane, col])

    def issue_w(vbase, n, b):
        pltpu.async_copy(bouts[b].at[pl.ds(0, n * _DIM)],
                         out_hbm.at[pl.ds(vbase * _DIM, n * _DIM)],
                         semw.at[b])

    def drain_w(n, b):
        pltpu.make_async_copy(bouts[b].at[pl.ds(0, n * _DIM)],
                              out_hbm.at[pl.ds(0, n * _DIM)],
                              semw.at[b]).wait()

    def chunk(vbase, n, b):
        compute(n, b)
        pltpu.sync_copy(bouts[b].at[pl.ds(0, n * _DIM)],
                        out_hbm.at[pl.ds(vbase * _DIM, n * _DIM)])

    def tbody(kk, carry):
        for b in range(2):
            k = kk * 2 + b
            nxt = jnp.minimum(k + 1, _TCH_FULL - 1)
            issue(v0 + nxt * _TV, _TV, 1 - b)
            drain(_TV, b)

            @pl.when(k >= 2)
            def _():
                drain_w(_TV, b)

            compute(_TV, b)
            issue_w(v0 + k * _TV, _TV, b)
        return carry

    issue(v0, _TV, 0)
    lax.fori_loop(0, _TCH_FULL // 2, tbody, 0)
    drain(_TV, 0)
    drain_w(_TV, 0)
    chunk(v0 + (_TCH_FULL - 1) * _TV, _TV, 0)
    drain_w(_TV, 1)
    tail0 = _NW * _VPW_T

    @pl.when(w < 4)
    def _():
        issue(tail0 + w * 128, 128, 0)
        drain(128, 0)
        chunk(tail0 + w * 128, 128, 0)

    @pl.when(w == 4)
    def _():
        issue(tail0 + 512, 64, 0)
        drain(64, 0)
        chunk(tail0 + 512, 64, 0)


@functools.partial(
    pl.kernel,
    mesh=_mesh,
    compiler_params=pltpu.CompilerParams(needs_layout_passes=False,
                                         use_tc_tiling_on_sc=False),
    out_type=jax.ShapeDtypeStruct((_N // 128, 128), jnp.float32),
    scratch_types=[
        pltpu.VMEM((2, _SUB, 128), jnp.int32),
        pltpu.VMEM((2, _SUB, 128), jnp.int32),
        pltpu.VMEM((2, _C, _DIM), jnp.float32),
        pltpu.VMEM((2, _C, _DIM), jnp.float32),
        pltpu.VMEM((_C * 17,), jnp.float32),
        pltpu.VMEM((_C * 17,), jnp.float32),
        pltpu.VMEM((_C * 17,), jnp.float32),
        pltpu.VMEM((_SUB, 128), jnp.float32),
        pltpu.SemaphoreType.DMA((2,)),
        pltpu.SemaphoreType.DMA((2,)),
    ],
)
def _pairs_kernel(x1_hbm, x2_hbm, table_hbm, out_hbm,
                  idx1_v, idx2_v, rows1_v, rows2_v,
                  dot_s, n1_s, n2_s, out_v, sems, semi):
    w = lax.axis_index("s") * 2 + lax.axis_index("c")
    row0 = w * _ROWS_PER_W

    def issue_i(k, b):
        rb = row0 + k * _SUB
        pltpu.async_copy(x1_hbm.at[pl.ds(rb, _SUB)], idx1_v.at[b],
                         semi.at[b])
        pltpu.async_copy(x2_hbm.at[pl.ds(rb, _SUB)], idx2_v.at[b],
                         semi.at[b])

    def drain_i(b):
        pltpu.make_async_copy(x1_hbm.at[pl.ds(0, _SUB)],
                              idx1_v.at[b], semi.at[b]).wait()
        pltpu.make_async_copy(x2_hbm.at[pl.ds(0, _SUB)],
                              idx2_v.at[b], semi.at[b]).wait()

    def issue_g(b):
        for j in range(_SUB):
            pltpu.async_copy(table_hbm.at[idx1_v.at[b, j]],
                             rows1_v.at[b, pl.ds(j * 128, 128)], sems.at[b])
            pltpu.async_copy(table_hbm.at[idx2_v.at[b, j]],
                             rows2_v.at[b, pl.ds(j * 128, 128)], sems.at[b])

    def drain_g(b):
        pltpu.make_async_copy(table_hbm.at[pl.ds(0, _C)],
                              rows1_v.at[b], sems.at[b]).wait()
        pltpu.make_async_copy(table_hbm.at[pl.ds(0, _C)],
                              rows2_v.at[b], sems.at[b]).wait()

    lane_ids = lax.iota(jnp.int32, 16)

    def compute(k, b):
        @plsc.parallel_loop(0, _C, unroll=8)
        def pair_body(i):
            a1 = rows1_v[b, i, pl.ds(0, 16)]
            b1 = rows1_v[b, i, pl.ds(16, 16)]
            a2 = rows2_v[b, i, pl.ds(0, 16)]
            b2 = rows2_v[b, i, pl.ds(16, 16)]
            dot_s[pl.ds(i * 17, 16)] = plsc.cumsum(a1 * a2 + b1 * b2)
            n1_s[pl.ds(i * 17, 16)] = plsc.cumsum(a1 * a1 + b1 * b1)
            n2_s[pl.ds(i * 17, 16)] = plsc.cumsum(a2 * a2 + b2 * b2)

        @plsc.parallel_loop(0, _C // 16, unroll=4)
        def grp_body(g):
            ids = (g * 16 + lane_ids) * 17 + 15
            d = plsc.load_gather(dot_s, [ids])
            q1 = jnp.maximum(plsc.load_gather(n1_s, [ids]), jnp.float32(1.0))
            q2 = jnp.maximum(plsc.load_gather(n2_s, [ids]), jnp.float32(1.0))
            out_v[g // 8, pl.ds((g % 8) * 16, 16)] = (
                d * _rsqrt(q1) * _rsqrt(q2))

        pltpu.sync_copy(out_v, out_hbm.at[pl.ds(row0 + k * _SUB, _SUB)])

    issue_i(0, 0)
    drain_i(0)
    issue_g(0)
    issue_i(1, 1)

    def body(kk, carry):
        for b in range(2):
            k = kk * 2 + b
            drain_g(b)
            issue_i(jnp.minimum(k + 2, _NCHUNK - 1), b)
            drain_i(1 - b)
            issue_g(1 - b)
            compute(k, b)
        return carry

    lax.fori_loop(0, _NCHUNK // 2, body, 0)
    drain_g(0)
    drain_i(1)


def kernel(x1, x2, embedding):
    table = _transpose_kernel(embedding.T).reshape(_VOCAB, _DIM)
    x1f = x1.reshape(_N // 128, 128)
    x2f = x2.reshape(_N // 128, 128)
    out = _pairs_kernel(x1f, x2f, table)
    return out.reshape(_B, _L)

# --- scband reference (transcript-rebuilt; emitter-appended) ---
"""Pipeline reference for scband-embedding-model-49460843381089 (READ-ONLY COPY).

The authoritative reference and input builder live on the scoring server;
editing this copy changes nothing except your own understanding.
"""

import jax, jax.numpy as jnp
import numpy as np

VOCAB = 1000000
DIM = 32
B = 16384
L = 200


def setup_inputs(seed: int = 0) -> dict:
    key = jax.random.key(seed)
    k1, k2, k3 = jax.random.split(key, 3)
    x1 = jax.random.randint(k1, (B, L), 0, VOCAB, dtype=jnp.int32)
    x2 = jax.random.randint(k2, (B, L), 0, VOCAB, dtype=jnp.int32)
    embedding = jax.random.normal(k3, (VOCAB, DIM), dtype=jnp.float32)
    return {"x1": x1, "x2": x2, "embedding": embedding}


def _lookup_max_norm(table, idx, max_norm=1.0):
    # tf.nn.embedding_lookup(..., max_norm=1): clip each gathered vector's
    # l2-norm to at most max_norm.
    e = jnp.take(table, idx, axis=0)
    n = jnp.linalg.norm(e, axis=-1, keepdims=True)
    scale = max_norm / jnp.maximum(n, max_norm)
    return e * scale


def reference(x1, x2, embedding):
    X1 = _lookup_max_norm(embedding, x1, 1.0)
    X2 = _lookup_max_norm(embedding, x2, 1.0)
    cos_similarity = jnp.sum(jnp.multiply(X1, X2), axis=-1)
    return cos_similarity

if __name__ == "__main__":
    import jax
    _d = setup_inputs()
    print(jax.jit(kernel)(*tuple(_d.values())))

</pallas_src>

<mosaic_0001>
#map = affine_map<(d0, d1) -> (0, 0)>
#map1 = affine_map<(d0, d1) -> (0)>
module attributes {stable_mosaic.version = 14 : i64} {
  func.func @_transpose_kernel(%arg0: i32, %arg1: i32, %arg2: memref<32x1000000xf32, #tpu.memory_space<hbm>>, %arg3: memref<32000000xf32, #tpu.memory_space<hbm>>, %arg4: memref<2x32x513xf32, #tpu.memory_space<vmem>>, %arg5: memref<16384xf32, #tpu.memory_space<vmem>>, %arg6: memref<16384xf32, #tpu.memory_space<vmem>>, %arg7: memref<2x!tpu.dma_semaphore, #tpu.memory_space<semaphore_mem>>, %arg8: memref<2x!tpu.dma_semaphore, #tpu.memory_space<semaphore_mem>>) attributes {dimension_semantics = [#tpu.dimension_semantics<core_parallel>, #tpu.dimension_semantics<subcore_parallel>], iteration_bounds = array<i64: 2, 16>, scalar_prefetch = 0 : i64, scratch_operands = 5 : i64, tpu.core_type = #tpu.core_type<sc_vector_subcore>, window_params = [{transform_indices = #map}, {transform_indices = #map1}]} {
    %mul3A = arith.constant 2 : i32
    %mul3A_0 = arith.muli %arg1, %mul3A : i32
    %add3A = arith.addi %mul3A_0, %arg0 : i32
    %mul3A_1 = arith.constant 31232 : i32
    %mul3A_2 = arith.muli %add3A, %mul3A_1 : i32
    %iota3A = tpu.iota {dimensions = array<i32: 0>} : vector<16xi32>
    %add3A_3 = arith.constant 16 : i32
    %add3A_4 = vector.broadcast %add3A_3 : i32 to vector<16xi32>
    %add3A_5 = arith.addi %iota3A, %add3A_4 : vector<16xi32>
    %multiple_of3A = tpu.assume_multiple %mul3A_2, 128 : i32
    %dma_start3A = arith.constant 0 : i32
    %dma_start3A_6 = arith.constant 0 : i32
    %dma_start3A_7 = arith.constant 0 : i32
    %dma_start3A_8 = arith.constant 0 : i32
    %dma_start3A_9 = tpu.memref_slice %arg4[%dma_start3A, %dma_start3A_7, %dma_start3A_8] : memref<2x32x513xf32, #tpu.memory_space<vmem>> -> memref<1x8x512xf32, #tpu.memory_space<vmem>>
    %dma_start3A_10 = tpu.memref_squeeze %dma_start3A_9 : memref<1x8x512xf32, #tpu.memory_space<vmem>> -> memref<8x512xf32, #tpu.memory_space<vmem>>
    %dma_start3A_11 = arith.constant 0 : i32
    %dma_start3A_12 = tpu.memref_slice %arg2[%dma_start3A_11, %multiple_of3A] : memref<32x1000000xf32, #tpu.memory_space<hbm>> -> memref<8x512xf32, #tpu.memory_space<hbm>>
    %dma_start3A_13 = tpu.memref_slice %arg7[%dma_start3A_6] : memref<2x!tpu.dma_semaphore, #tpu.memory_space<semaphore_mem>> -> memref<1x!tpu.dma_semaphore, #tpu.memory_space<semaphore_mem>>
    %dma_start3A_14 = tpu.memref_squeeze %dma_start3A_13 : memref<1x!tpu.dma_semaphore, #tpu.memory_space<semaphore_mem>> -> memref<!tpu.dma_semaphore, #tpu.memory_space<semaphore_mem>>
    %dma_start3A_15 = arith.constant 0 : i32
    %dma_start3A_16 = arith.constant 0 : i32
    %dma_start3A_17 = tpu.memref_slice %arg4[%dma_start3A, %dma_start3A_15, %dma_start3A_16] : memref<2x32x513xf32, #tpu.memory_space<vmem>> -> memref<1x8x512xf32, #tpu.memory_space<vmem>>
    %dma_start3A_18 = tpu.memref_squeeze %dma_start3A_17 : memref<1x8x512xf32, #tpu.memory_space<vmem>> -> memref<8x512xf32, #tpu.memory_space<vmem>>
    %dma_start3A_19 = arith.constant 0 : i32
    %dma_start3A_20 = tpu.memref_slice %arg2[%dma_start3A_19, %multiple_of3A] : memref<32x1000000xf32, #tpu.memory_space<hbm>> -> memref<8x512xf32, #tpu.memory_space<hbm>>
    tpu.enqueue_dma source(%dma_start3A_20 : memref<8x512xf32, #tpu.memory_space<hbm>>) target(%dma_start3A_18 : memref<8x512xf32, #tpu.memory_space<vmem>>) target_semaphore(%dma_start3A_14 : memref<!tpu.dma_semaphore, #tpu.memory_space<semaphore_mem>>)
    %dma_start3A_21 = arith.constant 0 : i32
    %dma_start3A_22 = arith.constant 0 : i32
    %dma_start3A_23 = arith.constant 8 : i32
    %dma_start3A_24 = arith.constant 0 : i32
    %dma_start3A_25 = tpu.memref_slice %arg4[%dma_start3A_21, %dma_start3A_23, %dma_start3A_24] : memref<2x32x513xf32, #tpu.memory_space<vmem>> -> memref<1x8x512xf32, #tpu.memory_space<vmem>>
    %dma_start3A_26 = tpu.memref_squeeze %dma_start3A_25 : memref<1x8x512xf32, #tpu.memory_space<vmem>> -> memref<8x512xf32, #tpu.memory_space<vmem>>
    %dma_start3A_27 = arith.constant 8 : i32
    %dma_start3A_28 = tpu.memref_slice %arg2[%dma_start3A_27, %multiple_of3A] : memref<32x1000000xf32, #tpu.memory_space<hbm>> -> memref<8x512xf32, #tpu.memory_space<hbm>>
    %dma_start3A_29 = tpu.memref_slice %arg7[%dma_start3A_22] : memref<2x!tpu.dma_semaphore, #tpu.memory_space<semaphore_mem>> -> memref<1x!tpu.dma_semaphore, #tpu.memory_space<semaphore_mem>>
    %dma_start3A_30 = tpu.memref_squeeze %dma_start3A_29 : memref<1x!tpu.dma_semaphore, #tpu.memory_space<semaphore_mem>> -> memref<!tpu.dma_semaphore, #tpu.memory_space<semaphore_mem>>
    %dma_start3A_31 = arith.constant 8 : i32
    %dma_start3A_32 = arith.constant 0 : i32
    %dma_start3A_33 = tpu.memref_slice %arg4[%dma_start3A_21, %dma_start3A_31, %dma_start3A_32] : memref<2x32x513xf32, #tpu.memory_space<vmem>> -> memref<1x8x512xf32, #tpu.memory_space<vmem>>
    %dma_start3A_34 = tpu.memref_squeeze %dma_start3A_33 : memref<1x8x512xf32, #tpu.memory_space<vmem>> -> memref<8x512xf32, #tpu.memory_space<vmem>>
    %dma_start3A_35 = arith.constant 8 : i32
    %dma_start3A_36 = tpu.memref_slice %arg2[%dma_start3A_35, %multiple_of3A] : memref<32x1000000xf32, #tpu.memory_space<hbm>> -> memref<8x512xf32, #tpu.memory_space<hbm>>
    tpu.enqueue_dma source(%dma_start3A_36 : memref<8x512xf32, #tpu.memory_space<hbm>>) target(%dma_start3A_34 : memref<8x512xf32, #tpu.memory_space<vmem>>) target_semaphore(%dma_start3A_30 : memref<!tpu.dma_semaphore, #tpu.memory_space<semaphore_mem>>)
    %dma_start3A_37 = arith.constant 0 : i32
    %dma_start3A_38 = arith.constant 0 : i32
    %dma_start3A_39 = arith.constant 16 : i32
    %dma_start3A_40 = arith.constant 0 : i32
    %dma_start3A_41 = tpu.memref_slice %arg4[%dma_start3A_37, %dma_start3A_39, %dma_start3A_40] : memref<2x32x513xf32, #tpu.memory_space<vmem>> -> memref<1x8x512xf32, #tpu.memory_space<vmem>>
    %dma_start3A_42 = tpu.memref_squeeze %dma_start3A_41 : memref<1x8x512xf32, #tpu.memory_space<vmem>> -> memref<8x512xf32, #tpu.memory_space<vmem>>
    %dma_start3A_43 = arith.constant 16 : i32
    %dma_start3A_44 = tpu.memref_slice %arg2[%dma_start3A_43, %multiple_of3A] : memref<32x1000000xf32, #tpu.memory_space<hbm>> -> memref<8x512xf32, #tpu.memory_space<hbm>>
    %dma_start3A_45 = tpu.memref_slice %arg7[%dma_start3A_38] : memref<2x!tpu.dma_semaphore, #tpu.memory_space<semaphore_mem>> -> memref<1x!tpu.dma_semaphore, #tpu.memory_space<semaphore_mem>>
    %dma_start3A_46 = tpu.memref_squeeze %dma_start3A_45 : memref<1x!tpu.dma_semaphore, #tpu.memory_space<semaphore_mem>> -> memref<!tpu.dma_semaphore, #tpu.memory_space<semaphore_mem>>
    %dma_start3A_47 = arith.constant 16 : i32
    %dma_start3A_48 = arith.constant 0 : i32
    %dma_start3A_49 = tpu.memref_slice %arg4[%dma_start3A_37, %dma_start3A_47, %dma_start3A_48] : memref<2x32x513xf32, #tpu.memory_space<vmem>> -> memref<1x8x512xf32, #tpu.memory_space<vmem>>
    %dma_start3A_50 = tpu.memref_squeeze %dma_start3A_49 : memref<1x8x512xf32, #tpu.memory_space<vmem>> -> memref<8x512xf32, #tpu.memory_space<vmem>>
    %dma_start3A_51 = arith.constant 16 : i32
    %dma_start3A_52 = tpu.memref_slice %arg2[%dma_start3A_51, %multiple_of3A] : memref<32x1000000xf32, #tpu.memory_space<hbm>> -> memref<8x512xf32, #tpu.memory_space<hbm>>
    tpu.enqueue_dma source(%dma_start3A_52 : memref<8x512xf32, #tpu.memory_space<hbm>>) target(%dma_start3A_50 : memref<8x512xf32, #tpu.memory_space<vmem>>) target_semaphore(%dma_start3A_46 : memref<!tpu.dma_semaphore, #tpu.memory_space<semaphore_mem>>)
    %dma_start3A_53 = arith.constant 0 : i32
    %dma_start3A_54 = arith.constant 0 : i32
    %dma_start3A_55 = arith.constant 24 : i32
    %dma_start3A_56 = arith.constant 0 : i32
    %dma_start3A_57 = tpu.memref_slice %arg4[%dma_start3A_53, %dma_start3A_55, %dma_start3A_56] : memref<2x32x513xf32, #tpu.memory_space<vmem>> -> memref<1x8x512xf32, #tpu.memory_space<vmem>>
    %dma_start3A_58 = tpu.memref_squeeze %dma_start3A_57 : memref<1x8x512xf32, #tpu.memory_space<vmem>> -> memref<8x512xf32, #tpu.memory_space<vmem>>
    %dma_start3A_59 = arith.constant 24 : i32
    %dma_start3A_60 = tpu.memref_slice %arg2[%dma_start3A_59, %multiple_of3A] : memref<32x1000000xf32, #tpu.memory_space<hbm>> -> memref<8x512xf32, #tpu.memory_space<hbm>>
    %dma_start3A_61 = tpu.memref_slice %arg7[%dma_start3A_54] : memref<2x!tpu.dma_semaphore, #tpu.memory_space<semaphore_mem>> -> memref<1x!tpu.dma_semaphore, #tpu.memory_space<semaphore_mem>>
    %dma_start3A_62 = tpu.memref_squeeze %dma_start3A_61 : memref<1x!tpu.dma_semaphore, #tpu.memory_space<semaphore_mem>> -> memref<!tpu.dma_semaphore, #tpu.memory_space<semaphore_mem>>
    %dma_start3A_63 = arith.constant 24 : i32
    %dma_start3A_64 = arith.constant 0 : i32
    %dma_start3A_65 = tpu.memref_slice %arg4[%dma_start3A_53, %dma_start3A_63, %dma_start3A_64] : memref<2x32x513xf32, #tpu.memory_space<vmem>> -> memref<1x8x512xf32, #tpu.memory_space<vmem>>
    %dma_start3A_66 = tpu.memref_squeeze %dma_start3A_65 : memref<1x8x512xf32, #tpu.memory_space<vmem>> -> memref<8x512xf32, #tpu.memory_space<vmem>>
    %dma_start3A_67 = arith.constant 24 : i32
    %dma_start3A_68 = tpu.memref_slice %arg2[%dma_start3A_67, %multiple_of3A] : memref<32x1000000xf32, #tpu.memory_space<hbm>> -> memref<8x512xf32, #tpu.memory_space<hbm>>
    tpu.enqueue_dma source(%dma_start3A_68 : memref<8x512xf32, #tpu.memory_space<hbm>>) target(%dma_start3A_66 : memref<8x512xf32, #tpu.memory_space<vmem>>) target_semaphore(%dma_start3A_62 : memref<!tpu.dma_semaphore, #tpu.memory_space<semaphore_mem>>)
    %scan3A = arith.constant 0 : i32
    %scan3A_69 = arith.constant 0 : i32
    %scan3A_70 = arith.constant 30 : i32
    %scan3A_71 = arith.addi %scan3A_69, %scan3A_70 : i32
    %scan3A_72 = arith.constant 1 : i32
    scf.for %scan3A_179 = %scan3A_69 to %scan3A_71 step %scan3A_72  : i32 {
      %mul3A_180 = arith.constant 2 : i32
      %mul3A_181 = arith.muli %scan3A_179, %mul3A_180 : i32
      %add3A_182 = arith.constant 0 : i32
      %add3A_183 = arith.addi %mul3A_181, %add3A_182 : i32
      %add3A_184 = arith.constant 1 : i32
      %add3A_185 = arith.addi %add3A_183, %add3A_184 : i32
      %min3A = arith.constant 60 : i32
      %min3A_186 = arith.minsi %add3A_185, %min3A : i32
      %mul3A_187 = arith.constant 512 : i32
      %mul3A_188 = arith.muli %min3A_186, %mul3A_187 : i32
      %add3A_189 = arith.addi %mul3A_2, %mul3A_188 : i32
      %multiple_of3A_190 = tpu.assume_multiple %add3A_189, 128 : i32
      %dma_start3A_191 = arith.constant 1 : i32
      %dma_start3A_192 = arith.constant 1 : i32
      %dma_start3A_193 = arith.constant 0 : i32
      %dma_start3A_194 = arith.constant 0 : i32
      %dma_start3A_195 = tpu.memref_slice %arg4[%dma_start3A_191, %dma_start3A_193, %dma_start3A_194] : memref<2x32x513xf32, #tpu.memory_space<vmem>> -> memref<1x8x512xf32, #tpu.memory_space<vmem>>
      %dma_start3A_196 = tpu.memref_squeeze %dma_start3A_195 : memref<1x8x512xf32, #tpu.memory_space<vmem>> -> memref<8x512xf32, #tpu.memory_space<vmem>>
      %dma_start3A_197 = arith.constant 0 : i32
      %dma_start3A_198 = tpu.memref_slice %arg2[%dma_start3A_197, %multiple_of3A_190] : memref<32x1000000xf32, #tpu.memory_space<hbm>> -> memref<8x512xf32, #tpu.memory_space<hbm>>
      %dma_start3A_199 = tpu.memref_slice %arg7[%dma_start3A_192] : memref<2x!tpu.dma_semaphore, #tpu.memory_space<semaphore_mem>> -> memref<1x!tpu.dma_semaphore, #tpu.memory_space<semaphore_mem>>
      %dma_start3A_200 = tpu.memref_squeeze %dma_start3A_199 : memref<1x!tpu.dma_semaphore, #tpu.memory_space<semaphore_mem>> -> memref<!tpu.dma_semaphore, #tpu.memory_space<semaphore_mem>>
      %dma_start3A_201 = arith.constant 0 : i32
      %dma_start3A_202 = arith.constant 0 : i32
      %dma_start3A_203 = tpu.memref_slice %arg4[%dma_start3A_191, %dma_start3A_201, %dma_start3A_202] : memref<2x32x513xf32, #tpu.memory_space<vmem>> -> memref<1x8x512xf32, #tpu.memory_space<vmem>>
      %dma_start3A_204 = tpu.memref_squeeze %dma_start3A_203 : memref<1x8x512xf32, #tpu.memory_space<vmem>> -> memref<8x512xf32, #tpu.memory_space<vmem>>
      %dma_start3A_205 = arith.constant 0 : i32
      %dma_start3A_206 = tpu.memref_slice %arg2[%dma_start3A_205, %multiple_of3A_190] : memref<32x1000000xf32, #tpu.memory_space<hbm>> -> memref<8x512xf32, #tpu.memory_space<hbm>>
      tpu.enqueue_dma source(%dma_start3A_206 : memref<8x512xf32, #tpu.memory_space<hbm>>) target(%dma_start3A_204 : memref<8x512xf32, #tpu.memory_space<vmem>>) target_semaphore(%dma_start3A_200 : memref<!tpu.dma_semaphore, #tpu.memory_space<semaphore_mem>>)
      %dma_start3A_207 = arith.constant 1 : i32
      %dma_start3A_208 = arith.constant 1 : i32
      %dma_start3A_209 = arith.constant 8 : i32
      %dma_start3A_210 = arith.constant 0 : i32
      %dma_start3A_211 = tpu.memref_slice %arg4[%dma_start3A_207, %dma_start3A_209, %dma_start3A_210] : memref<2x32x513xf32, #tpu.memory_space<vmem>> -> memref<1x8x512xf32, #tpu.memory_space<vmem>>
      %dma_start3A_212 = tpu.memref_squeeze %dma_start3A_211 : memref<1x8x512xf32, #tpu.memory_space<vmem>> -> memref<8x512xf32, #tpu.memory_space<vmem>>
      %dma_start3A_213 = arith.constant 8 : i32
      %dma_start3A_214 = tpu.memref_slice %arg2[%dma_start3A_213, %multiple_of3A_190] : memref<32x1000000xf32, #tpu.memory_space<hbm>> -> memref<8x512xf32, #tpu.memory_space<hbm>>
      %dma_start3A_215 = tpu.memref_slice %arg7[%dma_start3A_208] : memref<2x!tpu.dma_semaphore, #tpu.memory_space<semaphore_mem>> -> memref<1x!tpu.dma_semaphore, #tpu.memory_space<semaphore_mem>>
      %dma_start3A_216 = tpu.memref_squeeze %dma_start3A_215 : memref<1x!tpu.dma_semaphore, #tpu.memory_space<semaphore_mem>> -> memref<!tpu.dma_semaphore, #tpu.memory_space<semaphore_mem>>
      %dma_start3A_217 = arith.constant 8 : i32
      %dma_start3A_218 = arith.constant 0 : i32
      %dma_start3A_219 = tpu.memref_slice %arg4[%dma_start3A_207, %dma_start3A_217, %dma_start3A_218] : memref<2x32x513xf32, #tpu.memory_space<vmem>> -> memref<1x8x512xf32, #tpu.memory_space<vmem>>
      %dma_start3A_220 = tpu.memref_squeeze %dma_start3A_219 : memref<1x8x512xf32, #tpu.memory_space<vmem>> -> memref<8x512xf32, #tpu.memory_space<vmem>>
      %dma_start3A_221 = arith.constant 8 : i32
      %dma_start3A_222 = tpu.memref_slice %arg2[%dma_start3A_221, %multiple_of3A_190] : memref<32x1000000xf32, #tpu.memory_space<hbm>> -> memref<8x512xf32, #tpu.memory_space<hbm>>
      tpu.enqueue_dma source(%dma_start3A_222 : memref<8x512xf32, #tpu.memory_space<hbm>>) target(%dma_start3A_220 : memref<8x512xf32, #tpu.memory_space<vmem>>) target_semaphore(%dma_start3A_216 : memref<!tpu.dma_semaphore, #tpu.memory_space<semaphore_mem>>)
      %dma_start3A_223 = arith.constant 1 : i32
      %dma_start3A_224 = arith.constant 1 : i32
      %dma_start3A_225 = arith.constant 16 : i32
      %dma_start3A_226 = arith.constant 0 : i32
      %dma_start3A_227 = tpu.memref_slice %arg4[%dma_start3A_223, %dma_start3A_225, %dma_start3A_226] : memref<2x32x513xf32, #tpu.memory_space<vmem>> -> memref<1x8x512xf32, #tpu.memory_space<vmem>>
      %dma_start3A_228 = tpu.memref_squeeze %dma_start3A_227 : memref<1x8x512xf32, #tpu.memory_space<vmem>> -> memref<8x512xf32, #tpu.memory_space<vmem>>
      %dma_start3A_229 = arith.constant 16 : i32
      %dma_start3A_230 = tpu.memref_slice %arg2[%dma_start3A_229, %multiple_of3A_190] : memref<32x1000000xf32, #tpu.memory_space<hbm>> -> memref<8x512xf32, #tpu.memory_space<hbm>>
      %dma_start3A_231 = tpu.memref_slice %arg7[%dma_start3A_224] : memref<2x!tpu.dma_semaphore, #tpu.memory_space<semaphore_mem>> -> memref<1x!tpu.dma_semaphore, #tpu.memory_space<semaphore_mem>>
      %dma_start3A_232 = tpu.memref_squeeze %dma_start3A_231 : memref<1x!tpu.dma_semaphore, #tpu.memory_space<semaphore_mem>> -> memref<!tpu.dma_semaphore, #tpu.memory_space<semaphore_mem>>
      %dma_start3A_233 = arith.constant 16 : i32
      %dma_start3A_234 = arith.constant 0 : i32
      %dma_start3A_235 = tpu.memref_slice %arg4[%dma_start3A_223, %dma_start3A_233, %dma_start3A_234] : memref<2x32x513xf32, #tpu.memory_space<vmem>> -> memref<1x8x512xf32, #tpu.memory_space<vmem>>
      %dma_start3A_236 = tpu.memref_squeeze %dma_start3A_235 : memref<1x8x512xf32, #tpu.memory_space<vmem>> -> memref<8x512xf32, #tpu.memory_space<vmem>>
      %dma_start3A_237 = arith.constant 16 : i32
      %dma_start3A_238 = tpu.memref_slice %arg2[%dma_start3A_237, %multiple_of3A_190] : memref<32x1000000xf32, #tpu.memory_space<hbm>> -> memref<8x512xf32, #tpu.memory_space<hbm>>
      tpu.enqueue_dma source(%dma_start3A_238 : memref<8x512xf32, #tpu.memory_space<hbm>>) target(%dma_start3A_236 : memref<8x512xf32, #tpu.memory_space<vmem>>) target_semaphore(%dma_start3A_232 : memref<!tpu.dma_semaphore, #tpu.memory_space<semaphore_mem>>)
      %dma_start3A_239 = arith.constant 1 : i32
      %dma_start3A_240 = arith.constant 1 : i32
      %dma_start3A_241 = arith.constant 24 : i32
      %dma_start3A_242 = arith.constant 0 : i32
      %dma_start3A_243 = tpu.memref_slice %arg4[%dma_start3A_239, %dma_start3A_241, %dma_start3A_242] : memref<2x32x513xf32, #tpu.memory_space<vmem>> -> memref<1x8x512xf32, #tpu.memory_space<vmem>>
      %dma_start3A_244 = tpu.memref_squeeze %dma_start3A_243 : memref<1x8x512xf32, #tpu.memory_space<vmem>> -> memref<8x512xf32, #tpu.memory_space<vmem>>
      %dma_start3A_245 = arith.constant 24 : i32
      %dma_start3A_246 = tpu.memref_slice %arg2[%dma_start3A_245, %multiple_of3A_190] : memref<32x1000000xf32, #tpu.memory_space<hbm>> -> memref<8x512xf32, #tpu.memory_space<hbm>>
      %dma_start3A_247 = tpu.memref_slice %arg7[%dma_start3A_240] : memref<2x!tpu.dma_semaphore, #tpu.memory_space<semaphore_mem>> -> memref<1x!tpu.dma_semaphore, #tpu.memory_space<semaphore_mem>>
      %dma_start3A_248 = tpu.memref_squeeze %dma_start3A_247 : memref<1x!tpu.dma_semaphore, #tpu.memory_space<semaphore_mem>> -> memref<!tpu.dma_semaphore, #tpu.memory_space<semaphore_mem>>
      %dma_start3A_249 = arith.constant 24 : i32
      %dma_start3A_250 = arith.constant 0 : i32
      %dma_start3A_251 = tpu.memref_slice %arg4[%dma_start3A_239, %dma_start3A_249, %dma_start3A_250] : memref<2x32x513xf32, #tpu.memory_space<vmem>> -> memref<1x8x512xf32, #tpu.memory_space<vmem>>
      %dma_start3A_252 = tpu.memref_squeeze %dma_start3A_251 : memref<1x8x512xf32, #tpu.memory_space<vmem>> -> memref<8x512xf32, #tpu.memory_space<vmem>>
      %dma_start3A_253 = arith.constant 24 : i32
      %dma_start3A_254 = tpu.memref_slice %arg2[%dma_start3A_253, %multiple_of3A_190] : memref<32x1000000xf32, #tpu.memory_space<hbm>> -> memref<8x512xf32, #tpu.memory_space<hbm>>
      tpu.enqueue_dma source(%dma_start3A_254 : memref<8x512xf32, #tpu.memory_space<hbm>>) target(%dma_start3A_252 : memref<8x512xf32, #tpu.memory_space<vmem>>) target_semaphore(%dma_start3A_248 : memref<!tpu.dma_semaphore, #tpu.memory_space<semaphore_mem>>)
      %dma_wait3A_255 = arith.constant 0 : i32
      %dma_wait3A_256 = arith.constant 0 : i32
      %dma_wait3A_257 = arith.constant 0 : i32
      %dma_wait3A_258 = arith.constant 0 : i32
      %dma_wait3A_259 = tpu.memref_slice %arg4[%dma_wait3A_255, %dma_wait3A_257, %dma_wait3A_258] : memref<2x32x513xf32, #tpu.memory_space<vmem>> -> memref<1x8x512xf32, #tpu.memory_space<vmem>>
      %dma_wait3A_260 = tpu.memref_squeeze %dma_wait3A_259 : memref<1x8x512xf32, #tpu.memory_space<vmem>> -> memref<8x512xf32, #tpu.memory_space<vmem>>
      %dma_wait3A_261 = arith.constant 0 : i32
      %dma_wait3A_262 = arith.constant 0 : i32
      %dma_wait3A_263 = tpu.memref_slice %arg2[%dma_wait3A_261, %dma_wait3A_262] : memref<32x1000000xf32, #tpu.memory_space<hbm>> -> memref<8x512xf32, #tpu.memory_space<hbm>>
      %dma_wait3A_264 = tpu.memref_slice %arg7[%dma_wait3A_256] : memref<2x!tpu.dma_semaphore, #tpu.memory_space<semaphore_mem>> -> memref<1x!tpu.dma_semaphore, #tpu.memory_space<semaphore_mem>>
      %dma_wait3A_265 = tpu.memref_squeeze %dma_wait3A_264 : memref<1x!tpu.dma_semaphore, #tpu.memory_space<semaphore_mem>> -> memref<!tpu.dma_semaphore, #tpu.memory_space<semaphore_mem>>
      %dma_wait3A_266 = arith.constant 0 : i32
      %dma_wait3A_267 = arith.constant 0 : i32
      %dma_wait3A_268 = tpu.memref_slice %arg4[%dma_wait3A_255, %dma_wait3A_266, %dma_wait3A_267] : memref<2x32x513xf32, #tpu.memory_space<vmem>> -> memref<1x8x512xf32, #tpu.memory_space<vmem>>
      %dma_wait3A_269 = tpu.memref_squeeze %dma_wait3A_268 : memref<1x8x512xf32, #tpu.memory_space<vmem>> -> memref<8x512xf32, #tpu.memory_space<vmem>>
      %dma_wait3A_270 = arith.constant 0 : i32
      %dma_wait3A_271 = arith.constant 0 : i32
      %dma_wait3A_272 = tpu.memref_slice %arg2[%dma_wait3A_270, %dma_wait3A_271] : memref<32x1000000xf32, #tpu.memory_space<hbm>> -> memref<8x512xf32, #tpu.memory_space<hbm>>
      tpu.wait_dma2 semaphore(%dma_wait3A_265 : memref<!tpu.dma_semaphore, #tpu.memory_space<semaphore_mem>>) src(%dma_wait3A_272 : memref<8x512xf32, #tpu.memory_space<hbm>>) dst(%dma_wait3A_269 : memref<8x512xf32, #tpu.memory_space<vmem>>)
      %dma_wait3A_273 = arith.constant 0 : i32
      %dma_wait3A_274 = arith.constant 0 : i32
      %dma_wait3A_275 = arith.constant 8 : i32
      %dma_wait3A_276 = arith.constant 0 : i32
      %dma_wait3A_277 = tpu.memref_slice %arg4[%dma_wait3A_273, %dma_wait3A_275, %dma_wait3A_276] : memref<2x32x513xf32, #tpu.memory_space<vmem>> -> memref<1x8x512xf32, #tpu.memory_space<vmem>>
      %dma_wait3A_278 = tpu.memref_squeeze %dma_wait3A_277 : memref<1x8x512xf32, #tpu.memory_space<vmem>> -> memref<8x512xf32, #tpu.memory_space<vmem>>
      %dma_wait3A_279 = arith.constant 0 : i32
      %dma_wait3A_280 = arith.constant 0 : i32
      %dma_wait3A_281 = tpu.memref_slice %arg2[%dma_wait3A_279, %dma_wait3A_280] : memref<32x1000000xf32, #tpu.memory_space<hbm>> -> memref<8x512xf32, #tpu.memory_space<hbm>>
      %dma_wait3A_282 = tpu.memref_slice %arg7[%dma_wait3A_274] : memref<2x!tpu.dma_semaphore, #tpu.memory_space<semaphore_mem>> -> memref<1x!tpu.dma_semaphore, #tpu.memory_space<semaphore_mem>>
      %dma_wait3A_283 = tpu.memref_squeeze %dma_wait3A_282 : memref<1x!tpu.dma_semaphore, #tpu.memory_space<semaphore_mem>> -> memref<!tpu.dma_semaphore, #tpu.memory_space<semaphore_mem>>
      %dma_wait3A_284 = arith.constant 8 : i32
      %dma_wait3A_285 = arith.constant 0 : i32
      %dma_wait3A_286 = tpu.memref_slice %arg4[%dma_wait3A_273, %dma_wait3A_284, %dma_wait3A_285] : memref<2x32x513xf32, #tpu.memory_space<vmem>> -> memref<1x8x512xf32, #tpu.memory_space<vmem>>
      %dma_wait3A_287 = tpu.memref_squeeze %dma_wait3A_286 : memref<1x8x512xf32, #tpu.memory_space<vmem>> -> memref<8x512xf32, #tpu.memory_space<vmem>>
      %dma_wait3A_288 = arith.constant 0 : i32
      %dma_wait3A_289 = arith.constant 0 : i32
      %dma_wait3A_290 = tpu.memref_slice %arg2[%dma_wait3A_288, %dma_wait3A_289] : memref<32x1000000xf32, #tpu.memory_space<hbm>> -> memref<8x512xf32, #tpu.memory_space<hbm>>
      tpu.wait_dma2 semaphore(%dma_wait3A_283 : memref<!tpu.dma_semaphore, #tpu.memory_space<semaphore_mem>>) src(%dma_wait3A_290 : memref<8x512xf32, #tpu.memory_space<hbm>>) dst(%dma_wait3A_287 : memref<8x512xf32, #tpu.memory_space<vmem>>)
      %dma_wait3A_291 = arith.constant 0 : i32
      %dma_wait3A_292 = arith.constant 0 : i32
      %dma_wait3A_293 = arith.constant 16 : i32
      %dma_wait3A_294 = arith.constant 0 : i32
      %dma_wait3A_295 = tpu.memref_slice %arg4[%dma_wait3A_291, %dma_wait3A_293, %dma_wait3A_294] : memref<2x32x513xf32, #tpu.memory_space<vmem>> -> memref<1x8x512xf32, #tpu.memory_space<vmem>>
      %dma_wait3A_296 = tpu.memref_squeeze %dma_wait3A_295 : memref<1x8x512xf32, #tpu.memory_space<vmem>> -> memref<8x512xf32, #tpu.memory_space<vmem>>
      %dma_wait3A_297 = arith.constant 0 : i32
      %dma_wait3A_298 = arith.constant 0 : i32
      %dma_wait3A_299 = tpu.memref_slice %arg2[%dma_wait3A_297, %dma_wait3A_298] : memref<32x1000000xf32, #tpu.memory_space<hbm>> -> memref<8x512xf32, #tpu.memory_space<hbm>>
      %dma_wait3A_300 = tpu.memref_slice %arg7[%dma_wait3A_292] : memref<2x!tpu.dma_semaphore, #tpu.memory_space<semaphore_mem>> -> memref<1x!tpu.dma_semaphore, #tpu.memory_space<semaphore_mem>>
      %dma_wait3A_301 = tpu.memref_squeeze %dma_wait3A_300 : memref<1x!tpu.dma_semaphore, #tpu.memory_space<semaphore_mem>> -> memref<!tpu.dma_semaphore, #tpu.memory_space<semaphore_mem>>
      %dma_wait3A_302 = arith.constant 16 : i32
      %dma_wait3A_303 = arith.constant 0 : i32
      %dma_wait3A_304 = tpu.memref_slice %arg4[%dma_wait3A_291, %dma_wait3A_302, %dma_wait3A_303] : memref<2x32x513xf32, #tpu.memory_space<vmem>> -> memref<1x8x512xf32, #tpu.memory_space<vmem>>
      %dma_wait3A_305 = tpu.memref_squeeze %dma_wait3A_304 : memref<1x8x512xf32, #tpu.memory_space<vmem>> -> memref<8x512xf32, #tpu.memory_space<vmem>>
      %dma_wait3A_306 = arith.constant 0 : i32
      %dma_wait3A_307 = arith.constant 0 : i32
      %dma_wait3A_308 = tpu.memref_slice %arg2[%dma_wait3A_306, %dma_wait3A_307] : memref<32x1000000xf32, #tpu.memory_space<hbm>> -> memref<8x512xf32, #tpu.memory_space<hbm>>
      tpu.wait_dma2 semaphore(%dma_wait3A_301 : memref<!tpu.dma_semaphore, #tpu.memory_space<semaphore_mem>>) src(%dma_wait3A_308 : memref<8x512xf32, #tpu.memory_space<hbm>>) dst(%dma_wait3A_305 : memref<8x512xf32, #tpu.memory_space<vmem>>)
      %dma_wait3A_309 = arith.constant 0 : i32
      %dma_wait3A_310 = arith.constant 0 : i32
      %dma_wait3A_311 = arith.constant 24 : i32
      %dma_wait3A_312 = arith.constant 0 : i32
      %dma_wait3A_313 = tpu.memref_slice %arg4[%dma_wait3A_309, %dma_wait3A_311, %dma_wait3A_312] : memref<2x32x513xf32, #tpu.memory_space<vmem>> -> memref<1x8x512xf32, #tpu.memory_space<vmem>>
      %dma_wait3A_314 = tpu.memref_squeeze %dma_wait3A_313 : memref<1x8x512xf32, #tpu.memory_space<vmem>> -> memref<8x512xf32, #tpu.memory_space<vmem>>
      %dma_wait3A_315 = arith.constant 0 : i32
      %dma_wait3A_316 = arith.constant 0 : i32
      %dma_wait3A_317 = tpu.memref_slice %arg2[%dma_wait3A_315, %dma_wait3A_316] : memref<32x1000000xf32, #tpu.memory_space<hbm>> -> memref<8x512xf32, #tpu.memory_space<hbm>>
      %dma_wait3A_318 = tpu.memref_slice %arg7[%dma_wait3A_310] : memref<2x!tpu.dma_semaphore, #tpu.memory_space<semaphore_mem>> -> memref<1x!tpu.dma_semaphore, #tpu.memory_space<semaphore_mem>>
      %dma_wait3A_319 = tpu.memref_squeeze %dma_wait3A_318 : memref<1x!tpu.dma_semaphore, #tpu.memory_space<semaphore_mem>> -> memref<!tpu.dma_semaphore, #tpu.memory_space<semaphore_mem>>
      %dma_wait3A_320 = arith.constant 24 : i32
      %dma_wait3A_321 = arith.constant 0 : i32
      %dma_wait3A_322 = tpu.memref_slice %arg4[%dma_wait3A_309, %dma_wait3A_320, %dma_wait3A_321] : memref<2x32x513xf32, #tpu.memory_space<vmem>> -> memref<1x8x512xf32, #tpu.memory_space<vmem>>
      %dma_wait3A_323 = tpu.memref_squeeze %dma_wait3A_322 : memref<1x8x512xf32, #tpu.memory_space<vmem>> -> memref<8x512xf32, #tpu.memory_space<vmem>>
      %dma_wait3A_324 = arith.constant 0 : i32
      %dma_wait3A_325 = arith.constant 0 : i32
      %dma_wait3A_326 = tpu.memref_slice %arg2[%dma_wait3A_324, %dma_wait3A_325] : memref<32x1000000xf32, #tpu.memory_space<hbm>> -> memref<8x512xf32, #tpu.memory_space<hbm>>
      tpu.wait_dma2 semaphore(%dma_wait3A_319 : memref<!tpu.dma_semaphore, #tpu.memory_space<semaphore_mem>>) src(%dma_wait3A_326 : memref<8x512xf32, #tpu.memory_space<hbm>>) dst(%dma_wait3A_323 : memref<8x512xf32, #tpu.memory_space<vmem>>)
      %ge3A = arith.constant 2 : i32
      %ge3A_327 = arith.cmpi sge, %add3A_183, %ge3A : i32
      %convert_element_type3A_328 = arith.extui %ge3A_327 : i1 to i32
      %cond3A_329 = arith.constant 0 : i32
      %cond3A_330 = arith.cmpi ne, %convert_element_type3A_328, %cond3A_329 : i32
      scf.if %cond3A_330 {
        %dma_wait3A_518 = arith.constant 0 : i32
        %dma_wait3A_519 = arith.constant 0 : i32
        %dma_wait3A_520 = tpu.memref_slice %arg5[%dma_wait3A_519] : memref<16384xf32, #tpu.memory_space<vmem>> -> memref<16384xf32, #tpu.memory_space<vmem>>
        %dma_wait3A_521 = arith.constant 0 : i32
        %dma_wait3A_522 = tpu.memref_slice %arg3[%dma_wait3A_521] : memref<32000000xf32, #tpu.memory_space<hbm>> -> memref<16384xf32, #tpu.memory_space<hbm>>
        %dma_wait3A_523 = tpu.memref_slice %arg8[%dma_wait3A_518] : memref<2x!tpu.dma_semaphore, #tpu.memory_space<semaphore_mem>> -> memref<1x!tpu.dma_semaphore, #tpu.memory_space<semaphore_mem>>
        %dma_wait3A_524 = tpu.memref_squeeze %dma_wait3A_523 : memref<1x!tpu.dma_semaphore, #tpu.memory_space<semaphore_mem>> -> memref<!tpu.dma_semaphore, #tpu.memory_space<semaphore_mem>>
        %dma_wait3A_525 = arith.constant 0 : i32
        %dma_wait3A_526 = tpu.memref_slice %arg3[%dma_wait3A_525] : memref<32000000xf32, #tpu.memory_space<hbm>> -> memref<16384xf32, #tpu.memory_space<hbm>>
        %dma_wait3A_527 = arith.constant 0 : i32
        %dma_wait3A_528 = tpu.memref_slice %arg5[%dma_wait3A_527] : memref<16384xf32, #tpu.memory_space<vmem>> -> memref<16384xf32, #tpu.memory_space<vmem>>
        tpu.wait_dma2 semaphore(%dma_wait3A_524 : memref<!tpu.dma_semaphore, #tpu.memory_space<semaphore_mem>>) src(%dma_wait3A_528 : memref<16384xf32, #tpu.memory_space<vmem>>) dst(%dma_wait3A_526 : memref<16384xf32, #tpu.memory_space<hbm>>)
      } else {
      }
      %parallel_loop3A_331 = arith.constant 0 : i32
      %parallel_loop3A_332 = arith.constant 512 : i32
      %parallel_loop3A_333 = arith.constant 1 : i32
      scf.for %parallel_loop3A_518 = %parallel_loop3A_331 to %parallel_loop3A_332 step %parallel_loop3A_333  : i32 {
        %parallel_loop3A_519 = vector.broadcast %parallel_loop3A_518 : i32 to vector<16xi32>
        %parallel_loop3A_520 = arith.constant 0 : i32
        %parallel_loop3A_521 = arith.constant 0 : i32
        %parallel_loop3A_522 = arith.constant 0 : i32
        %parallel_loop3A_523 = tpu.memref_slice %arg4[%parallel_loop3A_520, %parallel_loop3A_521, %parallel_loop3A_522] : memref<2x32x513xf32, #tpu.memory_space<vmem>> -> memref<1x32x513xf32, #tpu.memory_space<vmem>>
        %parallel_loop3A_524 = tpu.memref_squeeze %parallel_loop3A_523 : memref<1x32x513xf32, #tpu.memory_space<vmem>> -> memref<32x513xf32, #tpu.memory_space<vmem>>
        %parallel_loop3A_525 = tpu.vector_load_idx %parallel_loop3A_524[%iota3A, %parallel_loop3A_519] : memref<32x513xf32, #tpu.memory_space<vmem>>[vector<16xi32>, vector<16xi32>], vector<16xf32>,
        %parallel_loop3A_526 = arith.constant 32 : i32
        %parallel_loop3A_527 = arith.muli %parallel_loop3A_518, %parallel_loop3A_526 : i32
        %parallel_loop3A_528 = arith.index_cast %parallel_loop3A_527 : i32 to index
        %parallel_loop3A_529 = tpu.vector_load %arg5[%parallel_loop3A_528] {strides = array<i32>} : memref<16384xf32, #tpu.memory_space<vmem>>, vector<16xf32>,
        tpu.vector_store %arg5[%parallel_loop3A_528], %parallel_loop3A_525 {strides = array<i32>} : memref<16384xf32, #tpu.memory_space<vmem>>, vector<16xf32>,
        %parallel_loop3A_530 = arith.constant 0 : i32
        %parallel_loop3A_531 = arith.constant 0 : i32
        %parallel_loop3A_532 = arith.constant 0 : i32
        %parallel_loop3A_533 = tpu.memref_slice %arg4[%parallel_loop3A_530, %parallel_loop3A_531, %parallel_loop3A_532] : memref<2x32x513xf32, #tpu.memory_space<vmem>> -> memref<1x32x513xf32, #tpu.memory_space<vmem>>
        %parallel_loop3A_534 = tpu.memref_squeeze %parallel_loop3A_533 : memref<1x32x513xf32, #tpu.memory_space<vmem>> -> memref<32x513xf32, #tpu.memory_space<vmem>>
        %parallel_loop3A_535 = tpu.vector_load_idx %parallel_loop3A_534[%add3A_5, %parallel_loop3A_519] : memref<32x513xf32, #tpu.memory_space<vmem>>[vector<16xi32>, vector<16xi32>], vector<16xf32>,
        %parallel_loop3A_536 = arith.constant 32 : i32
        %parallel_loop3A_537 = arith.muli %parallel_loop3A_518, %parallel_loop3A_536 : i32
        %parallel_loop3A_538 = arith.constant 16 : i32
        %parallel_loop3A_539 = arith.addi %parallel_loop3A_537, %parallel_loop3A_538 : i32
        %parallel_loop3A_540 = arith.index_cast %parallel_loop3A_539 : i32 to index
        %parallel_loop3A_541 = tpu.vector_load %arg5[%parallel_loop3A_540] {strides = array<i32>} : memref<16384xf32, #tpu.memory_space<vmem>>, vector<16xf32>,
        tpu.vector_store %arg5[%parallel_loop3A_540], %parallel_loop3A_535 {strides = array<i32>} : memref<16384xf32, #tpu.memory_space<vmem>>, vector<16xf32>,
      } {sc.loop_unroll_factor = 8 : i64, sc.parallel_access}
      %mul3A_334 = arith.constant 512 : i32
      %mul3A_335 = arith.muli %add3A_183, %mul3A_334 : i32
      %add3A_336 = arith.addi %mul3A_2, %mul3A_335 : i32
      %mul3A_337 = arith.constant 32 : i32
      %mul3A_338 = arith.muli %add3A_336, %mul3A_337 : i32
      %dma_start3A_339 = arith.constant 0 : i32
      %dma_start3A_340 = arith.constant 0 : i32
      %dma_start3A_341 = tpu.memref_slice %arg5[%dma_start3A_340] : memref<16384xf32, #tpu.memory_space<vmem>> -> memref<16384xf32, #tpu.memory_space<vmem>>
      %dma_start3A_342 = tpu.memref_slice %arg3[%mul3A_338] : memref<32000000xf32, #tpu.memory_space<hbm>> -> memref<16384xf32, #tpu.memory_space<hbm>>
      %dma_start3A_343 = tpu.memref_slice %arg8[%dma_start3A_339] : memref<2x!tpu.dma_semaphore, #tpu.memory_space<semaphore_mem>> -> memref<1x!tpu.dma_semaphore, #tpu.memory_space<semaphore_mem>>
      %dma_start3A_344 = tpu.memref_squeeze %dma_start3A_343 : memref<1x!tpu.dma_semaphore, #tpu.memory_space<semaphore_mem>> -> memref<!tpu.dma_semaphore, #tpu.memory_space<semaphore_mem>>
      %dma_start3A_345 = tpu.memref_slice %arg3[%mul3A_338] : memref<32000000xf32, #tpu.memory_space<hbm>> -> memref<16384xf32, #tpu.memory_space<hbm>>
      %dma_start3A_346 = arith.constant 0 : i32
      %dma_start3A_347 = tpu.memref_slice %arg5[%dma_start3A_346] : memref<16384xf32, #tpu.memory_space<vmem>> -> memref<16384xf32, #tpu.memory_space<vmem>>
      tpu.enqueue_dma source(%dma_start3A_347 : memref<16384xf32, #tpu.memory_space<vmem>>) target(%dma_start3A_345 : memref<16384xf32, #tpu.memory_space<hbm>>) target_semaphore(%dma_start3A_344 : memref<!tpu.dma_semaphore, #tpu.memory_space<semaphore_mem>>)
      %mul3A_348 = arith.constant 2 : i32
      %mul3A_349 = arith.muli %scan3A_179, %mul3A_348 : i32
      %add3A_350 = arith.constant 1 : i32
      %add3A_351 = arith.addi %mul3A_349, %add3A_350 : i32
      %add3A_352 = arith.constant 1 : i32
      %add3A_353 = arith.addi %add3A_351, %add3A_352 : i32
      %min3A_354 = arith.constant 60 : i32
      %min3A_355 = arith.minsi %add3A_353, %min3A_354 : i32
      %mul3A_356 = arith.constant 512 : i32
      %mul3A_357 = arith.muli %min3A_355, %mul3A_356 : i32
      %add3A_358 = arith.addi %mul3A_2, %mul3A_357 : i32
      %multiple_of3A_359 = tpu.assume_multiple %add3A_358, 128 : i32
      %dma_start3A_360 = arith.constant 0 : i32
      %dma_start3A_361 = arith.constant 0 : i32
      %dma_start3A_362 = arith.constant 0 : i32
      %dma_start3A_363 = arith.constant 0 : i32
      %dma_start3A_364 = tpu.memref_slice %arg4[%dma_start3A_360, %dma_start3A_362, %dma_start3A_363] : memref<2x32x513xf32, #tpu.memory_space<vmem>> -> memref<1x8x512xf32, #tpu.memory_space<vmem>>
      %dma_start3A_365 = tpu.memref_squeeze %dma_start3A_364 : memref<1x8x512xf32, #tpu.memory_space<vmem>> -> memref<8x512xf32, #tpu.memory_space<vmem>>
      %dma_start3A_366 = arith.constant 0 : i32
      %dma_start3A_367 = tpu.memref_slice %arg2[%dma_start3A_366, %multiple_of3A_359] : memref<32x1000000xf32, #tpu.memory_space<hbm>> -> memref<8x512xf32, #tpu.memory_space<hbm>>
      %dma_start3A_368 = tpu.memref_slice %arg7[%dma_start3A_361] : memref<2x!tpu.dma_semaphore, #tpu.memory_space<semaphore_mem>> -> memref<1x!tpu.dma_semaphore, #tpu.memory_space<semaphore_mem>>
      %dma_start3A_369 = tpu.memref_squeeze %dma_start3A_368 : memref<1x!tpu.dma_semaphore, #tpu.memory_space<semaphore_mem>> -> memref<!tpu.dma_semaphore, #tpu.memory_space<semaphore_mem>>
      %dma_start3A_370 = arith.constant 0 : i32
      %dma_start3A_371 = arith.constant 0 : i32
      %dma_start3A_372 = tpu.memref_slice %arg4[%dma_start3A_360, %dma_start3A_370, %dma_start3A_371] : memref<2x32x513xf32, #tpu.memory_space<vmem>> -> memref<1x8x512xf32, #tpu.memory_space<vmem>>
      %dma_start3A_373 = tpu.memref_squeeze %dma_start3A_372 : memref<1x8x512xf32, #tpu.memory_space<vmem>> -> memref<8x512xf32, #tpu.memory_space<vmem>>
      %dma_start3A_374 = arith.constant 0 : i32
      %dma_start3A_375 = tpu.memref_slice %arg2[%dma_start3A_374, %multiple_of3A_359] : memref<32x1000000xf32, #tpu.memory_space<hbm>> -> memref<8x512xf32, #tpu.memory_space<hbm>>
      tpu.enqueue_dma source(%dma_start3A_375 : memref<8x512xf32, #tpu.memory_space<hbm>>) target(%dma_start3A_373 : memref<8x512xf32, #tpu.memory_space<vmem>>) target_semaphore(%dma_start3A_369 : memref<!tpu.dma_semaphore, #tpu.memory_space<semaphore_mem>>)
      %dma_start3A_376 = arith.constant 0 : i32
      %dma_start3A_377 = arith.constant 0 : i32
      %dma_start3A_378 = arith.constant 8 : i32
      %dma_start3A_379 = arith.constant 0 : i32
      %dma_start3A_380 = tpu.memref_slice %arg4[%dma_start3A_376, %dma_start3A_378, %dma_start3A_379] : memref<2x32x513xf32, #tpu.memory_space<vmem>> -> memref<1x8x512xf32, #tpu.memory_space<vmem>>
      %dma_start3A_381 = tpu.memref_squeeze %dma_start3A_380 : memref<1x8x512xf32, #tpu.memory_space<vmem>> -> memref<8x512xf32, #tpu.memory_space<vmem>>
      %dma_start3A_382 = arith.constant 8 : i32
      %dma_start3A_383 = tpu.memref_slice %arg2[%dma_start3A_382, %multiple_of3A_359] : memref<32x1000000xf32, #tpu.memory_space<hbm>> -> memref<8x512xf32, #tpu.memory_space<hbm>>
      %dma_start3A_384 = tpu.memref_slice %arg7[%dma_start3A_377] : memref<2x!tpu.dma_semaphore, #tpu.memory_space<semaphore_mem>> -> memref<1x!tpu.dma_semaphore, #tpu.memory_space<semaphore_mem>>
      %dma_start3A_385 = tpu.memref_squeeze %dma_start3A_384 : memref<1x!tpu.dma_semaphore, #tpu.memory_space<semaphore_mem>> -> memref<!tpu.dma_semaphore, #tpu.memory_space<semaphore_mem>>
      %dma_start3A_386 = arith.constant 8 : i32
      %dma_start3A_387 = arith.constant 0 : i32
      %dma_start3A_388 = tpu.memref_slice %arg4[%dma_start3A_376, %dma_start3A_386, %dma_start3A_387] : memref<2x32x513xf32, #tpu.memory_space<vmem>> -> memref<1x8x512xf32, #tpu.memory_space<vmem>>
      %dma_start3A_389 = tpu.memref_squeeze %dma_start3A_388 : memref<1x8x512xf32, #tpu.memory_space<vmem>> -> memref<8x512xf32, #tpu.memory_space<vmem>>
      %dma_start3A_390 = arith.constant 8 : i32
      %dma_start3A_391 = tpu.memref_slice %arg2[%dma_start3A_390, %multiple_of3A_359] : memref<32x1000000xf32, #tpu.memory_space<hbm>> -> memref<8x512xf32, #tpu.memory_space<hbm>>
      tpu.enqueue_dma source(%dma_start3A_391 : memref<8x512xf32, #tpu.memory_space<hbm>>) target(%dma_start3A_389 : memref<8x512xf32, #tpu.memory_space<vmem>>) target_semaphore(%dma_start3A_385 : memref<!tpu.dma_semaphore, #tpu.memory_space<semaphore_mem>>)
      %dma_start3A_392 = arith.constant 0 : i32
      %dma_start3A_393 = arith.constant 0 : i32
      %dma_start3A_394 = arith.constant 16 : i32
      %dma_start3A_395 = arith.constant 0 : i32
      %dma_start3A_396 = tpu.memref_slice %arg4[%dma_start3A_392, %dma_start3A_394, %dma_start3A_395] : memref<2x32x513xf32, #tpu.memory_space<vmem>> -> memref<1x8x512xf32, #tpu.memory_space<vmem>>
      %dma_start3A_397 = tpu.memref_squeeze %dma_start3A_396 : memref<1x8x512xf32, #tpu.memory_space<vmem>> -> memref<8x512xf32, #tpu.memory_space<vmem>>
      %dma_start3A_398 = arith.constant 16 : i32
      %dma_start3A_399 = tpu.memref_slice %arg2[%dma_start3A_398, %multiple_of3A_359] : memref<32x1000000xf32, #tpu.memory_space<hbm>> -> memref<8x512xf32, #tpu.memory_space<hbm>>
      %dma_start3A_400 = tpu.memref_slice %arg7[%dma_start3A_393] : memref<2x!tpu.dma_semaphore, #tpu.memory_space<semaphore_mem>> -> memref<1x!tpu.dma_semaphore, #tpu.memory_space<semaphore_mem>>
      %dma_start3A_401 = tpu.memref_squeeze %dma_start3A_400 : memref<1x!tpu.dma_semaphore, #tpu.memory_space<semaphore_mem>> -> memref<!tpu.dma_semaphore, #tpu.memory_space<semaphore_mem>>
      %dma_start3A_402 = arith.constant 16 : i32
      %dma_start3A_403 = arith.constant 0 : i32
      %dma_start3A_404 = tpu.memref_slice %arg4[%dma_start3A_392, %dma_start3A_402, %dma_start3A_403] : memref<2x32x513xf32, #tpu.memory_space<vmem>> -> memref<1x8x512xf32, #tpu.memory_space<vmem>>
      %dma_start3A_405 = tpu.memref_squeeze %dma_start3A_404 : memref<1x8x512xf32, #tpu.memory_space<vmem>> -> memref<8x512xf32, #tpu.memory_space<vmem>>
      %dma_start3A_406 = arith.constant 16 : i32
      %dma_start3A_407 = tpu.memref_slice %arg2[%dma_start3A_406, %multiple_of3A_359] : memref<32x1000000xf32, #tpu.memory_space<hbm>> -> memref<8x512xf32, #tpu.memory_space<hbm>>
      tpu.enqueue_dma source(%dma_start3A_407 : memref<8x512xf32, #tpu.memory_space<hbm>>) target(%dma_start3A_405 : memref<8x512xf32, #tpu.memory_space<vmem>>) target_semaphore(%dma_start3A_401 : memref<!tpu.dma_semaphore, #tpu.memory_space<semaphore_mem>>)
      %dma_start3A_408 = arith.constant 0 : i32
      %dma_start3A_409 = arith.constant 0 : i32
      %dma_start3A_410 = arith.constant 24 : i32
      %dma_start3A_411 = arith.constant 0 : i32
      %dma_start3A_412 = tpu.memref_slice %arg4[%dma_start3A_408, %dma_start3A_410, %dma_start3A_411] : memref<2x32x513xf32, #tpu.memory_space<vmem>> -> memref<1x8x512xf32, #tpu.memory_space<vmem>>
      %dma_start3A_413 = tpu.memref_squeeze %dma_start3A_412 : memref<1x8x512xf32, #tpu.memory_space<vmem>> -> memref<8x512xf32, #tpu.memory_space<vmem>>
      %dma_start3A_414 = arith.constant 24 : i32
      %dma_start3A_415 = tpu.memref_slice %arg2[%dma_start3A_414, %multiple_of3A_359] : memref<32x1000000xf32, #tpu.memory_space<hbm>> -> memref<8x512xf32, #tpu.memory_space<hbm>>
      %dma_start3A_416 = tpu.memref_slice %arg7[%dma_start3A_409] : memref<2x!tpu.dma_semaphore, #tpu.memory_space<semaphore_mem>> -> memref<1x!tpu.dma_semaphore, #tpu.memory_space<semaphore_mem>>
      %dma_start3A_417 = tpu.memref_squeeze %dma_start3A_416 : memref<1x!tpu.dma_semaphore, #tpu.memory_space<semaphore_mem>> -> memref<!tpu.dma_semaphore, #tpu.memory_space<semaphore_mem>>
      %dma_start3A_418 = arith.constant 24 : i32
      %dma_start3A_419 = arith.constant 0 : i32
      %dma_start3A_420 = tpu.memref_slice %arg4[%dma_start3A_408, %dma_start3A_418, %dma_start3A_419] : memref<2x32x513xf32, #tpu.memory_space<vmem>> -> memref<1x8x512xf32, #tpu.memory_space<vmem>>
      %dma_start3A_421 = tpu.memref_squeeze %dma_start3A_420 : memref<1x8x512xf32, #tpu.memory_space<vmem>> -> memref<8x512xf32, #tpu.memory_space<vmem>>
      %dma_start3A_422 = arith.constant 24 : i32
      %dma_start3A_423 = tpu.memref_slice %arg2[%dma_start3A_422, %multiple_of3A_359] : memref<32x1000000xf32, #tpu.memory_space<hbm>> -> memref<8x512xf32, #tpu.memory_space<hbm>>
      tpu.enqueue_dma source(%dma_start3A_423 : memref<8x512xf32, #tpu.memory_space<hbm>>) target(%dma_start3A_421 : memref<8x512xf32, #tpu.memory_space<vmem>>) target_semaphore(%dma_start3A_417 : memref<!tpu.dma_semaphore, #tpu.memory_space<semaphore_mem>>)
      %dma_wait3A_424 = arith.constant 1 : i32
      %dma_wait3A_425 = arith.constant 1 : i32
      %dma_wait3A_426 = arith.constant 0 : i32
      %dma_wait3A_427 = arith.constant 0 : i32
      %dma_wait3A_428 = tpu.memref_slice %arg4[%dma_wait3A_424, %dma_wait3A_426, %dma_wait3A_427] : memref<2x32x513xf32, #tpu.memory_space<vmem>> -> memref<1x8x512xf32, #tpu.memory_space<vmem>>
      %dma_wait3A_429 = tpu.memref_squeeze %dma_wait3A_428 : memref<1x8x512xf32, #tpu.memory_space<vmem>> -> memref<8x512xf32, #tpu.memory_space<vmem>>
      %dma_wait3A_430 = arith.constant 0 : i32
      %dma_wait3A_431 = arith.constant 0 : i32
      %dma_wait3A_432 = tpu.memref_slice %arg2[%dma_wait3A_430, %dma_wait3A_431] : memref<32x1000000xf32, #tpu.memory_space<hbm>> -> memref<8x512xf32, #tpu.memory_space<hbm>>
      %dma_wait3A_433 = tpu.memref_slice %arg7[%dma_wait3A_425] : memref<2x!tpu.dma_semaphore, #tpu.memory_space<semaphore_mem>> -> memref<1x!tpu.dma_semaphore, #tpu.memory_space<semaphore_mem>>
      %dma_wait3A_434 = tpu.memref_squeeze %dma_wait3A_433 : memref<1x!tpu.dma_semaphore, #tpu.memory_space<semaphore_mem>> -> memref<!tpu.dma_semaphore, #tpu.memory_space<semaphore_mem>>
      %dma_wait3A_435 = arith.constant 0 : i32
      %dma_wait3A_436 = arith.constant 0 : i32
      %dma_wait3A_437 = tpu.memref_slice %arg4[%dma_wait3A_424, %dma_wait3A_435, %dma_wait3A_436] : memref<2x32x513xf32, #tpu.memory_space<vmem>> -> memref<1x8x512xf32, #tpu.memory_space<vmem>>
      %dma_wait3A_438 = tpu.memref_squeeze %dma_wait3A_437 : memref<1x8x512xf32, #tpu.memory_space<vmem>> -> memref<8x512xf32, #tpu.memory_space<vmem>>
      %dma_wait3A_439 = arith.constant 0 : i32
      %dma_wait3A_440 = arith.constant 0 : i32
      %dma_wait3A_441 = tpu.memref_slice %arg2[%dma_wait3A_439, %dma_wait3A_440] : memref<32x1000000xf32, #tpu.memory_space<hbm>> -> memref<8x512xf32, #tpu.memory_space<hbm>>
      tpu.wait_dma2 semaphore(%dma_wait3A_434 : memref<!tpu.dma_semaphore, #tpu.memory_space<semaphore_mem>>) src(%dma_wait3A_441 : memref<8x512xf32, #tpu.memory_space<hbm>>) dst(%dma_wait3A_438 : memref<8x512xf32, #tpu.memory_space<vmem>>)
      %dma_wait3A_442 = arith.constant 1 : i32
      %dma_wait3A_443 = arith.constant 1 : i32
      %dma_wait3A_444 = arith.constant 8 : i32
      %dma_wait3A_445 = arith.constant 0 : i32
      %dma_wait3A_446 = tpu.memref_slice %arg4[%dma_wait3A_442, %dma_wait3A_444, %dma_wait3A_445] : memref<2x32x513xf32, #tpu.memory_space<vmem>> -> memref<1x8x512xf32, #tpu.memory_space<vmem>>
      %dma_wait3A_447 = tpu.memref_squeeze %dma_wait3A_446 : memref<1x8x512xf32, #tpu.memory_space<vmem>> -> memref<8x512xf32, #tpu.memory_space<vmem>>
      %dma_wait3A_448 = arith.constant 0 : i32
      %dma_wait3A_449 = arith.constant 0 : i32
      %dma_wait3A_450 = tpu.memref_slice %arg2[%dma_wait3A_448, %dma_wait3A_449] : memref<32x1000000xf32, #tpu.memory_space<hbm>> -> memref<8x512xf32, #tpu.memory_space<hbm>>
      %dma_wait3A_451 = tpu.memref_slice %arg7[%dma_wait3A_443] : memref<2x!tpu.dma_semaphore, #tpu.memory_space<semaphore_mem>> -> memref<1x!tpu.dma_semaphore, #tpu.memory_space<semaphore_mem>>
      %dma_wait3A_452 = tpu.memref_squeeze %dma_wait3A_451 : memref<1x!tpu.dma_semaphore, #tpu.memory_space<semaphore_mem>> -> memref<!tpu.dma_semaphore, #tpu.memory_space<semaphore_mem>>
      %dma_wait3A_453 = arith.constant 8 : i32
      %dma_wait3A_454 = arith.constant 0 : i32
      %dma_wait3A_455 = tpu.memref_slice %arg4[%dma_wait3A_442, %dma_wait3A_453, %dma_wait3A_454] : memref<2x32x513xf32, #tpu.memory_space<vmem>> -> memref<1x8x512xf32, #tpu.memory_space<vmem>>
      %dma_wait3A_456 = tpu.memref_squeeze %dma_wait3A_455 : memref<1x8x512xf32, #tpu.memory_space<vmem>> -> memref<8x512xf32, #tpu.memory_space<vmem>>
      %dma_wait3A_457 = arith.constant 0 : i32
      %dma_wait3A_458 = arith.constant 0 : i32
      %dma_wait3A_459 = tpu.memref_slice %arg2[%dma_wait3A_457, %dma_wait3A_458] : memref<32x1000000xf32, #tpu.memory_space<hbm>> -> memref<8x512xf32, #tpu.memory_space<hbm>>
      tpu.wait_dma2 semaphore(%dma_wait3A_452 : memref<!tpu.dma_semaphore, #tpu.memory_space<semaphore_mem>>) src(%dma_wait3A_459 : memref<8x512xf32, #tpu.memory_space<hbm>>) dst(%dma_wait3A_456 : memref<8x512xf32, #tpu.memory_space<vmem>>)
      %dma_wait3A_460 = arith.constant 1 : i32
      %dma_wait3A_461 = arith.constant 1 : i32
      %dma_wait3A_462 = arith.constant 16 : i32
      %dma_wait3A_463 = arith.constant 0 : i32
      %dma_wait3A_464 = tpu.memref_slice %arg4[%dma_wait3A_460, %dma_wait3A_462, %dma_wait3A_463] : memref<2x32x513xf32, #tpu.memory_space<vmem>> -> memref<1x8x512xf32, #tpu.memory_space<vmem>>
      %dma_wait3A_465 = tpu.memref_squeeze %dma_wait3A_464 : memref<1x8x512xf32, #tpu.memory_space<vmem>> -> memref<8x512xf32, #tpu.memory_space<vmem>>
      %dma_wait3A_466 = arith.constant 0 : i32
      %dma_wait3A_467 = arith.constant 0 : i32
      %dma_wait3A_468 = tpu.memref_slice %arg2[%dma_wait3A_466, %dma_wait3A_467] : memref<32x1000000xf32, #tpu.memory_space<hbm>> -> memref<8x512xf32, #tpu.memory_space<hbm>>
      %dma_wait3A_469 = tpu.memref_slice %arg7[%dma_wait3A_461] : memref<2x!tpu.dma_semaphore, #tpu.memory_space<semaphore_mem>> -> memref<1x!tpu.dma_semaphore, #tpu.memory_space<semaphore_mem>>
      %dma_wait3A_470 = tpu.memref_squeeze %dma_wait3A_469 : memref<1x!tpu.dma_semaphore, #tpu.memory_space<semaphore_mem>> -> memref<!tpu.dma_semaphore, #tpu.memory_space<semaphore_mem>>
      %dma_wait3A_471 = arith.constant 16 : i32
      %dma_wait3A_472 = arith.constant 0 : i32
      %dma_wait3A_473 = tpu.memref_slice %arg4[%dma_wait3A_460, %dma_wait3A_471, %dma_wait3A_472] : memref<2x32x513xf32, #tpu.memory_space<vmem>> -> memref<1x8x512xf32, #tpu.memory_space<vmem>>
      %dma_wait3A_474 = tpu.memref_squeeze %dma_wait3A_473 : memref<1x8x512xf32, #tpu.memory_space<vmem>> -> memref<8x512xf32, #tpu.memory_space<vmem>>
      %dma_wait3A_475 = arith.constant 0 : i32
      %dma_wait3A_476 = arith.constant 0 : i32
      %dma_wait3A_477 = tpu.memref_slice %arg2[%dma_wait3A_475, %dma_wait3A_476] : memref<32x1000000xf32, #tpu.memory_space<hbm>> -> memref<8x512xf32, #tpu.memory_space<hbm>>
      tpu.wait_dma2 semaphore(%dma_wait3A_470 : memref<!tpu.dma_semaphore, #tpu.memory_space<semaphore_mem>>) src(%dma_wait3A_477 : memref<8x512xf32, #tpu.memory_space<hbm>>) dst(%dma_wait3A_474 : memref<8x512xf32, #tpu.memory_space<vmem>>)
      %dma_wait3A_478 = arith.constant 1 : i32
      %dma_wait3A_479 = arith.constant 1 : i32
      %dma_wait3A_480 = arith.constant 24 : i32
      %dma_wait3A_481 = arith.constant 0 : i32
      %dma_wait3A_482 = tpu.memref_slice %arg4[%dma_wait3A_478, %dma_wait3A_480, %dma_wait3A_481] : memref<2x32x513xf32, #tpu.memory_space<vmem>> -> memref<1x8x512xf32, #tpu.memory_space<vmem>>
      %dma_wait3A_483 = tpu.memref_squeeze %dma_wait3A_482 : memref<1x8x512xf32, #tpu.memory_space<vmem>> -> memref<8x512xf32, #tpu.memory_space<vmem>>
      %dma_wait3A_484 = arith.constant 0 : i32
      %dma_wait3A_485 = arith.constant 0 : i32
      %dma_wait3A_486 = tpu.memref_slice %arg2[%dma_wait3A_484, %dma_wait3A_485] : memref<32x1000000xf32, #tpu.memory_space<hbm>> -> memref<8x512xf32, #tpu.memory_space<hbm>>
      %dma_wait3A_487 = tpu.memref_slice %arg7[%dma_wait3A_479] : memref<2x!tpu.dma_semaphore, #tpu.memory_space<semaphore_mem>> -> memref<1x!tpu.dma_semaphore, #tpu.memory_space<semaphore_mem>>
      %dma_wait3A_488 = tpu.memref_squeeze %dma_wait3A_487 : memref<1x!tpu.dma_semaphore, #tpu.memory_space<semaphore_mem>> -> memref<!tpu.dma_semaphore, #tpu.memory_space<semaphore_mem>>
      %dma_wait3A_489 = arith.constant 24 : i32
      %dma_wait3A_490 = arith.constant 0 : i32
      %dma_wait3A_491 = tpu.memref_slice %arg4[%dma_wait3A_478, %dma_wait3A_489, %dma_wait3A_490] : memref<2x32x513xf32, #tpu.memory_space<vmem>> -> memref<1x8x512xf32, #tpu.memory_space<vmem>>
      %dma_wait3A_492 = tpu.memref_squeeze %dma_wait3A_491 : memref<1x8x512xf32, #tpu.memory_space<vmem>> -> memref<8x512xf32, #tpu.memory_space<vmem>>
      %dma_wait3A_493 = arith.constant 0 : i32
      %dma_wait3A_494 = arith.constant 0 : i32
      %dma_wait3A_495 = tpu.memref_slice %arg2[%dma_wait3A_493, %dma_wait3A_494] : memref<32x1000000xf32, #tpu.memory_space<hbm>> -> memref<8x512xf32, #tpu.memory_space<hbm>>
      tpu.wait_dma2 semaphore(%dma_wait3A_488 : memref<!tpu.dma_semaphore, #tpu.memory_space<semaphore_mem>>) src(%dma_wait3A_495 : memref<8x512xf32, #tpu.memory_space<hbm>>) dst(%dma_wait3A_492 : memref<8x512xf32, #tpu.memory_space<vmem>>)
      %ge3A_496 = arith.constant 2 : i32
      %ge3A_497 = arith.cmpi sge, %add3A_351, %ge3A_496 : i32
      %convert_element_type3A_498 = arith.extui %ge3A_497 : i1 to i32
      %cond3A_499 = arith.constant 0 : i32
      %cond3A_500 = arith.cmpi ne, %convert_element_type3A_498, %cond3A_499 : i32
      scf.if %cond3A_500 {
        %dma_wait3A_518 = arith.constant 1 : i32
        %dma_wait3A_519 = arith.constant 0 : i32
        %dma_wait3A_520 = tpu.memref_slice %arg6[%dma_wait3A_519] : memref<16384xf32, #tpu.memory_space<vmem>> -> memref<16384xf32, #tpu.memory_space<vmem>>
        %dma_wait3A_521 = arith.constant 0 : i32
        %dma_wait3A_522 = tpu.memref_slice %arg3[%dma_wait3A_521] : memref<32000000xf32, #tpu.memory_space<hbm>> -> memref<16384xf32, #tpu.memory_space<hbm>>
        %dma_wait3A_523 = tpu.memref_slice %arg8[%dma_wait3A_518] : memref<2x!tpu.dma_semaphore, #tpu.memory_space<semaphore_mem>> -> memref<1x!tpu.dma_semaphore, #tpu.memory_space<semaphore_mem>>
        %dma_wait3A_524 = tpu.memref_squeeze %dma_wait3A_523 : memref<1x!tpu.dma_semaphore, #tpu.memory_space<semaphore_mem>> -> memref<!tpu.dma_semaphore, #tpu.memory_space<semaphore_mem>>
        %dma_wait3A_525 = arith.constant 0 : i32
        %dma_wait3A_526 = tpu.memref_slice %arg3[%dma_wait3A_525] : memref<32000000xf32, #tpu.memory_space<hbm>> -> memref<16384xf32, #tpu.memory_space<hbm>>
        %dma_wait3A_527 = arith.constant 0 : i32
        %dma_wait3A_528 = tpu.memref_slice %arg6[%dma_wait3A_527] : memref<16384xf32, #tpu.memory_space<vmem>> -> memref<16384xf32, #tpu.memory_space<vmem>>
        tpu.wait_dma2 semaphore(%dma_wait3A_524 : memref<!tpu.dma_semaphore, #tpu.memory_space<semaphore_mem>>) src(%dma_wait3A_528 : memref<16384xf32, #tpu.memory_space<vmem>>) dst(%dma_wait3A_526 : memref<16384xf32, #tpu.memory_space<hbm>>)
      } else {
      }
      %parallel_loop3A_501 = arith.constant 0 : i32
      %parallel_loop3A_502 = arith.constant 512 : i32
      %parallel_loop3A_503 = arith.constant 1 : i32
      scf.for %parallel_loop3A_518 = %parallel_loop3A_501 to %parallel_loop3A_502 step %parallel_loop3A_503  : i32 {
        %parallel_loop3A_519 = vector.broadcast %parallel_loop3A_518 : i32 to vector<16xi32>
        %parallel_loop3A_520 = arith.constant 1 : i32
        %parallel_loop3A_521 = arith.constant 0 : i32
        %parallel_loop3A_522 = arith.constant 0 : i32
        %parallel_loop3A_523 = tpu.memref_slice %arg4[%parallel_loop3A_520, %parallel_loop3A_521, %parallel_loop3A_522] : memref<2x32x513xf32, #tpu.memory_space<vmem>> -> memref<1x32x513xf32, #tpu.memory_space<vmem>>
        %parallel_loop3A_524 = tpu.memref_squeeze %parallel_loop3A_523 : memref<1x32x513xf32, #tpu.memory_space<vmem>> -> memref<32x513xf32, #tpu.memory_space<vmem>>
        %parallel_loop3A_525 = tpu.vector_load_idx %parallel_loop3A_524[%iota3A, %parallel_loop3A_519] : memref<32x513xf32, #tpu.memory_space<vmem>>[vector<16xi32>, vector<16xi32>], vector<16xf32>,
        %parallel_loop3A_526 = arith.constant 32 : i32
        %parallel_loop3A_527 = arith.muli %parallel_loop3A_518, %parallel_loop3A_526 : i32
        %parallel_loop3A_528 = arith.index_cast %parallel_loop3A_527 : i32 to index
        %parallel_loop3A_529 = tpu.vector_load %arg6[%parallel_loop3A_528] {strides = array<i32>} : memref<16384xf32, #tpu.memory_space<vmem>>, vector<16xf32>,
        tpu.vector_store %arg6[%parallel_loop3A_528], %parallel_loop3A_525 {strides = array<i32>} : memref<16384xf32, #tpu.memory_space<vmem>>, vector<16xf32>,
        %parallel_loop3A_530 = arith.constant 1 : i32
        %parallel_loop3A_531 = arith.constant 0 : i32
        %parallel_loop3A_532 = arith.constant 0 : i32
        %parallel_loop3A_533 = tpu.memref_slice %arg4[%parallel_loop3A_530, %parallel_loop3A_531, %parallel_loop3A_532] : memref<2x32x513xf32, #tpu.memory_space<vmem>> -> memref<1x32x513xf32, #tpu.memory_space<vmem>>
        %parallel_loop3A_534 = tpu.memref_squeeze %parallel_loop3A_533 : memref<1x32x513xf32, #tpu.memory_space<vmem>> -> memref<32x513xf32, #tpu.memory_space<vmem>>
        %parallel_loop3A_535 = tpu.vector_load_idx %parallel_loop3A_534[%add3A_5, %parallel_loop3A_519] : memref<32x513xf32, #tpu.memory_space<vmem>>[vector<16xi32>, vector<16xi32>], vector<16xf32>,
        %parallel_loop3A_536 = arith.constant 32 : i32
        %parallel_loop3A_537 = arith.muli %parallel_loop3A_518, %parallel_loop3A_536 : i32
        %parallel_loop3A_538 = arith.constant 16 : i32
        %parallel_loop3A_539 = arith.addi %parallel_loop3A_537, %parallel_loop3A_538 : i32
        %parallel_loop3A_540 = arith.index_cast %parallel_loop3A_539 : i32 to index
        %parallel_loop3A_541 = tpu.vector_load %arg6[%parallel_loop3A_540] {strides = array<i32>} : memref<16384xf32, #tpu.memory_space<vmem>>, vector<16xf32>,
        tpu.vector_store %arg6[%parallel_loop3A_540], %parallel_loop3A_535 {strides = array<i32>} : memref<16384xf32, #tpu.memory_space<vmem>>, vector<16xf32>,
      } {sc.loop_unroll_factor = 8 : i64, sc.parallel_access}
      %mul3A_504 = arith.constant 512 : i32
      %mul3A_505 = arith.muli %add3A_351, %mul3A_504 : i32
      %add3A_506 = arith.addi %mul3A_2, %mul3A_505 : i32
      %mul3A_507 = arith.constant 32 : i32
      %mul3A_508 = arith.muli %add3A_506, %mul3A_507 : i32
      %dma_start3A_509 = arith.constant 1 : i32
      %dma_start3A_510 = arith.constant 0 : i32
      %dma_start3A_511 = tpu.memref_slice %arg6[%dma_start3A_510] : memref<16384xf32, #tpu.memory_space<vmem>> -> memref<16384xf32, #tpu.memory_space<vmem>>
      %dma_start3A_512 = tpu.memref_slice %arg3[%mul3A_508] : memref<32000000xf32, #tpu.memory_space<hbm>> -> memref<16384xf32, #tpu.memory_space<hbm>>
      %dma_start3A_513 = tpu.memref_slice %arg8[%dma_start3A_509] : memref<2x!tpu.dma_semaphore, #tpu.memory_space<semaphore_mem>> -> memref<1x!tpu.dma_semaphore, #tpu.memory_space<semaphore_mem>>
      %dma_start3A_514 = tpu.memref_squeeze %dma_start3A_513 : memref<1x!tpu.dma_semaphore, #tpu.memory_space<semaphore_mem>> -> memref<!tpu.dma_semaphore, #tpu.memory_space<semaphore_mem>>
      %dma_start3A_515 = tpu.memref_slice %arg3[%mul3A_508] : memref<32000000xf32, #tpu.memory_space<hbm>> -> memref<16384xf32, #tpu.memory_space<hbm>>
      %dma_start3A_516 = arith.constant 0 : i32
      %dma_start3A_517 = tpu.memref_slice %arg6[%dma_start3A_516] : memref<16384xf32, #tpu.memory_space<vmem>> -> memref<16384xf32, #tpu.memory_space<vmem>>
      tpu.enqueue_dma source(%dma_start3A_517 : memref<16384xf32, #tpu.memory_space<vmem>>) target(%dma_start3A_515 : memref<16384xf32, #tpu.memory_space<hbm>>) target_semaphore(%dma_start3A_514 : memref<!tpu.dma_semaphore, #tpu.memory_space<semaphore_mem>>)
    }
    %scan3A_73 = arith.constant 30 : i32
    %dma_wait3A = arith.constant 0 : i32
    %dma_wait3A_74 = arith.constant 0 : i32
    %dma_wait3A_75 = arith.constant 0 : i32
    %dma_wait3A_76 = arith.constant 0 : i32
    %dma_wait3A_77 = tpu.memref_slice %arg4[%dma_wait3A, %dma_wait3A_75, %dma_wait3A_76] : memref<2x32x513xf32, #tpu.memory_space<vmem>> -> memref<1x8x512xf32, #tpu.memory_space<vmem>>
    %dma_wait3A_78 = tpu.memref_squeeze %dma_wait3A_77 : memref<1x8x512xf32, #tpu.memory_space<vmem>> -> memref<8x512xf32, #tpu.memory_space<vmem>>
    %dma_wait3A_79 = arith.constant 0 : i32
    %dma_wait3A_80 = arith.constant 0 : i32
    %dma_wait3A_81 = tpu.memref_slice %arg2[%dma_wait3A_79, %dma_wait3A_80] : memref<32x1000000xf32, #tpu.memory_space<hbm>> -> memref<8x512xf32, #tpu.memory_space<hbm>>
    %dma_wait3A_82 = tpu.memref_slice %arg7[%dma_wait3A_74] : memref<2x!tpu.dma_semaphore, #tpu.memory_space<semaphore_mem>> -> memref<1x!tpu.dma_semaphore, #tpu.memory_space<semaphore_mem>>
    %dma_wait3A_83 = tpu.memref_squeeze %dma_wait3A_82 : memref<1x!tpu.dma_semaphore, #tpu.memory_space<semaphore_mem>> -> memref<!tpu.dma_semaphore, #tpu.memory_space<semaphore_mem>>
    %dma_wait3A_84 = arith.constant 0 : i32
    %dma_wait3A_85 = arith.constant 0 : i32
    %dma_wait3A_86 = tpu.memref_slice %arg4[%dma_wait3A, %dma_wait3A_84, %dma_wait3A_85] : memref<2x32x513xf32, #tpu.memory_space<vmem>> -> memref<1x8x512xf32, #tpu.memory_space<vmem>>
    %dma_wait3A_87 = tpu.memref_squeeze %dma_wait3A_86 : memref<1x8x512xf32, #tpu.memory_space<vmem>> -> memref<8x512xf32, #tpu.memory_space<vmem>>
    %dma_wait3A_88 = arith.constant 0 : i32
    %dma_wait3A_89 = arith.constant 0 : i32
    %dma_wait3A_90 = tpu.memref_slice %arg2[%dma_wait3A_88, %dma_wait3A_89] : memref<32x1000000xf32, #tpu.memory_space<hbm>> -> memref<8x512xf32, #tpu.memory_space<hbm>>
    tpu.wait_dma2 semaphore(%dma_wait3A_83 : memref<!tpu.dma_semaphore, #tpu.memory_space<semaphore_mem>>) src(%dma_wait3A_90 : memref<8x512xf32, #tpu.memory_space<hbm>>) dst(%dma_wait3A_87 : memref<8x512xf32, #tpu.memory_space<vmem>>)
    %dma_wait3A_91 = arith.constant 0 : i32
    %dma_wait3A_92 = arith.constant 0 : i32
    %dma_wait3A_93 = arith.constant 8 : i32
    %dma_wait3A_94 = arith.constant 0 : i32
    %dma_wait3A_95 = tpu.memref_slice %arg4[%dma_wait3A_91, %dma_wait3A_93, %dma_wait3A_94] : memref<2x32x513xf32, #tpu.memory_space<vmem>> -> memref<1x8x512xf32, #tpu.memory_space<vmem>>
    %dma_wait3A_96 = tpu.memref_squeeze %dma_wait3A_95 : memref<1x8x512xf32, #tpu.memory_space<vmem>> -> memref<8x512xf32, #tpu.memory_space<vmem>>
    %dma_wait3A_97 = arith.constant 0 : i32
    %dma_wait3A_98 = arith.constant 0 : i32
    %dma_wait3A_99 = tpu.memref_slice %arg2[%dma_wait3A_97, %dma_wait3A_98] : memref<32x1000000xf32, #tpu.memory_space<hbm>> -> memref<8x512xf32, #tpu.memory_space<hbm>>
    %dma_wait3A_100 = tpu.memref_slice %arg7[%dma_wait3A_92] : memref<2x!tpu.dma_semaphore, #tpu.memory_space<semaphore_mem>> -> memref<1x!tpu.dma_semaphore, #tpu.memory_space<semaphore_mem>>
    %dma_wait3A_101 = tpu.memref_squeeze %dma_wait3A_100 : memref<1x!tpu.dma_semaphore, #tpu.memory_space<semaphore_mem>> -> memref<!tpu.dma_semaphore, #tpu.memory_space<semaphore_mem>>
    %dma_wait3A_102 = arith.constant 8 : i32
    %dma_wait3A_103 = arith.constant 0 : i32
    %dma_wait3A_104 = tpu.memref_slice %arg4[%dma_wait3A_91, %dma_wait3A_102, %dma_wait3A_103] : memref<2x32x513xf32, #tpu.memory_space<vmem>> -> memref<1x8x512xf32, #tpu.memory_space<vmem>>
    %dma_wait3A_105 = tpu.memref_squeeze %dma_wait3A_104 : memref<1x8x512xf32, #tpu.memory_space<vmem>> -> memref<8x512xf32, #tpu.memory_space<vmem>>
    %dma_wait3A_106 = arith.constant 0 : i32
    %dma_wait3A_107 = arith.constant 0 : i32
    %dma_wait3A_108 = tpu.memref_slice %arg2[%dma_wait3A_106, %dma_wait3A_107] : memref<32x1000000xf32, #tpu.memory_space<hbm>> -> memref<8x512xf32, #tpu.memory_space<hbm>>
    tpu.wait_dma2 semaphore(%dma_wait3A_101 : memref<!tpu.dma_semaphore, #tpu.memory_space<semaphore_mem>>) src(%dma_wait3A_108 : memref<8x512xf32, #tpu.memory_space<hbm>>) dst(%dma_wait3A_105 : memref<8x512xf32, #tpu.memory_space<vmem>>)
    %dma_wait3A_109 = arith.constant 0 : i32
    %dma_wait3A_110 = arith.constant 0 : i32
    %dma_wait3A_111 = arith.constant 16 : i32
    %dma_wait3A_112 = arith.constant 0 : i32
    %dma_wait3A_113 = tpu.memref_slice %arg4[%dma_wait3A_109, %dma_wait3A_111, %dma_wait3A_112] : memref<2x32x513xf32, #tpu.memory_space<vmem>> -> memref<1x8x512xf32, #tpu.memory_space<vmem>>
    %dma_wait3A_114 = tpu.memref_squeeze %dma_wait3A_113 : memref<1x8x512xf32, #tpu.memory_space<vmem>> -> memref<8x512xf32, #tpu.memory_space<vmem>>
    %dma_wait3A_115 = arith.constant 0 : i32
    %dma_wait3A_116 = arith.constant 0 : i32
    %dma_wait3A_117 = tpu.memref_slice %arg2[%dma_wait3A_115, %dma_wait3A_116] : memref<32x1000000xf32, #tpu.memory_space<hbm>> -> memref<8x512xf32, #tpu.memory_space<hbm>>
    %dma_wait3A_118 = tpu.memref_slice %arg7[%dma_wait3A_110] : memref<2x!tpu.dma_semaphore, #tpu.memory_space<semaphore_mem>> -> memref<1x!tpu.dma_semaphore, #tpu.memory_space<semaphore_mem>>
    %dma_wait3A_119 = tpu.memref_squeeze %dma_wait3A_118 : memref<1x!tpu.dma_semaphore, #tpu.memory_space<semaphore_mem>> -> memref<!tpu.dma_semaphore, #tpu.memory_space<semaphore_mem>>
    %dma_wait3A_120 = arith.constant 16 : i32
    %dma_wait3A_121 = arith.constant 0 : i32
    %dma_wait3A_122 = tpu.memref_slice %arg4[%dma_wait3A_109, %dma_wait3A_120, %dma_wait3A_121] : memref<2x32x513xf32, #tpu.memory_space<vmem>> -> memref<1x8x512xf32, #tpu.memory_space<vmem>>
    %dma_wait3A_123 = tpu.memref_squeeze %dma_wait3A_122 : memref<1x8x512xf32, #tpu.memory_space<vmem>> -> memref<8x512xf32, #tpu.memory_space<vmem>>
    %dma_wait3A_124 = arith.constant 0 : i32
    %dma_wait3A_125 = arith.constant 0 : i32
    %dma_wait3A_126 = tpu.memref_slice %arg2[%dma_wait3A_124, %dma_wait3A_125] : memref<32x1000000xf32, #tpu.memory_space<hbm>> -> memref<8x512xf32, #tpu.memory_space<hbm>>
    tpu.wait_dma2 semaphore(%dma_wait3A_119 : memref<!tpu.dma_semaphore, #tpu.memory_space<semaphore_mem>>) src(%dma_wait3A_126 : memref<8x512xf32, #tpu.memory_space<hbm>>) dst(%dma_wait3A_123 : memref<8x512xf32, #tpu.memory_space<vmem>>)
    %dma_wait3A_127 = arith.constant 0 : i32
    %dma_wait3A_128 = arith.constant 0 : i32
    %dma_wait3A_129 = arith.constant 24 : i32
    %dma_wait3A_130 = arith.constant 0 : i32
    %dma_wait3A_131 = tpu.memref_slice %arg4[%dma_wait3A_127, %dma_wait3A_129, %dma_wait3A_130] : memref<2x32x513xf32, #tpu.memory_space<vmem>> -> memref<1x8x512xf32, #tpu.memory_space<vmem>>
    %dma_wait3A_132 = tpu.memref_squeeze %dma_wait3A_131 : memref<1x8x512xf32, #tpu.memory_space<vmem>> -> memref<8x512xf32, #tpu.memory_space<vmem>>
    %dma_wait3A_133 = arith.constant 0 : i32
    %dma_wait3A_134 = arith.constant 0 : i32
    %dma_wait3A_135 = tpu.memref_slice %arg2[%dma_wait3A_133, %dma_wait3A_134] : memref<32x1000000xf32, #tpu.memory_space<hbm>> -> memref<8x512xf32, #tpu.memory_space<hbm>>
    %dma_wait3A_136 = tpu.memref_slice %arg7[%dma_wait3A_128] : memref<2x!tpu.dma_semaphore, #tpu.memory_space<semaphore_mem>> -> memref<1x!tpu.dma_semaphore, #tpu.memory_space<semaphore_mem>>
    %dma_wait3A_137 = tpu.memref_squeeze %dma_wait3A_136 : memref<1x!tpu.dma_semaphore, #tpu.memory_space<semaphore_mem>> -> memref<!tpu.dma_semaphore, #tpu.memory_space<semaphore_mem>>
    %dma_wait3A_138 = arith.constant 24 : i32
    %dma_wait3A_139 = arith.constant 0 : i32
    %dma_wait3A_140 = tpu.memref_slice %arg4[%dma_wait3A_127, %dma_wait3A_138, %dma_wait3A_139] : memref<2x32x513xf32, #tpu.memory_space<vmem>> -> memref<1x8x512xf32, #tpu.memory_space<vmem>>
    %dma_wait3A_141 = tpu.memref_squeeze %dma_wait3A_140 : memref<1x8x512xf32, #tpu.memory_space<vmem>> -> memref<8x512xf32, #tpu.memory_space<vmem>>
    %dma_wait3A_142 = arith.constant 0 : i32
    %dma_wait3A_143 = arith.constant 0 : i32
    %dma_wait3A_144 = tpu.memref_slice %arg2[%dma_wait3A_142, %dma_wait3A_143] : memref<32x1000000xf32, #tpu.memory_space<hbm>> -> memref<8x512xf32, #tpu.memory_space<hbm>>
    tpu.wait_dma2 semaphore(%dma_wait3A_137 : memref<!tpu.dma_semaphore, #tpu.memory_space<semaphore_mem>>) src(%dma_wait3A_144 : memref<8x512xf32, #tpu.memory_space<hbm>>) dst(%dma_wait3A_141 : memref<8x512xf32, #tpu.memory_space<vmem>>)
    %dma_wait3A_145 = arith.constant 0 : i32
    %dma_wait3A_146 = arith.constant 0 : i32
    %dma_wait3A_147 = tpu.memref_slice %arg5[%dma_wait3A_146] : memref<16384xf32, #tpu.memory_space<vmem>> -> memref<16384xf32, #tpu.memory_space<vmem>>
    %dma_wait3A_148 = arith.constant 0 : i32
    %dma_wait3A_149 = tpu.memref_slice %arg3[%dma_wait3A_148] : memref<32000000xf32, #tpu.memory_space<hbm>> -> memref<16384xf32, #tpu.memory_space<hbm>>
    %dma_wait3A_150 = tpu.memref_slice %arg8[%dma_wait3A_145] : memref<2x!tpu.dma_semaphore, #tpu.memory_space<semaphore_mem>> -> memref<1x!tpu.dma_semaphore, #tpu.memory_space<semaphore_mem>>
    %dma_wait3A_151 = tpu.memref_squeeze %dma_wait3A_150 : memref<1x!tpu.dma_semaphore, #tpu.memory_space<semaphore_mem>> -> memref<!tpu.dma_semaphore, #tpu.memory_space<semaphore_mem>>
    %dma_wait3A_152 = arith.constant 0 : i32
    %dma_wait3A_153 = tpu.memref_slice %arg3[%dma_wait3A_152] : memref<32000000xf32, #tpu.memory_space<hbm>> -> memref<16384xf32, #tpu.memory_space<hbm>>
    %dma_wait3A_154 = arith.constant 0 : i32
    %dma_wait3A_155 = tpu.memref_slice %arg5[%dma_wait3A_154] : memref<16384xf32, #tpu.memory_space<vmem>> -> memref<16384xf32, #tpu.memory_space<vmem>>
    tpu.wait_dma2 semaphore(%dma_wait3A_151 : memref<!tpu.dma_semaphore, #tpu.memory_space<semaphore_mem>>) src(%dma_wait3A_155 : memref<16384xf32, #tpu.memory_space<vmem>>) dst(%dma_wait3A_153 : memref<16384xf32, #tpu.memory_space<hbm>>)
    %add3A_156 = arith.constant 30720 : i32
    %add3A_157 = arith.addi %mul3A_2, %add3A_156 : i32
    %parallel_loop3A = arith.constant 0 : i32
    %parallel_loop3A_158 = arith.constant 512 : i32
    %parallel_loop3A_159 = arith.constant 1 : i32
    scf.for %parallel_loop3A_179 = %parallel_loop3A to %parallel_loop3A_158 step %parallel_loop3A_159  : i32 {
      %parallel_loop3A_180 = vector.broadcast %parallel_loop3A_179 : i32 to vector<16xi32>
      %parallel_loop3A_181 = arith.constant 0 : i32
      %parallel_loop3A_182 = arith.constant 0 : i32
      %parallel_loop3A_183 = arith.constant 0 : i32
      %parallel_loop3A_184 = tpu.memref_slice %arg4[%parallel_loop3A_181, %parallel_loop3A_182, %parallel_loop3A_183] : memref<2x32x513xf32, #tpu.memory_space<vmem>> -> memref<1x32x513xf32, #tpu.memory_space<vmem>>
      %parallel_loop3A_185 = tpu.memref_squeeze %parallel_loop3A_184 : memref<1x32x513xf32, #tpu.memory_space<vmem>> -> memref<32x513xf32, #tpu.memory_space<vmem>>
      %parallel_loop3A_186 = tpu.vector_load_idx %parallel_loop3A_185[%iota3A, %parallel_loop3A_180] : memref<32x513xf32, #tpu.memory_space<vmem>>[vector<16xi32>, vector<16xi32>], vector<16xf32>,
      %parallel_loop3A_187 = arith.constant 32 : i32
      %parallel_loop3A_188 = arith.muli %parallel_loop3A_179, %parallel_loop3A_187 : i32
      %parallel_loop3A_189 = arith.index_cast %parallel_loop3A_188 : i32 to index
      %parallel_loop3A_190 = tpu.vector_load %arg5[%parallel_loop3A_189] {strides = array<i32>} : memref<16384xf32, #tpu.memory_space<vmem>>, vector<16xf32>,
      tpu.vector_store %arg5[%parallel_loop3A_189], %parallel_loop3A_186 {strides = array<i32>} : memref<16384xf32, #tpu.memory_space<vmem>>, vector<16xf32>,
      %parallel_loop3A_191 = arith.constant 0 : i32
      %parallel_loop3A_192 = arith.constant 0 : i32
      %parallel_loop3A_193 = arith.constant 0 : i32
      %parallel_loop3A_194 = tpu.memref_slice %arg4[%parallel_loop3A_191, %parallel_loop3A_192, %parallel_loop3A_193] : memref<2x32x513xf32, #tpu.memory_space<vmem>> -> memref<1x32x513xf32, #tpu.memory_space<vmem>>
      %parallel_loop3A_195 = tpu.memref_squeeze %parallel_loop3A_194 : memref<1x32x513xf32, #tpu.memory_space<vmem>> -> memref<32x513xf32, #tpu.memory_space<vmem>>
      %parallel_loop3A_196 = tpu.vector_load_idx %parallel_loop3A_195[%add3A_5, %parallel_loop3A_180] : memref<32x513xf32, #tpu.memory_space<vmem>>[vector<16xi32>, vector<16xi32>], vector<16xf32>,
      %parallel_loop3A_197 = arith.constant 32 : i32
      %parallel_loop3A_198 = arith.muli %parallel_loop3A_179, %parallel_loop3A_197 : i32
      %parallel_loop3A_199 = arith.constant 16 : i32
      %parallel_loop3A_200 = arith.addi %parallel_loop3A_198, %parallel_loop3A_199 : i32
      %parallel_loop3A_201 = arith.index_cast %parallel_loop3A_200 : i32 to index
      %parallel_loop3A_202 = tpu.vector_load %arg5[%parallel_loop3A_201] {strides = array<i32>} : memref<16384xf32, #tpu.memory_space<vmem>>, vector<16xf32>,
      tpu.vector_store %arg5[%parallel_loop3A_201], %parallel_loop3A_196 {strides = array<i32>} : memref<16384xf32, #tpu.memory_space<vmem>>, vector<16xf32>,
    } {sc.loop_unroll_factor = 8 : i64, sc.parallel_access}
    %mul3A_160 = arith.constant 32 : i32
    %mul3A_161 = arith.muli %add3A_157, %mul3A_160 : i32
    "tpu.region"() ({
      %run_scoped3A = tpu.sem_alloc : memref<!tpu.dma_semaphore, #tpu.memory_space<semaphore_mem>>
      %dma_start3A_179 = arith.constant 0 : i32
      %dma_start3A_180 = tpu.memref_slice %arg5[%dma_start3A_179] : memref<16384xf32, #tpu.memory_space<vmem>> -> memref<16384xf32, #tpu.memory_space<vmem>>
      %dma_start3A_181 = tpu.memref_slice %arg3[%mul3A_161] : memref<32000000xf32, #tpu.memory_space<hbm>> -> memref<16384xf32, #tpu.memory_space<hbm>>
      %dma_start3A_182 = tpu.memref_slice %arg3[%mul3A_161] : memref<32000000xf32, #tpu.memory_space<hbm>> -> memref<16384xf32, #tpu.memory_space<hbm>>
      %dma_start3A_183 = arith.constant 0 : i32
      %dma_start3A_184 = tpu.memref_slice %arg5[%dma_start3A_183] : memref<16384xf32, #tpu.memory_space<vmem>> -> memref<16384xf32, #tpu.memory_space<vmem>>
      tpu.enqueue_dma source(%dma_start3A_184 : memref<16384xf32, #tpu.memory_space<vmem>>) target(%dma_start3A_182 : memref<16384xf32, #tpu.memory_space<hbm>>) target_semaphore(%run_scoped3A : memref<!tpu.dma_semaphore, #tpu.memory_space<semaphore_mem>>)
      %dma_wait3A_185 = arith.constant 0 : i32
      %dma_wait3A_186 = tpu.memref_slice %arg5[%dma_wait3A_185] : memref<16384xf32, #tpu.memory_space<vmem>> -> memref<16384xf32, #tpu.memory_space<vmem>>
      %dma_wait3A_187 = tpu.memref_slice %arg3[%mul3A_161] : memref<32000000xf32, #tpu.memory_space<hbm>> -> memref<16384xf32, #tpu.memory_space<hbm>>
      %dma_wait3A_188 = tpu.memref_slice %arg3[%mul3A_161] : memref<32000000xf32, #tpu.memory_space<hbm>> -> memref<16384xf32, #tpu.memory_space<hbm>>
      %dma_wait3A_189 = arith.constant 0 : i32
      %dma_wait3A_190 = tpu.memref_slice %arg5[%dma_wait3A_189] : memref<16384xf32, #tpu.memory_space<vmem>> -> memref<16384xf32, #tpu.memory_space<vmem>>
      tpu.wait_dma2 semaphore(%run_scoped3A : memref<!tpu.dma_semaphore, #tpu.memory_space<semaphore_mem>>) src(%dma_wait3A_190 : memref<16384xf32, #tpu.memory_space<vmem>>) dst(%dma_wait3A_188 : memref<16384xf32, #tpu.memory_space<hbm>>)
      tpu.yield
    }) : () -> ()
    %dma_wait3A_162 = arith.constant 1 : i32
    %dma_wait3A_163 = arith.constant 0 : i32
    %dma_wait3A_164 = tpu.memref_slice %arg6[%dma_wait3A_163] : memref<16384xf32, #tpu.memory_space<vmem>> -> memref<16384xf32, #tpu.memory_space<vmem>>
    %dma_wait3A_165 = arith.constant 0 : i32
    %dma_wait3A_166 = tpu.memref_slice %arg3[%dma_wait3A_165] : memref<32000000xf32, #tpu.memory_space<hbm>> -> memref<16384xf32, #tpu.memory_space<hbm>>
    %dma_wait3A_167 = tpu.memref_slice %arg8[%dma_wait3A_162] : memref<2x!tpu.dma_semaphore, #tpu.memory_space<semaphore_mem>> -> memref<1x!tpu.dma_semaphore, #tpu.memory_space<semaphore_mem>>
    %dma_wait3A_168 = tpu.memref_squeeze %dma_wait3A_167 : memref<1x!tpu.dma_semaphore, #tpu.memory_space<semaphore_mem>> -> memref<!tpu.dma_semaphore, #tpu.memory_space<semaphore_mem>>
    %dma_wait3A_169 = arith.constant 0 : i32
    %dma_wait3A_170 = tpu.memref_slice %arg3[%dma_wait3A_169] : memref<32000000xf32, #tpu.memory_space<hbm>> -> memref<16384xf32, #tpu.memory_space<hbm>>
    %dma_wait3A_171 = arith.constant 0 : i32
    %dma_wait3A_172 = tpu.memref_slice %arg6[%dma_wait3A_171] : memref<16384xf32, #tpu.memory_space<vmem>> -> memref<16384xf32, #tpu.memory_space<vmem>>
    tpu.wait_dma2 semaphore(%dma_wait3A_168 : memref<!tpu.dma_semaphore, #tpu.memory_space<semaphore_mem>>) src(%dma_wait3A_172 : memref<16384xf32, #tpu.memory_space<vmem>>) dst(%dma_wait3A_170 : memref<16384xf32, #tpu.memory_space<hbm>>)
    %lt3A = arith.constant 4 : i32
    %lt3A_173 = arith.cmpi slt, %add3A, %lt3A : i32
    %convert_element_type3A = arith.extui %lt3A_173 : i1 to i32
    %cond3A = arith.constant 0 : i32
    %cond3A_174 = arith.cmpi ne, %convert_element_type3A, %cond3A : i32
    scf.if %cond3A_174 {
      %mul3A_179 = arith.constant 128 : i32
      %mul3A_180 = arith.muli %add3A, %mul3A_179 : i32
      %add3A_181 = arith.constant 999424 : i32
      %add3A_182 = arith.addi %add3A_181, %mul3A_180 : i32
      %multiple_of3A_183 = tpu.assume_multiple %add3A_182, 128 : i32
      %dma_start3A_184 = arith.constant 0 : i32
      %dma_start3A_185 = arith.constant 0 : i32
      %dma_start3A_186 = arith.constant 0 : i32
      %dma_start3A_187 = arith.constant 0 : i32
      %dma_start3A_188 = tpu.memref_slice %arg4[%dma_start3A_184, %dma_start3A_186, %dma_start3A_187] : memref<2x32x513xf32, #tpu.memory_space<vmem>> -> memref<1x8x128xf32, #tpu.memory_space<vmem>>
      %dma_start3A_189 = tpu.memref_squeeze %dma_start3A_188 : memref<1x8x128xf32, #tpu.memory_space<vmem>> -> memref<8x128xf32, #tpu.memory_space<vmem>>
      %dma_start3A_190 = arith.constant 0 : i32
      %dma_start3A_191 = tpu.memref_slice %arg2[%dma_start3A_190, %multiple_of3A_183] : memref<32x1000000xf32, #tpu.memory_space<hbm>> -> memref<8x128xf32, #tpu.memory_space<hbm>>
      %dma_start3A_192 = tpu.memref_slice %arg7[%dma_start3A_185] : memref<2x!tpu.dma_semaphore, #tpu.memory_space<semaphore_mem>> -> memref<1x!tpu.dma_semaphore, #tpu.memory_space<semaphore_mem>>
      %dma_start3A_193 = tpu.memref_squeeze %dma_start3A_192 : memref<1x!tpu.dma_semaphore, #tpu.memory_space<semaphore_mem>> -> memref<!tpu.dma_semaphore, #tpu.memory_space<semaphore_mem>>
      %dma_start3A_194 = arith.constant 0 : i32
      %dma_start3A_195 = arith.constant 0 : i32
      %dma_start3A_196 = tpu.memref_slice %arg4[%dma_start3A_184, %dma_start3A_194, %dma_start3A_195] : memref<2x32x513xf32, #tpu.memory_space<vmem>> -> memref<1x8x128xf32, #tpu.memory_space<vmem>>
      %dma_start3A_197 = tpu.memref_squeeze %dma_start3A_196 : memref<1x8x128xf32, #tpu.memory_space<vmem>> -> memref<8x128xf32, #tpu.memory_space<vmem>>
      %dma_start3A_198 = arith.constant 0 : i32
      %dma_start3A_199 = tpu.memref_slice %arg2[%dma_start3A_198, %multiple_of3A_183] : memref<32x1000000xf32, #tpu.memory_space<hbm>> -> memref<8x128xf32, #tpu.memory_space<hbm>>
      tpu.enqueue_dma source(%dma_start3A_199 : memref<8x128xf32, #tpu.memory_space<hbm>>) target(%dma_start3A_197 : memref<8x128xf32, #tpu.memory_space<vmem>>) target_semaphore(%dma_start3A_193 : memref<!tpu.dma_semaphore, #tpu.memory_space<semaphore_mem>>)
      %dma_start3A_200 = arith.constant 0 : i32
      %dma_start3A_201 = arith.constant 0 : i32
      %dma_start3A_202 = arith.constant 8 : i32
      %dma_start3A_203 = arith.constant 0 : i32
      %dma_start3A_204 = tpu.memref_slice %arg4[%dma_start3A_200, %dma_start3A_202, %dma_start3A_203] : memref<2x32x513xf32, #tpu.memory_space<vmem>> -> memref<1x8x128xf32, #tpu.memory_space<vmem>>
      %dma_start3A_205 = tpu.memref_squeeze %dma_start3A_204 : memref<1x8x128xf32, #tpu.memory_space<vmem>> -> memref<8x128xf32, #tpu.memory_space<vmem>>
      %dma_start3A_206 = arith.constant 8 : i32
      %dma_start3A_207 = tpu.memref_slice %arg2[%dma_start3A_206, %multiple_of3A_183] : memref<32x1000000xf32, #tpu.memory_space<hbm>> -> memref<8x128xf32, #tpu.memory_space<hbm>>
      %dma_start3A_208 = tpu.memref_slice %arg7[%dma_start3A_201] : memref<2x!tpu.dma_semaphore, #tpu.memory_space<semaphore_mem>> -> memref<1x!tpu.dma_semaphore, #tpu.memory_space<semaphore_mem>>
      %dma_start3A_209 = tpu.memref_squeeze %dma_start3A_208 : memref<1x!tpu.dma_semaphore, #tpu.memory_space<semaphore_mem>> -> memref<!tpu.dma_semaphore, #tpu.memory_space<semaphore_mem>>
      %dma_start3A_210 = arith.constant 8 : i32
      %dma_start3A_211 = arith.constant 0 : i32
      %dma_start3A_212 = tpu.memref_slice %arg4[%dma_start3A_200, %dma_start3A_210, %dma_start3A_211] : memref<2x32x513xf32, #tpu.memory_space<vmem>> -> memref<1x8x128xf32, #tpu.memory_space<vmem>>
      %dma_start3A_213 = tpu.memref_squeeze %dma_start3A_212 : memref<1x8x128xf32, #tpu.memory_space<vmem>> -> memref<8x128xf32, #tpu.memory_space<vmem>>
      %dma_start3A_214 = arith.constant 8 : i32
      %dma_start3A_215 = tpu.memref_slice %arg2[%dma_start3A_214, %multiple_of3A_183] : memref<32x1000000xf32, #tpu.memory_space<hbm>> -> memref<8x128xf32, #tpu.memory_space<hbm>>
      tpu.enqueue_dma source(%dma_start3A_215 : memref<8x128xf32, #tpu.memory_space<hbm>>) target(%dma_start3A_213 : memref<8x128xf32, #tpu.memory_space<vmem>>) target_semaphore(%dma_start3A_209 : memref<!tpu.dma_semaphore, #tpu.memory_space<semaphore_mem>>)
      %dma_start3A_216 = arith.constant 0 : i32
      %dma_start3A_217 = arith.constant 0 : i32
      %dma_start3A_218 = arith.constant 16 : i32
      %dma_start3A_219 = arith.constant 0 : i32
      %dma_start3A_220 = tpu.memref_slice %arg4[%dma_start3A_216, %dma_start3A_218, %dma_start3A_219] : memref<2x32x513xf32, #tpu.memory_space<vmem>> -> memref<1x8x128xf32, #tpu.memory_space<vmem>>
      %dma_start3A_221 = tpu.memref_squeeze %dma_start3A_220 : memref<1x8x128xf32, #tpu.memory_space<vmem>> -> memref<8x128xf32, #tpu.memory_space<vmem>>
      %dma_start3A_222 = arith.constant 16 : i32
      %dma_start3A_223 = tpu.memref_slice %arg2[%dma_start3A_222, %multiple_of3A_183] : memref<32x1000000xf32, #tpu.memory_space<hbm>> -> memref<8x128xf32, #tpu.memory_space<hbm>>
      %dma_start3A_224 = tpu.memref_slice %arg7[%dma_start3A_217] : memref<2x!tpu.dma_semaphore, #tpu.memory_space<semaphore_mem>> -> memref<1x!tpu.dma_semaphore, #tpu.memory_space<semaphore_mem>>
      %dma_start3A_225 = tpu.memref_squeeze %dma_start3A_224 : memref<1x!tpu.dma_semaphore, #tpu.memory_space<semaphore_mem>> -> memref<!tpu.dma_semaphore, #tpu.memory_space<semaphore_mem>>
      %dma_start3A_226 = arith.constant 16 : i32
      %dma_start3A_227 = arith.constant 0 : i32
      %dma_start3A_228 = tpu.memref_slice %arg4[%dma_start3A_216, %dma_start3A_226, %dma_start3A_227] : memref<2x32x513xf32, #tpu.memory_space<vmem>> -> memref<1x8x128xf32, #tpu.memory_space<vmem>>
      %dma_start3A_229 = tpu.memref_squeeze %dma_start3A_228 : memref<1x8x128xf32, #tpu.memory_space<vmem>> -> memref<8x128xf32, #tpu.memory_space<vmem>>
      %dma_start3A_230 = arith.constant 16 : i32
      %dma_start3A_231 = tpu.memref_slice %arg2[%dma_start3A_230, %multiple_of3A_183] : memref<32x1000000xf32, #tpu.memory_space<hbm>> -> memref<8x128xf32, #tpu.memory_space<hbm>>
      tpu.enqueue_dma source(%dma_start3A_231 : memref<8x128xf32, #tpu.memory_space<hbm>>) target(%dma_start3A_229 : memref<8x128xf32, #tpu.memory_space<vmem>>) target_semaphore(%dma_start3A_225 : memref<!tpu.dma_semaphore, #tpu.memory_space<semaphore_mem>>)
      %dma_start3A_232 = arith.constant 0 : i32
      %dma_start3A_233 = arith.constant 0 : i32
      %dma_start3A_234 = arith.constant 24 : i32
      %dma_start3A_235 = arith.constant 0 : i32
      %dma_start3A_236 = tpu.memref_slice %arg4[%dma_start3A_232, %dma_start3A_234, %dma_start3A_235] : memref<2x32x513xf32, #tpu.memory_space<vmem>> -> memref<1x8x128xf32, #tpu.memory_space<vmem>>
      %dma_start3A_237 = tpu.memref_squeeze %dma_start3A_236 : memref<1x8x128xf32, #tpu.memory_space<vmem>> -> memref<8x128xf32, #tpu.memory_space<vmem>>
      %dma_start3A_238 = arith.constant 24 : i32
      %dma_start3A_239 = tpu.memref_slice %arg2[%dma_start3A_238, %multiple_of3A_183] : memref<32x1000000xf32, #tpu.memory_space<hbm>> -> memref<8x128xf32, #tpu.memory_space<hbm>>
      %dma_start3A_240 = tpu.memref_slice %arg7[%dma_start3A_233] : memref<2x!tpu.dma_semaphore, #tpu.memory_space<semaphore_mem>> -> memref<1x!tpu.dma_semaphore, #tpu.memory_space<semaphore_mem>>
      %dma_start3A_241 = tpu.memref_squeeze %dma_start3A_240 : memref<1x!tpu.dma_semaphore, #tpu.memory_space<semaphore_mem>> -> memref<!tpu.dma_semaphore, #tpu.memory_space<semaphore_mem>>
      %dma_start3A_242 = arith.constant 24 : i32
      %dma_start3A_243 = arith.constant 0 : i32
      %dma_start3A_244 = tpu.memref_slice %arg4[%dma_start3A_232, %dma_start3A_242, %dma_start3A_243] : memref<2x32x513xf32, #tpu.memory_space<vmem>> -> memref<1x8x128xf32, #tpu.memory_space<vmem>>
      %dma_start3A_245 = tpu.memref_squeeze %dma_start3A_244 : memref<1x8x128xf32, #tpu.memory_space<vmem>> -> memref<8x128xf32, #tpu.memory_space<vmem>>
      %dma_start3A_246 = arith.constant 24 : i32
      %dma_start3A_247 = tpu.memref_slice %arg2[%dma_start3A_246, %multiple_of3A_183] : memref<32x1000000xf32, #tpu.memory_space<hbm>> -> memref<8x128xf32, #tpu.memory_space<hbm>>
      tpu.enqueue_dma source(%dma_start3A_247 : memref<8x128xf32, #tpu.memory_space<hbm>>) target(%dma_start3A_245 : memref<8x128xf32, #tpu.memory_space<vmem>>) target_semaphore(%dma_start3A_241 : memref<!tpu.dma_semaphore, #tpu.memory_space<semaphore_mem>>)
      %dma_wait3A_248 = arith.constant 0 : i32
      %dma_wait3A_249 = arith.constant 0 : i32
      %dma_wait3A_250 = arith.constant 0 : i32
      %dma_wait3A_251 = arith.constant 0 : i32
      %dma_wait3A_252 = tpu.memref_slice %arg4[%dma_wait3A_248, %dma_wait3A_250, %dma_wait3A_251] : memref<2x32x513xf32, #tpu.memory_space<vmem>> -> memref<1x8x128xf32, #tpu.memory_space<vmem>>
      %dma_wait3A_253 = tpu.memref_squeeze %dma_wait3A_252 : memref<1x8x128xf32, #tpu.memory_space<vmem>> -> memref<8x128xf32, #tpu.memory_space<vmem>>
      %dma_wait3A_254 = arith.constant 0 : i32
      %dma_wait3A_255 = arith.constant 0 : i32
      %dma_wait3A_256 = tpu.memref_slice %arg2[%dma_wait3A_254, %dma_wait3A_255] : memref<32x1000000xf32, #tpu.memory_space<hbm>> -> memref<8x128xf32, #tpu.memory_space<hbm>>
      %dma_wait3A_257 = tpu.memref_slice %arg7[%dma_wait3A_249] : memref<2x!tpu.dma_semaphore, #tpu.memory_space<semaphore_mem>> -> memref<1x!tpu.dma_semaphore, #tpu.memory_space<semaphore_mem>>
      %dma_wait3A_258 = tpu.memref_squeeze %dma_wait3A_257 : memref<1x!tpu.dma_semaphore, #tpu.memory_space<semaphore_mem>> -> memref<!tpu.dma_semaphore, #tpu.memory_space<semaphore_mem>>
      %dma_wait3A_259 = arith.constant 0 : i32
      %dma_wait3A_260 = arith.constant 0 : i32
      %dma_wait3A_261 = tpu.memref_slice %arg4[%dma_wait3A_248, %dma_wait3A_259, %dma_wait3A_260] : memref<2x32x513xf32, #tpu.memory_space<vmem>> -> memref<1x8x128xf32, #tpu.memory_space<vmem>>
      %dma_wait3A_262 = tpu.memref_squeeze %dma_wait3A_261 : memref<1x8x128xf32, #tpu.memory_space<vmem>> -> memref<8x128xf32, #tpu.memory_space<vmem>>
      %dma_wait3A_263 = arith.constant 0 : i32
      %dma_wait3A_264 = arith.constant 0 : i32
      %dma_wait3A_265 = tpu.memref_slice %arg2[%dma_wait3A_263, %dma_wait3A_264] : memref<32x1000000xf32, #tpu.memory_space<hbm>> -> memref<8x128xf32, #tpu.memory_space<hbm>>
      tpu.wait_dma2 semaphore(%dma_wait3A_258 : memref<!tpu.dma_semaphore, #tpu.memory_space<semaphore_mem>>) src(%dma_wait3A_265 : memref<8x128xf32, #tpu.memory_space<hbm>>) dst(%dma_wait3A_262 : memref<8x128xf32, #tpu.memory_space<vmem>>)
      %dma_wait3A_266 = arith.constant 0 : i32
      %dma_wait3A_267 = arith.constant 0 : i32
      %dma_wait3A_268 = arith.constant 8 : i32
      %dma_wait3A_269 = arith.constant 0 : i32
      %dma_wait3A_270 = tpu.memref_slice %arg4[%dma_wait3A_266, %dma_wait3A_268, %dma_wait3A_269] : memref<2x32x513xf32, #tpu.memory_space<vmem>> -> memref<1x8x128xf32, #tpu.memory_space<vmem>>
      %dma_wait3A_271 = tpu.memref_squeeze %dma_wait3A_270 : memref<1x8x128xf32, #tpu.memory_space<vmem>> -> memref<8x128xf32, #tpu.memory_space<vmem>>
      %dma_wait3A_272 = arith.constant 0 : i32
      %dma_wait3A_273 = arith.constant 0 : i32
      %dma_wait3A_274 = tpu.memref_slice %arg2[%dma_wait3A_272, %dma_wait3A_273] : memref<32x1000000xf32, #tpu.memory_space<hbm>> -> memref<8x128xf32, #tpu.memory_space<hbm>>
      %dma_wait3A_275 = tpu.memref_slice %arg7[%dma_wait3A_267] : memref<2x!tpu.dma_semaphore, #tpu.memory_space<semaphore_mem>> -> memref<1x!tpu.dma_semaphore, #tpu.memory_space<semaphore_mem>>
      %dma_wait3A_276 = tpu.memref_squeeze %dma_wait3A_275 : memref<1x!tpu.dma_semaphore, #tpu.memory_space<semaphore_mem>> -> memref<!tpu.dma_semaphore, #tpu.memory_space<semaphore_mem>>
      %dma_wait3A_277 = arith.constant 8 : i32
      %dma_wait3A_278 = arith.constant 0 : i32
      %dma_wait3A_279 = tpu.memref_slice %arg4[%dma_wait3A_266, %dma_wait3A_277, %dma_wait3A_278] : memref<2x32x513xf32, #tpu.memory_space<vmem>> -> memref<1x8x128xf32, #tpu.memory_space<vmem>>
      %dma_wait3A_280 = tpu.memref_squeeze %dma_wait3A_279 : memref<1x8x128xf32, #tpu.memory_space<vmem>> -> memref<8x128xf32, #tpu.memory_space<vmem>>
      %dma_wait3A_281 = arith.constant 0 : i32
      %dma_wait3A_282 = arith.constant 0 : i32
      %dma_wait3A_283 = tpu.memref_slice %arg2[%dma_wait3A_281, %dma_wait3A_282] : memref<32x1000000xf32, #tpu.memory_space<hbm>> -> memref<8x128xf32, #tpu.memory_space<hbm>>
      tpu.wait_dma2 semaphore(%dma_wait3A_276 : memref<!tpu.dma_semaphore, #tpu.memory_space<semaphore_mem>>) src(%dma_wait3A_283 : memref<8x128xf32, #tpu.memory_space<hbm>>) dst(%dma_wait3A_280 : memref<8x128xf32, #tpu.memory_space<vmem>>)
      %dma_wait3A_284 = arith.constant 0 : i32
      %dma_wait3A_285 = arith.constant 0 : i32
      %dma_wait3A_286 = arith.constant 16 : i32
      %dma_wait3A_287 = arith.constant 0 : i32
      %dma_wait3A_288 = tpu.memref_slice %arg4[%dma_wait3A_284, %dma_wait3A_286, %dma_wait3A_287] : memref<2x32x513xf32, #tpu.memory_space<vmem>> -> memref<1x8x128xf32, #tpu.memory_space<vmem>>
      %dma_wait3A_289 = tpu.memref_squeeze %dma_wait3A_288 : memref<1x8x128xf32, #tpu.memory_space<vmem>> -> memref<8x128xf32, #tpu.memory_space<vmem>>
      %dma_wait3A_290 = arith.constant 0 : i32
      %dma_wait3A_291 = arith.constant 0 : i32
      %dma_wait3A_292 = tpu.memref_slice %arg2[%dma_wait3A_290, %dma_wait3A_291] : memref<32x1000000xf32, #tpu.memory_space<hbm>> -> memref<8x128xf32, #tpu.memory_space<hbm>>
      %dma_wait3A_293 = tpu.memref_slice %arg7[%dma_wait3A_285] : memref<2x!tpu.dma_semaphore, #tpu.memory_space<semaphore_mem>> -> memref<1x!tpu.dma_semaphore, #tpu.memory_space<semaphore_mem>>
      %dma_wait3A_294 = tpu.memref_squeeze %dma_wait3A_293 : memref<1x!tpu.dma_semaphore, #tpu.memory_space<semaphore_mem>> -> memref<!tpu.dma_semaphore, #tpu.memory_space<semaphore_mem>>
      %dma_wait3A_295 = arith.constant 16 : i32
      %dma_wait3A_296 = arith.constant 0 : i32
      %dma_wait3A_297 = tpu.memref_slice %arg4[%dma_wait3A_284, %dma_wait3A_295, %dma_wait3A_296] : memref<2x32x513xf32, #tpu.memory_space<vmem>> -> memref<1x8x128xf32, #tpu.memory_space<vmem>>
      %dma_wait3A_298 = tpu.memref_squeeze %dma_wait3A_297 : memref<1x8x128xf32, #tpu.memory_space<vmem>> -> memref<8x128xf32, #tpu.memory_space<vmem>>
      %dma_wait3A_299 = arith.constant 0 : i32
      %dma_wait3A_300 = arith.constant 0 : i32
      %dma_wait3A_301 = tpu.memref_slice %arg2[%dma_wait3A_299, %dma_wait3A_300] : memref<32x1000000xf32, #tpu.memory_space<hbm>> -> memref<8x128xf32, #tpu.memory_space<hbm>>
      tpu.wait_dma2 semaphore(%dma_wait3A_294 : memref<!tpu.dma_semaphore, #tpu.memory_space<semaphore_mem>>) src(%dma_wait3A_301 : memref<8x128xf32, #tpu.memory_space<hbm>>) dst(%dma_wait3A_298 : memref<8x128xf32, #tpu.memory_space<vmem>>)
      %dma_wait3A_302 = arith.constant 0 : i32
      %dma_wait3A_303 = arith.constant 0 : i32
      %dma_wait3A_304 = arith.constant 24 : i32
      %dma_wait3A_305 = arith.constant 0 : i32
      %dma_wait3A_306 = tpu.memref_slice %arg4[%dma_wait3A_302, %dma_wait3A_304, %dma_wait3A_305] : memref<2x32x513xf32, #tpu.memory_space<vmem>> -> memref<1x8x128xf32, #tpu.memory_space<vmem>>
      %dma_wait3A_307 = tpu.memref_squeeze %dma_wait3A_306 : memref<1x8x128xf32, #tpu.memory_space<vmem>> -> memref<8x128xf32, #tpu.memory_space<vmem>>
      %dma_wait3A_308 = arith.constant 0 : i32
      %dma_wait3A_309 = arith.constant 0 : i32
      %dma_wait3A_310 = tpu.memref_slice %arg2[%dma_wait3A_308, %dma_wait3A_309] : memref<32x1000000xf32, #tpu.memory_space<hbm>> -> memref<8x128xf32, #tpu.memory_space<hbm>>
      %dma_wait3A_311 = tpu.memref_slice %arg7[%dma_wait3A_303] : memref<2x!tpu.dma_semaphore, #tpu.memory_space<semaphore_mem>> -> memref<1x!tpu.dma_semaphore, #tpu.memory_space<semaphore_mem>>
      %dma_wait3A_312 = tpu.memref_squeeze %dma_wait3A_311 : memref<1x!tpu.dma_semaphore, #tpu.memory_space<semaphore_mem>> -> memref<!tpu.dma_semaphore, #tpu.memory_space<semaphore_mem>>
      %dma_wait3A_313 = arith.constant 24 : i32
      %dma_wait3A_314 = arith.constant 0 : i32
      %dma_wait3A_315 = tpu.memref_slice %arg4[%dma_wait3A_302, %dma_wait3A_313, %dma_wait3A_314] : memref<2x32x513xf32, #tpu.memory_space<vmem>> -> memref<1x8x128xf32, #tpu.memory_space<vmem>>
      %dma_wait3A_316 = tpu.memref_squeeze %dma_wait3A_315 : memref<1x8x128xf32, #tpu.memory_space<vmem>> -> memref<8x128xf32, #tpu.memory_space<vmem>>
      %dma_wait3A_317 = arith.constant 0 : i32
      %dma_wait3A_318 = arith.constant 0 : i32
      %dma_wait3A_319 = tpu.memref_slice %arg2[%dma_wait3A_317, %dma_wait3A_318] : memref<32x1000000xf32, #tpu.memory_space<hbm>> -> memref<8x128xf32, #tpu.memory_space<hbm>>
      tpu.wait_dma2 semaphore(%dma_wait3A_312 : memref<!tpu.dma_semaphore, #tpu.memory_space<semaphore_mem>>) src(%dma_wait3A_319 : memref<8x128xf32, #tpu.memory_space<hbm>>) dst(%dma_wait3A_316 : memref<8x128xf32, #tpu.memory_space<vmem>>)
      %mul3A_320 = arith.constant 128 : i32
      %mul3A_321 = arith.muli %add3A, %mul3A_320 : i32
      %add3A_322 = arith.constant 999424 : i32
      %add3A_323 = arith.addi %add3A_322, %mul3A_321 : i32
      %parallel_loop3A_324 = arith.constant 0 : i32
      %parallel_loop3A_325 = arith.constant 128 : i32
      %parallel_loop3A_326 = arith.constant 1 : i32
      scf.for %parallel_loop3A_329 = %parallel_loop3A_324 to %parallel_loop3A_325 step %parallel_loop3A_326  : i32 {
        %parallel_loop3A_330 = vector.broadcast %parallel_loop3A_329 : i32 to vector<16xi32>
        %parallel_loop3A_331 = arith.constant 0 : i32
        %parallel_loop3A_332 = arith.constant 0 : i32
        %parallel_loop3A_333 = arith.constant 0 : i32
        %parallel_loop3A_334 = tpu.memref_slice %arg4[%parallel_loop3A_331, %parallel_loop3A_332, %parallel_loop3A_333] : memref<2x32x513xf32, #tpu.memory_space<vmem>> -> memref<1x32x513xf32, #tpu.memory_space<vmem>>
        %parallel_loop3A_335 = tpu.memref_squeeze %parallel_loop3A_334 : memref<1x32x513xf32, #tpu.memory_space<vmem>> -> memref<32x513xf32, #tpu.memory_space<vmem>>
        %parallel_loop3A_336 = tpu.vector_load_idx %parallel_loop3A_335[%iota3A, %parallel_loop3A_330] : memref<32x513xf32, #tpu.memory_space<vmem>>[vector<16xi32>, vector<16xi32>], vector<16xf32>,
        %parallel_loop3A_337 = arith.constant 32 : i32
        %parallel_loop3A_338 = arith.muli %parallel_loop3A_329, %parallel_loop3A_337 : i32
        %parallel_loop3A_339 = arith.index_cast %parallel_loop3A_338 : i32 to index
        %parallel_loop3A_340 = tpu.vector_load %arg5[%parallel_loop3A_339] {strides = array<i32>} : memref<16384xf32, #tpu.memory_space<vmem>>, vector<16xf32>,
        tpu.vector_store %arg5[%parallel_loop3A_339], %parallel_loop3A_336 {strides = array<i32>} : memref<16384xf32, #tpu.memory_space<vmem>>, vector<16xf32>,
        %parallel_loop3A_341 = arith.constant 0 : i32
        %parallel_loop3A_342 = arith.constant 0 : i32
        %parallel_loop3A_343 = arith.constant 0 : i32
        %parallel_loop3A_344 = tpu.memref_slice %arg4[%parallel_loop3A_341, %parallel_loop3A_342, %parallel_loop3A_343] : memref<2x32x513xf32, #tpu.memory_space<vmem>> -> memref<1x32x513xf32, #tpu.memory_space<vmem>>
        %parallel_loop3A_345 = tpu.memref_squeeze %parallel_loop3A_344 : memref<1x32x513xf32, #tpu.memory_space<vmem>> -> memref<32x513xf32, #tpu.memory_space<vmem>>
        %parallel_loop3A_346 = tpu.vector_load_idx %parallel_loop3A_345[%add3A_5, %parallel_loop3A_330] : memref<32x513xf32, #tpu.memory_space<vmem>>[vector<16xi32>, vector<16xi32>], vector<16xf32>,
        %parallel_loop3A_347 = arith.constant 32 : i32
        %parallel_loop3A_348 = arith.muli %parallel_loop3A_329, %parallel_loop3A_347 : i32
        %parallel_loop3A_349 = arith.constant 16 : i32
        %parallel_loop3A_350 = arith.addi %parallel_loop3A_348, %parallel_loop3A_349 : i32
        %parallel_loop3A_351 = arith.index_cast %parallel_loop3A_350 : i32 to index
        %parallel_loop3A_352 = tpu.vector_load %arg5[%parallel_loop3A_351] {strides = array<i32>} : memref<16384xf32, #tpu.memory_space<vmem>>, vector<16xf32>,
        tpu.vector_store %arg5[%parallel_loop3A_351], %parallel_loop3A_346 {strides = array<i32>} : memref<16384xf32, #tpu.memory_space<vmem>>, vector<16xf32>,
      } {sc.loop_unroll_factor = 8 : i64, sc.parallel_access}
      %mul3A_327 = arith.constant 32 : i32
      %mul3A_328 = arith.muli %add3A_323, %mul3A_327 : i32
      "tpu.region"() ({
        %run_scoped3A = tpu.sem_alloc : memref<!tpu.dma_semaphore, #tpu.memory_space<semaphore_mem>>
        %dma_start3A_329 = arith.constant 0 : i32
        %dma_start3A_330 = tpu.memref_slice %arg5[%dma_start3A_329] : memref<16384xf32, #tpu.memory_space<vmem>> -> memref<4096xf32, #tpu.memory_space<vmem>>
        %dma_start3A_331 = tpu.memref_slice %arg3[%mul3A_328] : memref<32000000xf32, #tpu.memory_space<hbm>> -> memref<4096xf32, #tpu.memory_space<hbm>>
        %dma_start3A_332 = tpu.memref_slice %arg3[%mul3A_328] : memref<32000000xf32, #tpu.memory_space<hbm>> -> memref<4096xf32, #tpu.memory_space<hbm>>
        %dma_start3A_333 = arith.constant 0 : i32
        %dma_start3A_334 = tpu.memref_slice %arg5[%dma_start3A_333] : memref<16384xf32, #tpu.memory_space<vmem>> -> memref<4096xf32, #tpu.memory_space<vmem>>
        tpu.enqueue_dma source(%dma_start3A_334 : memref<4096xf32, #tpu.memory_space<vmem>>) target(%dma_start3A_332 : memref<4096xf32, #tpu.memory_space<hbm>>) target_semaphore(%run_scoped3A : memref<!tpu.dma_semaphore, #tpu.memory_space<semaphore_mem>>)
        %dma_wait3A_335 = arith.constant 0 : i32
        %dma_wait3A_336 = tpu.memref_slice %arg5[%dma_wait3A_335] : memref<16384xf32, #tpu.memory_space<vmem>> -> memref<4096xf32, #tpu.memory_space<vmem>>
        %dma_wait3A_337 = tpu.memref_slice %arg3[%mul3A_328] : memref<32000000xf32, #tpu.memory_space<hbm>> -> memref<4096xf32, #tpu.memory_space<hbm>>
        %dma_wait3A_338 = tpu.memref_slice %arg3[%mul3A_328] : memref<32000000xf32, #tpu.memory_space<hbm>> -> memref<4096xf32, #tpu.memory_space<hbm>>
        %dma_wait3A_339 = arith.constant 0 : i32
        %dma_wait3A_340 = tpu.memref_slice %arg5[%dma_wait3A_339] : memref<16384xf32, #tpu.memory_space<vmem>> -> memref<4096xf32, #tpu.memory_space<vmem>>
        tpu.wait_dma2 semaphore(%run_scoped3A : memref<!tpu.dma_semaphore, #tpu.memory_space<semaphore_mem>>) src(%dma_wait3A_340 : memref<4096xf32, #tpu.memory_space<vmem>>) dst(%dma_wait3A_338 : memref<4096xf32, #tpu.memory_space<hbm>>)
        tpu.yield
      }) : () -> ()
    } else {
    }
    %eq3A = arith.constant 4 : i32
    %eq3A_175 = arith.cmpi eq, %add3A, %eq3A : i32
    %convert_element_type3A_176 = arith.extui %eq3A_175 : i1 to i32
    %cond3A_177 = arith.constant 0 : i32
    %cond3A_178 = arith.cmpi ne, %convert_element_type3A_176, %cond3A_177 : i32
    scf.if %cond3A_178 {
      %multiple_of3A_179 = arith.constant 999936 : i32
      %multiple_of3A_180 = tpu.assume_multiple %multiple_of3A_179, 128 : i32
      %dma_start3A_181 = arith.constant 0 : i32
      %dma_start3A_182 = arith.constant 0 : i32
      %dma_start3A_183 = arith.constant 0 : i32
      %dma_start3A_184 = arith.constant 0 : i32
      %dma_start3A_185 = tpu.memref_slice %arg4[%dma_start3A_181, %dma_start3A_183, %dma_start3A_184] : memref<2x32x513xf32, #tpu.memory_space<vmem>> -> memref<1x8x64xf32, #tpu.memory_space<vmem>>
      %dma_start3A_186 = tpu.memref_squeeze %dma_start3A_185 : memref<1x8x64xf32, #tpu.memory_space<vmem>> -> memref<8x64xf32, #tpu.memory_space<vmem>>
      %dma_start3A_187 = arith.constant 0 : i32
      %dma_start3A_188 = tpu.memref_slice %arg2[%dma_start3A_187, %multiple_of3A_180] : memref<32x1000000xf32, #tpu.memory_space<hbm>> -> memref<8x64xf32, #tpu.memory_space<hbm>>
      %dma_start3A_189 = tpu.memref_slice %arg7[%dma_start3A_182] : memref<2x!tpu.dma_semaphore, #tpu.memory_space<semaphore_mem>> -> memref<1x!tpu.dma_semaphore, #tpu.memory_space<semaphore_mem>>
      %dma_start3A_190 = tpu.memref_squeeze %dma_start3A_189 : memref<1x!tpu.dma_semaphore, #tpu.memory_space<semaphore_mem>> -> memref<!tpu.dma_semaphore, #tpu.memory_space<semaphore_mem>>
      %dma_start3A_191 = arith.constant 0 : i32
      %dma_start3A_192 = arith.constant 0 : i32
      %dma_start3A_193 = tpu.memref_slice %arg4[%dma_start3A_181, %dma_start3A_191, %dma_start3A_192] : memref<2x32x513xf32, #tpu.memory_space<vmem>> -> memref<1x8x64xf32, #tpu.memory_space<vmem>>
      %dma_start3A_194 = tpu.memref_squeeze %dma_start3A_193 : memref<1x8x64xf32, #tpu.memory_space<vmem>> -> memref<8x64xf32, #tpu.memory_space<vmem>>
      %dma_start3A_195 = arith.constant 0 : i32
      %dma_start3A_196 = tpu.memref_slice %arg2[%dma_start3A_195, %multiple_of3A_180] : memref<32x1000000xf32, #tpu.memory_space<hbm>> -> memref<8x64xf32, #tpu.memory_space<hbm>>
      tpu.enqueue_dma source(%dma_start3A_196 : memref<8x64xf32, #tpu.memory_space<hbm>>) target(%dma_start3A_194 : memref<8x64xf32, #tpu.memory_space<vmem>>) target_semaphore(%dma_start3A_190 : memref<!tpu.dma_semaphore, #tpu.memory_space<semaphore_mem>>)
      %dma_start3A_197 = arith.constant 0 : i32
      %dma_start3A_198 = arith.constant 0 : i32
      %dma_start3A_199 = arith.constant 8 : i32
      %dma_start3A_200 = arith.constant 0 : i32
      %dma_start3A_201 = tpu.memref_slice %arg4[%dma_start3A_197, %dma_start3A_199, %dma_start3A_200] : memref<2x32x513xf32, #tpu.memory_space<vmem>> -> memref<1x8x64xf32, #tpu.memory_space<vmem>>
      %dma_start3A_202 = tpu.memref_squeeze %dma_start3A_201 : memref<1x8x64xf32, #tpu.memory_space<vmem>> -> memref<8x64xf32, #tpu.memory_space<vmem>>
      %dma_start3A_203 = arith.constant 8 : i32
      %dma_start3A_204 = tpu.memref_slice %arg2[%dma_start3A_203, %multiple_of3A_180] : memref<32x1000000xf32, #tpu.memory_space<hbm>> -> memref<8x64xf32, #tpu.memory_space<hbm>>
      %dma_start3A_205 = tpu.memref_slice %arg7[%dma_start3A_198] : memref<2x!tpu.dma_semaphore, #tpu.memory_space<semaphore_mem>> -> memref<1x!tpu.dma_semaphore, #tpu.memory_space<semaphore_mem>>
      %dma_start3A_206 = tpu.memref_squeeze %dma_start3A_205 : memref<1x!tpu.dma_semaphore, #tpu.memory_space<semaphore_mem>> -> memref<!tpu.dma_semaphore, #tpu.memory_space<semaphore_mem>>
      %dma_start3A_207 = arith.constant 8 : i32
      %dma_start3A_208 = arith.constant 0 : i32
      %dma_start3A_209 = tpu.memref_slice %arg4[%dma_start3A_197, %dma_start3A_207, %dma_start3A_208] : memref<2x32x513xf32, #tpu.memory_space<vmem>> -> memref<1x8x64xf32, #tpu.memory_space<vmem>>
      %dma_start3A_210 = tpu.memref_squeeze %dma_start3A_209 : memref<1x8x64xf32, #tpu.memory_space<vmem>> -> memref<8x64xf32, #tpu.memory_space<vmem>>
      %dma_start3A_211 = arith.constant 8 : i32
      %dma_start3A_212 = tpu.memref_slice %arg2[%dma_start3A_211, %multiple_of3A_180] : memref<32x1000000xf32, #tpu.memory_space<hbm>> -> memref<8x64xf32, #tpu.memory_space<hbm>>
      tpu.enqueue_dma source(%dma_start3A_212 : memref<8x64xf32, #tpu.memory_space<hbm>>) target(%dma_start3A_210 : memref<8x64xf32, #tpu.memory_space<vmem>>) target_semaphore(%dma_start3A_206 : memref<!tpu.dma_semaphore, #tpu.memory_space<semaphore_mem>>)
      %dma_start3A_213 = arith.constant 0 : i32
      %dma_start3A_214 = arith.constant 0 : i32
      %dma_start3A_215 = arith.constant 16 : i32
      %dma_start3A_216 = arith.constant 0 : i32
      %dma_start3A_217 = tpu.memref_slice %arg4[%dma_start3A_213, %dma_start3A_215, %dma_start3A_216] : memref<2x32x513xf32, #tpu.memory_space<vmem>> -> memref<1x8x64xf32, #tpu.memory_space<vmem>>
      %dma_start3A_218 = tpu.memref_squeeze %dma_start3A_217 : memref<1x8x64xf32, #tpu.memory_space<vmem>> -> memref<8x64xf32, #tpu.memory_space<vmem>>
      %dma_start3A_219 = arith.constant 16 : i32
      %dma_start3A_220 = tpu.memref_slice %arg2[%dma_start3A_219, %multiple_of3A_180] : memref<32x1000000xf32, #tpu.memory_space<hbm>> -> memref<8x64xf32, #tpu.memory_space<hbm>>
      %dma_start3A_221 = tpu.memref_slice %arg7[%dma_start3A_214] : memref<2x!tpu.dma_semaphore, #tpu.memory_space<semaphore_mem>> -> memref<1x!tpu.dma_semaphore, #tpu.memory_space<semaphore_mem>>
      %dma_start3A_222 = tpu.memref_squeeze %dma_start3A_221 : memref<1x!tpu.dma_semaphore, #tpu.memory_space<semaphore_mem>> -> memref<!tpu.dma_semaphore, #tpu.memory_space<semaphore_mem>>
      %dma_start3A_223 = arith.constant 16 : i32
      %dma_start3A_224 = arith.constant 0 : i32
      %dma_start3A_225 = tpu.memref_slice %arg4[%dma_start3A_213, %dma_start3A_223, %dma_start3A_224] : memref<2x32x513xf32, #tpu.memory_space<vmem>> -> memref<1x8x64xf32, #tpu.memory_space<vmem>>
      %dma_start3A_226 = tpu.memref_squeeze %dma_start3A_225 : memref<1x8x64xf32, #tpu.memory_space<vmem>> -> memref<8x64xf32, #tpu.memory_space<vmem>>
      %dma_start3A_227 = arith.constant 16 : i32
      %dma_start3A_228 = tpu.memref_slice %arg2[%dma_start3A_227, %multiple_of3A_180] : memref<32x1000000xf32, #tpu.memory_space<hbm>> -> memref<8x64xf32, #tpu.memory_space<hbm>>
      tpu.enqueue_dma source(%dma_start3A_228 : memref<8x64xf32, #tpu.memory_space<hbm>>) target(%dma_start3A_226 : memref<8x64xf32, #tpu.memory_space<vmem>>) target_semaphore(%dma_start3A_222 : memref<!tpu.dma_semaphore, #tpu.memory_space<semaphore_mem>>)
      %dma_start3A_229 = arith.constant 0 : i32
      %dma_start3A_230 = arith.constant 0 : i32
      %dma_start3A_231 = arith.constant 24 : i32
      %dma_start3A_232 = arith.constant 0 : i32
      %dma_start3A_233 = tpu.memref_slice %arg4[%dma_start3A_229, %dma_start3A_231, %dma_start3A_232] : memref<2x32x513xf32, #tpu.memory_space<vmem>> -> memref<1x8x64xf32, #tpu.memory_space<vmem>>
      %dma_start3A_234 = tpu.memref_squeeze %dma_start3A_233 : memref<1x8x64xf32, #tpu.memory_space<vmem>> -> memref<8x64xf32, #tpu.memory_space<vmem>>
      %dma_start3A_235 = arith.constant 24 : i32
      %dma_start3A_236 = tpu.memref_slice %arg2[%dma_start3A_235, %multiple_of3A_180] : memref<32x1000000xf32, #tpu.memory_space<hbm>> -> memref<8x64xf32, #tpu.memory_space<hbm>>
      %dma_start3A_237 = tpu.memref_slice %arg7[%dma_start3A_230] : memref<2x!tpu.dma_semaphore, #tpu.memory_space<semaphore_mem>> -> memref<1x!tpu.dma_semaphore, #tpu.memory_space<semaphore_mem>>
      %dma_start3A_238 = tpu.memref_squeeze %dma_start3A_237 : memref<1x!tpu.dma_semaphore, #tpu.memory_space<semaphore_mem>> -> memref<!tpu.dma_semaphore, #tpu.memory_space<semaphore_mem>>
      %dma_start3A_239 = arith.constant 24 : i32
      %dma_start3A_240 = arith.constant 0 : i32
      %dma_start3A_241 = tpu.memref_slice %arg4[%dma_start3A_229, %dma_start3A_239, %dma_start3A_240] : memref<2x32x513xf32, #tpu.memory_space<vmem>> -> memref<1x8x64xf32, #tpu.memory_space<vmem>>
      %dma_start3A_242 = tpu.memref_squeeze %dma_start3A_241 : memref<1x8x64xf32, #tpu.memory_space<vmem>> -> memref<8x64xf32, #tpu.memory_space<vmem>>
      %dma_start3A_243 = arith.constant 24 : i32
      %dma_start3A_244 = tpu.memref_slice %arg2[%dma_start3A_243, %multiple_of3A_180] : memref<32x1000000xf32, #tpu.memory_space<hbm>> -> memref<8x64xf32, #tpu.memory_space<hbm>>
      tpu.enqueue_dma source(%dma_start3A_244 : memref<8x64xf32, #tpu.memory_space<hbm>>) target(%dma_start3A_242 : memref<8x64xf32, #tpu.memory_space<vmem>>) target_semaphore(%dma_start3A_238 : memref<!tpu.dma_semaphore, #tpu.memory_space<semaphore_mem>>)
      %dma_wait3A_245 = arith.constant 0 : i32
      %dma_wait3A_246 = arith.constant 0 : i32
      %dma_wait3A_247 = arith.constant 0 : i32
      %dma_wait3A_248 = arith.constant 0 : i32
      %dma_wait3A_249 = tpu.memref_slice %arg4[%dma_wait3A_245, %dma_wait3A_247, %dma_wait3A_248] : memref<2x32x513xf32, #tpu.memory_space<vmem>> -> memref<1x8x64xf32, #tpu.memory_space<vmem>>
      %dma_wait3A_250 = tpu.memref_squeeze %dma_wait3A_249 : memref<1x8x64xf32, #tpu.memory_space<vmem>> -> memref<8x64xf32, #tpu.memory_space<vmem>>
      %dma_wait3A_251 = arith.constant 0 : i32
      %dma_wait3A_252 = arith.constant 0 : i32
      %dma_wait3A_253 = tpu.memref_slice %arg2[%dma_wait3A_251, %dma_wait3A_252] : memref<32x1000000xf32, #tpu.memory_space<hbm>> -> memref<8x64xf32, #tpu.memory_space<hbm>>
      %dma_wait3A_254 = tpu.memref_slice %arg7[%dma_wait3A_246] : memref<2x!tpu.dma_semaphore, #tpu.memory_space<semaphore_mem>> -> memref<1x!tpu.dma_semaphore, #tpu.memory_space<semaphore_mem>>
      %dma_wait3A_255 = tpu.memref_squeeze %dma_wait3A_254 : memref<1x!tpu.dma_semaphore, #tpu.memory_space<semaphore_mem>> -> memref<!tpu.dma_semaphore, #tpu.memory_space<semaphore_mem>>
      %dma_wait3A_256 = arith.constant 0 : i32
      %dma_wait3A_257 = arith.constant 0 : i32
      %dma_wait3A_258 = tpu.memref_slice %arg4[%dma_wait3A_245, %dma_wait3A_256, %dma_wait3A_257] : memref<2x32x513xf32, #tpu.memory_space<vmem>> -> memref<1x8x64xf32, #tpu.memory_space<vmem>>
      %dma_wait3A_259 = tpu.memref_squeeze %dma_wait3A_258 : memref<1x8x64xf32, #tpu.memory_space<vmem>> -> memref<8x64xf32, #tpu.memory_space<vmem>>
      %dma_wait3A_260 = arith.constant 0 : i32
      %dma_wait3A_261 = arith.constant 0 : i32
      %dma_wait3A_262 = tpu.memref_slice %arg2[%dma_wait3A_260, %dma_wait3A_261] : memref<32x1000000xf32, #tpu.memory_space<hbm>> -> memref<8x64xf32, #tpu.memory_space<hbm>>
      tpu.wait_dma2 semaphore(%dma_wait3A_255 : memref<!tpu.dma_semaphore, #tpu.memory_space<semaphore_mem>>) src(%dma_wait3A_262 : memref<8x64xf32, #tpu.memory_space<hbm>>) dst(%dma_wait3A_259 : memref<8x64xf32, #tpu.memory_space<vmem>>)
      %dma_wait3A_263 = arith.constant 0 : i32
      %dma_wait3A_264 = arith.constant 0 : i32
      %dma_wait3A_265 = arith.constant 8 : i32
      %dma_wait3A_266 = arith.constant 0 : i32
      %dma_wait3A_267 = tpu.memref_slice %arg4[%dma_wait3A_263, %dma_wait3A_265, %dma_wait3A_266] : memref<2x32x513xf32, #tpu.memory_space<vmem>> -> memref<1x8x64xf32, #tpu.memory_space<vmem>>
      %dma_wait3A_268 = tpu.memref_squeeze %dma_wait3A_267 : memref<1x8x64xf32, #tpu.memory_space<vmem>> -> memref<8x64xf32, #tpu.memory_space<vmem>>
      %dma_wait3A_269 = arith.constant 0 : i32
      %dma_wait3A_270 = arith.constant 0 : i32
      %dma_wait3A_271 = tpu.memref_slice %arg2[%dma_wait3A_269, %dma_wait3A_270] : memref<32x1000000xf32, #tpu.memory_space<hbm>> -> memref<8x64xf32, #tpu.memory_space<hbm>>
      %dma_wait3A_272 = tpu.memref_slice %arg7[%dma_wait3A_264] : memref<2x!tpu.dma_semaphore, #tpu.memory_space<semaphore_mem>> -> memref<1x!tpu.dma_semaphore, #tpu.memory_space<semaphore_mem>>
      %dma_wait3A_273 = tpu.memref_squeeze %dma_wait3A_272 : memref<1x!tpu.dma_semaphore, #tpu.memory_space<semaphore_mem>> -> memref<!tpu.dma_semaphore, #tpu.memory_space<semaphore_mem>>
      %dma_wait3A_274 = arith.constant 8 : i32
      %dma_wait3A_275 = arith.constant 0 : i32
      %dma_wait3A_276 = tpu.memref_slice %arg4[%dma_wait3A_263, %dma_wait3A_274, %dma_wait3A_275] : memref<2x32x513xf32, #tpu.memory_space<vmem>> -> memref<1x8x64xf32, #tpu.memory_space<vmem>>
      %dma_wait3A_277 = tpu.memref_squeeze %dma_wait3A_276 : memref<1x8x64xf32, #tpu.memory_space<vmem>> -> memref<8x64xf32, #tpu.memory_space<vmem>>
      %dma_wait3A_278 = arith.constant 0 : i32
      %dma_wait3A_279 = arith.constant 0 : i32
      %dma_wait3A_280 = tpu.memref_slice %arg2[%dma_wait3A_278, %dma_wait3A_279] : memref<32x1000000xf32, #tpu.memory_space<hbm>> -> memref<8x64xf32, #tpu.memory_space<hbm>>
      tpu.wait_dma2 semaphore(%dma_wait3A_273 : memref<!tpu.dma_semaphore, #tpu.memory_space<semaphore_mem>>) src(%dma_wait3A_280 : memref<8x64xf32, #tpu.memory_space<hbm>>) dst(%dma_wait3A_277 : memref<8x64xf32, #tpu.memory_space<vmem>>)
      %dma_wait3A_281 = arith.constant 0 : i32
      %dma_wait3A_282 = arith.constant 0 : i32
      %dma_wait3A_283 = arith.constant 16 : i32
      %dma_wait3A_284 = arith.constant 0 : i32
      %dma_wait3A_285 = tpu.memref_slice %arg4[%dma_wait3A_281, %dma_wait3A_283, %dma_wait3A_284] : memref<2x32x513xf32, #tpu.memory_space<vmem>> -> memref<1x8x64xf32, #tpu.memory_space<vmem>>
      %dma_wait3A_286 = tpu.memref_squeeze %dma_wait3A_285 : memref<1x8x64xf32, #tpu.memory_space<vmem>> -> memref<8x64xf32, #tpu.memory_space<vmem>>
      %dma_wait3A_287 = arith.constant 0 : i32
      %dma_wait3A_288 = arith.constant 0 : i32
      %dma_wait3A_289 = tpu.memref_slice %arg2[%dma_wait3A_287, %dma_wait3A_288] : memref<32x1000000xf32, #tpu.memory_space<hbm>> -> memref<8x64xf32, #tpu.memory_space<hbm>>
      %dma_wait3A_290 = tpu.memref_slice %arg7[%dma_wait3A_282] : memref<2x!tpu.dma_semaphore, #tpu.memory_space<semaphore_mem>> -> memref<1x!tpu.dma_semaphore, #tpu.memory_space<semaphore_mem>>
      %dma_wait3A_291 = tpu.memref_squeeze %dma_wait3A_290 : memref<1x!tpu.dma_semaphore, #tpu.memory_space<semaphore_mem>> -> memref<!tpu.dma_semaphore, #tpu.memory_space<semaphore_mem>>
      %dma_wait3A_292 = arith.constant 16 : i32
      %dma_wait3A_293 = arith.constant 0 : i32
      %dma_wait3A_294 = tpu.memref_slice %arg4[%dma_wait3A_281, %dma_wait3A_292, %dma_wait3A_293] : memref<2x32x513xf32, #tpu.memory_space<vmem>> -> memref<1x8x64xf32, #tpu.memory_space<vmem>>
      %dma_wait3A_295 = tpu.memref_squeeze %dma_wait3A_294 : memref<1x8x64xf32, #tpu.memory_space<vmem>> -> memref<8x64xf32, #tpu.memory_space<vmem>>
      %dma_wait3A_296 = arith.constant 0 : i32
      %dma_wait3A_297 = arith.constant 0 : i32
      %dma_wait3A_298 = tpu.memref_slice %arg2[%dma_wait3A_296, %dma_wait3A_297] : memref<32x1000000xf32, #tpu.memory_space<hbm>> -> memref<8x64xf32, #tpu.memory_space<hbm>>
      tpu.wait_dma2 semaphore(%dma_wait3A_291 : memref<!tpu.dma_semaphore, #tpu.memory_space<semaphore_mem>>) src(%dma_wait3A_298 : memref<8x64xf32, #tpu.memory_space<hbm>>) dst(%dma_wait3A_295 : memref<8x64xf32, #tpu.memory_space<vmem>>)
      %dma_wait3A_299 = arith.constant 0 : i32
      %dma_wait3A_300 = arith.constant 0 : i32
      %dma_wait3A_301 = arith.constant 24 : i32
      %dma_wait3A_302 = arith.constant 0 : i32
      %dma_wait3A_303 = tpu.memref_slice %arg4[%dma_wait3A_299, %dma_wait3A_301, %dma_wait3A_302] : memref<2x32x513xf32, #tpu.memory_space<vmem>> -> memref<1x8x64xf32, #tpu.memory_space<vmem>>
      %dma_wait3A_304 = tpu.memref_squeeze %dma_wait3A_303 : memref<1x8x64xf32, #tpu.memory_space<vmem>> -> memref<8x64xf32, #tpu.memory_space<vmem>>
      %dma_wait3A_305 = arith.constant 0 : i32
      %dma_wait3A_306 = arith.constant 0 : i32
      %dma_wait3A_307 = tpu.memref_slice %arg2[%dma_wait3A_305, %dma_wait3A_306] : memref<32x1000000xf32, #tpu.memory_space<hbm>> -> memref<8x64xf32, #tpu.memory_space<hbm>>
      %dma_wait3A_308 = tpu.memref_slice %arg7[%dma_wait3A_300] : memref<2x!tpu.dma_semaphore, #tpu.memory_space<semaphore_mem>> -> memref<1x!tpu.dma_semaphore, #tpu.memory_space<semaphore_mem>>
      %dma_wait3A_309 = tpu.memref_squeeze %dma_wait3A_308 : memref<1x!tpu.dma_semaphore, #tpu.memory_space<semaphore_mem>> -> memref<!tpu.dma_semaphore, #tpu.memory_space<semaphore_mem>>
      %dma_wait3A_310 = arith.constant 24 : i32
      %dma_wait3A_311 = arith.constant 0 : i32
      %dma_wait3A_312 = tpu.memref_slice %arg4[%dma_wait3A_299, %dma_wait3A_310, %dma_wait3A_311] : memref<2x32x513xf32, #tpu.memory_space<vmem>> -> memref<1x8x64xf32, #tpu.memory_space<vmem>>
      %dma_wait3A_313 = tpu.memref_squeeze %dma_wait3A_312 : memref<1x8x64xf32, #tpu.memory_space<vmem>> -> memref<8x64xf32, #tpu.memory_space<vmem>>
      %dma_wait3A_314 = arith.constant 0 : i32
      %dma_wait3A_315 = arith.constant 0 : i32
      %dma_wait3A_316 = tpu.memref_slice %arg2[%dma_wait3A_314, %dma_wait3A_315] : memref<32x1000000xf32, #tpu.memory_space<hbm>> -> memref<8x64xf32, #tpu.memory_space<hbm>>
      tpu.wait_dma2 semaphore(%dma_wait3A_309 : memref<!tpu.dma_semaphore, #tpu.memory_space<semaphore_mem>>) src(%dma_wait3A_316 : memref<8x64xf32, #tpu.memory_space<hbm>>) dst(%dma_wait3A_313 : memref<8x64xf32, #tpu.memory_space<vmem>>)
      %parallel_loop3A_317 = arith.constant 0 : i32
      %parallel_loop3A_318 = arith.constant 64 : i32
      %parallel_loop3A_319 = arith.constant 1 : i32
      scf.for %parallel_loop3A_320 = %parallel_loop3A_317 to %parallel_loop3A_318 step %parallel_loop3A_319  : i32 {
        %parallel_loop3A_321 = vector.broadcast %parallel_loop3A_320 : i32 to vector<16xi32>
        %parallel_loop3A_322 = arith.constant 0 : i32
        %parallel_loop3A_323 = arith.constant 0 : i32
        %parallel_loop3A_324 = arith.constant 0 : i32
        %parallel_loop3A_325 = tpu.memref_slice %arg4[%parallel_loop3A_322, %parallel_loop3A_323, %parallel_loop3A_324] : memref<2x32x513xf32, #tpu.memory_space<vmem>> -> memref<1x32x513xf32, #tpu.memory_space<vmem>>
        %parallel_loop3A_326 = tpu.memref_squeeze %parallel_loop3A_325 : memref<1x32x513xf32, #tpu.memory_space<vmem>> -> memref<32x513xf32, #tpu.memory_space<vmem>>
        %parallel_loop3A_327 = tpu.vector_load_idx %parallel_loop3A_326[%iota3A, %parallel_loop3A_321] : memref<32x513xf32, #tpu.memory_space<vmem>>[vector<16xi32>, vector<16xi32>], vector<16xf32>,
        %parallel_loop3A_328 = arith.constant 32 : i32
        %parallel_loop3A_329 = arith.muli %parallel_loop3A_320, %parallel_loop3A_328 : i32
        %parallel_loop3A_330 = arith.index_cast %parallel_loop3A_329 : i32 to index
        %parallel_loop3A_331 = tpu.vector_load %arg5[%parallel_loop3A_330] {strides = array<i32>} : memref<16384xf32, #tpu.memory_space<vmem>>, vector<16xf32>,
        tpu.vector_store %arg5[%parallel_loop3A_330], %parallel_loop3A_327 {strides = array<i32>} : memref<16384xf32, #tpu.memory_space<vmem>>, vector<16xf32>,
        %parallel_loop3A_332 = arith.constant 0 : i32
        %parallel_loop3A_333 = arith.constant 0 : i32
        %parallel_loop3A_334 = arith.constant 0 : i32
        %parallel_loop3A_335 = tpu.memref_slice %arg4[%parallel_loop3A_332, %parallel_loop3A_333, %parallel_loop3A_334] : memref<2x32x513xf32, #tpu.memory_space<vmem>> -> memref<1x32x513xf32, #tpu.memory_space<vmem>>
        %parallel_loop3A_336 = tpu.memref_squeeze %parallel_loop3A_335 : memref<1x32x513xf32, #tpu.memory_space<vmem>> -> memref<32x513xf32, #tpu.memory_space<vmem>>
        %parallel_loop3A_337 = tpu.vector_load_idx %parallel_loop3A_336[%add3A_5, %parallel_loop3A_321] : memref<32x513xf32, #tpu.memory_space<vmem>>[vector<16xi32>, vector<16xi32>], vector<16xf32>,
        %parallel_loop3A_338 = arith.constant 32 : i32
        %parallel_loop3A_339 = arith.muli %parallel_loop3A_320, %parallel_loop3A_338 : i32
        %parallel_loop3A_340 = arith.constant 16 : i32
        %parallel_loop3A_341 = arith.addi %parallel_loop3A_339, %parallel_loop3A_340 : i32
        %parallel_loop3A_342 = arith.index_cast %parallel_loop3A_341 : i32 to index
        %parallel_loop3A_343 = tpu.vector_load %arg5[%parallel_loop3A_342] {strides = array<i32>} : memref<16384xf32, #tpu.memory_space<vmem>>, vector<16xf32>,
        tpu.vector_store %arg5[%parallel_loop3A_342], %parallel_loop3A_337 {strides = array<i32>} : memref<16384xf32, #tpu.memory_space<vmem>>, vector<16xf32>,
      } {sc.loop_unroll_factor = 8 : i64, sc.parallel_access}
      "tpu.region"() ({
        %run_scoped3A = tpu.sem_alloc : memref<!tpu.dma_semaphore, #tpu.memory_space<semaphore_mem>>
        %dma_start3A_320 = arith.constant 0 : i32
        %dma_start3A_321 = tpu.memref_slice %arg5[%dma_start3A_320] : memref<16384xf32, #tpu.memory_space<vmem>> -> memref<2048xf32, #tpu.memory_space<vmem>>
        %dma_start3A_322 = arith.constant 31997952 : i32
        %dma_start3A_323 = tpu.memref_slice %arg3[%dma_start3A_322] : memref<32000000xf32, #tpu.memory_space<hbm>> -> memref<2048xf32, #tpu.memory_space<hbm>>
        %dma_start3A_324 = arith.constant 31997952 : i32
        %dma_start3A_325 = tpu.memref_slice %arg3[%dma_start3A_324] : memref<32000000xf32, #tpu.memory_space<hbm>> -> memref<2048xf32, #tpu.memory_space<hbm>>
        %dma_start3A_326 = arith.constant 0 : i32
        %dma_start3A_327 = tpu.memref_slice %arg5[%dma_start3A_326] : memref<16384xf32, #tpu.memory_space<vmem>> -> memref<2048xf32, #tpu.memory_space<vmem>>
        tpu.enqueue_dma source(%dma_start3A_327 : memref<2048xf32, #tpu.memory_space<vmem>>) target(%dma_start3A_325 : memref<2048xf32, #tpu.memory_space<hbm>>) target_semaphore(%run_scoped3A : memref<!tpu.dma_semaphore, #tpu.memory_space<semaphore_mem>>)
        %dma_wait3A_328 = arith.constant 0 : i32
        %dma_wait3A_329 = tpu.memref_slice %arg5[%dma_wait3A_328] : memref<16384xf32, #tpu.memory_space<vmem>> -> memref<2048xf32, #tpu.memory_space<vmem>>
        %dma_wait3A_330 = arith.constant 31997952 : i32
        %dma_wait3A_331 = tpu.memref_slice %arg3[%dma_wait3A_330] : memref<32000000xf32, #tpu.memory_space<hbm>> -> memref<2048xf32, #tpu.memory_space<hbm>>
        %dma_wait3A_332 = arith.constant 31997952 : i32
        %dma_wait3A_333 = tpu.memref_slice %arg3[%dma_wait3A_332] : memref<32000000xf32, #tpu.memory_space<hbm>> -> memref<2048xf32, #tpu.memory_space<hbm>>
        %dma_wait3A_334 = arith.constant 0 : i32
        %dma_wait3A_335 = tpu.memref_slice %arg5[%dma_wait3A_334] : memref<16384xf32, #tpu.memory_space<vmem>> -> memref<2048xf32, #tpu.memory_space<vmem>>
        tpu.wait_dma2 semaphore(%run_scoped3A : memref<!tpu.dma_semaphore, #tpu.memory_space<semaphore_mem>>) src(%dma_wait3A_335 : memref<2048xf32, #tpu.memory_space<vmem>>) dst(%dma_wait3A_333 : memref<2048xf32, #tpu.memory_space<hbm>>)
        tpu.yield
      }) : () -> ()
    } else {
    }
    return
  }
}

#map = affine_map<(d0, d1) -> (0, 0)>
module attributes {stable_mosaic.version = 14 : i64} {
  func.func @_pairs_kernel(%arg0: i32, %arg1: i32, %arg2: memref<25600x128xi32, #tpu.memory_space<hbm>>, %arg3: memref<25600x128xi32, #tpu.memory_space<hbm>>, %arg4: memref<1000000x32xf32, #tpu.memory_space<hbm>>, %arg5: memref<25600x128xf32, #tpu.memory_space<hbm>>, %arg6: memref<2x5x128xi32, #tpu.memory_space<vmem>>, %arg7: memref<2x5x128xi32, #tpu.memory_space<vmem>>, %arg8: memref<2x640x32xf32, #tpu.memory_space<vmem>>, %arg9: memref<2x640x32xf32, #tpu.memory_space<vmem>>, %arg10: memref<10880xf32, #tpu.memory_space<vmem>>, %arg11: memref<10880xf32, #tpu.memory_space<vmem>>, %arg12: memref<10880xf32, #tpu.memory_space<vmem>>, %arg13: memref<5x128xf32, #tpu.memory_space<vmem>>, %arg14: memref<2x!tpu.dma_semaphore, #tpu.memory_space<semaphore_mem>>, %arg15: memref<2x!tpu.dma_semaphore, #tpu.memory_space<semaphore_mem>>) attributes {dimension_semantics = [#tpu.dimension_semantics<core_parallel>, #tpu.dimension_semantics<subcore_parallel>], iteration_bounds = array<i64: 2, 16>, scalar_prefetch = 0 : i64, scratch_operands = 10 : i64, tpu.core_type = #tpu.core_type<sc_vector_subcore>, window_params = [{transform_indices = #map}, {transform_indices = #map}, {transform_indices = #map}, {transform_indices = #map}]} {
    %mul3A = arith.constant 2 : i32
    %mul3A_0 = arith.muli %arg1, %mul3A : i32
    %add3A = arith.addi %mul3A_0, %arg0 : i32
    %mul3A_1 = arith.constant 800 : i32
    %mul3A_2 = arith.muli %add3A, %mul3A_1 : i32
    %iota3A = tpu.iota {dimensions = array<i32: 0>} : vector<16xi32>
    %add3A_3 = arith.constant 0 : i32
    %add3A_4 = arith.addi %mul3A_2, %add3A_3 : i32
    %dma_start3A = arith.constant 0 : i32
    %dma_start3A_5 = arith.constant 0 : i32
    %dma_start3A_6 = arith.constant 0 : i32
    %dma_start3A_7 = arith.constant 0 : i32
    %dma_start3A_8 = tpu.memref_slice %arg6[%dma_start3A, %dma_start3A_6, %dma_start3A_7] : memref<2x5x128xi32, #tpu.memory_space<vmem>> -> memref<1x5x128xi32, #tpu.memory_space<vmem>>
    %dma_start3A_9 = tpu.memref_squeeze %dma_start3A_8 : memref<1x5x128xi32, #tpu.memory_space<vmem>> -> memref<5x128xi32, #tpu.memory_space<vmem>>
    %dma_start3A_10 = arith.constant 0 : i32
    %dma_start3A_11 = tpu.memref_slice %arg2[%add3A_4, %dma_start3A_10] : memref<25600x128xi32, #tpu.memory_space<hbm>> -> memref<5x128xi32, #tpu.memory_space<hbm>>
    %dma_start3A_12 = tpu.memref_slice %arg15[%dma_start3A_5] : memref<2x!tpu.dma_semaphore, #tpu.memory_space<semaphore_mem>> -> memref<1x!tpu.dma_semaphore, #tpu.memory_space<semaphore_mem>>
    %dma_start3A_13 = tpu.memref_squeeze %dma_start3A_12 : memref<1x!tpu.dma_semaphore, #tpu.memory_space<semaphore_mem>> -> memref<!tpu.dma_semaphore, #tpu.memory_space<semaphore_mem>>
    %dma_start3A_14 = arith.constant 0 : i32
    %dma_start3A_15 = arith.constant 0 : i32
    %dma_start3A_16 = tpu.memref_slice %arg6[%dma_start3A, %dma_start3A_14, %dma_start3A_15] : memref<2x5x128xi32, #tpu.memory_space<vmem>> -> memref<1x5x128xi32, #tpu.memory_space<vmem>>
    %dma_start3A_17 = tpu.memref_squeeze %dma_start3A_16 : memref<1x5x128xi32, #tpu.memory_space<vmem>> -> memref<5x128xi32, #tpu.memory_space<vmem>>
    %dma_start3A_18 = arith.constant 0 : i32
    %dma_start3A_19 = tpu.memref_slice %arg2[%add3A_4, %dma_start3A_18] : memref<25600x128xi32, #tpu.memory_space<hbm>> -> memref<5x128xi32, #tpu.memory_space<hbm>>
    tpu.enqueue_dma source(%dma_start3A_19 : memref<5x128xi32, #tpu.memory_space<hbm>>) target(%dma_start3A_17 : memref<5x128xi32, #tpu.memory_space<vmem>>) target_semaphore(%dma_start3A_13 : memref<!tpu.dma_semaphore, #tpu.memory_space<semaphore_mem>>)
    %dma_start3A_20 = arith.constant 0 : i32
    %dma_start3A_21 = arith.constant 0 : i32
    %dma_start3A_22 = arith.constant 0 : i32
    %dma_start3A_23 = arith.constant 0 : i32
    %dma_start3A_24 = tpu.memref_slice %arg7[%dma_start3A_20, %dma_start3A_22, %dma_start3A_23] : memref<2x5x128xi32, #tpu.memory_space<vmem>> -> memref<1x5x128xi32, #tpu.memory_space<vmem>>
    %dma_start3A_25 = tpu.memref_squeeze %dma_start3A_24 : memref<1x5x128xi32, #tpu.memory_space<vmem>> -> memref<5x128xi32, #tpu.memory_space<vmem>>
    %dma_start3A_26 = arith.constant 0 : i32
    %dma_start3A_27 = tpu.memref_slice %arg3[%add3A_4, %dma_start3A_26] : memref<25600x128xi32, #tpu.memory_space<hbm>> -> memref<5x128xi32, #tpu.memory_space<hbm>>
    %dma_start3A_28 = tpu.memref_slice %arg15[%dma_start3A_21] : memref<2x!tpu.dma_semaphore, #tpu.memory_space<semaphore_mem>> -> memref<1x!tpu.dma_semaphore, #tpu.memory_space<semaphore_mem>>
    %dma_start3A_29 = tpu.memref_squeeze %dma_start3A_28 : memref<1x!tpu.dma_semaphore, #tpu.memory_space<semaphore_mem>> -> memref<!tpu.dma_semaphore, #tpu.memory_space<semaphore_mem>>
    %dma_start3A_30 = arith.constant 0 : i32
    %dma_start3A_31 = arith.constant 0 : i32
    %dma_start3A_32 = tpu.memref_slice %arg7[%dma_start3A_20, %dma_start3A_30, %dma_start3A_31] : memref<2x5x128xi32, #tpu.memory_space<vmem>> -> memref<1x5x128xi32, #tpu.memory_space<vmem>>
    %dma_start3A_33 = tpu.memref_squeeze %dma_start3A_32 : memref<1x5x128xi32, #tpu.memory_space<vmem>> -> memref<5x128xi32, #tpu.memory_space<vmem>>
    %dma_start3A_34 = arith.constant 0 : i32
    %dma_start3A_35 = tpu.memref_slice %arg3[%add3A_4, %dma_start3A_34] : memref<25600x128xi32, #tpu.memory_space<hbm>> -> memref<5x128xi32, #tpu.memory_space<hbm>>
    tpu.enqueue_dma source(%dma_start3A_35 : memref<5x128xi32, #tpu.memory_space<hbm>>) target(%dma_start3A_33 : memref<5x128xi32, #tpu.memory_space<vmem>>) target_semaphore(%dma_start3A_29 : memref<!tpu.dma_semaphore, #tpu.memory_space<semaphore_mem>>)
    %dma_wait3A = arith.constant 0 : i32
    %dma_wait3A_36 = arith.constant 0 : i32
    %dma_wait3A_37 = arith.constant 0 : i32
    %dma_wait3A_38 = arith.constant 0 : i32
    %dma_wait3A_39 = tpu.memref_slice %arg6[%dma_wait3A, %dma_wait3A_37, %dma_wait3A_38] : memref<2x5x128xi32, #tpu.memory_space<vmem>> -> memref<1x5x128xi32, #tpu.memory_space<vmem>>
    %dma_wait3A_40 = tpu.memref_squeeze %dma_wait3A_39 : memref<1x5x128xi32, #tpu.memory_space<vmem>> -> memref<5x128xi32, #tpu.memory_space<vmem>>
    %dma_wait3A_41 = arith.constant 0 : i32
    %dma_wait3A_42 = arith.constant 0 : i32
    %dma_wait3A_43 = tpu.memref_slice %arg2[%dma_wait3A_41, %dma_wait3A_42] : memref<25600x128xi32, #tpu.memory_space<hbm>> -> memref<5x128xi32, #tpu.memory_space<hbm>>
    %dma_wait3A_44 = tpu.memref_slice %arg15[%dma_wait3A_36] : memref<2x!tpu.dma_semaphore, #tpu.memory_space<semaphore_mem>> -> memref<1x!tpu.dma_semaphore, #tpu.memory_space<semaphore_mem>>
    %dma_wait3A_45 = tpu.memref_squeeze %dma_wait3A_44 : memref<1x!tpu.dma_semaphore, #tpu.memory_space<semaphore_mem>> -> memref<!tpu.dma_semaphore, #tpu.memory_space<semaphore_mem>>
    %dma_wait3A_46 = arith.constant 0 : i32
    %dma_wait3A_47 = arith.constant 0 : i32
    %dma_wait3A_48 = tpu.memref_slice %arg6[%dma_wait3A, %dma_wait3A_46, %dma_wait3A_47] : memref<2x5x128xi32, #tpu.memory_space<vmem>> -> memref<1x5x128xi32, #tpu.memory_space<vmem>>
    %dma_wait3A_49 = tpu.memref_squeeze %dma_wait3A_48 : memref<1x5x128xi32, #tpu.memory_space<vmem>> -> memref<5x128xi32, #tpu.memory_space<vmem>>
    %dma_wait3A_50 = arith.constant 0 : i32
    %dma_wait3A_51 = arith.constant 0 : i32
    %dma_wait3A_52 = tpu.memref_slice %arg2[%dma_wait3A_50, %dma_wait3A_51] : memref<25600x128xi32, #tpu.memory_space<hbm>> -> memref<5x128xi32, #tpu.memory_space<hbm>>
    tpu.wait_dma2 semaphore(%dma_wait3A_45 : memref<!tpu.dma_semaphore, #tpu.memory_space<semaphore_mem>>) src(%dma_wait3A_52 : memref<5x128xi32, #tpu.memory_space<hbm>>) dst(%dma_wait3A_49 : memref<5x128xi32, #tpu.memory_space<vmem>>)
    %dma_wait3A_53 = arith.constant 0 : i32
    %dma_wait3A_54 = arith.constant 0 : i32
    %dma_wait3A_55 = arith.constant 0 : i32
    %dma_wait3A_56 = arith.constant 0 : i32
    %dma_wait3A_57 = tpu.memref_slice %arg7[%dma_wait3A_53, %dma_wait3A_55, %dma_wait3A_56] : memref<2x5x128xi32, #tpu.memory_space<vmem>> -> memref<1x5x128xi32, #tpu.memory_space<vmem>>
    %dma_wait3A_58 = tpu.memref_squeeze %dma_wait3A_57 : memref<1x5x128xi32, #tpu.memory_space<vmem>> -> memref<5x128xi32, #tpu.memory_space<vmem>>
    %dma_wait3A_59 = arith.constant 0 : i32
    %dma_wait3A_60 = arith.constant 0 : i32
    %dma_wait3A_61 = tpu.memref_slice %arg3[%dma_wait3A_59, %dma_wait3A_60] : memref<25600x128xi32, #tpu.memory_space<hbm>> -> memref<5x128xi32, #tpu.memory_space<hbm>>
    %dma_wait3A_62 = tpu.memref_slice %arg15[%dma_wait3A_54] : memref<2x!tpu.dma_semaphore, #tpu.memory_space<semaphore_mem>> -> memref<1x!tpu.dma_semaphore, #tpu.memory_space<semaphore_mem>>
    %dma_wait3A_63 = tpu.memref_squeeze %dma_wait3A_62 : memref<1x!tpu.dma_semaphore, #tpu.memory_space<semaphore_mem>> -> memref<!tpu.dma_semaphore, #tpu.memory_space<semaphore_mem>>
    %dma_wait3A_64 = arith.constant 0 : i32
    %dma_wait3A_65 = arith.constant 0 : i32
    %dma_wait3A_66 = tpu.memref_slice %arg7[%dma_wait3A_53, %dma_wait3A_64, %dma_wait3A_65] : memref<2x5x128xi32, #tpu.memory_space<vmem>> -> memref<1x5x128xi32, #tpu.memory_space<vmem>>
    %dma_wait3A_67 = tpu.memref_squeeze %dma_wait3A_66 : memref<1x5x128xi32, #tpu.memory_space<vmem>> -> memref<5x128xi32, #tpu.memory_space<vmem>>
    %dma_wait3A_68 = arith.constant 0 : i32
    %dma_wait3A_69 = arith.constant 0 : i32
    %dma_wait3A_70 = tpu.memref_slice %arg3[%dma_wait3A_68, %dma_wait3A_69] : memref<25600x128xi32, #tpu.memory_space<hbm>> -> memref<5x128xi32, #tpu.memory_space<hbm>>
    tpu.wait_dma2 semaphore(%dma_wait3A_63 : memref<!tpu.dma_semaphore, #tpu.memory_space<semaphore_mem>>) src(%dma_wait3A_70 : memref<5x128xi32, #tpu.memory_space<hbm>>) dst(%dma_wait3A_67 : memref<5x128xi32, #tpu.memory_space<vmem>>)
    %dma_start3A_71 = arith.constant 0 : i32
    %dma_start3A_72 = arith.constant 0 : i32
    %dma_start3A_73 = arith.constant 0 : i32
    %dma_start3A_74 = arith.constant 0 : i32
    %dma_start3A_75 = arith.constant 0 : i32
    %dma_start3A_76 = arith.constant 0 : i32
    %dma_start3A_77 = tpu.memref_slice %arg8[%dma_start3A_73, %dma_start3A_75, %dma_start3A_76] : memref<2x640x32xf32, #tpu.memory_space<vmem>> -> memref<1x128x32xf32, #tpu.memory_space<vmem>>
    %dma_start3A_78 = tpu.memref_squeeze %dma_start3A_77 : memref<1x128x32xf32, #tpu.memory_space<vmem>> -> memref<128x32xf32, #tpu.memory_space<vmem>>
    %dma_start3A_79 = arith.constant 0 : i32
    %dma_start3A_80 = tpu.memref_slice %arg6[%dma_start3A_71, %dma_start3A_72, %dma_start3A_79] : memref<2x5x128xi32, #tpu.memory_space<vmem>> -> memref<1x1x128xi32, #tpu.memory_space<vmem>>
    %dma_start3A_81 = tpu.memref_squeeze %dma_start3A_80 : memref<1x1x128xi32, #tpu.memory_space<vmem>> -> memref<128xi32, #tpu.memory_space<vmem>>
    %dma_start3A_82 = arith.constant 0 : i32
    %dma_start3A_83 = arith.constant 0 : i32
    %dma_start3A_84 = tpu.memref_slice %arg4[%dma_start3A_82, %dma_start3A_83] : memref<1000000x32xf32, #tpu.memory_space<hbm>> -> memref<1000000x32xf32, #tpu.memory_space<hbm>>
    %dma_start3A_85 = tpu.memref_slice %arg14[%dma_start3A_74] : memref<2x!tpu.dma_semaphore, #tpu.memory_space<semaphore_mem>> -> memref<1x!tpu.dma_semaphore, #tpu.memory_space<semaphore_mem>>
    %dma_start3A_86 = tpu.memref_squeeze %dma_start3A_85 : memref<1x!tpu.dma_semaphore, #tpu.memory_space<semaphore_mem>> -> memref<!tpu.dma_semaphore, #tpu.memory_space<semaphore_mem>>
    tpu.enqueue_indirect_dma source(%dma_start3A_84 : memref<1000000x32xf32, #tpu.memory_space<hbm>>) target(%dma_start3A_78 : memref<128x32xf32, #tpu.memory_space<vmem>>) offsets(%dma_start3A_81 : memref<128xi32, #tpu.memory_space<vmem>>) semaphore(%dma_start3A_86 : memref<!tpu.dma_semaphore, #tpu.memory_space<semaphore_mem>>)
    %dma_start3A_87 = arith.constant 0 : i32
    %dma_start3A_88 = arith.constant 0 : i32
    %dma_start3A_89 = arith.constant 0 : i32
    %dma_start3A_90 = arith.constant 0 : i32
    %dma_start3A_91 = arith.constant 0 : i32
    %dma_start3A_92 = arith.constant 0 : i32
    %dma_start3A_93 = tpu.memref_slice %arg9[%dma_start3A_89, %dma_start3A_91, %dma_start3A_92] : memref<2x640x32xf32, #tpu.memory_space<vmem>> -> memref<1x128x32xf32, #tpu.memory_space<vmem>>
    %dma_start3A_94 = tpu.memref_squeeze %dma_start3A_93 : memref<1x128x32xf32, #tpu.memory_space<vmem>> -> memref<128x32xf32, #tpu.memory_space<vmem>>
    %dma_start3A_95 = arith.constant 0 : i32
    %dma_start3A_96 = tpu.memref_slice %arg7[%dma_start3A_87, %dma_start3A_88, %dma_start3A_95] : memref<2x5x128xi32, #tpu.memory_space<vmem>> -> memref<1x1x128xi32, #tpu.memory_space<vmem>>
    %dma_start3A_97 = tpu.memref_squeeze %dma_start3A_96 : memref<1x1x128xi32, #tpu.memory_space<vmem>> -> memref<128xi32, #tpu.memory_space<vmem>>
    %dma_start3A_98 = arith.constant 0 : i32
    %dma_start3A_99 = arith.constant 0 : i32
    %dma_start3A_100 = tpu.memref_slice %arg4[%dma_start3A_98, %dma_start3A_99] : memref<1000000x32xf32, #tpu.memory_space<hbm>> -> memref<1000000x32xf32, #tpu.memory_space<hbm>>
    %dma_start3A_101 = tpu.memref_slice %arg14[%dma_start3A_90] : memref<2x!tpu.dma_semaphore, #tpu.memory_space<semaphore_mem>> -> memref<1x!tpu.dma_semaphore, #tpu.memory_space<semaphore_mem>>
    %dma_start3A_102 = tpu.memref_squeeze %dma_start3A_101 : memref<1x!tpu.dma_semaphore, #tpu.memory_space<semaphore_mem>> -> memref<!tpu.dma_semaphore, #tpu.memory_space<semaphore_mem>>
    tpu.enqueue_indirect_dma source(%dma_start3A_100 : memref<1000000x32xf32, #tpu.memory_space<hbm>>) target(%dma_start3A_94 : memref<128x32xf32, #tpu.memory_space<vmem>>) offsets(%dma_start3A_97 : memref<128xi32, #tpu.memory_space<vmem>>) semaphore(%dma_start3A_102 : memref<!tpu.dma_semaphore, #tpu.memory_space<semaphore_mem>>)
    %dma_start3A_103 = arith.constant 0 : i32
    %dma_start3A_104 = arith.constant 1 : i32
    %dma_start3A_105 = arith.constant 0 : i32
    %dma_start3A_106 = arith.constant 0 : i32
    %dma_start3A_107 = arith.constant 128 : i32
    %dma_start3A_108 = arith.constant 0 : i32
    %dma_start3A_109 = tpu.memref_slice %arg8[%dma_start3A_105, %dma_start3A_107, %dma_start3A_108] : memref<2x640x32xf32, #tpu.memory_space<vmem>> -> memref<1x128x32xf32, #tpu.memory_space<vmem>>
    %dma_start3A_110 = tpu.memref_squeeze %dma_start3A_109 : memref<1x128x32xf32, #tpu.memory_space<vmem>> -> memref<128x32xf32, #tpu.memory_space<vmem>>
    %dma_start3A_111 = arith.constant 0 : i32
    %dma_start3A_112 = tpu.memref_slice %arg6[%dma_start3A_103, %dma_start3A_104, %dma_start3A_111] : memref<2x5x128xi32, #tpu.memory_space<vmem>> -> memref<1x1x128xi32, #tpu.memory_space<vmem>>
    %dma_start3A_113 = tpu.memref_squeeze %dma_start3A_112 : memref<1x1x128xi32, #tpu.memory_space<vmem>> -> memref<128xi32, #tpu.memory_space<vmem>>
    %dma_start3A_114 = arith.constant 0 : i32
    %dma_start3A_115 = arith.constant 0 : i32
    %dma_start3A_116 = tpu.memref_slice %arg4[%dma_start3A_114, %dma_start3A_115] : memref<1000000x32xf32, #tpu.memory_space<hbm>> -> memref<1000000x32xf32, #tpu.memory_space<hbm>>
    %dma_start3A_117 = tpu.memref_slice %arg14[%dma_start3A_106] : memref<2x!tpu.dma_semaphore, #tpu.memory_space<semaphore_mem>> -> memref<1x!tpu.dma_semaphore, #tpu.memory_space<semaphore_mem>>
    %dma_start3A_118 = tpu.memref_squeeze %dma_start3A_117 : memref<1x!tpu.dma_semaphore, #tpu.memory_space<semaphore_mem>> -> memref<!tpu.dma_semaphore, #tpu.memory_space<semaphore_mem>>
    tpu.enqueue_indirect_dma source(%dma_start3A_116 : memref<1000000x32xf32, #tpu.memory_space<hbm>>) target(%dma_start3A_110 : memref<128x32xf32, #tpu.memory_space<vmem>>) offsets(%dma_start3A_113 : memref<128xi32, #tpu.memory_space<vmem>>) semaphore(%dma_start3A_118 : memref<!tpu.dma_semaphore, #tpu.memory_space<semaphore_mem>>)
    %dma_start3A_119 = arith.constant 0 : i32
    %dma_start3A_120 = arith.constant 1 : i32
    %dma_start3A_121 = arith.constant 0 : i32
    %dma_start3A_122 = arith.constant 0 : i32
    %dma_start3A_123 = arith.constant 128 : i32
    %dma_start3A_124 = arith.constant 0 : i32
    %dma_start3A_125 = tpu.memref_slice %arg9[%dma_start3A_121, %dma_start3A_123, %dma_start3A_124] : memref<2x640x32xf32, #tpu.memory_space<vmem>> -> memref<1x128x32xf32, #tpu.memory_space<vmem>>
    %dma_start3A_126 = tpu.memref_squeeze %dma_start3A_125 : memref<1x128x32xf32, #tpu.memory_space<vmem>> -> memref<128x32xf32, #tpu.memory_space<vmem>>
    %dma_start3A_127 = arith.constant 0 : i32
    %dma_start3A_128 = tpu.memref_slice %arg7[%dma_start3A_119, %dma_start3A_120, %dma_start3A_127] : memref<2x5x128xi32, #tpu.memory_space<vmem>> -> memref<1x1x128xi32, #tpu.memory_space<vmem>>
    %dma_start3A_129 = tpu.memref_squeeze %dma_start3A_128 : memref<1x1x128xi32, #tpu.memory_space<vmem>> -> memref<128xi32, #tpu.memory_space<vmem>>
    %dma_start3A_130 = arith.constant 0 : i32
    %dma_start3A_131 = arith.constant 0 : i32
    %dma_start3A_132 = tpu.memref_slice %arg4[%dma_start3A_130, %dma_start3A_131] : memref<1000000x32xf32, #tpu.memory_space<hbm>> -> memref<1000000x32xf32, #tpu.memory_space<hbm>>
    %dma_start3A_133 = tpu.memref_slice %arg14[%dma_start3A_122] : memref<2x!tpu.dma_semaphore, #tpu.memory_space<semaphore_mem>> -> memref<1x!tpu.dma_semaphore, #tpu.memory_space<semaphore_mem>>
    %dma_start3A_134 = tpu.memref_squeeze %dma_start3A_133 : memref<1x!tpu.dma_semaphore, #tpu.memory_space<semaphore_mem>> -> memref<!tpu.dma_semaphore, #tpu.memory_space<semaphore_mem>>
    tpu.enqueue_indirect_dma source(%dma_start3A_132 : memref<1000000x32xf32, #tpu.memory_space<hbm>>) target(%dma_start3A_126 : memref<128x32xf32, #tpu.memory_space<vmem>>) offsets(%dma_start3A_129 : memref<128xi32, #tpu.memory_space<vmem>>) semaphore(%dma_start3A_134 : memref<!tpu.dma_semaphore, #tpu.memory_space<semaphore_mem>>)
    %dma_start3A_135 = arith.constant 0 : i32
    %dma_start3A_136 = arith.constant 2 : i32
    %dma_start3A_137 = arith.constant 0 : i32
    %dma_start3A_138 = arith.constant 0 : i32
    %dma_start3A_139 = arith.constant 256 : i32
    %dma_start3A_140 = arith.constant 0 : i32
    %dma_start3A_141 = tpu.memref_slice %arg8[%dma_start3A_137, %dma_start3A_139, %dma_start3A_140] : memref<2x640x32xf32, #tpu.memory_space<vmem>> -> memref<1x128x32xf32, #tpu.memory_space<vmem>>
    %dma_start3A_142 = tpu.memref_squeeze %dma_start3A_141 : memref<1x128x32xf32, #tpu.memory_space<vmem>> -> memref<128x32xf32, #tpu.memory_space<vmem>>
    %dma_start3A_143 = arith.constant 0 : i32
    %dma_start3A_144 = tpu.memref_slice %arg6[%dma_start3A_135, %dma_start3A_136, %dma_start3A_143] : memref<2x5x128xi32, #tpu.memory_space<vmem>> -> memref<1x1x128xi32, #tpu.memory_space<vmem>>
    %dma_start3A_145 = tpu.memref_squeeze %dma_start3A_144 : memref<1x1x128xi32, #tpu.memory_space<vmem>> -> memref<128xi32, #tpu.memory_space<vmem>>
    %dma_start3A_146 = arith.constant 0 : i32
    %dma_start3A_147 = arith.constant 0 : i32
    %dma_start3A_148 = tpu.memref_slice %arg4[%dma_start3A_146, %dma_start3A_147] : memref<1000000x32xf32, #tpu.memory_space<hbm>> -> memref<1000000x32xf32, #tpu.memory_space<hbm>>
    %dma_start3A_149 = tpu.memref_slice %arg14[%dma_start3A_138] : memref<2x!tpu.dma_semaphore, #tpu.memory_space<semaphore_mem>> -> memref<1x!tpu.dma_semaphore, #tpu.memory_space<semaphore_mem>>
    %dma_start3A_150 = tpu.memref_squeeze %dma_start3A_149 : memref<1x!tpu.dma_semaphore, #tpu.memory_space<semaphore_mem>> -> memref<!tpu.dma_semaphore, #tpu.memory_space<semaphore_mem>>
    tpu.enqueue_indirect_dma source(%dma_start3A_148 : memref<1000000x32xf32, #tpu.memory_space<hbm>>) target(%dma_start3A_142 : memref<128x32xf32, #tpu.memory_space<vmem>>) offsets(%dma_start3A_145 : memref<128xi32, #tpu.memory_space<vmem>>) semaphore(%dma_start3A_150 : memref<!tpu.dma_semaphore, #tpu.memory_space<semaphore_mem>>)
    %dma_start3A_151 = arith.constant 0 : i32
    %dma_start3A_152 = arith.constant 2 : i32
    %dma_start3A_153 = arith.constant 0 : i32
    %dma_start3A_154 = arith.constant 0 : i32
    %dma_start3A_155 = arith.constant 256 : i32
    %dma_start3A_156 = arith.constant 0 : i32
    %dma_start3A_157 = tpu.memref_slice %arg9[%dma_start3A_153, %dma_start3A_155, %dma_start3A_156] : memref<2x640x32xf32, #tpu.memory_space<vmem>> -> memref<1x128x32xf32, #tpu.memory_space<vmem>>
    %dma_start3A_158 = tpu.memref_squeeze %dma_start3A_157 : memref<1x128x32xf32, #tpu.memory_space<vmem>> -> memref<128x32xf32, #tpu.memory_space<vmem>>
    %dma_start3A_159 = arith.constant 0 : i32
    %dma_start3A_160 = tpu.memref_slice %arg7[%dma_start3A_151, %dma_start3A_152, %dma_start3A_159] : memref<2x5x128xi32, #tpu.memory_space<vmem>> -> memref<1x1x128xi32, #tpu.memory_space<vmem>>
    %dma_start3A_161 = tpu.memref_squeeze %dma_start3A_160 : memref<1x1x128xi32, #tpu.memory_space<vmem>> -> memref<128xi32, #tpu.memory_space<vmem>>
    %dma_start3A_162 = arith.constant 0 : i32
    %dma_start3A_163 = arith.constant 0 : i32
    %dma_start3A_164 = tpu.memref_slice %arg4[%dma_start3A_162, %dma_start3A_163] : memref<1000000x32xf32, #tpu.memory_space<hbm>> -> memref<1000000x32xf32, #tpu.memory_space<hbm>>
    %dma_start3A_165 = tpu.memref_slice %arg14[%dma_start3A_154] : memref<2x!tpu.dma_semaphore, #tpu.memory_space<semaphore_mem>> -> memref<1x!tpu.dma_semaphore, #tpu.memory_space<semaphore_mem>>
    %dma_start3A_166 = tpu.memref_squeeze %dma_start3A_165 : memref<1x!tpu.dma_semaphore, #tpu.memory_space<semaphore_mem>> -> memref<!tpu.dma_semaphore, #tpu.memory_space<semaphore_mem>>
    tpu.enqueue_indirect_dma source(%dma_start3A_164 : memref<1000000x32xf32, #tpu.memory_space<hbm>>) target(%dma_start3A_158 : memref<128x32xf32, #tpu.memory_space<vmem>>) offsets(%dma_start3A_161 : memref<128xi32, #tpu.memory_space<vmem>>) semaphore(%dma_start3A_166 : memref<!tpu.dma_semaphore, #tpu.memory_space<semaphore_mem>>)
    %dma_start3A_167 = arith.constant 0 : i32
    %dma_start3A_168 = arith.constant 3 : i32
    %dma_start3A_169 = arith.constant 0 : i32
    %dma_start3A_170 = arith.constant 0 : i32
    %dma_start3A_171 = arith.constant 384 : i32
    %dma_start3A_172 = arith.constant 0 : i32
    %dma_start3A_173 = tpu.memref_slice %arg8[%dma_start3A_169, %dma_start3A_171, %dma_start3A_172] : memref<2x640x32xf32, #tpu.memory_space<vmem>> -> memref<1x128x32xf32, #tpu.memory_space<vmem>>
    %dma_start3A_174 = tpu.memref_squeeze %dma_start3A_173 : memref<1x128x32xf32, #tpu.memory_space<vmem>> -> memref<128x32xf32, #tpu.memory_space<vmem>>
    %dma_start3A_175 = arith.constant 0 : i32
    %dma_start3A_176 = tpu.memref_slice %arg6[%dma_start3A_167, %dma_start3A_168, %dma_start3A_175] : memref<2x5x128xi32, #tpu.memory_space<vmem>> -> memref<1x1x128xi32, #tpu.memory_space<vmem>>
    %dma_start3A_177 = tpu.memref_squeeze %dma_start3A_176 : memref<1x1x128xi32, #tpu.memory_space<vmem>> -> memref<128xi32, #tpu.memory_space<vmem>>
    %dma_start3A_178 = arith.constant 0 : i32
    %dma_start3A_179 = arith.constant 0 : i32
    %dma_start3A_180 = tpu.memref_slice %arg4[%dma_start3A_178, %dma_start3A_179] : memref<1000000x32xf32, #tpu.memory_space<hbm>> -> memref<1000000x32xf32, #tpu.memory_space<hbm>>
    %dma_start3A_181 = tpu.memref_slice %arg14[%dma_start3A_170] : memref<2x!tpu.dma_semaphore, #tpu.memory_space<semaphore_mem>> -> memref<1x!tpu.dma_semaphore, #tpu.memory_space<semaphore_mem>>
    %dma_start3A_182 = tpu.memref_squeeze %dma_start3A_181 : memref<1x!tpu.dma_semaphore, #tpu.memory_space<semaphore_mem>> -> memref<!tpu.dma_semaphore, #tpu.memory_space<semaphore_mem>>
    tpu.enqueue_indirect_dma source(%dma_start3A_180 : memref<1000000x32xf32, #tpu.memory_space<hbm>>) target(%dma_start3A_174 : memref<128x32xf32, #tpu.memory_space<vmem>>) offsets(%dma_start3A_177 : memref<128xi32, #tpu.memory_space<vmem>>) semaphore(%dma_start3A_182 : memref<!tpu.dma_semaphore, #tpu.memory_space<semaphore_mem>>)
    %dma_start3A_183 = arith.constant 0 : i32
    %dma_start3A_184 = arith.constant 3 : i32
    %dma_start3A_185 = arith.constant 0 : i32
    %dma_start3A_186 = arith.constant 0 : i32
    %dma_start3A_187 = arith.constant 384 : i32
    %dma_start3A_188 = arith.constant 0 : i32
    %dma_start3A_189 = tpu.memref_slice %arg9[%dma_start3A_185, %dma_start3A_187, %dma_start3A_188] : memref<2x640x32xf32, #tpu.memory_space<vmem>> -> memref<1x128x32xf32, #tpu.memory_space<vmem>>
    %dma_start3A_190 = tpu.memref_squeeze %dma_start3A_189 : memref<1x128x32xf32, #tpu.memory_space<vmem>> -> memref<128x32xf32, #tpu.memory_space<vmem>>
    %dma_start3A_191 = arith.constant 0 : i32
    %dma_start3A_192 = tpu.memref_slice %arg7[%dma_start3A_183, %dma_start3A_184, %dma_start3A_191] : memref<2x5x128xi32, #tpu.memory_space<vmem>> -> memref<1x1x128xi32, #tpu.memory_space<vmem>>
    %dma_start3A_193 = tpu.memref_squeeze %dma_start3A_192 : memref<1x1x128xi32, #tpu.memory_space<vmem>> -> memref<128xi32, #tpu.memory_space<vmem>>
    %dma_start3A_194 = arith.constant 0 : i32
    %dma_start3A_195 = arith.constant 0 : i32
    %dma_start3A_196 = tpu.memref_slice %arg4[%dma_start3A_194, %dma_start3A_195] : memref<1000000x32xf32, #tpu.memory_space<hbm>> -> memref<1000000x32xf32, #tpu.memory_space<hbm>>
    %dma_start3A_197 = tpu.memref_slice %arg14[%dma_start3A_186] : memref<2x!tpu.dma_semaphore, #tpu.memory_space<semaphore_mem>> -> memref<1x!tpu.dma_semaphore, #tpu.memory_space<semaphore_mem>>
    %dma_start3A_198 = tpu.memref_squeeze %dma_start3A_197 : memref<1x!tpu.dma_semaphore, #tpu.memory_space<semaphore_mem>> -> memref<!tpu.dma_semaphore, #tpu.memory_space<semaphore_mem>>
    tpu.enqueue_indirect_dma source(%dma_start3A_196 : memref<1000000x32xf32, #tpu.memory_space<hbm>>) target(%dma_start3A_190 : memref<128x32xf32, #tpu.memory_space<vmem>>) offsets(%dma_start3A_193 : memref<128xi32, #tpu.memory_space<vmem>>) semaphore(%dma_start3A_198 : memref<!tpu.dma_semaphore, #tpu.memory_space<semaphore_mem>>)
    %dma_start3A_199 = arith.constant 0 : i32
    %dma_start3A_200 = arith.constant 4 : i32
    %dma_start3A_201 = arith.constant 0 : i32
    %dma_start3A_202 = arith.constant 0 : i32
    %dma_start3A_203 = arith.constant 512 : i32
    %dma_start3A_204 = arith.constant 0 : i32
    %dma_start3A_205 = tpu.memref_slice %arg8[%dma_start3A_201, %dma_start3A_203, %dma_start3A_204] : memref<2x640x32xf32, #tpu.memory_space<vmem>> -> memref<1x128x32xf32, #tpu.memory_space<vmem>>
    %dma_start3A_206 = tpu.memref_squeeze %dma_start3A_205 : memref<1x128x32xf32, #tpu.memory_space<vmem>> -> memref<128x32xf32, #tpu.memory_space<vmem>>
    %dma_start3A_207 = arith.constant 0 : i32
    %dma_start3A_208 = tpu.memref_slice %arg6[%dma_start3A_199, %dma_start3A_200, %dma_start3A_207] : memref<2x5x128xi32, #tpu.memory_space<vmem>> -> memref<1x1x128xi32, #tpu.memory_space<vmem>>
    %dma_start3A_209 = tpu.memref_squeeze %dma_start3A_208 : memref<1x1x128xi32, #tpu.memory_space<vmem>> -> memref<128xi32, #tpu.memory_space<vmem>>
    %dma_start3A_210 = arith.constant 0 : i32
    %dma_start3A_211 = arith.constant 0 : i32
    %dma_start3A_212 = tpu.memref_slice %arg4[%dma_start3A_210, %dma_start3A_211] : memref<1000000x32xf32, #tpu.memory_space<hbm>> -> memref<1000000x32xf32, #tpu.memory_space<hbm>>
    %dma_start3A_213 = tpu.memref_slice %arg14[%dma_start3A_202] : memref<2x!tpu.dma_semaphore, #tpu.memory_space<semaphore_mem>> -> memref<1x!tpu.dma_semaphore, #tpu.memory_space<semaphore_mem>>
    %dma_start3A_214 = tpu.memref_squeeze %dma_start3A_213 : memref<1x!tpu.dma_semaphore, #tpu.memory_space<semaphore_mem>> -> memref<!tpu.dma_semaphore, #tpu.memory_space<semaphore_mem>>
    tpu.enqueue_indirect_dma source(%dma_start3A_212 : memref<1000000x32xf32, #tpu.memory_space<hbm>>) target(%dma_start3A_206 : memref<128x32xf32, #tpu.memory_space<vmem>>) offsets(%dma_start3A_209 : memref<128xi32, #tpu.memory_space<vmem>>) semaphore(%dma_start3A_214 : memref<!tpu.dma_semaphore, #tpu.memory_space<semaphore_mem>>)
    %dma_start3A_215 = arith.constant 0 : i32
    %dma_start3A_216 = arith.constant 4 : i32
    %dma_start3A_217 = arith.constant 0 : i32
    %dma_start3A_218 = arith.constant 0 : i32
    %dma_start3A_219 = arith.constant 512 : i32
    %dma_start3A_220 = arith.constant 0 : i32
    %dma_start3A_221 = tpu.memref_slice %arg9[%dma_start3A_217, %dma_start3A_219, %dma_start3A_220] : memref<2x640x32xf32, #tpu.memory_space<vmem>> -> memref<1x128x32xf32, #tpu.memory_space<vmem>>
    %dma_start3A_222 = tpu.memref_squeeze %dma_start3A_221 : memref<1x128x32xf32, #tpu.memory_space<vmem>> -> memref<128x32xf32, #tpu.memory_space<vmem>>
    %dma_start3A_223 = arith.constant 0 : i32
    %dma_start3A_224 = tpu.memref_slice %arg7[%dma_start3A_215, %dma_start3A_216, %dma_start3A_223] : memref<2x5x128xi32, #tpu.memory_space<vmem>> -> memref<1x1x128xi32, #tpu.memory_space<vmem>>
    %dma_start3A_225 = tpu.memref_squeeze %dma_start3A_224 : memref<1x1x128xi32, #tpu.memory_space<vmem>> -> memref<128xi32, #tpu.memory_space<vmem>>
    %dma_start3A_226 = arith.constant 0 : i32
    %dma_start3A_227 = arith.constant 0 : i32
    %dma_start3A_228 = tpu.memref_slice %arg4[%dma_start3A_226, %dma_start3A_227] : memref<1000000x32xf32, #tpu.memory_space<hbm>> -> memref<1000000x32xf32, #tpu.memory_space<hbm>>
    %dma_start3A_229 = tpu.memref_slice %arg14[%dma_start3A_218] : memref<2x!tpu.dma_semaphore, #tpu.memory_space<semaphore_mem>> -> memref<1x!tpu.dma_semaphore, #tpu.memory_space<semaphore_mem>>
    %dma_start3A_230 = tpu.memref_squeeze %dma_start3A_229 : memref<1x!tpu.dma_semaphore, #tpu.memory_space<semaphore_mem>> -> memref<!tpu.dma_semaphore, #tpu.memory_space<semaphore_mem>>
    tpu.enqueue_indirect_dma source(%dma_start3A_228 : memref<1000000x32xf32, #tpu.memory_space<hbm>>) target(%dma_start3A_222 : memref<128x32xf32, #tpu.memory_space<vmem>>) offsets(%dma_start3A_225 : memref<128xi32, #tpu.memory_space<vmem>>) semaphore(%dma_start3A_230 : memref<!tpu.dma_semaphore, #tpu.memory_space<semaphore_mem>>)
    %add3A_231 = arith.constant 5 : i32
    %add3A_232 = arith.addi %mul3A_2, %add3A_231 : i32
    %dma_start3A_233 = arith.constant 1 : i32
    %dma_start3A_234 = arith.constant 1 : i32
    %dma_start3A_235 = arith.constant 0 : i32
    %dma_start3A_236 = arith.constant 0 : i32
    %dma_start3A_237 = tpu.memref_slice %arg6[%dma_start3A_233, %dma_start3A_235, %dma_start3A_236] : memref<2x5x128xi32, #tpu.memory_space<vmem>> -> memref<1x5x128xi32, #tpu.memory_space<vmem>>
    %dma_start3A_238 = tpu.memref_squeeze %dma_start3A_237 : memref<1x5x128xi32, #tpu.memory_space<vmem>> -> memref<5x128xi32, #tpu.memory_space<vmem>>
    %dma_start3A_239 = arith.constant 0 : i32
    %dma_start3A_240 = tpu.memref_slice %arg2[%add3A_232, %dma_start3A_239] : memref<25600x128xi32, #tpu.memory_space<hbm>> -> memref<5x128xi32, #tpu.memory_space<hbm>>
    %dma_start3A_241 = tpu.memref_slice %arg15[%dma_start3A_234] : memref<2x!tpu.dma_semaphore, #tpu.memory_space<semaphore_mem>> -> memref<1x!tpu.dma_semaphore, #tpu.memory_space<semaphore_mem>>
    %dma_start3A_242 = tpu.memref_squeeze %dma_start3A_241 : memref<1x!tpu.dma_semaphore, #tpu.memory_space<semaphore_mem>> -> memref<!tpu.dma_semaphore, #tpu.memory_space<semaphore_mem>>
    %dma_start3A_243 = arith.constant 0 : i32
    %dma_start3A_244 = arith.constant 0 : i32
    %dma_start3A_245 = tpu.memref_slice %arg6[%dma_start3A_233, %dma_start3A_243, %dma_start3A_244] : memref<2x5x128xi32, #tpu.memory_space<vmem>> -> memref<1x5x128xi32, #tpu.memory_space<vmem>>
    %dma_start3A_246 = tpu.memref_squeeze %dma_start3A_245 : memref<1x5x128xi32, #tpu.memory_space<vmem>> -> memref<5x128xi32, #tpu.memory_space<vmem>>
    %dma_start3A_247 = arith.constant 0 : i32
    %dma_start3A_248 = tpu.memref_slice %arg2[%add3A_232, %dma_start3A_247] : memref<25600x128xi32, #tpu.memory_space<hbm>> -> memref<5x128xi32, #tpu.memory_space<hbm>>
    tpu.enqueue_dma source(%dma_start3A_248 : memref<5x128xi32, #tpu.memory_space<hbm>>) target(%dma_start3A_246 : memref<5x128xi32, #tpu.memory_space<vmem>>) target_semaphore(%dma_start3A_242 : memref<!tpu.dma_semaphore, #tpu.memory_space<semaphore_mem>>)
    %dma_start3A_249 = arith.constant 1 : i32
    %dma_start3A_250 = arith.constant 1 : i32
    %dma_start3A_251 = arith.constant 0 : i32
    %dma_start3A_252 = arith.constant 0 : i32
    %dma_start3A_253 = tpu.memref_slice %arg7[%dma_start3A_249, %dma_start3A_251, %dma_start3A_252] : memref<2x5x128xi32, #tpu.memory_space<vmem>> -> memref<1x5x128xi32, #tpu.memory_space<vmem>>
    %dma_start3A_254 = tpu.memref_squeeze %dma_start3A_253 : memref<1x5x128xi32, #tpu.memory_space<vmem>> -> memref<5x128xi32, #tpu.memory_space<vmem>>
    %dma_start3A_255 = arith.constant 0 : i32
    %dma_start3A_256 = tpu.memref_slice %arg3[%add3A_232, %dma_start3A_255] : memref<25600x128xi32, #tpu.memory_space<hbm>> -> memref<5x128xi32, #tpu.memory_space<hbm>>
    %dma_start3A_257 = tpu.memref_slice %arg15[%dma_start3A_250] : memref<2x!tpu.dma_semaphore, #tpu.memory_space<semaphore_mem>> -> memref<1x!tpu.dma_semaphore, #tpu.memory_space<semaphore_mem>>
    %dma_start3A_258 = tpu.memref_squeeze %dma_start3A_257 : memref<1x!tpu.dma_semaphore, #tpu.memory_space<semaphore_mem>> -> memref<!tpu.dma_semaphore, #tpu.memory_space<semaphore_mem>>
    %dma_start3A_259 = arith.constant 0 : i32
    %dma_start3A_260 = arith.constant 0 : i32
    %dma_start3A_261 = tpu.memref_slice %arg7[%dma_start3A_249, %dma_start3A_259, %dma_start3A_260] : memref<2x5x128xi32, #tpu.memory_space<vmem>> -> memref<1x5x128xi32, #tpu.memory_space<vmem>>
    %dma_start3A_262 = tpu.memref_squeeze %dma_start3A_261 : memref<1x5x128xi32, #tpu.memory_space<vmem>> -> memref<5x128xi32, #tpu.memory_space<vmem>>
    %dma_start3A_263 = arith.constant 0 : i32
    %dma_start3A_264 = tpu.memref_slice %arg3[%add3A_232, %dma_start3A_263] : memref<25600x128xi32, #tpu.memory_space<hbm>> -> memref<5x128xi32, #tpu.memory_space<hbm>>
    tpu.enqueue_dma source(%dma_start3A_264 : memref<5x128xi32, #tpu.memory_space<hbm>>) target(%dma_start3A_262 : memref<5x128xi32, #tpu.memory_space<vmem>>) target_semaphore(%dma_start3A_258 : memref<!tpu.dma_semaphore, #tpu.memory_space<semaphore_mem>>)
    %scan3A = arith.constant 0 : i32
    %scan3A_265 = arith.constant 0 : i32
    %scan3A_266 = arith.constant 80 : i32
    %scan3A_267 = arith.addi %scan3A_265, %scan3A_266 : i32
    %scan3A_268 = arith.constant 1 : i32
    scf.for %scan3A_342 = %scan3A_265 to %scan3A_267 step %scan3A_268  : i32 {
      %mul3A_343 = arith.constant 2 : i32
      %mul3A_344 = arith.muli %scan3A_342, %mul3A_343 : i32
      %add3A_345 = arith.constant 0 : i32
      %add3A_346 = arith.addi %mul3A_344, %add3A_345 : i32
      %dma_wait3A_347 = arith.constant 0 : i32
      %dma_wait3A_348 = arith.constant 0 : i32
      %dma_wait3A_349 = arith.constant 0 : i32
      %dma_wait3A_350 = arith.constant 0 : i32
      %dma_wait3A_351 = tpu.memref_slice %arg8[%dma_wait3A_347, %dma_wait3A_349, %dma_wait3A_350] : memref<2x640x32xf32, #tpu.memory_space<vmem>> -> memref<1x640x32xf32, #tpu.memory_space<vmem>>
      %dma_wait3A_352 = tpu.memref_squeeze %dma_wait3A_351 : memref<1x640x32xf32, #tpu.memory_space<vmem>> -> memref<640x32xf32, #tpu.memory_space<vmem>>
      %dma_wait3A_353 = arith.constant 0 : i32
      %dma_wait3A_354 = arith.constant 0 : i32
      %dma_wait3A_355 = tpu.memref_slice %arg4[%dma_wait3A_353, %dma_wait3A_354] : memref<1000000x32xf32, #tpu.memory_space<hbm>> -> memref<640x32xf32, #tpu.memory_space<hbm>>
      %dma_wait3A_356 = tpu.memref_slice %arg14[%dma_wait3A_348] : memref<2x!tpu.dma_semaphore, #tpu.memory_space<semaphore_mem>> -> memref<1x!tpu.dma_semaphore, #tpu.memory_space<semaphore_mem>>
      %dma_wait3A_357 = tpu.memref_squeeze %dma_wait3A_356 : memref<1x!tpu.dma_semaphore, #tpu.memory_space<semaphore_mem>> -> memref<!tpu.dma_semaphore, #tpu.memory_space<semaphore_mem>>
      %dma_wait3A_358 = arith.constant 0 : i32
      %dma_wait3A_359 = arith.constant 0 : i32
      %dma_wait3A_360 = tpu.memref_slice %arg8[%dma_wait3A_347, %dma_wait3A_358, %dma_wait3A_359] : memref<2x640x32xf32, #tpu.memory_space<vmem>> -> memref<1x640x32xf32, #tpu.memory_space<vmem>>
      %dma_wait3A_361 = tpu.memref_squeeze %dma_wait3A_360 : memref<1x640x32xf32, #tpu.memory_space<vmem>> -> memref<640x32xf32, #tpu.memory_space<vmem>>
      %dma_wait3A_362 = arith.constant 0 : i32
      %dma_wait3A_363 = arith.constant 0 : i32
      %dma_wait3A_364 = tpu.memref_slice %arg4[%dma_wait3A_362, %dma_wait3A_363] : memref<1000000x32xf32, #tpu.memory_space<hbm>> -> memref<640x32xf32, #tpu.memory_space<hbm>>
      tpu.wait_dma2 semaphore(%dma_wait3A_357 : memref<!tpu.dma_semaphore, #tpu.memory_space<semaphore_mem>>) src(%dma_wait3A_364 : memref<640x32xf32, #tpu.memory_space<hbm>>) dst(%dma_wait3A_361 : memref<640x32xf32, #tpu.memory_space<vmem>>)
      %dma_wait3A_365 = arith.constant 0 : i32
      %dma_wait3A_366 = arith.constant 0 : i32
      %dma_wait3A_367 = arith.constant 0 : i32
      %dma_wait3A_368 = arith.constant 0 : i32
      %dma_wait3A_369 = tpu.memref_slice %arg9[%dma_wait3A_365, %dma_wait3A_367, %dma_wait3A_368] : memref<2x640x32xf32, #tpu.memory_space<vmem>> -> memref<1x640x32xf32, #tpu.memory_space<vmem>>
      %dma_wait3A_370 = tpu.memref_squeeze %dma_wait3A_369 : memref<1x640x32xf32, #tpu.memory_space<vmem>> -> memref<640x32xf32, #tpu.memory_space<vmem>>
      %dma_wait3A_371 = arith.constant 0 : i32
      %dma_wait3A_372 = arith.constant 0 : i32
      %dma_wait3A_373 = tpu.memref_slice %arg4[%dma_wait3A_371, %dma_wait3A_372] : memref<1000000x32xf32, #tpu.memory_space<hbm>> -> memref<640x32xf32, #tpu.memory_space<hbm>>
      %dma_wait3A_374 = tpu.memref_slice %arg14[%dma_wait3A_366] : memref<2x!tpu.dma_semaphore, #tpu.memory_space<semaphore_mem>> -> memref<1x!tpu.dma_semaphore, #tpu.memory_space<semaphore_mem>>
      %dma_wait3A_375 = tpu.memref_squeeze %dma_wait3A_374 : memref<1x!tpu.dma_semaphore, #tpu.memory_space<semaphore_mem>> -> memref<!tpu.dma_semaphore, #tpu.memory_space<semaphore_mem>>
      %dma_wait3A_376 = arith.constant 0 : i32
      %dma_wait3A_377 = arith.constant 0 : i32
      %dma_wait3A_378 = tpu.memref_slice %arg9[%dma_wait3A_365, %dma_wait3A_376, %dma_wait3A_377] : memref<2x640x32xf32, #tpu.memory_space<vmem>> -> memref<1x640x32xf32, #tpu.memory_space<vmem>>
      %dma_wait3A_379 = tpu.memref_squeeze %dma_wait3A_378 : memref<1x640x32xf32, #tpu.memory_space<vmem>> -> memref<640x32xf32, #tpu.memory_space<vmem>>
      %dma_wait3A_380 = arith.constant 0 : i32
      %dma_wait3A_381 = arith.constant 0 : i32
      %dma_wait3A_382 = tpu.memref_slice %arg4[%dma_wait3A_380, %dma_wait3A_381] : memref<1000000x32xf32, #tpu.memory_space<hbm>> -> memref<640x32xf32, #tpu.memory_space<hbm>>
      tpu.wait_dma2 semaphore(%dma_wait3A_375 : memref<!tpu.dma_semaphore, #tpu.memory_space<semaphore_mem>>) src(%dma_wait3A_382 : memref<640x32xf32, #tpu.memory_space<hbm>>) dst(%dma_wait3A_379 : memref<640x32xf32, #tpu.memory_space<vmem>>)
      %add3A_383 = arith.constant 2 : i32
      %add3A_384 = arith.addi %add3A_346, %add3A_383 : i32
      %min3A = arith.constant 159 : i32
      %min3A_385 = arith.minsi %add3A_384, %min3A : i32
      %mul3A_386 = arith.constant 5 : i32
      %mul3A_387 = arith.muli %min3A_385, %mul3A_386 : i32
      %add3A_388 = arith.addi %mul3A_2, %mul3A_387 : i32
      %dma_start3A_389 = arith.constant 0 : i32
      %dma_start3A_390 = arith.constant 0 : i32
      %dma_start3A_391 = arith.constant 0 : i32
      %dma_start3A_392 = arith.constant 0 : i32
      %dma_start3A_393 = tpu.memref_slice %arg6[%dma_start3A_389, %dma_start3A_391, %dma_start3A_392] : memref<2x5x128xi32, #tpu.memory_space<vmem>> -> memref<1x5x128xi32, #tpu.memory_space<vmem>>
      %dma_start3A_394 = tpu.memref_squeeze %dma_start3A_393 : memref<1x5x128xi32, #tpu.memory_space<vmem>> -> memref<5x128xi32, #tpu.memory_space<vmem>>
      %dma_start3A_395 = arith.constant 0 : i32
      %dma_start3A_396 = tpu.memref_slice %arg2[%add3A_388, %dma_start3A_395] : memref<25600x128xi32, #tpu.memory_space<hbm>> -> memref<5x128xi32, #tpu.memory_space<hbm>>
      %dma_start3A_397 = tpu.memref_slice %arg15[%dma_start3A_390] : memref<2x!tpu.dma_semaphore, #tpu.memory_space<semaphore_mem>> -> memref<1x!tpu.dma_semaphore, #tpu.memory_space<semaphore_mem>>
      %dma_start3A_398 = tpu.memref_squeeze %dma_start3A_397 : memref<1x!tpu.dma_semaphore, #tpu.memory_space<semaphore_mem>> -> memref<!tpu.dma_semaphore, #tpu.memory_space<semaphore_mem>>
      %dma_start3A_399 = arith.constant 0 : i32
      %dma_start3A_400 = arith.constant 0 : i32
      %dma_start3A_401 = tpu.memref_slice %arg6[%dma_start3A_389, %dma_start3A_399, %dma_start3A_400] : memref<2x5x128xi32, #tpu.memory_space<vmem>> -> memref<1x5x128xi32, #tpu.memory_space<vmem>>
      %dma_start3A_402 = tpu.memref_squeeze %dma_start3A_401 : memref<1x5x128xi32, #tpu.memory_space<vmem>> -> memref<5x128xi32, #tpu.memory_space<vmem>>
      %dma_start3A_403 = arith.constant 0 : i32
      %dma_start3A_404 = tpu.memref_slice %arg2[%add3A_388, %dma_start3A_403] : memref<25600x128xi32, #tpu.memory_space<hbm>> -> memref<5x128xi32, #tpu.memory_space<hbm>>
      tpu.enqueue_dma source(%dma_start3A_404 : memref<5x128xi32, #tpu.memory_space<hbm>>) target(%dma_start3A_402 : memref<5x128xi32, #tpu.memory_space<vmem>>) target_semaphore(%dma_start3A_398 : memref<!tpu.dma_semaphore, #tpu.memory_space<semaphore_mem>>)
      %dma_start3A_405 = arith.constant 0 : i32
      %dma_start3A_406 = arith.constant 0 : i32
      %dma_start3A_407 = arith.constant 0 : i32
      %dma_start3A_408 = arith.constant 0 : i32
      %dma_start3A_409 = tpu.memref_slice %arg7[%dma_start3A_405, %dma_start3A_407, %dma_start3A_408] : memref<2x5x128xi32, #tpu.memory_space<vmem>> -> memref<1x5x128xi32, #tpu.memory_space<vmem>>
      %dma_start3A_410 = tpu.memref_squeeze %dma_start3A_409 : memref<1x5x128xi32, #tpu.memory_space<vmem>> -> memref<5x128xi32, #tpu.memory_space<vmem>>
      %dma_start3A_411 = arith.constant 0 : i32
      %dma_start3A_412 = tpu.memref_slice %arg3[%add3A_388, %dma_start3A_411] : memref<25600x128xi32, #tpu.memory_space<hbm>> -> memref<5x128xi32, #tpu.memory_space<hbm>>
      %dma_start3A_413 = tpu.memref_slice %arg15[%dma_start3A_406] : memref<2x!tpu.dma_semaphore, #tpu.memory_space<semaphore_mem>> -> memref<1x!tpu.dma_semaphore, #tpu.memory_space<semaphore_mem>>
      %dma_start3A_414 = tpu.memref_squeeze %dma_start3A_413 : memref<1x!tpu.dma_semaphore, #tpu.memory_space<semaphore_mem>> -> memref<!tpu.dma_semaphore, #tpu.memory_space<semaphore_mem>>
      %dma_start3A_415 = arith.constant 0 : i32
      %dma_start3A_416 = arith.constant 0 : i32
      %dma_start3A_417 = tpu.memref_slice %arg7[%dma_start3A_405, %dma_start3A_415, %dma_start3A_416] : memref<2x5x128xi32, #tpu.memory_space<vmem>> -> memref<1x5x128xi32, #tpu.memory_space<vmem>>
      %dma_start3A_418 = tpu.memref_squeeze %dma_start3A_417 : memref<1x5x128xi32, #tpu.memory_space<vmem>> -> memref<5x128xi32, #tpu.memory_space<vmem>>
      %dma_start3A_419 = arith.constant 0 : i32
      %dma_start3A_420 = tpu.memref_slice %arg3[%add3A_388, %dma_start3A_419] : memref<25600x128xi32, #tpu.memory_space<hbm>> -> memref<5x128xi32, #tpu.memory_space<hbm>>
      tpu.enqueue_dma source(%dma_start3A_420 : memref<5x128xi32, #tpu.memory_space<hbm>>) target(%dma_start3A_418 : memref<5x128xi32, #tpu.memory_space<vmem>>) target_semaphore(%dma_start3A_414 : memref<!tpu.dma_semaphore, #tpu.memory_space<semaphore_mem>>)
      %dma_wait3A_421 = arith.constant 1 : i32
      %dma_wait3A_422 = arith.constant 1 : i32
      %dma_wait3A_423 = arith.constant 0 : i32
      %dma_wait3A_424 = arith.constant 0 : i32
      %dma_wait3A_425 = tpu.memref_slice %arg6[%dma_wait3A_421, %dma_wait3A_423, %dma_wait3A_424] : memref<2x5x128xi32, #tpu.memory_space<vmem>> -> memref<1x5x128xi32, #tpu.memory_space<vmem>>
      %dma_wait3A_426 = tpu.memref_squeeze %dma_wait3A_425 : memref<1x5x128xi32, #tpu.memory_space<vmem>> -> memref<5x128xi32, #tpu.memory_space<vmem>>
      %dma_wait3A_427 = arith.constant 0 : i32
      %dma_wait3A_428 = arith.constant 0 : i32
      %dma_wait3A_429 = tpu.memref_slice %arg2[%dma_wait3A_427, %dma_wait3A_428] : memref<25600x128xi32, #tpu.memory_space<hbm>> -> memref<5x128xi32, #tpu.memory_space<hbm>>
      %dma_wait3A_430 = tpu.memref_slice %arg15[%dma_wait3A_422] : memref<2x!tpu.dma_semaphore, #tpu.memory_space<semaphore_mem>> -> memref<1x!tpu.dma_semaphore, #tpu.memory_space<semaphore_mem>>
      %dma_wait3A_431 = tpu.memref_squeeze %dma_wait3A_430 : memref<1x!tpu.dma_semaphore, #tpu.memory_space<semaphore_mem>> -> memref<!tpu.dma_semaphore, #tpu.memory_space<semaphore_mem>>
      %dma_wait3A_432 = arith.constant 0 : i32
      %dma_wait3A_433 = arith.constant 0 : i32
      %dma_wait3A_434 = tpu.memref_slice %arg6[%dma_wait3A_421, %dma_wait3A_432, %dma_wait3A_433] : memref<2x5x128xi32, #tpu.memory_space<vmem>> -> memref<1x5x128xi32, #tpu.memory_space<vmem>>
      %dma_wait3A_435 = tpu.memref_squeeze %dma_wait3A_434 : memref<1x5x128xi32, #tpu.memory_space<vmem>> -> memref<5x128xi32, #tpu.memory_space<vmem>>
      %dma_wait3A_436 = arith.constant 0 : i32
      %dma_wait3A_437 = arith.constant 0 : i32
      %dma_wait3A_438 = tpu.memref_slice %arg2[%dma_wait3A_436, %dma_wait3A_437] : memref<25600x128xi32, #tpu.memory_space<hbm>> -> memref<5x128xi32, #tpu.memory_space<hbm>>
      tpu.wait_dma2 semaphore(%dma_wait3A_431 : memref<!tpu.dma_semaphore, #tpu.memory_space<semaphore_mem>>) src(%dma_wait3A_438 : memref<5x128xi32, #tpu.memory_space<hbm>>) dst(%dma_wait3A_435 : memref<5x128xi32, #tpu.memory_space<vmem>>)
      %dma_wait3A_439 = arith.constant 1 : i32
      %dma_wait3A_440 = arith.constant 1 : i32
      %dma_wait3A_441 = arith.constant 0 : i32
      %dma_wait3A_442 = arith.constant 0 : i32
      %dma_wait3A_443 = tpu.memref_slice %arg7[%dma_wait3A_439, %dma_wait3A_441, %dma_wait3A_442] : memref<2x5x128xi32, #tpu.memory_space<vmem>> -> memref<1x5x128xi32, #tpu.memory_space<vmem>>
      %dma_wait3A_444 = tpu.memref_squeeze %dma_wait3A_443 : memref<1x5x128xi32, #tpu.memory_space<vmem>> -> memref<5x128xi32, #tpu.memory_space<vmem>>
      %dma_wait3A_445 = arith.constant 0 : i32
      %dma_wait3A_446 = arith.constant 0 : i32
      %dma_wait3A_447 = tpu.memref_slice %arg3[%dma_wait3A_445, %dma_wait3A_446] : memref<25600x128xi32, #tpu.memory_space<hbm>> -> memref<5x128xi32, #tpu.memory_space<hbm>>
      %dma_wait3A_448 = tpu.memref_slice %arg15[%dma_wait3A_440] : memref<2x!tpu.dma_semaphore, #tpu.memory_space<semaphore_mem>> -> memref<1x!tpu.dma_semaphore, #tpu.memory_space<semaphore_mem>>
      %dma_wait3A_449 = tpu.memref_squeeze %dma_wait3A_448 : memref<1x!tpu.dma_semaphore, #tpu.memory_space<semaphore_mem>> -> memref<!tpu.dma_semaphore, #tpu.memory_space<semaphore_mem>>
      %dma_wait3A_450 = arith.constant 0 : i32
      %dma_wait3A_451 = arith.constant 0 : i32
      %dma_wait3A_452 = tpu.memref_slice %arg7[%dma_wait3A_439, %dma_wait3A_450, %dma_wait3A_451] : memref<2x5x128xi32, #tpu.memory_space<vmem>> -> memref<1x5x128xi32, #tpu.memory_space<vmem>>
      %dma_wait3A_453 = tpu.memref_squeeze %dma_wait3A_452 : memref<1x5x128xi32, #tpu.memory_space<vmem>> -> memref<5x128xi32, #tpu.memory_space<vmem>>
      %dma_wait3A_454 = arith.constant 0 : i32
      %dma_wait3A_455 = arith.constant 0 : i32
      %dma_wait3A_456 = tpu.memref_slice %arg3[%dma_wait3A_454, %dma_wait3A_455] : memref<25600x128xi32, #tpu.memory_space<hbm>> -> memref<5x128xi32, #tpu.memory_space<hbm>>
      tpu.wait_dma2 semaphore(%dma_wait3A_449 : memref<!tpu.dma_semaphore, #tpu.memory_space<semaphore_mem>>) src(%dma_wait3A_456 : memref<5x128xi32, #tpu.memory_space<hbm>>) dst(%dma_wait3A_453 : memref<5x128xi32, #tpu.memory_space<vmem>>)
      %dma_start3A_457 = arith.constant 1 : i32
      %dma_start3A_458 = arith.constant 0 : i32
      %dma_start3A_459 = arith.constant 1 : i32
      %dma_start3A_460 = arith.constant 1 : i32
      %dma_start3A_461 = arith.constant 0 : i32
      %dma_start3A_462 = arith.constant 0 : i32
      %dma_start3A_463 = tpu.memref_slice %arg8[%dma_start3A_459, %dma_start3A_461, %dma_start3A_462] : memref<2x640x32xf32, #tpu.memory_space<vmem>> -> memref<1x128x32xf32, #tpu.memory_space<vmem>>
      %dma_start3A_464 = tpu.memref_squeeze %dma_start3A_463 : memref<1x128x32xf32, #tpu.memory_space<vmem>> -> memref<128x32xf32, #tpu.memory_space<vmem>>
      %dma_start3A_465 = arith.constant 0 : i32
      %dma_start3A_466 = tpu.memref_slice %arg6[%dma_start3A_457, %dma_start3A_458, %dma_start3A_465] : memref<2x5x128xi32, #tpu.memory_space<vmem>> -> memref<1x1x128xi32, #tpu.memory_space<vmem>>
      %dma_start3A_467 = tpu.memref_squeeze %dma_start3A_466 : memref<1x1x128xi32, #tpu.memory_space<vmem>> -> memref<128xi32, #tpu.memory_space<vmem>>
      %dma_start3A_468 = arith.constant 0 : i32
      %dma_start3A_469 = arith.constant 0 : i32
      %dma_start3A_470 = tpu.memref_slice %arg4[%dma_start3A_468, %dma_start3A_469] : memref<1000000x32xf32, #tpu.memory_space<hbm>> -> memref<1000000x32xf32, #tpu.memory_space<hbm>>
      %dma_start3A_471 = tpu.memref_slice %arg14[%dma_start3A_460] : memref<2x!tpu.dma_semaphore, #tpu.memory_space<semaphore_mem>> -> memref<1x!tpu.dma_semaphore, #tpu.memory_space<semaphore_mem>>
      %dma_start3A_472 = tpu.memref_squeeze %dma_start3A_471 : memref<1x!tpu.dma_semaphore, #tpu.memory_space<semaphore_mem>> -> memref<!tpu.dma_semaphore, #tpu.memory_space<semaphore_mem>>
      tpu.enqueue_indirect_dma source(%dma_start3A_470 : memref<1000000x32xf32, #tpu.memory_space<hbm>>) target(%dma_start3A_464 : memref<128x32xf32, #tpu.memory_space<vmem>>) offsets(%dma_start3A_467 : memref<128xi32, #tpu.memory_space<vmem>>) semaphore(%dma_start3A_472 : memref<!tpu.dma_semaphore, #tpu.memory_space<semaphore_mem>>)
      %dma_start3A_473 = arith.constant 1 : i32
      %dma_start3A_474 = arith.constant 0 : i32
      %dma_start3A_475 = arith.constant 1 : i32
      %dma_start3A_476 = arith.constant 1 : i32
      %dma_start3A_477 = arith.constant 0 : i32
      %dma_start3A_478 = arith.constant 0 : i32
      %dma_start3A_479 = tpu.memref_slice %arg9[%dma_start3A_475, %dma_start3A_477, %dma_start3A_478] : memref<2x640x32xf32, #tpu.memory_space<vmem>> -> memref<1x128x32xf32, #tpu.memory_space<vmem>>
      %dma_start3A_480 = tpu.memref_squeeze %dma_start3A_479 : memref<1x128x32xf32, #tpu.memory_space<vmem>> -> memref<128x32xf32, #tpu.memory_space<vmem>>
      %dma_start3A_481 = arith.constant 0 : i32
      %dma_start3A_482 = tpu.memref_slice %arg7[%dma_start3A_473, %dma_start3A_474, %dma_start3A_481] : memref<2x5x128xi32, #tpu.memory_space<vmem>> -> memref<1x1x128xi32, #tpu.memory_space<vmem>>
      %dma_start3A_483 = tpu.memref_squeeze %dma_start3A_482 : memref<1x1x128xi32, #tpu.memory_space<vmem>> -> memref<128xi32, #tpu.memory_space<vmem>>
      %dma_start3A_484 = arith.constant 0 : i32
      %dma_start3A_485 = arith.constant 0 : i32
      %dma_start3A_486 = tpu.memref_slice %arg4[%dma_start3A_484, %dma_start3A_485] : memref<1000000x32xf32, #tpu.memory_space<hbm>> -> memref<1000000x32xf32, #tpu.memory_space<hbm>>
      %dma_start3A_487 = tpu.memref_slice %arg14[%dma_start3A_476] : memref<2x!tpu.dma_semaphore, #tpu.memory_space<semaphore_mem>> -> memref<1x!tpu.dma_semaphore, #tpu.memory_space<semaphore_mem>>
      %dma_start3A_488 = tpu.memref_squeeze %dma_start3A_487 : memref<1x!tpu.dma_semaphore, #tpu.memory_space<semaphore_mem>> -> memref<!tpu.dma_semaphore, #tpu.memory_space<semaphore_mem>>
      tpu.enqueue_indirect_dma source(%dma_start3A_486 : memref<1000000x32xf32, #tpu.memory_space<hbm>>) target(%dma_start3A_480 : memref<128x32xf32, #tpu.memory_space<vmem>>) offsets(%dma_start3A_483 : memref<128xi32, #tpu.memory_space<vmem>>) semaphore(%dma_start3A_488 : memref<!tpu.dma_semaphore, #tpu.memory_space<semaphore_mem>>)
      %dma_start3A_489 = arith.constant 1 : i32
      %dma_start3A_490 = arith.constant 1 : i32
      %dma_start3A_491 = arith.constant 1 : i32
      %dma_start3A_492 = arith.constant 1 : i32
      %dma_start3A_493 = arith.constant 128 : i32
      %dma_start3A_494 = arith.constant 0 : i32
      %dma_start3A_495 = tpu.memref_slice %arg8[%dma_start3A_491, %dma_start3A_493, %dma_start3A_494] : memref<2x640x32xf32, #tpu.memory_space<vmem>> -> memref<1x128x32xf32, #tpu.memory_space<vmem>>
      %dma_start3A_496 = tpu.memref_squeeze %dma_start3A_495 : memref<1x128x32xf32, #tpu.memory_space<vmem>> -> memref<128x32xf32, #tpu.memory_space<vmem>>
      %dma_start3A_497 = arith.constant 0 : i32
      %dma_start3A_498 = tpu.memref_slice %arg6[%dma_start3A_489, %dma_start3A_490, %dma_start3A_497] : memref<2x5x128xi32, #tpu.memory_space<vmem>> -> memref<1x1x128xi32, #tpu.memory_space<vmem>>
      %dma_start3A_499 = tpu.memref_squeeze %dma_start3A_498 : memref<1x1x128xi32, #tpu.memory_space<vmem>> -> memref<128xi32, #tpu.memory_space<vmem>>
      %dma_start3A_500 = arith.constant 0 : i32
      %dma_start3A_501 = arith.constant 0 : i32
      %dma_start3A_502 = tpu.memref_slice %arg4[%dma_start3A_500, %dma_start3A_501] : memref<1000000x32xf32, #tpu.memory_space<hbm>> -> memref<1000000x32xf32, #tpu.memory_space<hbm>>
      %dma_start3A_503 = tpu.memref_slice %arg14[%dma_start3A_492] : memref<2x!tpu.dma_semaphore, #tpu.memory_space<semaphore_mem>> -> memref<1x!tpu.dma_semaphore, #tpu.memory_space<semaphore_mem>>
      %dma_start3A_504 = tpu.memref_squeeze %dma_start3A_503 : memref<1x!tpu.dma_semaphore, #tpu.memory_space<semaphore_mem>> -> memref<!tpu.dma_semaphore, #tpu.memory_space<semaphore_mem>>
      tpu.enqueue_indirect_dma source(%dma_start3A_502 : memref<1000000x32xf32, #tpu.memory_space<hbm>>) target(%dma_start3A_496 : memref<128x32xf32, #tpu.memory_space<vmem>>) offsets(%dma_start3A_499 : memref<128xi32, #tpu.memory_space<vmem>>) semaphore(%dma_start3A_504 : memref<!tpu.dma_semaphore, #tpu.memory_space<semaphore_mem>>)
      %dma_start3A_505 = arith.constant 1 : i32
      %dma_start3A_506 = arith.constant 1 : i32
      %dma_start3A_507 = arith.constant 1 : i32
      %dma_start3A_508 = arith.constant 1 : i32
      %dma_start3A_509 = arith.constant 128 : i32
      %dma_start3A_510 = arith.constant 0 : i32
      %dma_start3A_511 = tpu.memref_slice %arg9[%dma_start3A_507, %dma_start3A_509, %dma_start3A_510] : memref<2x640x32xf32, #tpu.memory_space<vmem>> -> memref<1x128x32xf32, #tpu.memory_space<vmem>>
      %dma_start3A_512 = tpu.memref_squeeze %dma_start3A_511 : memref<1x128x32xf32, #tpu.memory_space<vmem>> -> memref<128x32xf32, #tpu.memory_space<vmem>>
      %dma_start3A_513 = arith.constant 0 : i32
      %dma_start3A_514 = tpu.memref_slice %arg7[%dma_start3A_505, %dma_start3A_506, %dma_start3A_513] : memref<2x5x128xi32, #tpu.memory_space<vmem>> -> memref<1x1x128xi32, #tpu.memory_space<vmem>>
      %dma_start3A_515 = tpu.memref_squeeze %dma_start3A_514 : memref<1x1x128xi32, #tpu.memory_space<vmem>> -> memref<128xi32, #tpu.memory_space<vmem>>
      %dma_start3A_516 = arith.constant 0 : i32
      %dma_start3A_517 = arith.constant 0 : i32
      %dma_start3A_518 = tpu.memref_slice %arg4[%dma_start3A_516, %dma_start3A_517] : memref<1000000x32xf32, #tpu.memory_space<hbm>> -> memref<1000000x32xf32, #tpu.memory_space<hbm>>
      %dma_start3A_519 = tpu.memref_slice %arg14[%dma_start3A_508] : memref<2x!tpu.dma_semaphore, #tpu.memory_space<semaphore_mem>> -> memref<1x!tpu.dma_semaphore, #tpu.memory_space<semaphore_mem>>
      %dma_start3A_520 = tpu.memref_squeeze %dma_start3A_519 : memref<1x!tpu.dma_semaphore, #tpu.memory_space<semaphore_mem>> -> memref<!tpu.dma_semaphore, #tpu.memory_space<semaphore_mem>>
      tpu.enqueue_indirect_dma source(%dma_start3A_518 : memref<1000000x32xf32, #tpu.memory_space<hbm>>) target(%dma_start3A_512 : memref<128x32xf32, #tpu.memory_space<vmem>>) offsets(%dma_start3A_515 : memref<128xi32, #tpu.memory_space<vmem>>) semaphore(%dma_start3A_520 : memref<!tpu.dma_semaphore, #tpu.memory_space<semaphore_mem>>)
      %dma_start3A_521 = arith.constant 1 : i32
      %dma_start3A_522 = arith.constant 2 : i32
      %dma_start3A_523 = arith.constant 1 : i32
      %dma_start3A_524 = arith.constant 1 : i32
      %dma_start3A_525 = arith.constant 256 : i32
      %dma_start3A_526 = arith.constant 0 : i32
      %dma_start3A_527 = tpu.memref_slice %arg8[%dma_start3A_523, %dma_start3A_525, %dma_start3A_526] : memref<2x640x32xf32, #tpu.memory_space<vmem>> -> memref<1x128x32xf32, #tpu.memory_space<vmem>>
      %dma_start3A_528 = tpu.memref_squeeze %dma_start3A_527 : memref<1x128x32xf32, #tpu.memory_space<vmem>> -> memref<128x32xf32, #tpu.memory_space<vmem>>
      %dma_start3A_529 = arith.constant 0 : i32
      %dma_start3A_530 = tpu.memref_slice %arg6[%dma_start3A_521, %dma_start3A_522, %dma_start3A_529] : memref<2x5x128xi32, #tpu.memory_space<vmem>> -> memref<1x1x128xi32, #tpu.memory_space<vmem>>
      %dma_start3A_531 = tpu.memref_squeeze %dma_start3A_530 : memref<1x1x128xi32, #tpu.memory_space<vmem>> -> memref<128xi32, #tpu.memory_space<vmem>>
      %dma_start3A_532 = arith.constant 0 : i32
      %dma_start3A_533 = arith.constant 0 : i32
      %dma_start3A_534 = tpu.memref_slice %arg4[%dma_start3A_532, %dma_start3A_533] : memref<1000000x32xf32, #tpu.memory_space<hbm>> -> memref<1000000x32xf32, #tpu.memory_space<hbm>>
      %dma_start3A_535 = tpu.memref_slice %arg14[%dma_start3A_524] : memref<2x!tpu.dma_semaphore, #tpu.memory_space<semaphore_mem>> -> memref<1x!tpu.dma_semaphore, #tpu.memory_space<semaphore_mem>>
      %dma_start3A_536 = tpu.memref_squeeze %dma_start3A_535 : memref<1x!tpu.dma_semaphore, #tpu.memory_space<semaphore_mem>> -> memref<!tpu.dma_semaphore, #tpu.memory_space<semaphore_mem>>
      tpu.enqueue_indirect_dma source(%dma_start3A_534 : memref<1000000x32xf32, #tpu.memory_space<hbm>>) target(%dma_start3A_528 : memref<128x32xf32, #tpu.memory_space<vmem>>) offsets(%dma_start3A_531 : memref<128xi32, #tpu.memory_space<vmem>>) semaphore(%dma_start3A_536 : memref<!tpu.dma_semaphore, #tpu.memory_space<semaphore_mem>>)
      %dma_start3A_537 = arith.constant 1 : i32
      %dma_start3A_538 = arith.constant 2 : i32
      %dma_start3A_539 = arith.constant 1 : i32
      %dma_start3A_540 = arith.constant 1 : i32
      %dma_start3A_541 = arith.constant 256 : i32
      %dma_start3A_542 = arith.constant 0 : i32
      %dma_start3A_543 = tpu.memref_slice %arg9[%dma_start3A_539, %dma_start3A_541, %dma_start3A_542] : memref<2x640x32xf32, #tpu.memory_space<vmem>> -> memref<1x128x32xf32, #tpu.memory_space<vmem>>
      %dma_start3A_544 = tpu.memref_squeeze %dma_start3A_543 : memref<1x128x32xf32, #tpu.memory_space<vmem>> -> memref<128x32xf32, #tpu.memory_space<vmem>>
      %dma_start3A_545 = arith.constant 0 : i32
      %dma_start3A_546 = tpu.memref_slice %arg7[%dma_start3A_537, %dma_start3A_538, %dma_start3A_545] : memref<2x5x128xi32, #tpu.memory_space<vmem>> -> memref<1x1x128xi32, #tpu.memory_space<vmem>>
      %dma_start3A_547 = tpu.memref_squeeze %dma_start3A_546 : memref<1x1x128xi32, #tpu.memory_space<vmem>> -> memref<128xi32, #tpu.memory_space<vmem>>
      %dma_start3A_548 = arith.constant 0 : i32
      %dma_start3A_549 = arith.constant 0 : i32
      %dma_start3A_550 = tpu.memref_slice %arg4[%dma_start3A_548, %dma_start3A_549] : memref<1000000x32xf32, #tpu.memory_space<hbm>> -> memref<1000000x32xf32, #tpu.memory_space<hbm>>
      %dma_start3A_551 = tpu.memref_slice %arg14[%dma_start3A_540] : memref<2x!tpu.dma_semaphore, #tpu.memory_space<semaphore_mem>> -> memref<1x!tpu.dma_semaphore, #tpu.memory_space<semaphore_mem>>
      %dma_start3A_552 = tpu.memref_squeeze %dma_start3A_551 : memref<1x!tpu.dma_semaphore, #tpu.memory_space<semaphore_mem>> -> memref<!tpu.dma_semaphore, #tpu.memory_space<semaphore_mem>>
      tpu.enqueue_indirect_dma source(%dma_start3A_550 : memref<1000000x32xf32, #tpu.memory_space<hbm>>) target(%dma_start3A_544 : memref<128x32xf32, #tpu.memory_space<vmem>>) offsets(%dma_start3A_547 : memref<128xi32, #tpu.memory_space<vmem>>) semaphore(%dma_start3A_552 : memref<!tpu.dma_semaphore, #tpu.memory_space<semaphore_mem>>)
      %dma_start3A_553 = arith.constant 1 : i32
      %dma_start3A_554 = arith.constant 3 : i32
      %dma_start3A_555 = arith.constant 1 : i32
      %dma_start3A_556 = arith.constant 1 : i32
      %dma_start3A_557 = arith.constant 384 : i32
      %dma_start3A_558 = arith.constant 0 : i32
      %dma_start3A_559 = tpu.memref_slice %arg8[%dma_start3A_555, %dma_start3A_557, %dma_start3A_558] : memref<2x640x32xf32, #tpu.memory_space<vmem>> -> memref<1x128x32xf32, #tpu.memory_space<vmem>>
      %dma_start3A_560 = tpu.memref_squeeze %dma_start3A_559 : memref<1x128x32xf32, #tpu.memory_space<vmem>> -> memref<128x32xf32, #tpu.memory_space<vmem>>
      %dma_start3A_561 = arith.constant 0 : i32
      %dma_start3A_562 = tpu.memref_slice %arg6[%dma_start3A_553, %dma_start3A_554, %dma_start3A_561] : memref<2x5x128xi32, #tpu.memory_space<vmem>> -> memref<1x1x128xi32, #tpu.memory_space<vmem>>
      %dma_start3A_563 = tpu.memref_squeeze %dma_start3A_562 : memref<1x1x128xi32, #tpu.memory_space<vmem>> -> memref<128xi32, #tpu.memory_space<vmem>>
      %dma_start3A_564 = arith.constant 0 : i32
      %dma_start3A_565 = arith.constant 0 : i32
      %dma_start3A_566 = tpu.memref_slice %arg4[%dma_start3A_564, %dma_start3A_565] : memref<1000000x32xf32, #tpu.memory_space<hbm>> -> memref<1000000x32xf32, #tpu.memory_space<hbm>>
      %dma_start3A_567 = tpu.memref_slice %arg14[%dma_start3A_556] : memref<2x!tpu.dma_semaphore, #tpu.memory_space<semaphore_mem>> -> memref<1x!tpu.dma_semaphore, #tpu.memory_space<semaphore_mem>>
      %dma_start3A_568 = tpu.memref_squeeze %dma_start3A_567 : memref<1x!tpu.dma_semaphore, #tpu.memory_space<semaphore_mem>> -> memref<!tpu.dma_semaphore, #tpu.memory_space<semaphore_mem>>
      tpu.enqueue_indirect_dma source(%dma_start3A_566 : memref<1000000x32xf32, #tpu.memory_space<hbm>>) target(%dma_start3A_560 : memref<128x32xf32, #tpu.memory_space<vmem>>) offsets(%dma_start3A_563 : memref<128xi32, #tpu.memory_space<vmem>>) semaphore(%dma_start3A_568 : memref<!tpu.dma_semaphore, #tpu.memory_space<semaphore_mem>>)
      %dma_start3A_569 = arith.constant 1 : i32
      %dma_start3A_570 = arith.constant 3 : i32
      %dma_start3A_571 = arith.constant 1 : i32
      %dma_start3A_572 = arith.constant 1 : i32
      %dma_start3A_573 = arith.constant 384 : i32
      %dma_start3A_574 = arith.constant 0 : i32
      %dma_start3A_575 = tpu.memref_slice %arg9[%dma_start3A_571, %dma_start3A_573, %dma_start3A_574] : memref<2x640x32xf32, #tpu.memory_space<vmem>> -> memref<1x128x32xf32, #tpu.memory_space<vmem>>
      %dma_start3A_576 = tpu.memref_squeeze %dma_start3A_575 : memref<1x128x32xf32, #tpu.memory_space<vmem>> -> memref<128x32xf32, #tpu.memory_space<vmem>>
      %dma_start3A_577 = arith.constant 0 : i32
      %dma_start3A_578 = tpu.memref_slice %arg7[%dma_start3A_569, %dma_start3A_570, %dma_start3A_577] : memref<2x5x128xi32, #tpu.memory_space<vmem>> -> memref<1x1x128xi32, #tpu.memory_space<vmem>>
      %dma_start3A_579 = tpu.memref_squeeze %dma_start3A_578 : memref<1x1x128xi32, #tpu.memory_space<vmem>> -> memref<128xi32, #tpu.memory_space<vmem>>
      %dma_start3A_580 = arith.constant 0 : i32
      %dma_start3A_581 = arith.constant 0 : i32
      %dma_start3A_582 = tpu.memref_slice %arg4[%dma_start3A_580, %dma_start3A_581] : memref<1000000x32xf32, #tpu.memory_space<hbm>> -> memref<1000000x32xf32, #tpu.memory_space<hbm>>
      %dma_start3A_583 = tpu.memref_slice %arg14[%dma_start3A_572] : memref<2x!tpu.dma_semaphore, #tpu.memory_space<semaphore_mem>> -> memref<1x!tpu.dma_semaphore, #tpu.memory_space<semaphore_mem>>
      %dma_start3A_584 = tpu.memref_squeeze %dma_start3A_583 : memref<1x!tpu.dma_semaphore, #tpu.memory_space<semaphore_mem>> -> memref<!tpu.dma_semaphore, #tpu.memory_space<semaphore_mem>>
      tpu.enqueue_indirect_dma source(%dma_start3A_582 : memref<1000000x32xf32, #tpu.memory_space<hbm>>) target(%dma_start3A_576 : memref<128x32xf32, #tpu.memory_space<vmem>>) offsets(%dma_start3A_579 : memref<128xi32, #tpu.memory_space<vmem>>) semaphore(%dma_start3A_584 : memref<!tpu.dma_semaphore, #tpu.memory_space<semaphore_mem>>)
      %dma_start3A_585 = arith.constant 1 : i32
      %dma_start3A_586 = arith.constant 4 : i32
      %dma_start3A_587 = arith.constant 1 : i32
      %dma_start3A_588 = arith.constant 1 : i32
      %dma_start3A_589 = arith.constant 512 : i32
      %dma_start3A_590 = arith.constant 0 : i32
      %dma_start3A_591 = tpu.memref_slice %arg8[%dma_start3A_587, %dma_start3A_589, %dma_start3A_590] : memref<2x640x32xf32, #tpu.memory_space<vmem>> -> memref<1x128x32xf32, #tpu.memory_space<vmem>>
      %dma_start3A_592 = tpu.memref_squeeze %dma_start3A_591 : memref<1x128x32xf32, #tpu.memory_space<vmem>> -> memref<128x32xf32, #tpu.memory_space<vmem>>
      %dma_start3A_593 = arith.constant 0 : i32
      %dma_start3A_594 = tpu.memref_slice %arg6[%dma_start3A_585, %dma_start3A_586, %dma_start3A_593] : memref<2x5x128xi32, #tpu.memory_space<vmem>> -> memref<1x1x128xi32, #tpu.memory_space<vmem>>
      %dma_start3A_595 = tpu.memref_squeeze %dma_start3A_594 : memref<1x1x128xi32, #tpu.memory_space<vmem>> -> memref<128xi32, #tpu.memory_space<vmem>>
      %dma_start3A_596 = arith.constant 0 : i32
      %dma_start3A_597 = arith.constant 0 : i32
      %dma_start3A_598 = tpu.memref_slice %arg4[%dma_start3A_596, %dma_start3A_597] : memref<1000000x32xf32, #tpu.memory_space<hbm>> -> memref<1000000x32xf32, #tpu.memory_space<hbm>>
      %dma_start3A_599 = tpu.memref_slice %arg14[%dma_start3A_588] : memref<2x!tpu.dma_semaphore, #tpu.memory_space<semaphore_mem>> -> memref<1x!tpu.dma_semaphore, #tpu.memory_space<semaphore_mem>>
      %dma_start3A_600 = tpu.memref_squeeze %dma_start3A_599 : memref<1x!tpu.dma_semaphore, #tpu.memory_space<semaphore_mem>> -> memref<!tpu.dma_semaphore, #tpu.memory_space<semaphore_mem>>
      tpu.enqueue_indirect_dma source(%dma_start3A_598 : memref<1000000x32xf32, #tpu.memory_space<hbm>>) target(%dma_start3A_592 : memref<128x32xf32, #tpu.memory_space<vmem>>) offsets(%dma_start3A_595 : memref<128xi32, #tpu.memory_space<vmem>>) semaphore(%dma_start3A_600 : memref<!tpu.dma_semaphore, #tpu.memory_space<semaphore_mem>>)
      %dma_start3A_601 = arith.constant 1 : i32
      %dma_start3A_602 = arith.constant 4 : i32
      %dma_start3A_603 = arith.constant 1 : i32
      %dma_start3A_604 = arith.constant 1 : i32
      %dma_start3A_605 = arith.constant 512 : i32
      %dma_start3A_606 = arith.constant 0 : i32
      %dma_start3A_607 = tpu.memref_slice %arg9[%dma_start3A_603, %dma_start3A_605, %dma_start3A_606] : memref<2x640x32xf32, #tpu.memory_space<vmem>> -> memref<1x128x32xf32, #tpu.memory_space<vmem>>
      %dma_start3A_608 = tpu.memref_squeeze %dma_start3A_607 : memref<1x128x32xf32, #tpu.memory_space<vmem>> -> memref<128x32xf32, #tpu.memory_space<vmem>>
      %dma_start3A_609 = arith.constant 0 : i32
      %dma_start3A_610 = tpu.memref_slice %arg7[%dma_start3A_601, %dma_start3A_602, %dma_start3A_609] : memref<2x5x128xi32, #tpu.memory_space<vmem>> -> memref<1x1x128xi32, #tpu.memory_space<vmem>>
      %dma_start3A_611 = tpu.memref_squeeze %dma_start3A_610 : memref<1x1x128xi32, #tpu.memory_space<vmem>> -> memref<128xi32, #tpu.memory_space<vmem>>
      %dma_start3A_612 = arith.constant 0 : i32
      %dma_start3A_613 = arith.constant 0 : i32
      %dma_start3A_614 = tpu.memref_slice %arg4[%dma_start3A_612, %dma_start3A_613] : memref<1000000x32xf32, #tpu.memory_space<hbm>> -> memref<1000000x32xf32, #tpu.memory_space<hbm>>
      %dma_start3A_615 = tpu.memref_slice %arg14[%dma_start3A_604] : memref<2x!tpu.dma_semaphore, #tpu.memory_space<semaphore_mem>> -> memref<1x!tpu.dma_semaphore, #tpu.memory_space<semaphore_mem>>
      %dma_start3A_616 = tpu.memref_squeeze %dma_start3A_615 : memref<1x!tpu.dma_semaphore, #tpu.memory_space<semaphore_mem>> -> memref<!tpu.dma_semaphore, #tpu.memory_space<semaphore_mem>>
      tpu.enqueue_indirect_dma source(%dma_start3A_614 : memref<1000000x32xf32, #tpu.memory_space<hbm>>) target(%dma_start3A_608 : memref<128x32xf32, #tpu.memory_space<vmem>>) offsets(%dma_start3A_611 : memref<128xi32, #tpu.memory_space<vmem>>) semaphore(%dma_start3A_616 : memref<!tpu.dma_semaphore, #tpu.memory_space<semaphore_mem>>)
      %parallel_loop3A = arith.constant 0 : i32
      %parallel_loop3A_617 = arith.constant 640 : i32
      %parallel_loop3A_618 = arith.constant 1 : i32
      scf.for %parallel_loop3A_909 = %parallel_loop3A to %parallel_loop3A_617 step %parallel_loop3A_618  : i32 {
        %parallel_loop3A_910 = arith.constant 0 : i32
        %parallel_loop3A_911 = arith.index_cast %parallel_loop3A_910 : i32 to index
        %parallel_loop3A_912 = arith.index_cast %parallel_loop3A_909 : i32 to index
        %parallel_loop3A_913 = arith.constant 0 : index
        %parallel_loop3A_914 = tpu.vector_load %arg8[%parallel_loop3A_911, %parallel_loop3A_912, %parallel_loop3A_913] {strides = array<i32>} : memref<2x640x32xf32, #tpu.memory_space<vmem>>, vector<16xf32>,
        %parallel_loop3A_915 = arith.constant 0 : i32
        %parallel_loop3A_916 = arith.index_cast %parallel_loop3A_915 : i32 to index
        %parallel_loop3A_917 = arith.index_cast %parallel_loop3A_909 : i32 to index
        %parallel_loop3A_918 = arith.constant 16 : index
        %parallel_loop3A_919 = tpu.vector_load %arg8[%parallel_loop3A_916, %parallel_loop3A_917, %parallel_loop3A_918] {strides = array<i32>} : memref<2x640x32xf32, #tpu.memory_space<vmem>>, vector<16xf32>,
        %parallel_loop3A_920 = arith.constant 0 : i32
        %parallel_loop3A_921 = arith.index_cast %parallel_loop3A_920 : i32 to index
        %parallel_loop3A_922 = arith.index_cast %parallel_loop3A_909 : i32 to index
        %parallel_loop3A_923 = arith.constant 0 : index
        %parallel_loop3A_924 = tpu.vector_load %arg9[%parallel_loop3A_921, %parallel_loop3A_922, %parallel_loop3A_923] {strides = array<i32>} : memref<2x640x32xf32, #tpu.memory_space<vmem>>, vector<16xf32>,
        %parallel_loop3A_925 = arith.constant 0 : i32
        %parallel_loop3A_926 = arith.index_cast %parallel_loop3A_925 : i32 to index
        %parallel_loop3A_927 = arith.index_cast %parallel_loop3A_909 : i32 to index
        %parallel_loop3A_928 = arith.constant 16 : index
        %parallel_loop3A_929 = tpu.vector_load %arg9[%parallel_loop3A_926, %parallel_loop3A_927, %parallel_loop3A_928] {strides = array<i32>} : memref<2x640x32xf32, #tpu.memory_space<vmem>>, vector<16xf32>,
        %parallel_loop3A_930 = arith.mulf %parallel_loop3A_914, %parallel_loop3A_924 : vector<16xf32>
        %parallel_loop3A_931 = arith.mulf %parallel_loop3A_919, %parallel_loop3A_929 : vector<16xf32>
        %parallel_loop3A_932 = arith.addf %parallel_loop3A_930, %parallel_loop3A_931 : vector<16xf32>
        %parallel_loop3A_933 = arith.constant true
        %parallel_loop3A_934 = vector.broadcast %parallel_loop3A_933 : i1 to vector<16xi1>
        %parallel_loop3A_935 = tpu.scan <sum>, %parallel_loop3A_932 masked %parallel_loop3A_934 : vector<16xf32>, vector<16xi1> -> vector<16xf32>
        %parallel_loop3A_936 = arith.constant 17 : i32
        %parallel_loop3A_937 = arith.muli %parallel_loop3A_909, %parallel_loop3A_936 : i32
        %parallel_loop3A_938 = arith.index_cast %parallel_loop3A_937 : i32 to index
        %parallel_loop3A_939 = tpu.vector_load %arg10[%parallel_loop3A_938] {strides = array<i32>} : memref<10880xf32, #tpu.memory_space<vmem>>, vector<16xf32>,
        tpu.vector_store %arg10[%parallel_loop3A_938], %parallel_loop3A_935 {strides = array<i32>} : memref<10880xf32, #tpu.memory_space<vmem>>, vector<16xf32>,
        %parallel_loop3A_940 = arith.mulf %parallel_loop3A_914, %parallel_loop3A_914 : vector<16xf32>
        %parallel_loop3A_941 = arith.mulf %parallel_loop3A_919, %parallel_loop3A_919 : vector<16xf32>
        %parallel_loop3A_942 = arith.addf %parallel_loop3A_940, %parallel_loop3A_941 : vector<16xf32>
        %parallel_loop3A_943 = arith.constant true
        %parallel_loop3A_944 = vector.broadcast %parallel_loop3A_943 : i1 to vector<16xi1>
        %parallel_loop3A_945 = tpu.scan <sum>, %parallel_loop3A_942 masked %parallel_loop3A_944 : vector<16xf32>, vector<16xi1> -> vector<16xf32>
        %parallel_loop3A_946 = arith.constant 17 : i32
        %parallel_loop3A_947 = arith.muli %parallel_loop3A_909, %parallel_loop3A_946 : i32
        %parallel_loop3A_948 = arith.index_cast %parallel_loop3A_947 : i32 to index
        %parallel_loop3A_949 = tpu.vector_load %arg11[%parallel_loop3A_948] {strides = array<i32>} : memref<10880xf32, #tpu.memory_space<vmem>>, vector<16xf32>,
        tpu.vector_store %arg11[%parallel_loop3A_948], %parallel_loop3A_945 {strides = array<i32>} : memref<10880xf32, #tpu.memory_space<vmem>>, vector<16xf32>,
        %parallel_loop3A_950 = arith.mulf %parallel_loop3A_924, %parallel_loop3A_924 : vector<16xf32>
        %parallel_loop3A_951 = arith.mulf %parallel_loop3A_929, %parallel_loop3A_929 : vector<16xf32>
        %parallel_loop3A_952 = arith.addf %parallel_loop3A_950, %parallel_loop3A_951 : vector<16xf32>
        %parallel_loop3A_953 = arith.constant true
        %parallel_loop3A_954 = vector.broadcast %parallel_loop3A_953 : i1 to vector<16xi1>
        %parallel_loop3A_955 = tpu.scan <sum>, %parallel_loop3A_952 masked %parallel_loop3A_954 : vector<16xf32>, vector<16xi1> -> vector<16xf32>
        %parallel_loop3A_956 = arith.constant 17 : i32
        %parallel_loop3A_957 = arith.muli %parallel_loop3A_909, %parallel_loop3A_956 : i32
        %parallel_loop3A_958 = arith.index_cast %parallel_loop3A_957 : i32 to index
        %parallel_loop3A_959 = tpu.vector_load %arg12[%parallel_loop3A_958] {strides = array<i32>} : memref<10880xf32, #tpu.memory_space<vmem>>, vector<16xf32>,
        tpu.vector_store %arg12[%parallel_loop3A_958], %parallel_loop3A_955 {strides = array<i32>} : memref<10880xf32, #tpu.memory_space<vmem>>, vector<16xf32>,
      } {sc.loop_unroll_factor = 8 : i64, sc.parallel_access}
      %parallel_loop3A_619 = arith.constant 0 : i32
      %parallel_loop3A_620 = arith.constant 40 : i32
      %parallel_loop3A_621 = arith.constant 1 : i32
      scf.for %parallel_loop3A_909 = %parallel_loop3A_619 to %parallel_loop3A_620 step %parallel_loop3A_621  : i32 {
        %parallel_loop3A_910 = arith.constant 16 : i32
        %parallel_loop3A_911 = arith.muli %parallel_loop3A_909, %parallel_loop3A_910 : i32
        %parallel_loop3A_912 = vector.broadcast %parallel_loop3A_911 : i32 to vector<16xi32>
        %parallel_loop3A_913 = arith.addi %parallel_loop3A_912, %iota3A : vector<16xi32>
        %parallel_loop3A_914 = arith.constant 17 : i32
        %parallel_loop3A_915 = vector.broadcast %parallel_loop3A_914 : i32 to vector<16xi32>
        %parallel_loop3A_916 = arith.muli %parallel_loop3A_913, %parallel_loop3A_915 : vector<16xi32>
        %parallel_loop3A_917 = arith.constant 15 : i32
        %parallel_loop3A_918 = vector.broadcast %parallel_loop3A_917 : i32 to vector<16xi32>
        %parallel_loop3A_919 = arith.addi %parallel_loop3A_916, %parallel_loop3A_918 : vector<16xi32>
        %parallel_loop3A_920 = tpu.vector_load_idx %arg10[%parallel_loop3A_919] : memref<10880xf32, #tpu.memory_space<vmem>>[vector<16xi32>], vector<16xf32>,
        %parallel_loop3A_921 = tpu.vector_load_idx %arg11[%parallel_loop3A_919] : memref<10880xf32, #tpu.memory_space<vmem>>[vector<16xi32>], vector<16xf32>,
        %parallel_loop3A_922 = arith.constant 1.000000e+00 : f32
        %parallel_loop3A_923 = vector.broadcast %parallel_loop3A_922 : f32 to vector<16xf32>
        %parallel_loop3A_924 = arith.maximumf %parallel_loop3A_921, %parallel_loop3A_923 : vector<16xf32>
        %parallel_loop3A_925 = tpu.vector_load_idx %arg12[%parallel_loop3A_919] : memref<10880xf32, #tpu.memory_space<vmem>>[vector<16xi32>], vector<16xf32>,
        %parallel_loop3A_926 = arith.constant 1.000000e+00 : f32
        %parallel_loop3A_927 = vector.broadcast %parallel_loop3A_926 : f32 to vector<16xf32>
        %parallel_loop3A_928 = arith.maximumf %parallel_loop3A_925, %parallel_loop3A_927 : vector<16xf32>
        %parallel_loop3A_929 = tpu.bitcast %parallel_loop3A_924 : vector<16xf32> -> vector<16xi32>
        %parallel_loop3A_930 = arith.constant 1 : i32
        %parallel_loop3A_931 = vector.broadcast %parallel_loop3A_930 : i32 to vector<16xi32>
        %parallel_loop3A_932 = arith.shrsi %parallel_loop3A_929, %parallel_loop3A_931 : vector<16xi32>
        %parallel_loop3A_933 = arith.constant 1597463007 : i32
        %parallel_loop3A_934 = vector.broadcast %parallel_loop3A_933 : i32 to vector<16xi32>
        %parallel_loop3A_935 = arith.subi %parallel_loop3A_934, %parallel_loop3A_932 : vector<16xi32>
        %parallel_loop3A_936 = tpu.bitcast %parallel_loop3A_935 : vector<16xi32> -> vector<16xf32>
        %parallel_loop3A_937 = arith.constant 5.000000e-01 : f32
        %parallel_loop3A_938 = vector.broadcast %parallel_loop3A_937 : f32 to vector<16xf32>
        %parallel_loop3A_939 = arith.mulf %parallel_loop3A_938, %parallel_loop3A_924 : vector<16xf32>
        %parallel_loop3A_940 = arith.mulf %parallel_loop3A_939, %parallel_loop3A_936 : vector<16xf32>
        %parallel_loop3A_941 = arith.mulf %parallel_loop3A_940, %parallel_loop3A_936 : vector<16xf32>
        %parallel_loop3A_942 = arith.constant 1.500000e+00 : f32
        %parallel_loop3A_943 = vector.broadcast %parallel_loop3A_942 : f32 to vector<16xf32>
        %parallel_loop3A_944 = arith.subf %parallel_loop3A_943, %parallel_loop3A_941 : vector<16xf32>
        %parallel_loop3A_945 = arith.mulf %parallel_loop3A_936, %parallel_loop3A_944 : vector<16xf32>
        %parallel_loop3A_946 = arith.constant 5.000000e-01 : f32
        %parallel_loop3A_947 = vector.broadcast %parallel_loop3A_946 : f32 to vector<16xf32>
        %parallel_loop3A_948 = arith.mulf %parallel_loop3A_947, %parallel_loop3A_924 : vector<16xf32>
        %parallel_loop3A_949 = arith.mulf %parallel_loop3A_948, %parallel_loop3A_945 : vector<16xf32>
        %parallel_loop3A_950 = arith.mulf %parallel_loop3A_949, %parallel_loop3A_945 : vector<16xf32>
        %parallel_loop3A_951 = arith.constant 1.500000e+00 : f32
        %parallel_loop3A_952 = vector.broadcast %parallel_loop3A_951 : f32 to vector<16xf32>
        %parallel_loop3A_953 = arith.subf %parallel_loop3A_952, %parallel_loop3A_950 : vector<16xf32>
        %parallel_loop3A_954 = arith.mulf %parallel_loop3A_945, %parallel_loop3A_953 : vector<16xf32>
        %parallel_loop3A_955 = arith.constant 5.000000e-01 : f32
        %parallel_loop3A_956 = vector.broadcast %parallel_loop3A_955 : f32 to vector<16xf32>
        %parallel_loop3A_957 = arith.mulf %parallel_loop3A_956, %parallel_loop3A_924 : vector<16xf32>
        %parallel_loop3A_958 = arith.mulf %parallel_loop3A_957, %parallel_loop3A_954 : vector<16xf32>
        %parallel_loop3A_959 = arith.mulf %parallel_loop3A_958, %parallel_loop3A_954 : vector<16xf32>
        %parallel_loop3A_960 = arith.constant 1.500000e+00 : f32
        %parallel_loop3A_961 = vector.broadcast %parallel_loop3A_960 : f32 to vector<16xf32>
        %parallel_loop3A_962 = arith.subf %parallel_loop3A_961, %parallel_loop3A_959 : vector<16xf32>
        %parallel_loop3A_963 = arith.mulf %parallel_loop3A_954, %parallel_loop3A_962 : vector<16xf32>
        %parallel_loop3A_964 = arith.mulf %parallel_loop3A_920, %parallel_loop3A_963 : vector<16xf32>
        %parallel_loop3A_965 = tpu.bitcast %parallel_loop3A_928 : vector<16xf32> -> vector<16xi32>
        %parallel_loop3A_966 = arith.constant 1 : i32
        %parallel_loop3A_967 = vector.broadcast %parallel_loop3A_966 : i32 to vector<16xi32>
        %parallel_loop3A_968 = arith.shrsi %parallel_loop3A_965, %parallel_loop3A_967 : vector<16xi32>
        %parallel_loop3A_969 = arith.constant 1597463007 : i32
        %parallel_loop3A_970 = vector.broadcast %parallel_loop3A_969 : i32 to vector<16xi32>
        %parallel_loop3A_971 = arith.subi %parallel_loop3A_970, %parallel_loop3A_968 : vector<16xi32>
        %parallel_loop3A_972 = tpu.bitcast %parallel_loop3A_971 : vector<16xi32> -> vector<16xf32>
        %parallel_loop3A_973 = arith.constant 5.000000e-01 : f32
        %parallel_loop3A_974 = vector.broadcast %parallel_loop3A_973 : f32 to vector<16xf32>
        %parallel_loop3A_975 = arith.mulf %parallel_loop3A_974, %parallel_loop3A_928 : vector<16xf32>
        %parallel_loop3A_976 = arith.mulf %parallel_loop3A_975, %parallel_loop3A_972 : vector<16xf32>
        %parallel_loop3A_977 = arith.mulf %parallel_loop3A_976, %parallel_loop3A_972 : vector<16xf32>
        %parallel_loop3A_978 = arith.constant 1.500000e+00 : f32
        %parallel_loop3A_979 = vector.broadcast %parallel_loop3A_978 : f32 to vector<16xf32>
        %parallel_loop3A_980 = arith.subf %parallel_loop3A_979, %parallel_loop3A_977 : vector<16xf32>
        %parallel_loop3A_981 = arith.mulf %parallel_loop3A_972, %parallel_loop3A_980 : vector<16xf32>
        %parallel_loop3A_982 = arith.constant 5.000000e-01 : f32
        %parallel_loop3A_983 = vector.broadcast %parallel_loop3A_982 : f32 to vector<16xf32>
        %parallel_loop3A_984 = arith.mulf %parallel_loop3A_983, %parallel_loop3A_928 : vector<16xf32>
        %parallel_loop3A_985 = arith.mulf %parallel_loop3A_984, %parallel_loop3A_981 : vector<16xf32>
        %parallel_loop3A_986 = arith.mulf %parallel_loop3A_985, %parallel_loop3A_981 : vector<16xf32>
        %parallel_loop3A_987 = arith.constant 1.500000e+00 : f32
        %parallel_loop3A_988 = vector.broadcast %parallel_loop3A_987 : f32 to vector<16xf32>
        %parallel_loop3A_989 = arith.subf %parallel_loop3A_988, %parallel_loop3A_986 : vector<16xf32>
        %parallel_loop3A_990 = arith.mulf %parallel_loop3A_981, %parallel_loop3A_989 : vector<16xf32>
        %parallel_loop3A_991 = arith.constant 5.000000e-01 : f32
        %parallel_loop3A_992 = vector.broadcast %parallel_loop3A_991 : f32 to vector<16xf32>
        %parallel_loop3A_993 = arith.mulf %parallel_loop3A_992, %parallel_loop3A_928 : vector<16xf32>
        %parallel_loop3A_994 = arith.mulf %parallel_loop3A_993, %parallel_loop3A_990 : vector<16xf32>
        %parallel_loop3A_995 = arith.mulf %parallel_loop3A_994, %parallel_loop3A_990 : vector<16xf32>
        %parallel_loop3A_996 = arith.constant 1.500000e+00 : f32
        %parallel_loop3A_997 = vector.broadcast %parallel_loop3A_996 : f32 to vector<16xf32>
        %parallel_loop3A_998 = arith.subf %parallel_loop3A_997, %parallel_loop3A_995 : vector<16xf32>
        %parallel_loop3A_999 = arith.mulf %parallel_loop3A_990, %parallel_loop3A_998 : vector<16xf32>
        %parallel_loop3A_1000 = arith.mulf %parallel_loop3A_964, %parallel_loop3A_999 : vector<16xf32>
        %parallel_loop3A_1001 = arith.constant 8 : i32
        %parallel_loop3A_1002 = arith.divsi %parallel_loop3A_909, %parallel_loop3A_1001 : i32
        %parallel_loop3A_1003 = arith.constant 0 : i32
        %parallel_loop3A_1004 = arith.cmpi sgt, %parallel_loop3A_909, %parallel_loop3A_1003 : i32
        %parallel_loop3A_1005 = arith.extui %parallel_loop3A_1004 : i1 to i32
        %parallel_loop3A_1006 = arith.constant 0 : i32
        %parallel_loop3A_1007 = arith.cmpi slt, %parallel_loop3A_909, %parallel_loop3A_1006 : i32
        %parallel_loop3A_1008 = arith.extui %parallel_loop3A_1007 : i1 to i32
        %parallel_loop3A_1009 = arith.subi %parallel_loop3A_1005, %parallel_loop3A_1008 : i32
        %parallel_loop3A_1010 = arith.constant 0 : i32
        %parallel_loop3A_1011 = arith.cmpi sgt, %parallel_loop3A_1001, %parallel_loop3A_1010 : i32
        %parallel_loop3A_1012 = arith.extui %parallel_loop3A_1011 : i1 to i32
        %parallel_loop3A_1013 = arith.constant 0 : i32
        %parallel_loop3A_1014 = arith.cmpi slt, %parallel_loop3A_1001, %parallel_loop3A_1013 : i32
        %parallel_loop3A_1015 = arith.extui %parallel_loop3A_1014 : i1 to i32
        %parallel_loop3A_1016 = arith.subi %parallel_loop3A_1012, %parallel_loop3A_1015 : i32
        %parallel_loop3A_1017 = arith.cmpi ne, %parallel_loop3A_1009, %parallel_loop3A_1016 : i32
        %parallel_loop3A_1018 = arith.remsi %parallel_loop3A_909, %parallel_loop3A_1001 : i32
        %parallel_loop3A_1019 = arith.constant 0 : i32
        %parallel_loop3A_1020 = arith.cmpi ne, %parallel_loop3A_1018, %parallel_loop3A_1019 : i32
        %parallel_loop3A_1021 = arith.andi %parallel_loop3A_1017, %parallel_loop3A_1020 : i1
        %parallel_loop3A_1022 = arith.constant 1 : i32
        %parallel_loop3A_1023 = arith.subi %parallel_loop3A_1002, %parallel_loop3A_1022 : i32
        %parallel_loop3A_1024 = arith.select %parallel_loop3A_1021, %parallel_loop3A_1023, %parallel_loop3A_1002 : i32
        %parallel_loop3A_1025 = arith.constant 8 : i32
        %parallel_loop3A_1026 = arith.constant 0 : i32
        %parallel_loop3A_1027 = arith.cmpi eq, %parallel_loop3A_1025, %parallel_loop3A_1026 : i32
        %parallel_loop3A_1028 = arith.constant 1 : i32
        %parallel_loop3A_1029 = arith.select %parallel_loop3A_1027, %parallel_loop3A_1028, %parallel_loop3A_1025 : i32
        %parallel_loop3A_1030 = arith.remsi %parallel_loop3A_909, %parallel_loop3A_1029 : i32
        %parallel_loop3A_1031 = arith.constant 0 : i32
        %parallel_loop3A_1032 = arith.cmpi ne, %parallel_loop3A_1030, %parallel_loop3A_1031 : i32
        %parallel_loop3A_1033 = arith.constant 0 : i32
        %parallel_loop3A_1034 = arith.cmpi slt, %parallel_loop3A_1030, %parallel_loop3A_1033 : i32
        %parallel_loop3A_1035 = arith.constant 0 : i32
        %parallel_loop3A_1036 = arith.cmpi slt, %parallel_loop3A_1029, %parallel_loop3A_1035 : i32
        %parallel_loop3A_1037 = arith.xori %parallel_loop3A_1034, %parallel_loop3A_1036 : i1
        %parallel_loop3A_1038 = arith.andi %parallel_loop3A_1037, %parallel_loop3A_1032 : i1
        %parallel_loop3A_1039 = arith.addi %parallel_loop3A_1030, %parallel_loop3A_1029 : i32
        %parallel_loop3A_1040 = arith.select %parallel_loop3A_1038, %parallel_loop3A_1039, %parallel_loop3A_1030 : i32
        %parallel_loop3A_1041 = arith.constant 16 : i32
        %parallel_loop3A_1042 = arith.muli %parallel_loop3A_1040, %parallel_loop3A_1041 : i32
        %parallel_loop3A_1043 = arith.index_cast %parallel_loop3A_1024 : i32 to index
        %parallel_loop3A_1044 = arith.index_cast %parallel_loop3A_1042 : i32 to index
        %parallel_loop3A_1045 = tpu.vector_load %arg13[%parallel_loop3A_1043, %parallel_loop3A_1044] {strides = array<i32>} : memref<5x128xf32, #tpu.memory_space<vmem>>, vector<16xf32>,
        tpu.vector_store %arg13[%parallel_loop3A_1043, %parallel_loop3A_1044], %parallel_loop3A_1000 {strides = array<i32>} : memref<5x128xf32, #tpu.memory_space<vmem>>, vector<16xf32>,
      } {sc.loop_unroll_factor = 4 : i64, sc.parallel_access}
      %mul3A_622 = arith.constant 5 : i32
      %mul3A_623 = arith.muli %add3A_346, %mul3A_622 : i32
      %add3A_624 = arith.addi %mul3A_2, %mul3A_623 : i32
      "tpu.region"() ({
        %run_scoped3A = tpu.sem_alloc : memref<!tpu.dma_semaphore, #tpu.memory_space<semaphore_mem>>
        %dma_start3A_909 = arith.constant 0 : i32
        %dma_start3A_910 = tpu.memref_slice %arg5[%add3A_624, %dma_start3A_909] : memref<25600x128xf32, #tpu.memory_space<hbm>> -> memref<5x128xf32, #tpu.memory_space<hbm>>
        %dma_start3A_911 = arith.constant 0 : i32
        %dma_start3A_912 = tpu.memref_slice %arg5[%add3A_624, %dma_start3A_911] : memref<25600x128xf32, #tpu.memory_space<hbm>> -> memref<5x128xf32, #tpu.memory_space<hbm>>
        tpu.enqueue_dma source(%arg13 : memref<5x128xf32, #tpu.memory_space<vmem>>) target(%dma_start3A_912 : memref<5x128xf32, #tpu.memory_space<hbm>>) target_semaphore(%run_scoped3A : memref<!tpu.dma_semaphore, #tpu.memory_space<semaphore_mem>>)
        %dma_wait3A_913 = arith.constant 0 : i32
        %dma_wait3A_914 = tpu.memref_slice %arg5[%add3A_624, %dma_wait3A_913] : memref<25600x128xf32, #tpu.memory_space<hbm>> -> memref<5x128xf32, #tpu.memory_space<hbm>>
        %dma_wait3A_915 = arith.constant 0 : i32
        %dma_wait3A_916 = tpu.memref_slice %arg5[%add3A_624, %dma_wait3A_915] : memref<25600x128xf32, #tpu.memory_space<hbm>> -> memref<5x128xf32, #tpu.memory_space<hbm>>
        tpu.wait_dma2 semaphore(%run_scoped3A : memref<!tpu.dma_semaphore, #tpu.memory_space<semaphore_mem>>) src(%arg13 : memref<5x128xf32, #tpu.memory_space<vmem>>) dst(%dma_wait3A_916 : memref<5x128xf32, #tpu.memory_space<hbm>>)
        tpu.yield
      }) : () -> ()
      %mul3A_625 = arith.constant 2 : i32
      %mul3A_626 = arith.muli %scan3A_342, %mul3A_625 : i32
      %add3A_627 = arith.constant 1 : i32
      %add3A_628 = arith.addi %mul3A_626, %add3A_627 : i32
      %dma_wait3A_629 = arith.constant 1 : i32
      %dma_wait3A_630 = arith.constant 1 : i32
      %dma_wait3A_631 = arith.constant 0 : i32
      %dma_wait3A_632 = arith.constant 0 : i32
      %dma_wait3A_633 = tpu.memref_slice %arg8[%dma_wait3A_629, %dma_wait3A_631, %dma_wait3A_632] : memref<2x640x32xf32, #tpu.memory_space<vmem>> -> memref<1x640x32xf32, #tpu.memory_space<vmem>>
      %dma_wait3A_634 = tpu.memref_squeeze %dma_wait3A_633 : memref<1x640x32xf32, #tpu.memory_space<vmem>> -> memref<640x32xf32, #tpu.memory_space<vmem>>
      %dma_wait3A_635 = arith.constant 0 : i32
      %dma_wait3A_636 = arith.constant 0 : i32
      %dma_wait3A_637 = tpu.memref_slice %arg4[%dma_wait3A_635, %dma_wait3A_636] : memref<1000000x32xf32, #tpu.memory_space<hbm>> -> memref<640x32xf32, #tpu.memory_space<hbm>>
      %dma_wait3A_638 = tpu.memref_slice %arg14[%dma_wait3A_630] : memref<2x!tpu.dma_semaphore, #tpu.memory_space<semaphore_mem>> -> memref<1x!tpu.dma_semaphore, #tpu.memory_space<semaphore_mem>>
      %dma_wait3A_639 = tpu.memref_squeeze %dma_wait3A_638 : memref<1x!tpu.dma_semaphore, #tpu.memory_space<semaphore_mem>> -> memref<!tpu.dma_semaphore, #tpu.memory_space<semaphore_mem>>
      %dma_wait3A_640 = arith.constant 0 : i32
      %dma_wait3A_641 = arith.constant 0 : i32
      %dma_wait3A_642 = tpu.memref_slice %arg8[%dma_wait3A_629, %dma_wait3A_640, %dma_wait3A_641] : memref<2x640x32xf32, #tpu.memory_space<vmem>> -> memref<1x640x32xf32, #tpu.memory_space<vmem>>
      %dma_wait3A_643 = tpu.memref_squeeze %dma_wait3A_642 : memref<1x640x32xf32, #tpu.memory_space<vmem>> -> memref<640x32xf32, #tpu.memory_space<vmem>>
      %dma_wait3A_644 = arith.constant 0 : i32
      %dma_wait3A_645 = arith.constant 0 : i32
      %dma_wait3A_646 = tpu.memref_slice %arg4[%dma_wait3A_644, %dma_wait3A_645] : memref<1000000x32xf32, #tpu.memory_space<hbm>> -> memref<640x32xf32, #tpu.memory_space<hbm>>
      tpu.wait_dma2 semaphore(%dma_wait3A_639 : memref<!tpu.dma_semaphore, #tpu.memory_space<semaphore_mem>>) src(%dma_wait3A_646 : memref<640x32xf32, #tpu.memory_space<hbm>>) dst(%dma_wait3A_643 : memref<640x32xf32, #tpu.memory_space<vmem>>)
      %dma_wait3A_647 = arith.constant 1 : i32
      %dma_wait3A_648 = arith.constant 1 : i32
      %dma_wait3A_649 = arith.constant 0 : i32
      %dma_wait3A_650 = arith.constant 0 : i32
      %dma_wait3A_651 = tpu.memref_slice %arg9[%dma_wait3A_647, %dma_wait3A_649, %dma_wait3A_650] : memref<2x640x32xf32, #tpu.memory_space<vmem>> -> memref<1x640x32xf32, #tpu.memory_space<vmem>>
      %dma_wait3A_652 = tpu.memref_squeeze %dma_wait3A_651 : memref<1x640x32xf32, #tpu.memory_space<vmem>> -> memref<640x32xf32, #tpu.memory_space<vmem>>
      %dma_wait3A_653 = arith.constant 0 : i32
      %dma_wait3A_654 = arith.constant 0 : i32
      %dma_wait3A_655 = tpu.memref_slice %arg4[%dma_wait3A_653, %dma_wait3A_654] : memref<1000000x32xf32, #tpu.memory_space<hbm>> -> memref<640x32xf32, #tpu.memory_space<hbm>>
      %dma_wait3A_656 = tpu.memref_slice %arg14[%dma_wait3A_648] : memref<2x!tpu.dma_semaphore, #tpu.memory_space<semaphore_mem>> -> memref<1x!tpu.dma_semaphore, #tpu.memory_space<semaphore_mem>>
      %dma_wait3A_657 = tpu.memref_squeeze %dma_wait3A_656 : memref<1x!tpu.dma_semaphore, #tpu.memory_space<semaphore_mem>> -> memref<!tpu.dma_semaphore, #tpu.memory_space<semaphore_mem>>
      %dma_wait3A_658 = arith.constant 0 : i32
      %dma_wait3A_659 = arith.constant 0 : i32
      %dma_wait3A_660 = tpu.memref_slice %arg9[%dma_wait3A_647, %dma_wait3A_658, %dma_wait3A_659] : memref<2x640x32xf32, #tpu.memory_space<vmem>> -> memref<1x640x32xf32, #tpu.memory_space<vmem>>
      %dma_wait3A_661 = tpu.memref_squeeze %dma_wait3A_660 : memref<1x640x32xf32, #tpu.memory_space<vmem>> -> memref<640x32xf32, #tpu.memory_space<vmem>>
      %dma_wait3A_662 = arith.constant 0 : i32
      %dma_wait3A_663 = arith.constant 0 : i32
      %dma_wait3A_664 = tpu.memref_slice %arg4[%dma_wait3A_662, %dma_wait3A_663] : memref<1000000x32xf32, #tpu.memory_space<hbm>> -> memref<640x32xf32, #tpu.memory_space<hbm>>
      tpu.wait_dma2 semaphore(%dma_wait3A_657 : memref<!tpu.dma_semaphore, #tpu.memory_space<semaphore_mem>>) src(%dma_wait3A_664 : memref<640x32xf32, #tpu.memory_space<hbm>>) dst(%dma_wait3A_661 : memref<640x32xf32, #tpu.memory_space<vmem>>)
      %add3A_665 = arith.constant 2 : i32
      %add3A_666 = arith.addi %add3A_628, %add3A_665 : i32
      %min3A_667 = arith.constant 159 : i32
      %min3A_668 = arith.minsi %add3A_666, %min3A_667 : i32
      %mul3A_669 = arith.constant 5 : i32
      %mul3A_670 = arith.muli %min3A_668, %mul3A_669 : i32
      %add3A_671 = arith.addi %mul3A_2, %mul3A_670 : i32
      %dma_start3A_672 = arith.constant 1 : i32
      %dma_start3A_673 = arith.constant 1 : i32
      %dma_start3A_674 = arith.constant 0 : i32
      %dma_start3A_675 = arith.constant 0 : i32
      %dma_start3A_676 = tpu.memref_slice %arg6[%dma_start3A_672, %dma_start3A_674, %dma_start3A_675] : memref<2x5x128xi32, #tpu.memory_space<vmem>> -> memref<1x5x128xi32, #tpu.memory_space<vmem>>
      %dma_start3A_677 = tpu.memref_squeeze %dma_start3A_676 : memref<1x5x128xi32, #tpu.memory_space<vmem>> -> memref<5x128xi32, #tpu.memory_space<vmem>>
      %dma_start3A_678 = arith.constant 0 : i32
      %dma_start3A_679 = tpu.memref_slice %arg2[%add3A_671, %dma_start3A_678] : memref<25600x128xi32, #tpu.memory_space<hbm>> -> memref<5x128xi32, #tpu.memory_space<hbm>>
      %dma_start3A_680 = tpu.memref_slice %arg15[%dma_start3A_673] : memref<2x!tpu.dma_semaphore, #tpu.memory_space<semaphore_mem>> -> memref<1x!tpu.dma_semaphore, #tpu.memory_space<semaphore_mem>>
      %dma_start3A_681 = tpu.memref_squeeze %dma_start3A_680 : memref<1x!tpu.dma_semaphore, #tpu.memory_space<semaphore_mem>> -> memref<!tpu.dma_semaphore, #tpu.memory_space<semaphore_mem>>
      %dma_start3A_682 = arith.constant 0 : i32
      %dma_start3A_683 = arith.constant 0 : i32
      %dma_start3A_684 = tpu.memref_slice %arg6[%dma_start3A_672, %dma_start3A_682, %dma_start3A_683] : memref<2x5x128xi32, #tpu.memory_space<vmem>> -> memref<1x5x128xi32, #tpu.memory_space<vmem>>
      %dma_start3A_685 = tpu.memref_squeeze %dma_start3A_684 : memref<1x5x128xi32, #tpu.memory_space<vmem>> -> memref<5x128xi32, #tpu.memory_space<vmem>>
      %dma_start3A_686 = arith.constant 0 : i32
      %dma_start3A_687 = tpu.memref_slice %arg2[%add3A_671, %dma_start3A_686] : memref<25600x128xi32, #tpu.memory_space<hbm>> -> memref<5x128xi32, #tpu.memory_space<hbm>>
      tpu.enqueue_dma source(%dma_start3A_687 : memref<5x128xi32, #tpu.memory_space<hbm>>) target(%dma_start3A_685 : memref<5x128xi32, #tpu.memory_space<vmem>>) target_semaphore(%dma_start3A_681 : memref<!tpu.dma_semaphore, #tpu.memory_space<semaphore_mem>>)
      %dma_start3A_688 = arith.constant 1 : i32
      %dma_start3A_689 = arith.constant 1 : i32
      %dma_start3A_690 = arith.constant 0 : i32
      %dma_start3A_691 = arith.constant 0 : i32
      %dma_start3A_692 = tpu.memref_slice %arg7[%dma_start3A_688, %dma_start3A_690, %dma_start3A_691] : memref<2x5x128xi32, #tpu.memory_space<vmem>> -> memref<1x5x128xi32, #tpu.memory_space<vmem>>
      %dma_start3A_693 = tpu.memref_squeeze %dma_start3A_692 : memref<1x5x128xi32, #tpu.memory_space<vmem>> -> memref<5x128xi32, #tpu.memory_space<vmem>>
      %dma_start3A_694 = arith.constant 0 : i32
      %dma_start3A_695 = tpu.memref_slice %arg3[%add3A_671, %dma_start3A_694] : memref<25600x128xi32, #tpu.memory_space<hbm>> -> memref<5x128xi32, #tpu.memory_space<hbm>>
      %dma_start3A_696 = tpu.memref_slice %arg15[%dma_start3A_689] : memref<2x!tpu.dma_semaphore, #tpu.memory_space<semaphore_mem>> -> memref<1x!tpu.dma_semaphore, #tpu.memory_space<semaphore_mem>>
      %dma_start3A_697 = tpu.memref_squeeze %dma_start3A_696 : memref<1x!tpu.dma_semaphore, #tpu.memory_space<semaphore_mem>> -> memref<!tpu.dma_semaphore, #tpu.memory_space<semaphore_mem>>
      %dma_start3A_698 = arith.constant 0 : i32
      %dma_start3A_699 = arith.constant 0 : i32
      %dma_start3A_700 = tpu.memref_slice %arg7[%dma_start3A_688, %dma_start3A_698, %dma_start3A_699] : memref<2x5x128xi32, #tpu.memory_space<vmem>> -> memref<1x5x128xi32, #tpu.memory_space<vmem>>
      %dma_start3A_701 = tpu.memref_squeeze %dma_start3A_700 : memref<1x5x128xi32, #tpu.memory_space<vmem>> -> memref<5x128xi32, #tpu.memory_space<vmem>>
      %dma_start3A_702 = arith.constant 0 : i32
      %dma_start3A_703 = tpu.memref_slice %arg3[%add3A_671, %dma_start3A_702] : memref<25600x128xi32, #tpu.memory_space<hbm>> -> memref<5x128xi32, #tpu.memory_space<hbm>>
      tpu.enqueue_dma source(%dma_start3A_703 : memref<5x128xi32, #tpu.memory_space<hbm>>) target(%dma_start3A_701 : memref<5x128xi32, #tpu.memory_space<vmem>>) target_semaphore(%dma_start3A_697 : memref<!tpu.dma_semaphore, #tpu.memory_space<semaphore_mem>>)
      %dma_wait3A_704 = arith.constant 0 : i32
      %dma_wait3A_705 = arith.constant 0 : i32
      %dma_wait3A_706 = arith.constant 0 : i32
      %dma_wait3A_707 = arith.constant 0 : i32
      %dma_wait3A_708 = tpu.memref_slice %arg6[%dma_wait3A_704, %dma_wait3A_706, %dma_wait3A_707] : memref<2x5x128xi32, #tpu.memory_space<vmem>> -> memref<1x5x128xi32, #tpu.memory_space<vmem>>
      %dma_wait3A_709 = tpu.memref_squeeze %dma_wait3A_708 : memref<1x5x128xi32, #tpu.memory_space<vmem>> -> memref<5x128xi32, #tpu.memory_space<vmem>>
      %dma_wait3A_710 = arith.constant 0 : i32
      %dma_wait3A_711 = arith.constant 0 : i32
      %dma_wait3A_712 = tpu.memref_slice %arg2[%dma_wait3A_710, %dma_wait3A_711] : memref<25600x128xi32, #tpu.memory_space<hbm>> -> memref<5x128xi32, #tpu.memory_space<hbm>>
      %dma_wait3A_713 = tpu.memref_slice %arg15[%dma_wait3A_705] : memref<2x!tpu.dma_semaphore, #tpu.memory_space<semaphore_mem>> -> memref<1x!tpu.dma_semaphore, #tpu.memory_space<semaphore_mem>>
      %dma_wait3A_714 = tpu.memref_squeeze %dma_wait3A_713 : memref<1x!tpu.dma_semaphore, #tpu.memory_space<semaphore_mem>> -> memref<!tpu.dma_semaphore, #tpu.memory_space<semaphore_mem>>
      %dma_wait3A_715 = arith.constant 0 : i32
      %dma_wait3A_716 = arith.constant 0 : i32
      %dma_wait3A_717 = tpu.memref_slice %arg6[%dma_wait3A_704, %dma_wait3A_715, %dma_wait3A_716] : memref<2x5x128xi32, #tpu.memory_space<vmem>> -> memref<1x5x128xi32, #tpu.memory_space<vmem>>
      %dma_wait3A_718 = tpu.memref_squeeze %dma_wait3A_717 : memref<1x5x128xi32, #tpu.memory_space<vmem>> -> memref<5x128xi32, #tpu.memory_space<vmem>>
      %dma_wait3A_719 = arith.constant 0 : i32
      %dma_wait3A_720 = arith.constant 0 : i32
      %dma_wait3A_721 = tpu.memref_slice %arg2[%dma_wait3A_719, %dma_wait3A_720] : memref<25600x128xi32, #tpu.memory_space<hbm>> -> memref<5x128xi32, #tpu.memory_space<hbm>>
      tpu.wait_dma2 semaphore(%dma_wait3A_714 : memref<!tpu.dma_semaphore, #tpu.memory_space<semaphore_mem>>) src(%dma_wait3A_721 : memref<5x128xi32, #tpu.memory_space<hbm>>) dst(%dma_wait3A_718 : memref<5x128xi32, #tpu.memory_space<vmem>>)
      %dma_wait3A_722 = arith.constant 0 : i32
      %dma_wait3A_723 = arith.constant 0 : i32
      %dma_wait3A_724 = arith.constant 0 : i32
      %dma_wait3A_725 = arith.constant 0 : i32
      %dma_wait3A_726 = tpu.memref_slice %arg7[%dma_wait3A_722, %dma_wait3A_724, %dma_wait3A_725] : memref<2x5x128xi32, #tpu.memory_space<vmem>> -> memref<1x5x128xi32, #tpu.memory_space<vmem>>
      %dma_wait3A_727 = tpu.memref_squeeze %dma_wait3A_726 : memref<1x5x128xi32, #tpu.memory_space<vmem>> -> memref<5x128xi32, #tpu.memory_space<vmem>>
      %dma_wait3A_728 = arith.constant 0 : i32
      %dma_wait3A_729 = arith.constant 0 : i32
      %dma_wait3A_730 = tpu.memref_slice %arg3[%dma_wait3A_728, %dma_wait3A_729] : memref<25600x128xi32, #tpu.memory_space<hbm>> -> memref<5x128xi32, #tpu.memory_space<hbm>>
      %dma_wait3A_731 = tpu.memref_slice %arg15[%dma_wait3A_723] : memref<2x!tpu.dma_semaphore, #tpu.memory_space<semaphore_mem>> -> memref<1x!tpu.dma_semaphore, #tpu.memory_space<semaphore_mem>>
      %dma_wait3A_732 = tpu.memref_squeeze %dma_wait3A_731 : memref<1x!tpu.dma_semaphore, #tpu.memory_space<semaphore_mem>> -> memref<!tpu.dma_semaphore, #tpu.memory_space<semaphore_mem>>
      %dma_wait3A_733 = arith.constant 0 : i32
      %dma_wait3A_734 = arith.constant 0 : i32
      %dma_wait3A_735 = tpu.memref_slice %arg7[%dma_wait3A_722, %dma_wait3A_733, %dma_wait3A_734] : memref<2x5x128xi32, #tpu.memory_space<vmem>> -> memref<1x5x128xi32, #tpu.memory_space<vmem>>
      %dma_wait3A_736 = tpu.memref_squeeze %dma_wait3A_735 : memref<1x5x128xi32, #tpu.memory_space<vmem>> -> memref<5x128xi32, #tpu.memory_space<vmem>>
      %dma_wait3A_737 = arith.constant 0 : i32
      %dma_wait3A_738 = arith.constant 0 : i32
      %dma_wait3A_739 = tpu.memref_slice %arg3[%dma_wait3A_737, %dma_wait3A_738] : memref<25600x128xi32, #tpu.memory_space<hbm>> -> memref<5x128xi32, #tpu.memory_space<hbm>>
      tpu.wait_dma2 semaphore(%dma_wait3A_732 : memref<!tpu.dma_semaphore, #tpu.memory_space<semaphore_mem>>) src(%dma_wait3A_739 : memref<5x128xi32, #tpu.memory_space<hbm>>) dst(%dma_wait3A_736 : memref<5x128xi32, #tpu.memory_space<vmem>>)
      %dma_start3A_740 = arith.constant 0 : i32
      %dma_start3A_741 = arith.constant 0 : i32
      %dma_start3A_742 = arith.constant 0 : i32
      %dma_start3A_743 = arith.constant 0 : i32
      %dma_start3A_744 = arith.constant 0 : i32
      %dma_start3A_745 = arith.constant 0 : i32
      %dma_start3A_746 = tpu.memref_slice %arg8[%dma_start3A_742, %dma_start3A_744, %dma_start3A_745] : memref<2x640x32xf32, #tpu.memory_space<vmem>> -> memref<1x128x32xf32, #tpu.memory_space<vmem>>
      %dma_start3A_747 = tpu.memref_squeeze %dma_start3A_746 : memref<1x128x32xf32, #tpu.memory_space<vmem>> -> memref<128x32xf32, #tpu.memory_space<vmem>>
      %dma_start3A_748 = arith.constant 0 : i32
      %dma_start3A_749 = tpu.memref_slice %arg6[%dma_start3A_740, %dma_start3A_741, %dma_start3A_748] : memref<2x5x128xi32, #tpu.memory_space<vmem>> -> memref<1x1x128xi32, #tpu.memory_space<vmem>>
      %dma_start3A_750 = tpu.memref_squeeze %dma_start3A_749 : memref<1x1x128xi32, #tpu.memory_space<vmem>> -> memref<128xi32, #tpu.memory_space<vmem>>
      %dma_start3A_751 = arith.constant 0 : i32
      %dma_start3A_752 = arith.constant 0 : i32
      %dma_start3A_753 = tpu.memref_slice %arg4[%dma_start3A_751, %dma_start3A_752] : memref<1000000x32xf32, #tpu.memory_space<hbm>> -> memref<1000000x32xf32, #tpu.memory_space<hbm>>
      %dma_start3A_754 = tpu.memref_slice %arg14[%dma_start3A_743] : memref<2x!tpu.dma_semaphore, #tpu.memory_space<semaphore_mem>> -> memref<1x!tpu.dma_semaphore, #tpu.memory_space<semaphore_mem>>
      %dma_start3A_755 = tpu.memref_squeeze %dma_start3A_754 : memref<1x!tpu.dma_semaphore, #tpu.memory_space<semaphore_mem>> -> memref<!tpu.dma_semaphore, #tpu.memory_space<semaphore_mem>>
      tpu.enqueue_indirect_dma source(%dma_start3A_753 : memref<1000000x32xf32, #tpu.memory_space<hbm>>) target(%dma_start3A_747 : memref<128x32xf32, #tpu.memory_space<vmem>>) offsets(%dma_start3A_750 : memref<128xi32, #tpu.memory_space<vmem>>) semaphore(%dma_start3A_755 : memref<!tpu.dma_semaphore, #tpu.memory_space<semaphore_mem>>)
      %dma_start3A_756 = arith.constant 0 : i32
      %dma_start3A_757 = arith.constant 0 : i32
      %dma_start3A_758 = arith.constant 0 : i32
      %dma_start3A_759 = arith.constant 0 : i32
      %dma_start3A_760 = arith.constant 0 : i32
      %dma_start3A_761 = arith.constant 0 : i32
      %dma_start3A_762 = tpu.memref_slice %arg9[%dma_start3A_758, %dma_start3A_760, %dma_start3A_761] : memref<2x640x32xf32, #tpu.memory_space<vmem>> -> memref<1x128x32xf32, #tpu.memory_space<vmem>>
      %dma_start3A_763 = tpu.memref_squeeze %dma_start3A_762 : memref<1x128x32xf32, #tpu.memory_space<vmem>> -> memref<128x32xf32, #tpu.memory_space<vmem>>
      %dma_start3A_764 = arith.constant 0 : i32
      %dma_start3A_765 = tpu.memref_slice %arg7[%dma_start3A_756, %dma_start3A_757, %dma_start3A_764] : memref<2x5x128xi32, #tpu.memory_space<vmem>> -> memref<1x1x128xi32, #tpu.memory_space<vmem>>
      %dma_start3A_766 = tpu.memref_squeeze %dma_start3A_765 : memref<1x1x128xi32, #tpu.memory_space<vmem>> -> memref<128xi32, #tpu.memory_space<vmem>>
      %dma_start3A_767 = arith.constant 0 : i32
      %dma_start3A_768 = arith.constant 0 : i32
      %dma_start3A_769 = tpu.memref_slice %arg4[%dma_start3A_767, %dma_start3A_768] : memref<1000000x32xf32, #tpu.memory_space<hbm>> -> memref<1000000x32xf32, #tpu.memory_space<hbm>>
      %dma_start3A_770 = tpu.memref_slice %arg14[%dma_start3A_759] : memref<2x!tpu.dma_semaphore, #tpu.memory_space<semaphore_mem>> -> memref<1x!tpu.dma_semaphore, #tpu.memory_space<semaphore_mem>>
      %dma_start3A_771 = tpu.memref_squeeze %dma_start3A_770 : memref<1x!tpu.dma_semaphore, #tpu.memory_space<semaphore_mem>> -> memref<!tpu.dma_semaphore, #tpu.memory_space<semaphore_mem>>
      tpu.enqueue_indirect_dma source(%dma_start3A_769 : memref<1000000x32xf32, #tpu.memory_space<hbm>>) target(%dma_start3A_763 : memref<128x32xf32, #tpu.memory_space<vmem>>) offsets(%dma_start3A_766 : memref<128xi32, #tpu.memory_space<vmem>>) semaphore(%dma_start3A_771 : memref<!tpu.dma_semaphore, #tpu.memory_space<semaphore_mem>>)
      %dma_start3A_772 = arith.constant 0 : i32
      %dma_start3A_773 = arith.constant 1 : i32
      %dma_start3A_774 = arith.constant 0 : i32
      %dma_start3A_775 = arith.constant 0 : i32
      %dma_start3A_776 = arith.constant 128 : i32
      %dma_start3A_777 = arith.constant 0 : i32
      %dma_start3A_778 = tpu.memref_slice %arg8[%dma_start3A_774, %dma_start3A_776, %dma_start3A_777] : memref<2x640x32xf32, #tpu.memory_space<vmem>> -> memref<1x128x32xf32, #tpu.memory_space<vmem>>
      %dma_start3A_779 = tpu.memref_squeeze %dma_start3A_778 : memref<1x128x32xf32, #tpu.memory_space<vmem>> -> memref<128x32xf32, #tpu.memory_space<vmem>>
      %dma_start3A_780 = arith.constant 0 : i32
      %dma_start3A_781 = tpu.memref_slice %arg6[%dma_start3A_772, %dma_start3A_773, %dma_start3A_780] : memref<2x5x128xi32, #tpu.memory_space<vmem>> -> memref<1x1x128xi32, #tpu.memory_space<vmem>>
      %dma_start3A_782 = tpu.memref_squeeze %dma_start3A_781 : memref<1x1x128xi32, #tpu.memory_space<vmem>> -> memref<128xi32, #tpu.memory_space<vmem>>
      %dma_start3A_783 = arith.constant 0 : i32
      %dma_start3A_784 = arith.constant 0 : i32
      %dma_start3A_785 = tpu.memref_slice %arg4[%dma_start3A_783, %dma_start3A_784] : memref<1000000x32xf32, #tpu.memory_space<hbm>> -> memref<1000000x32xf32, #tpu.memory_space<hbm>>
      %dma_start3A_786 = tpu.memref_slice %arg14[%dma_start3A_775] : memref<2x!tpu.dma_semaphore, #tpu.memory_space<semaphore_mem>> -> memref<1x!tpu.dma_semaphore, #tpu.memory_space<semaphore_mem>>
      %dma_start3A_787 = tpu.memref_squeeze %dma_start3A_786 : memref<1x!tpu.dma_semaphore, #tpu.memory_space<semaphore_mem>> -> memref<!tpu.dma_semaphore, #tpu.memory_space<semaphore_mem>>
      tpu.enqueue_indirect_dma source(%dma_start3A_785 : memref<1000000x32xf32, #tpu.memory_space<hbm>>) target(%dma_start3A_779 : memref<128x32xf32, #tpu.memory_space<vmem>>) offsets(%dma_start3A_782 : memref<128xi32, #tpu.memory_space<vmem>>) semaphore(%dma_start3A_787 : memref<!tpu.dma_semaphore, #tpu.memory_space<semaphore_mem>>)
      %dma_start3A_788 = arith.constant 0 : i32
      %dma_start3A_789 = arith.constant 1 : i32
      %dma_start3A_790 = arith.constant 0 : i32
      %dma_start3A_791 = arith.constant 0 : i32
      %dma_start3A_792 = arith.constant 128 : i32
      %dma_start3A_793 = arith.constant 0 : i32
      %dma_start3A_794 = tpu.memref_slice %arg9[%dma_start3A_790, %dma_start3A_792, %dma_start3A_793] : memref<2x640x32xf32, #tpu.memory_space<vmem>> -> memref<1x128x32xf32, #tpu.memory_space<vmem>>
      %dma_start3A_795 = tpu.memref_squeeze %dma_start3A_794 : memref<1x128x32xf32, #tpu.memory_space<vmem>> -> memref<128x32xf32, #tpu.memory_space<vmem>>
      %dma_start3A_796 = arith.constant 0 : i32
      %dma_start3A_797 = tpu.memref_slice %arg7[%dma_start3A_788, %dma_start3A_789, %dma_start3A_796] : memref<2x5x128xi32, #tpu.memory_space<vmem>> -> memref<1x1x128xi32, #tpu.memory_space<vmem>>
      %dma_start3A_798 = tpu.memref_squeeze %dma_start3A_797 : memref<1x1x128xi32, #tpu.memory_space<vmem>> -> memref<128xi32, #tpu.memory_space<vmem>>
      %dma_start3A_799 = arith.constant 0 : i32
      %dma_start3A_800 = arith.constant 0 : i32
      %dma_start3A_801 = tpu.memref_slice %arg4[%dma_start3A_799, %dma_start3A_800] : memref<1000000x32xf32, #tpu.memory_space<hbm>> -> memref<1000000x32xf32, #tpu.memory_space<hbm>>
      %dma_start3A_802 = tpu.memref_slice %arg14[%dma_start3A_791] : memref<2x!tpu.dma_semaphore, #tpu.memory_space<semaphore_mem>> -> memref<1x!tpu.dma_semaphore, #tpu.memory_space<semaphore_mem>>
      %dma_start3A_803 = tpu.memref_squeeze %dma_start3A_802 : memref<1x!tpu.dma_semaphore, #tpu.memory_space<semaphore_mem>> -> memref<!tpu.dma_semaphore, #tpu.memory_space<semaphore_mem>>
      tpu.enqueue_indirect_dma source(%dma_start3A_801 : memref<1000000x32xf32, #tpu.memory_space<hbm>>) target(%dma_start3A_795 : memref<128x32xf32, #tpu.memory_space<vmem>>) offsets(%dma_start3A_798 : memref<128xi32, #tpu.memory_space<vmem>>) semaphore(%dma_start3A_803 : memref<!tpu.dma_semaphore, #tpu.memory_space<semaphore_mem>>)
      %dma_start3A_804 = arith.constant 0 : i32
      %dma_start3A_805 = arith.constant 2 : i32
      %dma_start3A_806 = arith.constant 0 : i32
      %dma_start3A_807 = arith.constant 0 : i32
      %dma_start3A_808 = arith.constant 256 : i32
      %dma_start3A_809 = arith.constant 0 : i32
      %dma_start3A_810 = tpu.memref_slice %arg8[%dma_start3A_806, %dma_start3A_808, %dma_start3A_809] : memref<2x640x32xf32, #tpu.memory_space<vmem>> -> memref<1x128x32xf32, #tpu.memory_space<vmem>>
      %dma_start3A_811 = tpu.memref_squeeze %dma_start3A_810 : memref<1x128x32xf32, #tpu.memory_space<vmem>> -> memref<128x32xf32, #tpu.memory_space<vmem>>
      %dma_start3A_812 = arith.constant 0 : i32
      %dma_start3A_813 = tpu.memref_slice %arg6[%dma_start3A_804, %dma_start3A_805, %dma_start3A_812] : memref<2x5x128xi32, #tpu.memory_space<vmem>> -> memref<1x1x128xi32, #tpu.memory_space<vmem>>
      %dma_start3A_814 = tpu.memref_squeeze %dma_start3A_813 : memref<1x1x128xi32, #tpu.memory_space<vmem>> -> memref<128xi32, #tpu.memory_space<vmem>>
      %dma_start3A_815 = arith.constant 0 : i32
      %dma_start3A_816 = arith.constant 0 : i32
      %dma_start3A_817 = tpu.memref_slice %arg4[%dma_start3A_815, %dma_start3A_816] : memref<1000000x32xf32, #tpu.memory_space<hbm>> -> memref<1000000x32xf32, #tpu.memory_space<hbm>>
      %dma_start3A_818 = tpu.memref_slice %arg14[%dma_start3A_807] : memref<2x!tpu.dma_semaphore, #tpu.memory_space<semaphore_mem>> -> memref<1x!tpu.dma_semaphore, #tpu.memory_space<semaphore_mem>>
      %dma_start3A_819 = tpu.memref_squeeze %dma_start3A_818 : memref<1x!tpu.dma_semaphore, #tpu.memory_space<semaphore_mem>> -> memref<!tpu.dma_semaphore, #tpu.memory_space<semaphore_mem>>
      tpu.enqueue_indirect_dma source(%dma_start3A_817 : memref<1000000x32xf32, #tpu.memory_space<hbm>>) target(%dma_start3A_811 : memref<128x32xf32, #tpu.memory_space<vmem>>) offsets(%dma_start3A_814 : memref<128xi32, #tpu.memory_space<vmem>>) semaphore(%dma_start3A_819 : memref<!tpu.dma_semaphore, #tpu.memory_space<semaphore_mem>>)
      %dma_start3A_820 = arith.constant 0 : i32
      %dma_start3A_821 = arith.constant 2 : i32
      %dma_start3A_822 = arith.constant 0 : i32
      %dma_start3A_823 = arith.constant 0 : i32
      %dma_start3A_824 = arith.constant 256 : i32
      %dma_start3A_825 = arith.constant 0 : i32
      %dma_start3A_826 = tpu.memref_slice %arg9[%dma_start3A_822, %dma_start3A_824, %dma_start3A_825] : memref<2x640x32xf32, #tpu.memory_space<vmem>> -> memref<1x128x32xf32, #tpu.memory_space<vmem>>
      %dma_start3A_827 = tpu.memref_squeeze %dma_start3A_826 : memref<1x128x32xf32, #tpu.memory_space<vmem>> -> memref<128x32xf32, #tpu.memory_space<vmem>>
      %dma_start3A_828 = arith.constant 0 : i32
      %dma_start3A_829 = tpu.memref_slice %arg7[%dma_start3A_820, %dma_start3A_821, %dma_start3A_828] : memref<2x5x128xi32, #tpu.memory_space<vmem>> -> memref<1x1x128xi32, #tpu.memory_space<vmem>>
      %dma_start3A_830 = tpu.memref_squeeze %dma_start3A_829 : memref<1x1x128xi32, #tpu.memory_space<vmem>> -> memref<128xi32, #tpu.memory_space<vmem>>
      %dma_start3A_831 = arith.constant 0 : i32
      %dma_start3A_832 = arith.constant 0 : i32
      %dma_start3A_833 = tpu.memref_slice %arg4[%dma_start3A_831, %dma_start3A_832] : memref<1000000x32xf32, #tpu.memory_space<hbm>> -> memref<1000000x32xf32, #tpu.memory_space<hbm>>
      %dma_start3A_834 = tpu.memref_slice %arg14[%dma_start3A_823] : memref<2x!tpu.dma_semaphore, #tpu.memory_space<semaphore_mem>> -> memref<1x!tpu.dma_semaphore, #tpu.memory_space<semaphore_mem>>
      %dma_start3A_835 = tpu.memref_squeeze %dma_start3A_834 : memref<1x!tpu.dma_semaphore, #tpu.memory_space<semaphore_mem>> -> memref<!tpu.dma_semaphore, #tpu.memory_space<semaphore_mem>>
      tpu.enqueue_indirect_dma source(%dma_start3A_833 : memref<1000000x32xf32, #tpu.memory_space<hbm>>) target(%dma_start3A_827 : memref<128x32xf32, #tpu.memory_space<vmem>>) offsets(%dma_start3A_830 : memref<128xi32, #tpu.memory_space<vmem>>) semaphore(%dma_start3A_835 : memref<!tpu.dma_semaphore, #tpu.memory_space<semaphore_mem>>)
      %dma_start3A_836 = arith.constant 0 : i32
      %dma_start3A_837 = arith.constant 3 : i32
      %dma_start3A_838 = arith.constant 0 : i32
      %dma_start3A_839 = arith.constant 0 : i32
      %dma_start3A_840 = arith.constant 384 : i32
      %dma_start3A_841 = arith.constant 0 : i32
      %dma_start3A_842 = tpu.memref_slice %arg8[%dma_start3A_838, %dma_start3A_840, %dma_start3A_841] : memref<2x640x32xf32, #tpu.memory_space<vmem>> -> memref<1x128x32xf32, #tpu.memory_space<vmem>>
      %dma_start3A_843 = tpu.memref_squeeze %dma_start3A_842 : memref<1x128x32xf32, #tpu.memory_space<vmem>> -> memref<128x32xf32, #tpu.memory_space<vmem>>
      %dma_start3A_844 = arith.constant 0 : i32
      %dma_start3A_845 = tpu.memref_slice %arg6[%dma_start3A_836, %dma_start3A_837, %dma_start3A_844] : memref<2x5x128xi32, #tpu.memory_space<vmem>> -> memref<1x1x128xi32, #tpu.memory_space<vmem>>
      %dma_start3A_846 = tpu.memref_squeeze %dma_start3A_845 : memref<1x1x128xi32, #tpu.memory_space<vmem>> -> memref<128xi32, #tpu.memory_space<vmem>>
      %dma_start3A_847 = arith.constant 0 : i32
      %dma_start3A_848 = arith.constant 0 : i32
      %dma_start3A_849 = tpu.memref_slice %arg4[%dma_start3A_847, %dma_start3A_848] : memref<1000000x32xf32, #tpu.memory_space<hbm>> -> memref<1000000x32xf32, #tpu.memory_space<hbm>>
      %dma_start3A_850 = tpu.memref_slice %arg14[%dma_start3A_839] : memref<2x!tpu.dma_semaphore, #tpu.memory_space<semaphore_mem>> -> memref<1x!tpu.dma_semaphore, #tpu.memory_space<semaphore_mem>>
      %dma_start3A_851 = tpu.memref_squeeze %dma_start3A_850 : memref<1x!tpu.dma_semaphore, #tpu.memory_space<semaphore_mem>> -> memref<!tpu.dma_semaphore, #tpu.memory_space<semaphore_mem>>
      tpu.enqueue_indirect_dma source(%dma_start3A_849 : memref<1000000x32xf32, #tpu.memory_space<hbm>>) target(%dma_start3A_843 : memref<128x32xf32, #tpu.memory_space<vmem>>) offsets(%dma_start3A_846 : memref<128xi32, #tpu.memory_space<vmem>>) semaphore(%dma_start3A_851 : memref<!tpu.dma_semaphore, #tpu.memory_space<semaphore_mem>>)
      %dma_start3A_852 = arith.constant 0 : i32
      %dma_start3A_853 = arith.constant 3 : i32
      %dma_start3A_854 = arith.constant 0 : i32
      %dma_start3A_855 = arith.constant 0 : i32
      %dma_start3A_856 = arith.constant 384 : i32
      %dma_start3A_857 = arith.constant 0 : i32
      %dma_start3A_858 = tpu.memref_slice %arg9[%dma_start3A_854, %dma_start3A_856, %dma_start3A_857] : memref<2x640x32xf32, #tpu.memory_space<vmem>> -> memref<1x128x32xf32, #tpu.memory_space<vmem>>
      %dma_start3A_859 = tpu.memref_squeeze %dma_start3A_858 : memref<1x128x32xf32, #tpu.memory_space<vmem>> -> memref<128x32xf32, #tpu.memory_space<vmem>>
      %dma_start3A_860 = arith.constant 0 : i32
      %dma_start3A_861 = tpu.memref_slice %arg7[%dma_start3A_852, %dma_start3A_853, %dma_start3A_860] : memref<2x5x128xi32, #tpu.memory_space<vmem>> -> memref<1x1x128xi32, #tpu.memory_space<vmem>>
      %dma_start3A_862 = tpu.memref_squeeze %dma_start3A_861 : memref<1x1x128xi32, #tpu.memory_space<vmem>> -> memref<128xi32, #tpu.memory_space<vmem>>
      %dma_start3A_863 = arith.constant 0 : i32
      %dma_start3A_864 = arith.constant 0 : i32
      %dma_start3A_865 = tpu.memref_slice %arg4[%dma_start3A_863, %dma_start3A_864] : memref<1000000x32xf32, #tpu.memory_space<hbm>> -> memref<1000000x32xf32, #tpu.memory_space<hbm>>
      %dma_start3A_866 = tpu.memref_slice %arg14[%dma_start3A_855] : memref<2x!tpu.dma_semaphore, #tpu.memory_space<semaphore_mem>> -> memref<1x!tpu.dma_semaphore, #tpu.memory_space<semaphore_mem>>
      %dma_start3A_867 = tpu.memref_squeeze %dma_start3A_866 : memref<1x!tpu.dma_semaphore, #tpu.memory_space<semaphore_mem>> -> memref<!tpu.dma_semaphore, #tpu.memory_space<semaphore_mem>>
      tpu.enqueue_indirect_dma source(%dma_start3A_865 : memref<1000000x32xf32, #tpu.memory_space<hbm>>) target(%dma_start3A_859 : memref<128x32xf32, #tpu.memory_space<vmem>>) offsets(%dma_start3A_862 : memref<128xi32, #tpu.memory_space<vmem>>) semaphore(%dma_start3A_867 : memref<!tpu.dma_semaphore, #tpu.memory_space<semaphore_mem>>)
      %dma_start3A_868 = arith.constant 0 : i32
      %dma_start3A_869 = arith.constant 4 : i32
      %dma_start3A_870 = arith.constant 0 : i32
      %dma_start3A_871 = arith.constant 0 : i32
      %dma_start3A_872 = arith.constant 512 : i32
      %dma_start3A_873 = arith.constant 0 : i32
      %dma_start3A_874 = tpu.memref_slice %arg8[%dma_start3A_870, %dma_start3A_872, %dma_start3A_873] : memref<2x640x32xf32, #tpu.memory_space<vmem>> -> memref<1x128x32xf32, #tpu.memory_space<vmem>>
      %dma_start3A_875 = tpu.memref_squeeze %dma_start3A_874 : memref<1x128x32xf32, #tpu.memory_space<vmem>> -> memref<128x32xf32, #tpu.memory_space<vmem>>
      %dma_start3A_876 = arith.constant 0 : i32
      %dma_start3A_877 = tpu.memref_slice %arg6[%dma_start3A_868, %dma_start3A_869, %dma_start3A_876] : memref<2x5x128xi32, #tpu.memory_space<vmem>> -> memref<1x1x128xi32, #tpu.memory_space<vmem>>
      %dma_start3A_878 = tpu.memref_squeeze %dma_start3A_877 : memref<1x1x128xi32, #tpu.memory_space<vmem>> -> memref<128xi32, #tpu.memory_space<vmem>>
      %dma_start3A_879 = arith.constant 0 : i32
      %dma_start3A_880 = arith.constant 0 : i32
      %dma_start3A_881 = tpu.memref_slice %arg4[%dma_start3A_879, %dma_start3A_880] : memref<1000000x32xf32, #tpu.memory_space<hbm>> -> memref<1000000x32xf32, #tpu.memory_space<hbm>>
      %dma_start3A_882 = tpu.memref_slice %arg14[%dma_start3A_871] : memref<2x!tpu.dma_semaphore, #tpu.memory_space<semaphore_mem>> -> memref<1x!tpu.dma_semaphore, #tpu.memory_space<semaphore_mem>>
      %dma_start3A_883 = tpu.memref_squeeze %dma_start3A_882 : memref<1x!tpu.dma_semaphore, #tpu.memory_space<semaphore_mem>> -> memref<!tpu.dma_semaphore, #tpu.memory_space<semaphore_mem>>
      tpu.enqueue_indirect_dma source(%dma_start3A_881 : memref<1000000x32xf32, #tpu.memory_space<hbm>>) target(%dma_start3A_875 : memref<128x32xf32, #tpu.memory_space<vmem>>) offsets(%dma_start3A_878 : memref<128xi32, #tpu.memory_space<vmem>>) semaphore(%dma_start3A_883 : memref<!tpu.dma_semaphore, #tpu.memory_space<semaphore_mem>>)
      %dma_start3A_884 = arith.constant 0 : i32
      %dma_start3A_885 = arith.constant 4 : i32
      %dma_start3A_886 = arith.constant 0 : i32
      %dma_start3A_887 = arith.constant 0 : i32
      %dma_start3A_888 = arith.constant 512 : i32
      %dma_start3A_889 = arith.constant 0 : i32
      %dma_start3A_890 = tpu.memref_slice %arg9[%dma_start3A_886, %dma_start3A_888, %dma_start3A_889] : memref<2x640x32xf32, #tpu.memory_space<vmem>> -> memref<1x128x32xf32, #tpu.memory_space<vmem>>
      %dma_start3A_891 = tpu.memref_squeeze %dma_start3A_890 : memref<1x128x32xf32, #tpu.memory_space<vmem>> -> memref<128x32xf32, #tpu.memory_space<vmem>>
      %dma_start3A_892 = arith.constant 0 : i32
      %dma_start3A_893 = tpu.memref_slice %arg7[%dma_start3A_884, %dma_start3A_885, %dma_start3A_892] : memref<2x5x128xi32, #tpu.memory_space<vmem>> -> memref<1x1x128xi32, #tpu.memory_space<vmem>>
      %dma_start3A_894 = tpu.memref_squeeze %dma_start3A_893 : memref<1x1x128xi32, #tpu.memory_space<vmem>> -> memref<128xi32, #tpu.memory_space<vmem>>
      %dma_start3A_895 = arith.constant 0 : i32
      %dma_start3A_896 = arith.constant 0 : i32
      %dma_start3A_897 = tpu.memref_slice %arg4[%dma_start3A_895, %dma_start3A_896] : memref<1000000x32xf32, #tpu.memory_space<hbm>> -> memref<1000000x32xf32, #tpu.memory_space<hbm>>
      %dma_start3A_898 = tpu.memref_slice %arg14[%dma_start3A_887] : memref<2x!tpu.dma_semaphore, #tpu.memory_space<semaphore_mem>> -> memref<1x!tpu.dma_semaphore, #tpu.memory_space<semaphore_mem>>
      %dma_start3A_899 = tpu.memref_squeeze %dma_start3A_898 : memref<1x!tpu.dma_semaphore, #tpu.memory_space<semaphore_mem>> -> memref<!tpu.dma_semaphore, #tpu.memory_space<semaphore_mem>>
      tpu.enqueue_indirect_dma source(%dma_start3A_897 : memref<1000000x32xf32, #tpu.memory_space<hbm>>) target(%dma_start3A_891 : memref<128x32xf32, #tpu.memory_space<vmem>>) offsets(%dma_start3A_894 : memref<128xi32, #tpu.memory_space<vmem>>) semaphore(%dma_start3A_899 : memref<!tpu.dma_semaphore, #tpu.memory_space<semaphore_mem>>)
      %parallel_loop3A_900 = arith.constant 0 : i32
      %parallel_loop3A_901 = arith.constant 640 : i32
      %parallel_loop3A_902 = arith.constant 1 : i32
      scf.for %parallel_loop3A_909 = %parallel_loop3A_900 to %parallel_loop3A_901 step %parallel_loop3A_902  : i32 {
        %parallel_loop3A_910 = arith.constant 1 : i32
        %parallel_loop3A_911 = arith.index_cast %parallel_loop3A_910 : i32 to index
        %parallel_loop3A_912 = arith.index_cast %parallel_loop3A_909 : i32 to index
        %parallel_loop3A_913 = arith.constant 0 : index
        %parallel_loop3A_914 = tpu.vector_load %arg8[%parallel_loop3A_911, %parallel_loop3A_912, %parallel_loop3A_913] {strides = array<i32>} : memref<2x640x32xf32, #tpu.memory_space<vmem>>, vector<16xf32>,
        %parallel_loop3A_915 = arith.constant 1 : i32
        %parallel_loop3A_916 = arith.index_cast %parallel_loop3A_915 : i32 to index
        %parallel_loop3A_917 = arith.index_cast %parallel_loop3A_909 : i32 to index
        %parallel_loop3A_918 = arith.constant 16 : index
        %parallel_loop3A_919 = tpu.vector_load %arg8[%parallel_loop3A_916, %parallel_loop3A_917, %parallel_loop3A_918] {strides = array<i32>} : memref<2x640x32xf32, #tpu.memory_space<vmem>>, vector<16xf32>,
        %parallel_loop3A_920 = arith.constant 1 : i32
        %parallel_loop3A_921 = arith.index_cast %parallel_loop3A_920 : i32 to index
        %parallel_loop3A_922 = arith.index_cast %parallel_loop3A_909 : i32 to index
        %parallel_loop3A_923 = arith.constant 0 : index
        %parallel_loop3A_924 = tpu.vector_load %arg9[%parallel_loop3A_921, %parallel_loop3A_922, %parallel_loop3A_923] {strides = array<i32>} : memref<2x640x32xf32, #tpu.memory_space<vmem>>, vector<16xf32>,
        %parallel_loop3A_925 = arith.constant 1 : i32
        %parallel_loop3A_926 = arith.index_cast %parallel_loop3A_925 : i32 to index
        %parallel_loop3A_927 = arith.index_cast %parallel_loop3A_909 : i32 to index
        %parallel_loop3A_928 = arith.constant 16 : index
        %parallel_loop3A_929 = tpu.vector_load %arg9[%parallel_loop3A_926, %parallel_loop3A_927, %parallel_loop3A_928] {strides = array<i32>} : memref<2x640x32xf32, #tpu.memory_space<vmem>>, vector<16xf32>,
        %parallel_loop3A_930 = arith.mulf %parallel_loop3A_914, %parallel_loop3A_924 : vector<16xf32>
        %parallel_loop3A_931 = arith.mulf %parallel_loop3A_919, %parallel_loop3A_929 : vector<16xf32>
        %parallel_loop3A_932 = arith.addf %parallel_loop3A_930, %parallel_loop3A_931 : vector<16xf32>
        %parallel_loop3A_933 = arith.constant true
        %parallel_loop3A_934 = vector.broadcast %parallel_loop3A_933 : i1 to vector<16xi1>
        %parallel_loop3A_935 = tpu.scan <sum>, %parallel_loop3A_932 masked %parallel_loop3A_934 : vector<16xf32>, vector<16xi1> -> vector<16xf32>
        %parallel_loop3A_936 = arith.constant 17 : i32
        %parallel_loop3A_937 = arith.muli %parallel_loop3A_909, %parallel_loop3A_936 : i32
        %parallel_loop3A_938 = arith.index_cast %parallel_loop3A_937 : i32 to index
        %parallel_loop3A_939 = tpu.vector_load %arg10[%parallel_loop3A_938] {strides = array<i32>} : memref<10880xf32, #tpu.memory_space<vmem>>, vector<16xf32>,
        tpu.vector_store %arg10[%parallel_loop3A_938], %parallel_loop3A_935 {strides = array<i32>} : memref<10880xf32, #tpu.memory_space<vmem>>, vector<16xf32>,
        %parallel_loop3A_940 = arith.mulf %parallel_loop3A_914, %parallel_loop3A_914 : vector<16xf32>
        %parallel_loop3A_941 = arith.mulf %parallel_loop3A_919, %parallel_loop3A_919 : vector<16xf32>
        %parallel_loop3A_942 = arith.addf %parallel_loop3A_940, %parallel_loop3A_941 : vector<16xf32>
        %parallel_loop3A_943 = arith.constant true
        %parallel_loop3A_944 = vector.broadcast %parallel_loop3A_943 : i1 to vector<16xi1>
        %parallel_loop3A_945 = tpu.scan <sum>, %parallel_loop3A_942 masked %parallel_loop3A_944 : vector<16xf32>, vector<16xi1> -> vector<16xf32>
        %parallel_loop3A_946 = arith.constant 17 : i32
        %parallel_loop3A_947 = arith.muli %parallel_loop3A_909, %parallel_loop3A_946 : i32
        %parallel_loop3A_948 = arith.index_cast %parallel_loop3A_947 : i32 to index
        %parallel_loop3A_949 = tpu.vector_load %arg11[%parallel_loop3A_948] {strides = array<i32>} : memref<10880xf32, #tpu.memory_space<vmem>>, vector<16xf32>,
        tpu.vector_store %arg11[%parallel_loop3A_948], %parallel_loop3A_945 {strides = array<i32>} : memref<10880xf32, #tpu.memory_space<vmem>>, vector<16xf32>,
        %parallel_loop3A_950 = arith.mulf %parallel_loop3A_924, %parallel_loop3A_924 : vector<16xf32>
        %parallel_loop3A_951 = arith.mulf %parallel_loop3A_929, %parallel_loop3A_929 : vector<16xf32>
        %parallel_loop3A_952 = arith.addf %parallel_loop3A_950, %parallel_loop3A_951 : vector<16xf32>
        %parallel_loop3A_953 = arith.constant true
        %parallel_loop3A_954 = vector.broadcast %parallel_loop3A_953 : i1 to vector<16xi1>
        %parallel_loop3A_955 = tpu.scan <sum>, %parallel_loop3A_952 masked %parallel_loop3A_954 : vector<16xf32>, vector<16xi1> -> vector<16xf32>
        %parallel_loop3A_956 = arith.constant 17 : i32
        %parallel_loop3A_957 = arith.muli %parallel_loop3A_909, %parallel_loop3A_956 : i32
        %parallel_loop3A_958 = arith.index_cast %parallel_loop3A_957 : i32 to index
        %parallel_loop3A_959 = tpu.vector_load %arg12[%parallel_loop3A_958] {strides = array<i32>} : memref<10880xf32, #tpu.memory_space<vmem>>, vector<16xf32>,
        tpu.vector_store %arg12[%parallel_loop3A_958], %parallel_loop3A_955 {strides = array<i32>} : memref<10880xf32, #tpu.memory_space<vmem>>, vector<16xf32>,
      } {sc.loop_unroll_factor = 8 : i64, sc.parallel_access}
      %parallel_loop3A_903 = arith.constant 0 : i32
      %parallel_loop3A_904 = arith.constant 40 : i32
      %parallel_loop3A_905 = arith.constant 1 : i32
      scf.for %parallel_loop3A_909 = %parallel_loop3A_903 to %parallel_loop3A_904 step %parallel_loop3A_905  : i32 {
        %parallel_loop3A_910 = arith.constant 16 : i32
        %parallel_loop3A_911 = arith.muli %parallel_loop3A_909, %parallel_loop3A_910 : i32
        %parallel_loop3A_912 = vector.broadcast %parallel_loop3A_911 : i32 to vector<16xi32>
        %parallel_loop3A_913 = arith.addi %parallel_loop3A_912, %iota3A : vector<16xi32>
        %parallel_loop3A_914 = arith.constant 17 : i32
        %parallel_loop3A_915 = vector.broadcast %parallel_loop3A_914 : i32 to vector<16xi32>
        %parallel_loop3A_916 = arith.muli %parallel_loop3A_913, %parallel_loop3A_915 : vector<16xi32>
        %parallel_loop3A_917 = arith.constant 15 : i32
        %parallel_loop3A_918 = vector.broadcast %parallel_loop3A_917 : i32 to vector<16xi32>
        %parallel_loop3A_919 = arith.addi %parallel_loop3A_916, %parallel_loop3A_918 : vector<16xi32>
        %parallel_loop3A_920 = tpu.vector_load_idx %arg10[%parallel_loop3A_919] : memref<10880xf32, #tpu.memory_space<vmem>>[vector<16xi32>], vector<16xf32>,
        %parallel_loop3A_921 = tpu.vector_load_idx %arg11[%parallel_loop3A_919] : memref<10880xf32, #tpu.memory_space<vmem>>[vector<16xi32>], vector<16xf32>,
        %parallel_loop3A_922 = arith.constant 1.000000e+00 : f32
        %parallel_loop3A_923 = vector.broadcast %parallel_loop3A_922 : f32 to vector<16xf32>
        %parallel_loop3A_924 = arith.maximumf %parallel_loop3A_921, %parallel_loop3A_923 : vector<16xf32>
        %parallel_loop3A_925 = tpu.vector_load_idx %arg12[%parallel_loop3A_919] : memref<10880xf32, #tpu.memory_space<vmem>>[vector<16xi32>], vector<16xf32>,
        %parallel_loop3A_926 = arith.constant 1.000000e+00 : f32
        %parallel_loop3A_927 = vector.broadcast %parallel_loop3A_926 : f32 to vector<16xf32>
        %parallel_loop3A_928 = arith.maximumf %parallel_loop3A_925, %parallel_loop3A_927 : vector<16xf32>
        %parallel_loop3A_929 = tpu.bitcast %parallel_loop3A_924 : vector<16xf32> -> vector<16xi32>
        %parallel_loop3A_930 = arith.constant 1 : i32
        %parallel_loop3A_931 = vector.broadcast %parallel_loop3A_930 : i32 to vector<16xi32>
        %parallel_loop3A_932 = arith.shrsi %parallel_loop3A_929, %parallel_loop3A_931 : vector<16xi32>
        %parallel_loop3A_933 = arith.constant 1597463007 : i32
        %parallel_loop3A_934 = vector.broadcast %parallel_loop3A_933 : i32 to vector<16xi32>
        %parallel_loop3A_935 = arith.subi %parallel_loop3A_934, %parallel_loop3A_932 : vector<16xi32>
        %parallel_loop3A_936 = tpu.bitcast %parallel_loop3A_935 : vector<16xi32> -> vector<16xf32>
        %parallel_loop3A_937 = arith.constant 5.000000e-01 : f32
        %parallel_loop3A_938 = vector.broadcast %parallel_loop3A_937 : f32 to vector<16xf32>
        %parallel_loop3A_939 = arith.mulf %parallel_loop3A_938, %parallel_loop3A_924 : vector<16xf32>
        %parallel_loop3A_940 = arith.mulf %parallel_loop3A_939, %parallel_loop3A_936 : vector<16xf32>
        %parallel_loop3A_941 = arith.mulf %parallel_loop3A_940, %parallel_loop3A_936 : vector<16xf32>
        %parallel_loop3A_942 = arith.constant 1.500000e+00 : f32
        %parallel_loop3A_943 = vector.broadcast %parallel_loop3A_942 : f32 to vector<16xf32>
        %parallel_loop3A_944 = arith.subf %parallel_loop3A_943, %parallel_loop3A_941 : vector<16xf32>
        %parallel_loop3A_945 = arith.mulf %parallel_loop3A_936, %parallel_loop3A_944 : vector<16xf32>
        %parallel_loop3A_946 = arith.constant 5.000000e-01 : f32
        %parallel_loop3A_947 = vector.broadcast %parallel_loop3A_946 : f32 to vector<16xf32>
        %parallel_loop3A_948 = arith.mulf %parallel_loop3A_947, %parallel_loop3A_924 : vector<16xf32>
        %parallel_loop3A_949 = arith.mulf %parallel_loop3A_948, %parallel_loop3A_945 : vector<16xf32>
        %parallel_loop3A_950 = arith.mulf %parallel_loop3A_949, %parallel_loop3A_945 : vector<16xf32>
        %parallel_loop3A_951 = arith.constant 1.500000e+00 : f32
        %parallel_loop3A_952 = vector.broadcast %parallel_loop3A_951 : f32 to vector<16xf32>
        %parallel_loop3A_953 = arith.subf %parallel_loop3A_952, %parallel_loop3A_950 : vector<16xf32>
        %parallel_loop3A_954 = arith.mulf %parallel_loop3A_945, %parallel_loop3A_953 : vector<16xf32>
        %parallel_loop3A_955 = arith.constant 5.000000e-01 : f32
        %parallel_loop3A_956 = vector.broadcast %parallel_loop3A_955 : f32 to vector<16xf32>
        %parallel_loop3A_957 = arith.mulf %parallel_loop3A_956, %parallel_loop3A_924 : vector<16xf32>
        %parallel_loop3A_958 = arith.mulf %parallel_loop3A_957, %parallel_loop3A_954 : vector<16xf32>
        %parallel_loop3A_959 = arith.mulf %parallel_loop3A_958, %parallel_loop3A_954 : vector<16xf32>
        %parallel_loop3A_960 = arith.constant 1.500000e+00 : f32
        %parallel_loop3A_961 = vector.broadcast %parallel_loop3A_960 : f32 to vector<16xf32>
        %parallel_loop3A_962 = arith.subf %parallel_loop3A_961, %parallel_loop3A_959 : vector<16xf32>
        %parallel_loop3A_963 = arith.mulf %parallel_loop3A_954, %parallel_loop3A_962 : vector<16xf32>
        %parallel_loop3A_964 = arith.mulf %parallel_loop3A_920, %parallel_loop3A_963 : vector<16xf32>
        %parallel_loop3A_965 = tpu.bitcast %parallel_loop3A_928 : vector<16xf32> -> vector<16xi32>
        %parallel_loop3A_966 = arith.constant 1 : i32
        %parallel_loop3A_967 = vector.broadcast %parallel_loop3A_966 : i32 to vector<16xi32>
        %parallel_loop3A_968 = arith.shrsi %parallel_loop3A_965, %parallel_loop3A_967 : vector<16xi32>
        %parallel_loop3A_969 = arith.constant 1597463007 : i32
        %parallel_loop3A_970 = vector.broadcast %parallel_loop3A_969 : i32 to vector<16xi32>
        %parallel_loop3A_971 = arith.subi %parallel_loop3A_970, %parallel_loop3A_968 : vector<16xi32>
        %parallel_loop3A_972 = tpu.bitcast %parallel_loop3A_971 : vector<16xi32> -> vector<16xf32>
        %parallel_loop3A_973 = arith.constant 5.000000e-01 : f32
        %parallel_loop3A_974 = vector.broadcast %parallel_loop3A_973 : f32 to vector<16xf32>
        %parallel_loop3A_975 = arith.mulf %parallel_loop3A_974, %parallel_loop3A_928 : vector<16xf32>
        %parallel_loop3A_976 = arith.mulf %parallel_loop3A_975, %parallel_loop3A_972 : vector<16xf32>
        %parallel_loop3A_977 = arith.mulf %parallel_loop3A_976, %parallel_loop3A_972 : vector<16xf32>
        %parallel_loop3A_978 = arith.constant 1.500000e+00 : f32
        %parallel_loop3A_979 = vector.broadcast %parallel_loop3A_978 : f32 to vector<16xf32>
        %parallel_loop3A_980 = arith.subf %parallel_loop3A_979, %parallel_loop3A_977 : vector<16xf32>
        %parallel_loop3A_981 = arith.mulf %parallel_loop3A_972, %parallel_loop3A_980 : vector<16xf32>
        %parallel_loop3A_982 = arith.constant 5.000000e-01 : f32
        %parallel_loop3A_983 = vector.broadcast %parallel_loop3A_982 : f32 to vector<16xf32>
        %parallel_loop3A_984 = arith.mulf %parallel_loop3A_983, %parallel_loop3A_928 : vector<16xf32>
        %parallel_loop3A_985 = arith.mulf %parallel_loop3A_984, %parallel_loop3A_981 : vector<16xf32>
        %parallel_loop3A_986 = arith.mulf %parallel_loop3A_985, %parallel_loop3A_981 : vector<16xf32>
        %parallel_loop3A_987 = arith.constant 1.500000e+00 : f32
        %parallel_loop3A_988 = vector.broadcast %parallel_loop3A_987 : f32 to vector<16xf32>
        %parallel_loop3A_989 = arith.subf %parallel_loop3A_988, %parallel_loop3A_986 : vector<16xf32>
        %parallel_loop3A_990 = arith.mulf %parallel_loop3A_981, %parallel_loop3A_989 : vector<16xf32>
        %parallel_loop3A_991 = arith.constant 5.000000e-01 : f32
        %parallel_loop3A_992 = vector.broadcast %parallel_loop3A_991 : f32 to vector<16xf32>
        %parallel_loop3A_993 = arith.mulf %parallel_loop3A_992, %parallel_loop3A_928 : vector<16xf32>
        %parallel_loop3A_994 = arith.mulf %parallel_loop3A_993, %parallel_loop3A_990 : vector<16xf32>
        %parallel_loop3A_995 = arith.mulf %parallel_loop3A_994, %parallel_loop3A_990 : vector<16xf32>
        %parallel_loop3A_996 = arith.constant 1.500000e+00 : f32
        %parallel_loop3A_997 = vector.broadcast %parallel_loop3A_996 : f32 to vector<16xf32>
        %parallel_loop3A_998 = arith.subf %parallel_loop3A_997, %parallel_loop3A_995 : vector<16xf32>
        %parallel_loop3A_999 = arith.mulf %parallel_loop3A_990, %parallel_loop3A_998 : vector<16xf32>
        %parallel_loop3A_1000 = arith.mulf %parallel_loop3A_964, %parallel_loop3A_999 : vector<16xf32>
        %parallel_loop3A_1001 = arith.constant 8 : i32
        %parallel_loop3A_1002 = arith.divsi %parallel_loop3A_909, %parallel_loop3A_1001 : i32
        %parallel_loop3A_1003 = arith.constant 0 : i32
        %parallel_loop3A_1004 = arith.cmpi sgt, %parallel_loop3A_909, %parallel_loop3A_1003 : i32
        %parallel_loop3A_1005 = arith.extui %parallel_loop3A_1004 : i1 to i32
        %parallel_loop3A_1006 = arith.constant 0 : i32
        %parallel_loop3A_1007 = arith.cmpi slt, %parallel_loop3A_909, %parallel_loop3A_1006 : i32
        %parallel_loop3A_1008 = arith.extui %parallel_loop3A_1007 : i1 to i32
        %parallel_loop3A_1009 = arith.subi %parallel_loop3A_1005, %parallel_loop3A_1008 : i32
        %parallel_loop3A_1010 = arith.constant 0 : i32
        %parallel_loop3A_1011 = arith.cmpi sgt, %parallel_loop3A_1001, %parallel_loop3A_1010 : i32
        %parallel_loop3A_1012 = arith.extui %parallel_loop3A_1011 : i1 to i32
        %parallel_loop3A_1013 = arith.constant 0 : i32
        %parallel_loop3A_1014 = arith.cmpi slt, %parallel_loop3A_1001, %parallel_loop3A_1013 : i32
        %parallel_loop3A_1015 = arith.extui %parallel_loop3A_1014 : i1 to i32
        %parallel_loop3A_1016 = arith.subi %parallel_loop3A_1012, %parallel_loop3A_1015 : i32
        %parallel_loop3A_1017 = arith.cmpi ne, %parallel_loop3A_1009, %parallel_loop3A_1016 : i32
        %parallel_loop3A_1018 = arith.remsi %parallel_loop3A_909, %parallel_loop3A_1001 : i32
        %parallel_loop3A_1019 = arith.constant 0 : i32
        %parallel_loop3A_1020 = arith.cmpi ne, %parallel_loop3A_1018, %parallel_loop3A_1019 : i32
        %parallel_loop3A_1021 = arith.andi %parallel_loop3A_1017, %parallel_loop3A_1020 : i1
        %parallel_loop3A_1022 = arith.constant 1 : i32
        %parallel_loop3A_1023 = arith.subi %parallel_loop3A_1002, %parallel_loop3A_1022 : i32
        %parallel_loop3A_1024 = arith.select %parallel_loop3A_1021, %parallel_loop3A_1023, %parallel_loop3A_1002 : i32
        %parallel_loop3A_1025 = arith.constant 8 : i32
        %parallel_loop3A_1026 = arith.constant 0 : i32
        %parallel_loop3A_1027 = arith.cmpi eq, %parallel_loop3A_1025, %parallel_loop3A_1026 : i32
        %parallel_loop3A_1028 = arith.constant 1 : i32
        %parallel_loop3A_1029 = arith.select %parallel_loop3A_1027, %parallel_loop3A_1028, %parallel_loop3A_1025 : i32
        %parallel_loop3A_1030 = arith.remsi %parallel_loop3A_909, %parallel_loop3A_1029 : i32
        %parallel_loop3A_1031 = arith.constant 0 : i32
        %parallel_loop3A_1032 = arith.cmpi ne, %parallel_loop3A_1030, %parallel_loop3A_1031 : i32
        %parallel_loop3A_1033 = arith.constant 0 : i32
        %parallel_loop3A_1034 = arith.cmpi slt, %parallel_loop3A_1030, %parallel_loop3A_1033 : i32
        %parallel_loop3A_1035 = arith.constant 0 : i32
        %parallel_loop3A_1036 = arith.cmpi slt, %parallel_loop3A_1029, %parallel_loop3A_1035 : i32
        %parallel_loop3A_1037 = arith.xori %parallel_loop3A_1034, %parallel_loop3A_1036 : i1
        %parallel_loop3A_1038 = arith.andi %parallel_loop3A_1037, %parallel_loop3A_1032 : i1
        %parallel_loop3A_1039 = arith.addi %parallel_loop3A_1030, %parallel_loop3A_1029 : i32
        %parallel_loop3A_1040 = arith.select %parallel_loop3A_1038, %parallel_loop3A_1039, %parallel_loop3A_1030 : i32
        %parallel_loop3A_1041 = arith.constant 16 : i32
        %parallel_loop3A_1042 = arith.muli %parallel_loop3A_1040, %parallel_loop3A_1041 : i32
        %parallel_loop3A_1043 = arith.index_cast %parallel_loop3A_1024 : i32 to index
        %parallel_loop3A_1044 = arith.index_cast %parallel_loop3A_1042 : i32 to index
        %parallel_loop3A_1045 = tpu.vector_load %arg13[%parallel_loop3A_1043, %parallel_loop3A_1044] {strides = array<i32>} : memref<5x128xf32, #tpu.memory_space<vmem>>, vector<16xf32>,
        tpu.vector_store %arg13[%parallel_loop3A_1043, %parallel_loop3A_1044], %parallel_loop3A_1000 {strides = array<i32>} : memref<5x128xf32, #tpu.memory_space<vmem>>, vector<16xf32>,
      } {sc.loop_unroll_factor = 4 : i64, sc.parallel_access}
      %mul3A_906 = arith.constant 5 : i32
      %mul3A_907 = arith.muli %add3A_628, %mul3A_906 : i32
      %add3A_908 = arith.addi %mul3A_2, %mul3A_907 : i32
      "tpu.region"() ({
        %run_scoped3A = tpu.sem_alloc : memref<!tpu.dma_semaphore, #tpu.memory_space<semaphore_mem>>
        %dma_start3A_909 = arith.constant 0 : i32
        %dma_start3A_910 = tpu.memref_slice %arg5[%add3A_908, %dma_start3A_909] : memref<25600x128xf32, #tpu.memory_space<hbm>> -> memref<5x128xf32, #tpu.memory_space<hbm>>
        %dma_start3A_911 = arith.constant 0 : i32
        %dma_start3A_912 = tpu.memref_slice %arg5[%add3A_908, %dma_start3A_911] : memref<25600x128xf32, #tpu.memory_space<hbm>> -> memref<5x128xf32, #tpu.memory_space<hbm>>
        tpu.enqueue_dma source(%arg13 : memref<5x128xf32, #tpu.memory_space<vmem>>) target(%dma_start3A_912 : memref<5x128xf32, #tpu.memory_space<hbm>>) target_semaphore(%run_scoped3A : memref<!tpu.dma_semaphore, #tpu.memory_space<semaphore_mem>>)
        %dma_wait3A_913 = arith.constant 0 : i32
        %dma_wait3A_914 = tpu.memref_slice %arg5[%add3A_908, %dma_wait3A_913] : memref<25600x128xf32, #tpu.memory_space<hbm>> -> memref<5x128xf32, #tpu.memory_space<hbm>>
        %dma_wait3A_915 = arith.constant 0 : i32
        %dma_wait3A_916 = tpu.memref_slice %arg5[%add3A_908, %dma_wait3A_915] : memref<25600x128xf32, #tpu.memory_space<hbm>> -> memref<5x128xf32, #tpu.memory_space<hbm>>
        tpu.wait_dma2 semaphore(%run_scoped3A : memref<!tpu.dma_semaphore, #tpu.memory_space<semaphore_mem>>) src(%arg13 : memref<5x128xf32, #tpu.memory_space<vmem>>) dst(%dma_wait3A_916 : memref<5x128xf32, #tpu.memory_space<hbm>>)
        tpu.yield
      }) : () -> ()
    }
    %scan3A_269 = arith.constant 80 : i32
    %dma_wait3A_270 = arith.constant 0 : i32
    %dma_wait3A_271 = arith.constant 0 : i32
    %dma_wait3A_272 = arith.constant 0 : i32
    %dma_wait3A_273 = arith.constant 0 : i32
    %dma_wait3A_274 = tpu.memref_slice %arg8[%dma_wait3A_270, %dma_wait3A_272, %dma_wait3A_273] : memref<2x640x32xf32, #tpu.memory_space<vmem>> -> memref<1x640x32xf32, #tpu.memory_space<vmem>>
    %dma_wait3A_275 = tpu.memref_squeeze %dma_wait3A_274 : memref<1x640x32xf32, #tpu.memory_space<vmem>> -> memref<640x32xf32, #tpu.memory_space<vmem>>
    %dma_wait3A_276 = arith.constant 0 : i32
    %dma_wait3A_277 = arith.constant 0 : i32
    %dma_wait3A_278 = tpu.memref_slice %arg4[%dma_wait3A_276, %dma_wait3A_277] : memref<1000000x32xf32, #tpu.memory_space<hbm>> -> memref<640x32xf32, #tpu.memory_space<hbm>>
    %dma_wait3A_279 = tpu.memref_slice %arg14[%dma_wait3A_271] : memref<2x!tpu.dma_semaphore, #tpu.memory_space<semaphore_mem>> -> memref<1x!tpu.dma_semaphore, #tpu.memory_space<semaphore_mem>>
    %dma_wait3A_280 = tpu.memref_squeeze %dma_wait3A_279 : memref<1x!tpu.dma_semaphore, #tpu.memory_space<semaphore_mem>> -> memref<!tpu.dma_semaphore, #tpu.memory_space<semaphore_mem>>
    %dma_wait3A_281 = arith.constant 0 : i32
    %dma_wait3A_282 = arith.constant 0 : i32
    %dma_wait3A_283 = tpu.memref_slice %arg8[%dma_wait3A_270, %dma_wait3A_281, %dma_wait3A_282] : memref<2x640x32xf32, #tpu.memory_space<vmem>> -> memref<1x640x32xf32, #tpu.memory_space<vmem>>
    %dma_wait3A_284 = tpu.memref_squeeze %dma_wait3A_283 : memref<1x640x32xf32, #tpu.memory_space<vmem>> -> memref<640x32xf32, #tpu.memory_space<vmem>>
    %dma_wait3A_285 = arith.constant 0 : i32
    %dma_wait3A_286 = arith.constant 0 : i32
    %dma_wait3A_287 = tpu.memref_slice %arg4[%dma_wait3A_285, %dma_wait3A_286] : memref<1000000x32xf32, #tpu.memory_space<hbm>> -> memref<640x32xf32, #tpu.memory_space<hbm>>
    tpu.wait_dma2 semaphore(%dma_wait3A_280 : memref<!tpu.dma_semaphore, #tpu.memory_space<semaphore_mem>>) src(%dma_wait3A_287 : memref<640x32xf32, #tpu.memory_space<hbm>>) dst(%dma_wait3A_284 : memref<640x32xf32, #tpu.memory_space<vmem>>)
    %dma_wait3A_288 = arith.constant 0 : i32
    %dma_wait3A_289 = arith.constant 0 : i32
    %dma_wait3A_290 = arith.constant 0 : i32
    %dma_wait3A_291 = arith.constant 0 : i32
    %dma_wait3A_292 = tpu.memref_slice %arg9[%dma_wait3A_288, %dma_wait3A_290, %dma_wait3A_291] : memref<2x640x32xf32, #tpu.memory_space<vmem>> -> memref<1x640x32xf32, #tpu.memory_space<vmem>>
    %dma_wait3A_293 = tpu.memref_squeeze %dma_wait3A_292 : memref<1x640x32xf32, #tpu.memory_space<vmem>> -> memref<640x32xf32, #tpu.memory_space<vmem>>
    %dma_wait3A_294 = arith.constant 0 : i32
    %dma_wait3A_295 = arith.constant 0 : i32
    %dma_wait3A_296 = tpu.memref_slice %arg4[%dma_wait3A_294, %dma_wait3A_295] : memref<1000000x32xf32, #tpu.memory_space<hbm>> -> memref<640x32xf32, #tpu.memory_space<hbm>>
    %dma_wait3A_297 = tpu.memref_slice %arg14[%dma_wait3A_289] : memref<2x!tpu.dma_semaphore, #tpu.memory_space<semaphore_mem>> -> memref<1x!tpu.dma_semaphore, #tpu.memory_space<semaphore_mem>>
    %dma_wait3A_298 = tpu.memref_squeeze %dma_wait3A_297 : memref<1x!tpu.dma_semaphore, #tpu.memory_space<semaphore_mem>> -> memref<!tpu.dma_semaphore, #tpu.memory_space<semaphore_mem>>
    %dma_wait3A_299 = arith.constant 0 : i32
    %dma_wait3A_300 = arith.constant 0 : i32
    %dma_wait3A_301 = tpu.memref_slice %arg9[%dma_wait3A_288, %dma_wait3A_299, %dma_wait3A_300] : memref<2x640x32xf32, #tpu.memory_space<vmem>> -> memref<1x640x32xf32, #tpu.memory_space<vmem>>
    %dma_wait3A_302 = tpu.memref_squeeze %dma_wait3A_301 : memref<1x640x32xf32, #tpu.memory_space<vmem>> -> memref<640x32xf32, #tpu.memory_space<vmem>>
    %dma_wait3A_303 = arith.constant 0 : i32
    %dma_wait3A_304 = arith.constant 0 : i32
    %dma_wait3A_305 = tpu.memref_slice %arg4[%dma_wait3A_303, %dma_wait3A_304] : memref<1000000x32xf32, #tpu.memory_space<hbm>> -> memref<640x32xf32, #tpu.memory_space<hbm>>
    tpu.wait_dma2 semaphore(%dma_wait3A_298 : memref<!tpu.dma_semaphore, #tpu.memory_space<semaphore_mem>>) src(%dma_wait3A_305 : memref<640x32xf32, #tpu.memory_space<hbm>>) dst(%dma_wait3A_302 : memref<640x32xf32, #tpu.memory_space<vmem>>)
    %dma_wait3A_306 = arith.constant 1 : i32
    %dma_wait3A_307 = arith.constant 1 : i32
    %dma_wait3A_308 = arith.constant 0 : i32
    %dma_wait3A_309 = arith.constant 0 : i32
    %dma_wait3A_310 = tpu.memref_slice %arg6[%dma_wait3A_306, %dma_wait3A_308, %dma_wait3A_309] : memref<2x5x128xi32, #tpu.memory_space<vmem>> -> memref<1x5x128xi32, #tpu.memory_space<vmem>>
    %dma_wait3A_311 = tpu.memref_squeeze %dma_wait3A_310 : memref<1x5x128xi32, #tpu.memory_space<vmem>> -> memref<5x128xi32, #tpu.memory_space<vmem>>
    %dma_wait3A_312 = arith.constant 0 : i32
    %dma_wait3A_313 = arith.constant 0 : i32
    %dma_wait3A_314 = tpu.memref_slice %arg2[%dma_wait3A_312, %dma_wait3A_313] : memref<25600x128xi32, #tpu.memory_space<hbm>> -> memref<5x128xi32, #tpu.memory_space<hbm>>
    %dma_wait3A_315 = tpu.memref_slice %arg15[%dma_wait3A_307] : memref<2x!tpu.dma_semaphore, #tpu.memory_space<semaphore_mem>> -> memref<1x!tpu.dma_semaphore, #tpu.memory_space<semaphore_mem>>
    %dma_wait3A_316 = tpu.memref_squeeze %dma_wait3A_315 : memref<1x!tpu.dma_semaphore, #tpu.memory_space<semaphore_mem>> -> memref<!tpu.dma_semaphore, #tpu.memory_space<semaphore_mem>>
    %dma_wait3A_317 = arith.constant 0 : i32
    %dma_wait3A_318 = arith.constant 0 : i32
    %dma_wait3A_319 = tpu.memref_slice %arg6[%dma_wait3A_306, %dma_wait3A_317, %dma_wait3A_318] : memref<2x5x128xi32, #tpu.memory_space<vmem>> -> memref<1x5x128xi32, #tpu.memory_space<vmem>>
    %dma_wait3A_320 = tpu.memref_squeeze %dma_wait3A_319 : memref<1x5x128xi32, #tpu.memory_space<vmem>> -> memref<5x128xi32, #tpu.memory_space<vmem>>
    %dma_wait3A_321 = arith.constant 0 : i32
    %dma_wait3A_322 = arith.constant 0 : i32
    %dma_wait3A_323 = tpu.memref_slice %arg2[%dma_wait3A_321, %dma_wait3A_322] : memref<25600x128xi32, #tpu.memory_space<hbm>> -> memref<5x128xi32, #tpu.memory_space<hbm>>
    tpu.wait_dma2 semaphore(%dma_wait3A_316 : memref<!tpu.dma_semaphore, #tpu.memory_space<semaphore_mem>>) src(%dma_wait3A_323 : memref<5x128xi32, #tpu.memory_space<hbm>>) dst(%dma_wait3A_320 : memref<5x128xi32, #tpu.memory_space<vmem>>)
    %dma_wait3A_324 = arith.constant 1 : i32
    %dma_wait3A_325 = arith.constant 1 : i32
    %dma_wait3A_326 = arith.constant 0 : i32
    %dma_wait3A_327 = arith.constant 0 : i32
    %dma_wait3A_328 = tpu.memref_slice %arg7[%dma_wait3A_324, %dma_wait3A_326, %dma_wait3A_327] : memref<2x5x128xi32, #tpu.memory_space<vmem>> -> memref<1x5x128xi32, #tpu.memory_space<vmem>>
    %dma_wait3A_329 = tpu.memref_squeeze %dma_wait3A_328 : memref<1x5x128xi32, #tpu.memory_space<vmem>> -> memref<5x128xi32, #tpu.memory_space<vmem>>
    %dma_wait3A_330 = arith.constant 0 : i32
    %dma_wait3A_331 = arith.constant 0 : i32
    %dma_wait3A_332 = tpu.memref_slice %arg3[%dma_wait3A_330, %dma_wait3A_331] : memref<25600x128xi32, #tpu.memory_space<hbm>> -> memref<5x128xi32, #tpu.memory_space<hbm>>
    %dma_wait3A_333 = tpu.memref_slice %arg15[%dma_wait3A_325] : memref<2x!tpu.dma_semaphore, #tpu.memory_space<semaphore_mem>> -> memref<1x!tpu.dma_semaphore, #tpu.memory_space<semaphore_mem>>
    %dma_wait3A_334 = tpu.memref_squeeze %dma_wait3A_333 : memref<1x!tpu.dma_semaphore, #tpu.memory_space<semaphore_mem>> -> memref<!tpu.dma_semaphore, #tpu.memory_space<semaphore_mem>>
    %dma_wait3A_335 = arith.constant 0 : i32
    %dma_wait3A_336 = arith.constant 0 : i32
    %dma_wait3A_337 = tpu.memref_slice %arg7[%dma_wait3A_324, %dma_wait3A_335, %dma_wait3A_336] : memref<2x5x128xi32, #tpu.memory_space<vmem>> -> memref<1x5x128xi32, #tpu.memory_space<vmem>>
    %dma_wait3A_338 = tpu.memref_squeeze %dma_wait3A_337 : memref<1x5x128xi32, #tpu.memory_space<vmem>> -> memref<5x128xi32, #tpu.memory_space<vmem>>
    %dma_wait3A_339 = arith.constant 0 : i32
    %dma_wait3A_340 = arith.constant 0 : i32
    %dma_wait3A_341 = tpu.memref_slice %arg3[%dma_wait3A_339, %dma_wait3A_340] : memref<25600x128xi32, #tpu.memory_space<hbm>> -> memref<5x128xi32, #tpu.memory_space<hbm>>
    tpu.wait_dma2 semaphore(%dma_wait3A_334 : memref<!tpu.dma_semaphore, #tpu.memory_space<semaphore_mem>>) src(%dma_wait3A_341 : memref<5x128xi32, #tpu.memory_space<hbm>>) dst(%dma_wait3A_338 : memref<5x128xi32, #tpu.memory_space<vmem>>)
    return
  }
}

</mosaic_0001>

<sc_bundles>
// kernel: kernel.4.cloned.1.call-start
scs
__scs_entry_jumppad:
0x0: {  	(pc) =	sbr.rel $0x88, $3  }
0x1: {  	(tag) =	ssettag $0x0;
	lr =	simm.s32 $0x1  }
0x2: {  	[smem:$0x3F9E] =	sst lr;
	_ =	strace $0xD0000000  }
0x3: {  	_ = 	snop  }
0x4: {  	_ = 	snop  }
0x5: {  	_ = 	snop  }
0x6: {  	_ = 	snop  }
0x7: {  	_ = 	snop  }
__scs_overlays_trampoline_lowered:
0x8: {  	[smem:$0x3FAD] =	sst s0  }
0x9: {  	[smem:$0x3FAE] =	sst s1  }
0xa: {  	[smem:$0x3FAF] =	sst s2  }
0xb: {  	[smem:$0x3FB0] =	sst s3  }
0xc: {  	[smem:$0x3FB1] =	sst s4  }
0xd: {  	[smem:$0x3FB2] =	sst s5  }
0xe: {  	[smem:$0x3FB3] =	sst s6  }
0xf: {  	[smem:$0x3FB4] =	sst s7  }
0x10: {  	[smem:$0x3FB5] =	sst s8  }
0x11: {  	[smem:$0x3FB6] =	sst s9;
	s0 =	simm.s32 @!p0 $0x0  }
0x12: {  	s1 =	sld [smem:$0x3F9C];
	s0 =	simm.s32 @p0 $0x1  }
0x13: {  	[smem:$0x3FB7] =	sst s0;
	s0 =	simm.s32 @!p1 $0x0  }
0x14: {  	s2 =	sld [smem:$0x3F9B];
	s0 =	simm.s32 @p1 $0x1  }
0x15: {  	[smem:$0x3FB8] =	sst s0;
	s0 =	simm.s32 @!p2 $0x0  }
0x16: {  	s3 =	sld [smem:$0x3FDB];
	s0 =	simm.s32 @p2 $0x1  }
0x17: {  	s4 =	simm.s32 $0x1BF5;
	[smem:$0x3FBA] =	sst s0  }
0x18: {  	s0 =	sld [smem:$0x3F9D];
	_ =	swait.ge [sflag:s4], $0x0  }
0x19: {  	s7 =	sld [smem:$0x3F9E]  }
0x1a: {  	s8 =	sadd.s32 $0xFFFFE003, lr  }
0x1b: {  	s9 =	sadd.s32 $0xFFFFFEF7, lr;
	s5 =	simm.s32 $0xFFFFFFFF;
	p2 =	slt.u32 s8, $0xFFFFF086  }
0x1c: {  	p1 =	slt.u32 s9, $0xF7A;
	s5 =	simm.s32 @!p2 $0x0  }
0x1d: {  	s5 =	simm.s32 @p1 $0x1;
	p0 =	seq.s32 s7, s2  }
0x1e: {  	s7 =	smul.u32 @!p0 $0xF7A, s2;
	p2 =	seq.s32 @!p0 s5, $0x0  }
0x1f: {  	s9 =	smul.u32 $0xF7A, s1;
	s8 =	simm.s32 @!p0 $0x1BF5;
	p2 =	por !p2, p0  }
0x20: {  	[sflag:s8] =	ssyncset.s32 @!p0 $0xFFFFF086;
	s6 =	sadd.s32 @!p0 s3, s7;
	s7 =	simm.s32 @!p0 $0x108  }
0x21: {  	s3 =	sadd.s32 s3, s9;
	s6 =	sadd.s32 @!p0 $0x88, s6;
	s7 =	simm.s32 @p2 $0x1082  }
0x22: {  	[simem:s7], [sflag:s8] =	dma.local @!p0 [hbm:s6], $0xF7A  }
0x23: {  	s9 =	sor.u32 $0xD0000000, s2;
	s6 =	simm.s32 $0x108;
	_ =	swait.ge @!p0 [sflag:s8], $0x0  }
0x24: {  	s3 =	sadd.s32 $0x88, s3;
	s6 =	simm.s32 @!p1 $0x1082;
	[sflag:s4] =	ssyncset.s32 $0xFFFFF086  }
0x25: {  	[simem:s6], [sflag:s4] =	dma.local [hbm:s3], $0xF7A  }
0x26: {  	[smem:$0x3F9E] =	sst s1;
	(tag) =	ssettag s2;
	_ =	strace s9  }
0x27: {  	s1 =	sld [smem:$0x3FAE]  }
0x28: {  	s2 =	sld [smem:$0x3FAF]  }
0x29: {  	s4 =	sld [smem:$0x3FB1]  }
0x2a: {  	p0 =	seq.s32 s5, $0x0;
	s5 =	sld [smem:$0x3FB2]  }
0x2b: {  	s6 =	sld [smem:$0x3FB3]  }
0x2c: {  	s7 =	sld [smem:$0x3FB4]  }
0x2d: {  	s3 =	simm.s32 $0x108;
	s8 =	sld [smem:$0x3FB5]  }
0x2e: {  	s3 =	simm.s32 @!p0 $0x1082;
	s9 =	sld [smem:$0x3FB6]  }
0x2f: {  	lr =	sadd.s32 s0, s3;
	s0 =	sld [smem:$0x3FAD]  }
0x30: {  	s3 =	sld [smem:$0x3FB0]  }
0x31: {  	[smem:$0x3FB9] =	sst s10  }
0x32: {  	s10 =	sld [smem:$0x3FB7];
	_ =	sdelay $0x3  }
0x33: {  	p0 =	seq.s32 s10, $0x1;
	s10 =	sld [smem:$0x3FB9];
	_ =	sdelay $0x3  }
0x34: {  	[smem:$0x3FB9] =	sst s10  }
0x35: {  	s10 =	sld [smem:$0x3FB8];
	_ =	sdelay $0x3  }
0x36: {  	p1 =	seq.s32 s10, $0x1;
	s10 =	sld [smem:$0x3FB9];
	_ =	sdelay $0x3  }
0x37: {  	[smem:$0x3FB9] =	sst s10  }
0x38: {  	s10 =	sld [smem:$0x3FBA]  }
0x39: {  	_ = 	snop;
	(pc) =	sbr.ind lr, $3  }
0x3a: {  	_ = 	snop  }
0x3b: {  	_ = 	snop  }
0x3c: {  	p2 =	seq.s32 s10, $0x1;
	s10 =	sld [smem:$0x3FB9]  }
0x3d: {  	_ =	shalt  }
0x3e: {  	_ =	shalt  }
0x3f: {  	_ =	shalt  }
0x40: {  	_ =	shalt  }
0x41: {  	_ =	shalt  }
0x42: {  	_ =	shalt  }
0x43: {  	_ =	shalt  }
0x44: {  	_ =	shalt  }
0x45: {  	_ =	shalt  }
0x46: {  	_ =	shalt  }
0x47: {  	_ =	shalt  }
0x48: {  	_ =	shalt  }
0x49: {  	_ =	shalt  }
0x4a: {  	_ =	shalt  }
0x4b: {  	_ =	shalt  }
0x4c: {  	_ =	shalt  }
0x4d: {  	_ =	shalt  }
0x4e: {  	_ =	shalt  }
0x4f: {  	_ =	shalt  }
0x50: {  	_ =	shalt  }
0x51: {  	_ =	shalt  }
0x52: {  	_ =	shalt  }
0x53: {  	_ =	shalt  }
0x54: {  	_ =	shalt  }
0x55: {  	_ =	shalt  }
0x56: {  	_ =	shalt  }
0x57: {  	_ =	shalt  }
0x58: {  	_ =	shalt  }
0x59: {  	_ =	shalt  }
0x5a: {  	_ =	shalt  }
0x5b: {  	_ =	shalt  }
0x5c: {  	_ =	shalt  }
0x5d: {  	_ =	shalt  }
0x5e: {  	_ =	shalt  }
0x5f: {  	_ =	shalt  }
0x60: {  	_ =	shalt  }
0x61: {  	_ =	shalt  }
0x62: {  	_ =	shalt  }
0x63: {  	_ =	shalt  }
0x64: {  	_ =	shalt  }
0x65: {  	_ =	shalt  }
0x66: {  	_ =	shalt  }
0x67: {  	_ =	shalt  }
0x68: {  	_ =	shalt  }
0x69: {  	_ =	shalt  }
0x6a: {  	_ =	shalt  }
0x6b: {  	_ =	shalt  }
0x6c: {  	_ =	shalt  }
0x6d: {  	_ =	shalt  }
0x6e: {  	_ =	shalt  }
0x6f: {  	_ =	shalt  }
0x70: {  	_ =	shalt  }
0x71: {  	_ =	shalt  }
0x72: {  	_ =	shalt  }
0x73: {  	_ =	shalt  }
0x74: {  	_ =	shalt  }
0x75: {  	_ =	shalt  }
0x76: {  	_ =	shalt  }
0x77: {  	_ =	shalt  }
0x78: {  	_ =	shalt  }
0x79: {  	_ =	shalt  }
0x7a: {  	_ =	shalt  }
0x7b: {  	_ =	shalt  }
0x7c: {  	_ =	shalt  }
0x7d: {  	_ =	shalt  }
0x7e: {  	_ =	shalt  }
0x7f: {  	_ =	shalt  }
0x80: {  	_ =	shalt  }
0x81: {  	_ =	shalt  }
0x82: {  	_ =	shalt  }
0x83: {  	_ =	shalt  }
0x84: {  	_ =	shalt  }
0x85: {  	_ =	shalt  }
0x86: {  	_ =	shalt  }
0x87: {  	_ =	shalt  }
.Lfunc_end0:
.L_simem_size_0:
called_computation_lowered:
.L_overlay_start_0:
0x88: {  	s2 =	sld [smem:$0x3FD9]  }
0x89: {  	s3 =	sld [smem:$0x3FFE];
	_ =	sdelay $0x1  }
0x8a: {  	s1 =	srdreg.scid  }
0x8b: {  	s0 =	sand.u32 $0x1, s1  }
0x8c: {  	s17 =	sshll.u32 s0, $0xA;
	s2 =	sadd.s32 s3, s2  }
0x8d: {  	s2 =	sadd.s32 s2, s17  }
0x8e: {  	[smem:$0x3FC5] =	sst s2  }
0x8f: {  	_ = 	snop  }
0x90: {  	s2 =	sld [smem:$0x3FC7];
	(tm) =	ssettm $0x1  }
0x91: {  	s18 =	sld [smem:$0x3FFB];
	_ =	sdelay $0x3  }
0x92: {  	_ =	strace s18  }
0x93: {  	s3 =	sld [smem:$0x3FFC];
	_ =	sdelay $0x3  }
0x94: {  	_ =	strace s3  }
0x95: {  	s3 =	sld [smem:$0x3FFD];
	_ =	sdelay $0x3  }
0x96: {  	_ =	strace s3  }
0x97: {  	_ =	strace $0x8FFFFFFF  }
0x98: {  	s19 =	sld [smem:$0x3FDB];
	_ =	sdelay $0x1  }
0x99: {  	s4 =	simm.s32 $_scs_section_size  }
0x9a: {  	s5 =	simm.s32 $_size__tile_overlayer_lowered;
	s6 =	simm.s32 $_tile_overlayer_lowered  }
0x9b: {  	s22 =	simm.s32 $0x1BFF;
	s21 =	sshll.u32 s6, $0x1;
	s3 =	sadd.s32 s4, s19  }
0x9c: {  	s7 =	simm.s32 $0x0;
	s20 =	sshll.u32 s5, $0x1;
	s5 =	sadd.s32 s21, s3  }
0x9d: {  	[timem:s7], [sflag:s22] =	dma.local [hbm:s5], s20  }
0x9e: {  	_ =	swait.ge [sflag:s22], s20  }
0x9f: {  	s4 =	ssub.s32 $0x0, s20;
	[sflag:s22] =	ssyncset.done $0x0  }
0xa0: {  	[sflag:s22] =	ssyncadd.s32 s4;
	_ =	sdelay $0x1  }
0xa1: {  	s23 =	simm.s32 $0x1B8B  }
0xa2: {  	_ =	swait.ge [sflag:s23], $0x1  }
0xa3: {  	[sflag:s23] =	ssyncset.done $0x0  }
0xa4: {  	s25 =	simm.s32 $0x1B8E;
	s24 =	sld [smem:$0x3FFE];
	[sflag:s23] =	ssyncadd.s32 $0xFFFFFFFF  }
0xa5: {  	s26 =	simm.s32 $execute0_lowered;
	[smem:$0x3FD2] =	sst s25  }
0xa6: {  	s5 =	sshll.u32 s26, $0x1;
	_ =	strace $0x80000046;
	[dreg:$0x1] =	wrdreg $0xFFFFFFFF  }
0xa7: {  	s28 =	simm.s32 $_size_execute0_lowered;
	s3 =	sadd.s32 s3, s5;
	[dreg:$0x0] =	wrdreg $0x0  }
0xa8: {  	s5 =	sshll.u32 s28, $0x1;
	[dreg:$0x2] =	wrdreg s3  }
0xa9: {  	[dreg:$0x3] =	wrdreg s5  }
0xaa: {  	[dreg:$0x4] =	wrdreg $0xC0  }
0xab: {  	_ =	task [dreg:s7], $0x5FFFF  }
0xac: {  	[dreg:$0x1] =	wrdreg $0xFFFFFFFF  }
0xad: {  	[dreg:$0x0] =	wrdreg $0x60  }
0xae: {  	[dreg:$0x2] =	wrdreg s2  }
0xaf: {  	[dreg:$0x3] =	wrdreg s24  }
0xb0: {  	[dreg:$0x4] =	wrdreg $0x9  }
0xb1: {  	_ =	task.clear_ibuf [dreg:s7], $0x5FFFF;
	_ =	strace $0x90000046  }
0xb2: {  	s29 =	simm.s32 $0x9;
	_ =	strace $0x80000048  }
0xb3: {  	_ =	swait.ge [sflag:s29], $0x1  }
0xb4: {  	[sflag:s29] =	ssyncadd.s32 $0xFFFFFFFF  }
0xb5: {  	_ =	strace $0x90000048  }
0xb6: {  	_ =	sfence  }
0xb7: {  	s30 =	sld [smem:$0x0];
	_ =	sdelay $0x2  }
0xb8: {  	s31 =	sshll.u32 s1, $0xD;
	s1 =	sshrl.u32 s1, $0x2  }
0xb9: {  	s3 =	sand.u32 $0x4000, s31;
	s1 =	sadd.s32 s1, s30  }
0xba: {  	s0 =	sor.u32 s3, s0;
	s1 =	sshll.u32 s1, $0x11  }
0xbb: {  	s0 =	sor.u32 s1, s0  }
0xbc: {  	s0 =	sadd.s32 $0x8F2B, s0  }
0xbd: {  	[sflag:s0] =	ssyncadd.remote.s32 $0x1  }
0xbe: {  	_ =	sfence.sel $0xFFFF  }
0xbf: {  	[dreg:$0x0] =	wrdreg $0xFFFFFFFF;
	(pc) =	sbr.abs _section_cstart, $3  }
0xc0: {  	[dreg:$0x1] =	wrdreg $0xFFFFFFFF  }
0xc1: {  	_ =	task.clear_ibuf [dreg:s7], $0x2FFFF;
	_ =	strace $0x9FFFFFFF  }
0xc2: {  	(tm) =	ssettm $0x7FFFFFFF  }
0xc3: {  	_ =	shalt  }
tec
execute0_lowered:
.L_overlay_start_1:
0x0: {  	(tag) =	ssettag $0x1  }
0x1: {  	s0 =	srdreg.scid  }
0x2: {  	s10 =	stileid.u32;
	s2 =	rddreg [dreg:$0x0]  }
0x3: {  	s5 =	rddreg [dreg:$0x1];
	s3 =	simm.s32 $0x0;
	s28 =	simm.s32 $0x5000  }
0x4: {  	s30 =	simm.s32 $0x7800;
	s31 =	simm.s32 $0x8C00;
	s13 =	simm.s32 $0x2  }
0x5: {  	s14 =	simm.s32 $0xE000;
	s0 =	sand.u32 $0x1, s0;
	s1 =	sshll.u32 s10, $0x1  }
0x6: {  	[smem:$0x7FF] =	sst s3;
	s7 =	sadd.s32 $0xC00, s5;
	s24 =	sadd.s32 $0x1E8480, s2  }
0x7: {  	s25 =	sadd.s32 $0x2DC700, s2;
	_ =	strace $0x80000047;
	[dreg:$0xc] =	wrdreg s24  }
0x8: {  	s26 =	sadd.s32 $0x3D0980, s2;
	s29 =	sadd.s32 $0xF4200, s2;
	[dreg:$0xe] =	wrdreg s25  }
0x9: {  	v0 =	vimm.s32 $0x1780;
	s5 =	sadd.s32 $0x3D1400, s5;
	p1 =	sgt.u32 s10, $0x1;
	[dreg:$0xf] =	wrdreg s26  }
0xa: {  	vm0 =	vcmask $0x300;
	v1 =	vimm.s32 $0x3F80;
	vm1 =	vcmask $0x704;
	s1 =	sor.u32 s0, s1;
	s0 =	ssub.s32 $0x2, s0;
	[dreg:$0x10] =	wrdreg s29  }
0xb: {  	vm15 =	vcmask $0xB08;
	v0 =	vsel vm0, $0x0, v0;
	v1 =	vsel vm0, $0x2800, v1;
	[dreg:$0x11] =	wrdreg s5;
	s24 =	simm.s32 $0x1400;
	s20 =	sshll.u32 s1, $0x7  }
0xc: {  	vm4 =	vcmask $0xF0C;
	v0 =	vsel vm1, $0x80, v0;
	v1 =	vsel vm1, $0x2880, v1;
	s4 =	smul.u32 $0x3D000, s1;
	s8 =	sshrl.u32 s0, $0x1;
	s21 =	sor.u32 $0xF4000, s20  }
0xd: {  	vm5 =	vcmask $0x1310;
	s25 =	simm.s32 $0x2800;
	v0 =	vsel vm15, $0x100, v0;
	v1 =	vsel vm15, $0x2900, v1;
	s0 =	ssub.s32 s0, s8;
	s12 =	sadd.s32 s2, s21  }
0xe: {  	vm6 =	vcmask $0x1714;
	v0 =	vsel vm4, $0x180, v0;
	v1 =	vsel vm4, $0x2980, v1;
	s6 =	sshrl.u32 s4, $0x3;
	s0 =	smax.u32 s0, $0x1;
	[dreg:$0x8] =	wrdreg s12  }
0xf: {  	vm7 =	vcmask $0x1B18;
	s26 =	simm.s32 $0x3C00;
	v0 =	vsel vm5, $0x200, v0;
	v1 =	vsel vm5, $0x2A00, v1;
	s9 =	sadd.s32 s2, s6;
	[dreg:$0x12] =	wrdreg s0  }
0x10: {  	vm8 =	vcmask $0x1F1C;
	p0 =	sne.s32 s1, $0x4;
	v0 =	vsel vm6, $0x280, v0;
	v1 =	vsel vm6, $0x2A80, v1;
	s16 =	sadd.s32 $0xF4280, s9;
	[dreg:$0x3] =	wrdreg s9  }
0x11: {  	vm9 =	vcmask $0x2320;
	s11 =	sadd.s32 $0x2000, s4;
	s17 =	sadd.s32 $0x1E8500, s9;
	v0 =	vsel vm7, $0x300, v0;
	v1 =	vsel vm7, $0x2B00, v1;
	[dreg:$0x4] =	wrdreg s16  }
0x12: {  	vm10 =	vcmask $0x2724;
	s6 =	smul.u32 $0xF4000, s1;
	s18 =	sadd.s32 $0x2DC780, s9;
	[dreg:$0x5] =	wrdreg s17;
	v0 =	vsel vm8, $0x380, v0;
	v1 =	vsel vm8, $0x2B80, v1  }
0x13: {  	vm11 =	vcmask $0x2B28;
	s1 =	simm.s32 $0x1;
	s9 =	sadd.s32 s20, s2;
	[dreg:$0x6] =	wrdreg s18;
	v0 =	vsel vm9, $0x1400, v0;
	v1 =	vsel vm9, $0x3C00, v1  }
0x14: {  	s19 =	sshrl.u32 s6, $0x3;
	s22 =	sadd.s32 $0x1E8280, s9;
	s23 =	sadd.s32 $0x2DC500, s9;
	v0 =	vsel vm10, $0x1480, v0;
	v1 =	vsel vm10, $0x3C80, v1  }
.Ltmp0:
0x15: {  	vm12 =	vcmask $0x2F2C;
	s8 =	sadd.s32 s7, s19;
	[dreg:$0x9] =	wrdreg s22;
	v0 =	vsel vm11, $0x1500, v0;
	v1 =	vsel vm11, $0x3D00, v1;
	(pc) =	sbr.rel .LBB2_1-.Ltmp0, $4  }
0x16: {  	vm13 =	vcmask $0x3330;
	s0 =	simm.s32 $0xA000;
	[dreg:$0xa] =	wrdreg s23;
	s8 =	sadd.s32 $0x1E000, s8;
	v0 =	vsel vm12, $0x1580, v0;
	v1 =	vsel vm12, $0x3D80, v1  }
0x17: {  	vm14 =	vcmask $0x3734;
	s9 =	sadd.s32 $0x3D0780, s9;
	[dreg:$0x7] =	wrdreg s8;
	s8 =	sshll.u32 s21, $0x2;
	v0 =	vsel vm13, $0x1600, v0;
	v1 =	vsel vm13, $0x3E00, v1  }
0x18: {  	vm15 =	vcmask $0x3B38;
	s20 =	simm.s32 $0x6400;
	[dreg:$0xb] =	wrdreg s9;
	s8 =	sadd.s32 s7, s8;
	v0 =	vsel vm14, $0x1680, v0;
	v1 =	vsel vm14, $0x3E80, v1  }
0x19: {  	s21 =	simm.s32 $0x5;
	[dreg:$0xd] =	wrdreg s8;
	s8 =	simm.s32 $0x0;
	v0 =	vsel vm15, $0x1700, v0;
	v1 =	vsel vm15, $0x3F00, v1  }
.LBB2_17:
0x1a: {  	s8 =	sadd.s32 $0x1, s8;
	s5 =	rddreg [dreg:$0x12]  }
0x1b: {  	p2 =	sne.s32 s8, s5  }
.Ltmp1:
0x1c: {  	_ = 	snop;
	(pc) =	sbr.rel @!p2 .LBB2_18-.Ltmp1, $1  }
0x1d: {  	_ =	sdelay $0x3  }
.LBB2_1:
0x1e: {  	[dreg:$0x13] =	wrdreg s8  }
0x1f: {  	s5 =	rddreg [dreg:$0x3]  }
0x20: {  	[tilespmem:s3], [sflag:$0x1] =	stream.linear.gather [hbm4b:s5+s3], $0x1000, $0x38;
	[tilespmem:$0x12000] =	vst v63  }
0x21: {  	s22 =	rddreg [dreg:$0x4]  }
0x22: {  	[tilespmem:s24], [sflag:$0x1] =	stream.linear.gather [hbm4b:s22+s3], $0x1000, $0x38;
	[tilespmem:$0x12000] =	vst v63  }
0x23: {  	s23 =	rddreg [dreg:$0x5]  }
0x24: {  	[tilespmem:s25], [sflag:$0x1] =	stream.linear.gather [hbm4b:s23+s3], $0x1000, $0x38;
	[tilespmem:$0x12000] =	vst v63  }
0x25: {  	s29 =	rddreg [dreg:$0x6];
	s8 =	simm.s32 $0x0  }
0x26: {  	[tilespmem:s26], [sflag:$0x1] =	stream.linear.gather [hbm4b:s29+s3], $0x1000, $0x38;
	[tilespmem:$0x12000] =	vst v63  }
.LBB2_2:
0x27: {  	s9 =	sshllo.u32 s8, $0x1  }
0x28: {  	s5 =	sshll.u32 s9, $0xC  }
0x29: {  	s5 =	sadd.s32 s4, s5  }
0x2a: {  	s5 =	sshrl.u32 s5, $0x3  }
0x2b: {  	s29 =	simm.s32 $0x0;
	s5 =	sadd.s32 s2, s5  }
0x2c: {  	[tilespmem:s28], [sflag:$0x2] =	stream.linear.gather [hbm4b:s5+s3], $0x1000, $0x38;
	[tilespmem:$0x12000] =	vst v63  }
0x2d: {  	s12 =	simm.s32 $0x2;
	s15 =	simm.s32 $0x3;
	s10 =	sadd.s32 $0xF4280, s5  }
0x2e: {  	[tilespmem:s20], [sflag:$0x2] =	stream.linear.gather [hbm4b:s10+s3], $0x1000, $0x38;
	[tilespmem:$0x12000] =	vst v63  }
0x2f: {  	s16 =	simm.s32 $0x4;
	s17 =	simm.s32 $0x6;
	s23 =	sadd.s32 $0x1E8500, s5  }
0x30: {  	[tilespmem:s30], [sflag:$0x2] =	stream.linear.gather [hbm4b:s23+s3], $0x1000, $0x38;
	[tilespmem:$0x12000] =	vst v63  }
0x31: {  	s18 =	simm.s32 $0x7;
	s22 =	simm.s32 $0x9;
	v2 =	vmov s29;
	v5 =	vmov s12;
	v6 =	vmov s15;
	s5 =	sadd.s32 $0x2DC780, s5  }
0x32: {  	v7 =	vmov s16;
	v9 =	vmov s17;
	v16 =	vmov s18;
	[tilespmem:s31], [sflag:$0x2] =	stream.linear.gather [hbm4b:s5+s3], $0x1000, $0x38;
	[tilespmem:$0x12000] =	vst v63  }
0x33: {  	s12 =	simm.s32 $0x5;
	v20 =	vmov s22;
	v3 =	vand.u32 $0x78, v2;
	v2 =	vshll.u32 v2, $0x3;
	_ =	swait.ge [sflag:s1], $0x1000  }
0x34: {  	v8 =	vmov s12;
	v11 =	vand.u32 $0x7A, v5;
	v12 =	vand.u32 $0x7B, v6;
	[sflag:s1] =	ssyncset.done $0x0  }
0x35: {  	v13 =	vand.u32 $0x7C, v7;
	v15 =	vand.u32 $0x7E, v9;
	v5 =	vshll.u32 v5, $0x3;
	[sflag:s1] =	ssyncadd.s32 $0xFFFFF000  }
0x36: {  	s29 =	simm.s32 $0xB;
	s15 =	simm.s32 $0xD;
	v6 =	vshll.u32 v6, $0x3;
	v7 =	vshll.u32 v7, $0x3;
	v9 =	vshll.u32 v9, $0x3;
	_ =	swait.ge [sflag:s1], $0x1000  }
0x37: {  	s16 =	simm.s32 $0xE;
	v17 =	vshll.u32 v16, $0x3;
	v22 =	vmov s29;
	v24 =	vmov s15;
	[sflag:s1] =	ssyncset.done $0x0  }
0x38: {  	v25 =	vmov s16;
	v26 =	vand.u32 $0x79, v20;
	v2 =	vand.u32 $0xC00, v2;
	[sflag:s1] =	ssyncadd.s32 $0xFFFFF000  }
0x39: {  	v14 =	vand.u32 $0x7D, v8;
	v8 =	vshll.u32 v8, $0x3;
	v5 =	vand.u32 $0xC00, v5;
	s10 =	simm.s32 $0x1;
	_ =	swait.ge [sflag:s1], $0x1000  }
0x3a: {  	v2 =	vor.u32 v3, v2;
	v3 =	vand.u32 $0x7F, v16;
	v4 =	vmov s10;
	[sflag:s1] =	ssyncset.done $0x0  }
0x3b: {  	v16 =	vand.u32 $0xC00, v17;
	v10 =	vand.u32 $0x79, v4;
	v4 =	vshll.u32 v4, $0x3;
	[sflag:s1] =	ssyncadd.s32 $0xFFFFF000  }
0x3c: {  	v6 =	vand.u32 $0xC00, v6;
	v3 =	vor.u32 v3, v16;
	v4 =	vand.u32 $0xC00, v4;
	_ =	swait.ge [sflag:s1], $0x1000  }
0x3d: {  	p2 =	seq.s32 s8, $0x0;
	v7 =	vand.u32 $0xC00, v7;
	v4 =	vor.u32 v10, v4;
	v10 =	vadd.s32 v0, v3;
	[sflag:s1] =	ssyncset.done $0x0  }
0x3e: {  	s12 =	simm.s32 $0xC;
	v9 =	vand.u32 $0xC00, v9;
	v5 =	vor.u32 v11, v5;
	s5 =	simm.s32 @!p2 $0x3;
	v16 =	vadd.s32 v0, v4;
	[sflag:s1] =	ssyncadd.s32 $0xFFFFF000  }
0x3f: {  	v23 =	vmov s12;
	v6 =	vor.u32 v12, v6;
	v11 =	vadd.s32 v0, v5;
	_ =	swait.ge @!p2 [sflag:s5], $0x4000  }
0x40: {  	v7 =	vor.u32 v13, v7;
	v8 =	vand.u32 $0xC00, v8;
	v12 =	vadd.s32 v0, v6;
	[sflag:s5] =	ssyncset.done @!p2 $0x0  }
0x41: {  	v28 =	vand.u32 $0x7B, v22;
	v13 =	vadd.s32 v0, v7;
	v8 =	vor.u32 v14, v8;
	[sflag:s5] =	ssyncadd.s32 @!p2 $0xFFFFC000  }
0x42: {  	v30 =	vand.u32 $0x7D, v24;
	v9 =	vor.u32 v15, v9;
	v15 =	vadd.s32 v0, v8;
	v10 =	vld.idx.msk [tilespmem:v10+s3+$0x0], $0xffff  }
0x43: {  	s19 =	simm.s32 $0x8;
	v31 =	vand.u32 $0x7E, v25;
	v29 =	vand.u32 $0x7C, v23;
	v19 =	vadd.s32 v0, v9;
	v16 =	vld.idx.msk [tilespmem:v16+s3+$0x0], $0xffff  }
0x44: {  	v17 =	vadd.s32 v0, v2;
	v14 =	vmov s19;
	v5 =	vadd.s32 v1, v5;
	v11 =	vld.idx.msk [tilespmem:v11+s3+$0x0], $0xffff  }
0x45: {  	v6 =	vadd.s32 v1, v6;
	v7 =	vadd.s32 v1, v7;
	v3 =	vadd.s32 v1, v3;
	v12 =	vld.idx.msk [tilespmem:v12+s3+$0x0], $0xffff  }
0x46: {  	v9 =	vadd.s32 v1, v9;
	v18 =	vand.u32 $0x78, v14;
	s23 =	simm.s32 $0xA;
	v4 =	vadd.s32 v1, v4;
	s5 =	simm.s32 $0xA080;
	v13 =	vld.idx.msk [tilespmem:v13+s3+$0x0], $0xffff  }
0x47: {  	v14 =	vshll.u32 v14, $0x3;
	v8 =	vadd.s32 v1, v8;
	v21 =	vmov s23;
	v15 =	vld.idx.msk [tilespmem:v15+s3+$0x0], $0xffff;
	[tilespmem:s5+$0x60] =	vst v10  }
0x48: {  	v14 =	vand.u32 $0xC00, v14;
	v27 =	vand.u32 $0x7A, v21;
	v10 =	vld.idx.msk [tilespmem:v19+s3+$0x0], $0xffff;
	v19 =	vshll.u32 v20, $0x3;
	[tilespmem:s5+$0xFFFFFFA0] =	vst v16  }
0x49: {  	s17 =	simm.s32 $0xF;
	v17 =	vld.idx.msk [tilespmem:v17+s3+$0x0], $0xffff;
	v20 =	vshll.u32 v21, $0x3;
	v21 =	vshll.u32 v22, $0x3;
	v16 =	vshll.u32 v23, $0x3;
	[tilespmem:s5+$0xFFFFFFC0] =	vst v11  }
0x4a: {  	v22 =	vmov s17;
	v23 =	vadd.s32 v1, v2;
	v11 =	vshll.u32 v24, $0x3;
	[tilespmem:s5+$0xFFFFFFE0] =	vst v12;
	v3 =	vld.idx.msk [tilespmem:v3+s3+$0x0], $0xffff  }
0x4b: {  	v24 =	vshll.u32 v25, $0x3;
	v2 =	vor.u32 v18, v14;
	[tilespmem:s5+$0x0] =	vst v13;
	v4 =	vld.idx.msk [tilespmem:v4+s3+$0x0], $0xffff;
	v25 =	vshll.u32 v22, $0x3  }
0x4c: {  	[tilespmem:s5+$0x20] =	vst v15;
	v5 =	vld.idx.msk [tilespmem:v5+s3+$0x0], $0xffff;
	v12 =	vand.u32 $0x7F, v22;
	v13 =	vadd.s32 v0, v2;
	v15 =	vand.u32 $0xC00, v20  }
0x4d: {  	v6 =	vld.idx.msk [tilespmem:v6+s3+$0x0], $0xffff;
	v18 =	vand.u32 $0xC00, v19;
	v14 =	vand.u32 $0xC00, v25;
	v15 =	vor.u32 v27, v15  }
0x4e: {  	[tilespmem:s5+$0xFFFFFF80] =	vst v17;
	v7 =	vld.idx.msk [tilespmem:v7+s3+$0x0], $0xffff;
	v19 =	vand.u32 $0xC00, v21;
	v12 =	vor.u32 v12, v14;
	v17 =	vadd.s32 v0, v15  }
0x4f: {  	s10 =	simm.s32 $0xE0;
	v8 =	vld.idx.msk [tilespmem:v8+s3+$0x0], $0xffff;
	v19 =	vor.u32 v28, v19;
	v14 =	vor.u32 v26, v18;
	v18 =	vadd.s32 v0, v12  }
0x50: {  	s18 =	simm.s32 $0x20;
	s15 =	sor.u32 $0x70, s10;
	v11 =	vand.u32 $0xC00, v11;
	v20 =	vadd.s32 v0, v19;
	[tilespmem:s5+$0x40] =	vst v10;
	v21 =	vld.idx.msk [tilespmem:v23+s3+$0x0], $0xffff  }
0x51: {  	s16 =	simm.s32 $0x40;
	s12 =	sor.u32 $0x30, s18;
	v16 =	vand.u32 $0xC00, v16;
	v11 =	vor.u32 v30, v11;
	v10 =	vadd.s32 v0, v14;
	v9 =	vld.idx.msk [tilespmem:v9+s3+$0x0], $0xffff;
	[tilespmem:s15+$0xA000] =	vst v3  }
0x52: {  	s18 =	simm.s32 $0x60;
	s16 =	sor.u32 $0x50, s16;
	v16 =	vor.u32 v29, v16;
	v22 =	vadd.s32 v0, v11;
	[tilespmem:s12+$0xA000] =	vst v4;
	v3 =	vld.idx.msk [tilespmem:v13+s3+$0x0], $0xffff;
	v4 =	vand.u32 $0xC00, v24  }
0x53: {  	s22 =	sor.u32 $0x70, s18;
	s18 =	simm.s32 $0x12;
	s17 =	simm.s32 $0x11;
	v13 =	vadd.s32 v0, v16;
	[tilespmem:s16+$0xA000] =	vst v5;
	v26 =	vor.u32 v31, v4;
	v17 =	vld.idx.msk [tilespmem:v17+s3+$0x0], $0xffff  }
0x54: {  	s19 =	simm.s32 $0x10;
	s23 =	simm.s32 $0xA0;
	v28 =	vmov s17;
	v29 =	vmov s18;
	[tilespmem:s22+$0xA000] =	vst v6;
	v27 =	vadd.s32 v0, v26;
	v18 =	vld.idx.msk [tilespmem:v18+s3+$0x0], $0xffff  }
0x55: {  	v33 =	vadd.s32 v1, v15;
	v12 =	vadd.s32 v1, v12;
	v5 =	vmov s19;
	s15 =	sor.u32 $0x30, s23;
	[tilespmem:s5+$0x10] =	vst v7;
	v32 =	vld.idx.msk [tilespmem:v20+s3+$0x0], $0xffff  }
0x56: {  	s29 =	simm.s32 $0xC0;
	v63 =	vadd.s32 v1, v14;
	s19 =	simm.s32 $0x13;
	s23 =	simm.s32 $0x15;
	v24 =	vadd.s32 v1, v19;
	v4 =	vand.u32 $0x78, v5;
	[tilespmem:s15+$0xA000] =	vst v8;
	v6 =	vld.idx.msk [tilespmem:v10+s3+$0x0], $0xffff  }
0x57: {  	s16 =	sor.u32 $0x50, s29;
	s22 =	simm.s32 $0x14;
	v5 =	vshll.u32 v5, $0x3;
	v62 =	vmov s19;
	v14 =	vmov s23;
	v23 =	vld.idx.msk [tilespmem:v22+s3+$0x0], $0xffff;
	[tilespmem:s5+$0xFFFFFF90] =	vst v21  }
0x58: {  	s12 =	simm.s32 $0xA180;
	v20 =	vmov s22;
	v7 =	vand.u32 $0xC00, v5;
	v22 =	vadd.s32 v1, v16;
	[tilespmem:s16+$0xA000] =	vst v9;
	v25 =	vld.idx.msk [tilespmem:v13+s3+$0x0], $0xffff  }
0x59: {  	s29 =	simm.s32 $0x16;
	v15 =	vadd.s32 v1, v26;
	v26 =	vshll.u32 v29, $0x3;
	v8 =	vand.u32 $0x7C, v20;
	v19 =	vld.idx.msk [tilespmem:v27+s3+$0x0], $0xffff;
	[tilespmem:s12+$0x60] =	vst v18  }
0x5a: {  	v21 =	vmov s29;
	v10 =	vand.u32 $0x7A, v29;
	[tilespmem:s12+$0xFFFFFFC0] =	vst v17;
	v18 =	vadd.s32 v1, v11;
	v16 =	vld.idx.msk [tilespmem:v12+s3+$0x0], $0xffff  }
0x5b: {  	v13 =	vand.u32 $0x79, v28;
	v9 =	vand.u32 $0x7B, v62;
	v5 =	vand.u32 $0x7E, v21;
	[tilespmem:s12+$0xFFFFFFA0] =	vst v6;
	v12 =	vld.idx.msk [tilespmem:v33+s3+$0x0], $0xffff  }
0x5c: {  	s23 =	simm.s32 $0x18;
	s5 =	simm.s32 $0x17;
	v27 =	vshll.u32 v28, $0x3;
	v17 =	vshll.u32 v62, $0x3;
	[tilespmem:s12+$0xFFFFFFE0] =	vst v32;
	v6 =	vand.u32 $0x7D, v14;
	v11 =	vld.idx.msk [tilespmem:v63+s3+$0x0], $0xffff  }
.LBB2_3:
0x5d: {  	p3 =	slt.u32 s23, $0x1F8;
	v20 =	vshll.u32 v20, $0x3;
	v28 =	vmov s5;
	v29 =	vadd.s32 v1, v2;
	v24 =	vld.idx.msk [tilespmem:v24+s3+$0x0], $0xffff;
	[tilespmem:s12+$0x0] =	vst v25  }
0x5e: {  	v14 =	vshll.u32 v14, $0x3;
	v21 =	vshll.u32 v21, $0x3;
	s10 =	sadd.s32 $0x100, s10;
	v25 =	vshll.u32 v28, $0x3;
	v22 =	vld.idx.msk [tilespmem:v22+s3+$0x0], $0xffff;
	[tilespmem:s12+$0x20] =	vst v23  }
0x5f: {  	v2 =	vor.u32 v4, v7;
	v4 =	vand.u32 $0x7F, v28;
	s5 =	sadd.s32 $0xFFFFFF40, s10;
	s15 =	sadd.s32 $0xFFFFFF60, s10;
	s16 =	sor.u32 $0x70, s10;
	v7 =	vand.u32 $0xC00, v25;
	v18 =	vld.idx.msk [tilespmem:v18+s3+$0x0], $0xffff;
	[tilespmem:s12+$0x40] =	vst v19  }
0x60: {  	v23 =	vand.u32 $0xC00, v27;
	s18 =	sadd.s32 $0xFFFFFF80, s10;
	s17 =	sadd.s32 $0xFFFFFFC0, s10;
	s19 =	sadd.s32 $0xFFFFFFE0, s10;
	v19 =	vadd.s32 v0, v2;
	v7 =	vor.u32 v4, v7;
	v15 =	vld.idx.msk [tilespmem:v15+s3+$0x0], $0xffff;
	[tilespmem:s16+$0xA000] =	vst v16  }
0x61: {  	v13 =	vor.u32 v13, v23;
	s5 =	sor.u32 $0x30, s5;
	s15 =	sor.u32 $0x50, s15;
	v4 =	vand.u32 $0xC00, v26;
	s16 =	sor.u32 $0x70, s18;
	v16 =	vadd.s32 v0, v7;
	[tilespmem:s12+$0xFFFFFF80] =	vst v3  }
0x62: {  	v23 =	vadd.s32 v0, v13;
	v10 =	vor.u32 v10, v4;
	v3 =	vand.u32 $0xC00, v17;
	v17 =	vld.idx.msk [tilespmem:v29+s3+$0x0], $0xffff;
	[tilespmem:s5+$0xA000] =	vst v11;
	s5 =	sor.u32 $0x30, s17;
	s17 =	sor.u32 $0x50, s19  }
0x63: {  	v11 =	vadd.s32 v0, v10;
	v9 =	vor.u32 v9, v3;
	v3 =	vand.u32 $0xC00, v20;
	[tilespmem:s15+$0xA000] =	vst v12  }
0x64: {  	v4 =	vand.u32 $0xC00, v14;
	v12 =	vadd.s32 v0, v9;
	v8 =	vor.u32 v8, v3;
	[tilespmem:s16+$0xA000] =	vst v24  }
0x65: {  	v6 =	vor.u32 v6, v4;
	v4 =	vand.u32 $0xC00, v21;
	v3 =	vld.idx.msk [tilespmem:v19+s3+$0x0], $0xffff;
	v19 =	vadd.s32 v0, v8;
	[tilespmem:s12+$0x10] =	vst v22  }
0x66: {  	v14 =	vmov s23;
	v26 =	vor.u32 v5, v4;
	v22 =	vadd.s32 v0, v6;
	v5 =	vld.idx.msk [tilespmem:v16+s3+$0x0], $0xffff;
	[tilespmem:s5+$0xA000] =	vst v18  }
0x67: {  	v4 =	vand.u32 $0x78, v14;
	s5 =	sadd.s32 $0x1, s23;
	v18 =	vadd.s32 v0, v26;
	v16 =	vld.idx.msk [tilespmem:v23+s3+$0x0], $0xffff;
	[tilespmem:s17+$0xA000] =	vst v15  }
0x68: {  	s15 =	sadd.s32 $0x3, s23;
	v15 =	vshll.u32 v14, $0x3;
	v27 =	vmov s5;
	s5 =	sadd.s32 $0x2, s23;
	v28 =	vld.idx.msk [tilespmem:v11+s3+$0x0], $0xffff;
	v11 =	vadd.s32 v1, v7;
	[tilespmem:s12+$0xFFFFFF90] =	vst v17  }
0x69: {  	v30 =	vadd.s32 v1, v13;
	v29 =	vmov s15;
	s15 =	sadd.s32 $0x5, s23;
	v17 =	vmov s5;
	s5 =	sadd.s32 $0x4, s23;
	v31 =	vld.idx.msk [tilespmem:v12+s3+$0x0], $0xffff  }
0x6a: {  	v14 =	vmov s15;
	v20 =	vmov s5;
	s5 =	sadd.s32 $0x6, s23;
	v12 =	vadd.s32 v1, v10;
	v25 =	vld.idx.msk [tilespmem:v19+s3+$0x0], $0xffff  }
.Ltmp2:
0x6b: {  	v24 =	vadd.s32 v1, v9;
	v7 =	vand.u32 $0xC00, v15;
	s12 =	sadd.s32 $0x100, s12;
	v21 =	vmov s5;
	v23 =	vld.idx.msk [tilespmem:v22+s3+$0x0], $0xffff;
	(pc) =	sbr.rel @p3 .LBB2_3-.Ltmp2, $4  }
0x6c: {  	v13 =	vand.u32 $0x79, v27;
	v10 =	vand.u32 $0x7A, v17;
	v22 =	vadd.s32 v1, v8;
	v19 =	vld.idx.msk [tilespmem:v18+s3+$0x0], $0xffff;
	[tilespmem:s12+$0x60] =	vst v5  }
0x6d: {  	v9 =	vand.u32 $0x7B, v29;
	v8 =	vand.u32 $0x7C, v20;
	v18 =	vadd.s32 v1, v6;
	[tilespmem:s12+$0xFFFFFFA0] =	vst v16;
	v16 =	vld.idx.msk [tilespmem:v11+s3+$0x0], $0xffff  }
0x6e: {  	v15 =	vadd.s32 v1, v26;
	v6 =	vand.u32 $0x7D, v14;
	v5 =	vand.u32 $0x7E, v21;
	v11 =	vld.idx.msk [tilespmem:v30+s3+$0x0], $0xffff;
	[tilespmem:s12+$0xFFFFFFC0] =	vst v28  }
0x6f: {  	v27 =	vshll.u32 v27, $0x3;
	v26 =	vshll.u32 v17, $0x3;
	v17 =	vshll.u32 v29, $0x3;
	s5 =	sadd.s32 $0x7, s23;
	s23 =	sadd.s32 $0x8, s23;
	v12 =	vld.idx.msk [tilespmem:v12+s3+$0x0], $0xffff;
	[tilespmem:s12+$0xFFFFFFE0] =	vst v31  }
0x70: {  	_ = 	snop  }
0x71: {  	v28 =	vmov s5;
	v20 =	vshll.u32 v20, $0x3;
	v2 =	vadd.s32 v1, v2;
	[tilespmem:s12+$0x0] =	vst v25  }
0x72: {  	v14 =	vshll.u32 v14, $0x3;
	[tilespmem:s12+$0x20] =	vst v23;
	s29 =	sadd.s32 $0x100, s10;
	v23 =	vand.u32 $0xC00, v27;
	v29 =	vshll.u32 v28, $0x3  }
0x73: {  	v25 =	vand.u32 $0x7F, v28;
	[tilespmem:s12+$0x40] =	vst v19;
	s10 =	sor.u32 $0x70, s29;
	v13 =	vor.u32 v13, v23;
	v19 =	vand.u32 $0xC00, v26  }
0x74: {  	v24 =	vld.idx.msk [tilespmem:v24+s3+$0x0], $0xffff;
	v28 =	vand.u32 $0xC00, v29;
	[tilespmem:s10+$0xA000] =	vst v16;
	v16 =	vadd.s32 v0, v13;
	v10 =	vor.u32 v10, v19  }
0x75: {  	v17 =	vand.u32 $0xC00, v17;
	[tilespmem:s12+$0xFFFFFF80] =	vst v3;
	s15 =	sadd.s32 $0xFFFFFF40, s29;
	v18 =	vld.idx.msk [tilespmem:v18+s3+$0x0], $0xffff;
	v25 =	vor.u32 v25, v28;
	v3 =	vadd.s32 v0, v10  }
0x76: {  	v22 =	vld.idx.msk [tilespmem:v22+s3+$0x0], $0xffff;
	s17 =	sadd.s32 $0xFFFFFF60, s29;
	v9 =	vor.u32 v9, v17;
	v17 =	vand.u32 $0xC00, v20;
	s15 =	sor.u32 $0x30, s15;
	v23 =	vadd.s32 v0, v25  }
0x77: {  	s16 =	sadd.s32 $0xFFFFFF80, s29;
	v14 =	vand.u32 $0xC00, v14;
	v15 =	vld.idx.msk [tilespmem:v15+s3+$0x0], $0xffff;
	s10 =	sor.u32 $0x50, s17;
	v8 =	vor.u32 v8, v17;
	[tilespmem:s15+$0xA000] =	vst v11;
	v11 =	vadd.s32 v0, v9  }
0x78: {  	v21 =	vshll.u32 v21, $0x3;
	s19 =	sadd.s32 $0xFFFFFFC0, s29;
	s18 =	sor.u32 $0x70, s16;
	v6 =	vor.u32 v6, v14;
	[tilespmem:s10+$0xA000] =	vst v12;
	v12 =	vadd.s32 v0, v8;
	v2 =	vld.idx.msk [tilespmem:v2+s3+$0x0], $0xffff  }
0x79: {  	v4 =	vor.u32 v4, v7;
	v14 =	vand.u32 $0xC00, v21;
	v17 =	vadd.s32 v0, v6;
	s10 =	sor.u32 $0x30, s19;
	[tilespmem:s18+$0xA000] =	vst v24;
	v16 =	vld.idx.msk [tilespmem:v16+s3+$0x0], $0xffff  }
0x7a: {  	s22 =	sadd.s32 $0xFFFFFFE0, s29;
	v5 =	vor.u32 v5, v14;
	[tilespmem:s10+$0xA000] =	vst v18;
	v18 =	vadd.s32 v0, v4;
	v3 =	vld.idx.msk [tilespmem:v3+s3+$0x0], $0xffff  }
0x7b: {  	s15 =	sor.u32 $0x50, s22;
	v19 =	vadd.s32 v0, v5;
	[tilespmem:s12+$0x10] =	vst v22;
	v14 =	vld.idx.msk [tilespmem:v23+s3+$0x0], $0xffff  }
0x7c: {  	v10 =	vadd.s32 v1, v10;
	[tilespmem:s15+$0xA000] =	vst v15;
	v11 =	vld.idx.msk [tilespmem:v11+s3+$0x0], $0xffff  }
0x7d: {  	v9 =	vadd.s32 v1, v9;
	s10 =	sadd.s32 $0x100, s12;
	v12 =	vld.idx.msk [tilespmem:v12+s3+$0x0], $0xffff;
	[tilespmem:s12+$0xFFFFFF90] =	vst v2  }
0x7e: {  	v2 =	vadd.s32 v1, v13;
	v13 =	vld.idx.msk [tilespmem:v17+s3+$0x0], $0xffff;
	[tilespmem:s10+$0xFFFFFFA0] =	vst v16  }
0x7f: {  	v7 =	vadd.s32 v1, v25;
	[tilespmem:s10+$0xFFFFFFC0] =	vst v3;
	v3 =	vld.idx.msk [tilespmem:v18+s3+$0x0], $0xffff  }
0x80: {  	v8 =	vadd.s32 v1, v8;
	[tilespmem:s10+$0x60] =	vst v14;
	v14 =	vld.idx.msk [tilespmem:v19+s3+$0x0], $0xffff  }
0x81: {  	v6 =	vadd.s32 v1, v6;
	[tilespmem:s10+$0xFFFFFFE0] =	vst v11;
	v10 =	vld.idx.msk [tilespmem:v10+s3+$0x0], $0xffff  }
0x82: {  	v5 =	vadd.s32 v1, v5;
	[tilespmem:s10+$0x0] =	vst v12;
	v9 =	vld.idx.msk [tilespmem:v9+s3+$0x0], $0xffff  }
0x83: {  	s5 =	sadd.s32 $0x100, s29;
	v4 =	vadd.s32 v1, v4;
	v2 =	vld.idx.msk [tilespmem:v2+s3+$0x0], $0xffff;
	[tilespmem:s10+$0x20] =	vst v13  }
0x84: {  	s16 =	sadd.s32 $0xFFFFFF60, s5;
	v7 =	vld.idx.msk [tilespmem:v7+s3+$0x0], $0xffff;
	[tilespmem:s10+$0xFFFFFF80] =	vst v3  }
0x85: {  	s17 =	sadd.s32 $0xFFFFFF80, s5;
	s12 =	sor.u32 $0x50, s16;
	v8 =	vld.idx.msk [tilespmem:v8+s3+$0x0], $0xffff;
	[tilespmem:s10+$0x40] =	vst v14  }
0x86: {  	s29 =	sadd.s32 $0xFFFFFF40, s5;
	s18 =	sor.u32 $0x70, s17;
	v6 =	vld.idx.msk [tilespmem:v6+s3+$0x0], $0xffff;
	[tilespmem:s12+$0xA000] =	vst v10  }
0x87: {  	s15 =	sor.u32 $0x30, s29;
	[tilespmem:s18+$0xA000] =	vst v9;
	v3 =	vld.idx.msk [tilespmem:v5+s3+$0x0], $0xffff  }
0x88: {  	s23 =	sor.u32 $0x70, s5;
	[tilespmem:s15+$0xA000] =	vst v2;
	v2 =	vld.idx.msk [tilespmem:v4+s3+$0x0], $0xffff  }
0x89: {  	s19 =	sadd.s32 $0xFFFFFFC0, s5;
	[tilespmem:s23+$0xA000] =	vst v7  }
0x8a: {  	s22 =	sshll.u32 s8, $0xF;
	s5 =	sadd.s32 $0xFFFFFFE0, s5;
	s12 =	sor.u32 $0x30, s19;
	[tilespmem:s10+$0x10] =	vst v8  }
0x8b: {  	s5 =	sor.u32 $0x50, s5;
	s23 =	sadd.s32 s6, s22;
	[tilespmem:s12+$0xA000] =	vst v6  }
0x8c: {  	s29 =	sshrl.u32 s23, $0x3;
	[tilespmem:s5+$0xA000] =	vst v3  }
0x8d: {  	s12 =	sshll.u32 s8, $0xD;
	[tilespmem:s10+$0xFFFFFF90] =	vst v2;
	s5 =	sadd.s32 s7, s29  }
0x8e: {  	[hbm4b:s5+s3] =	stream.linear.scatter [tilespmem:s0], [sflag:$0x3], $0x4000, $0x38;
	[tilespmem:$0x12000] =	vst v63  }
0x8f: {  	s5 =	sadd.s32 s12, s11  }
0x90: {  	s5 =	sshrl.u32 s5, $0x3  }
0x91: {  	s5 =	sadd.s32 s2, s5  }
0x92: {  	[tilespmem:s3], [sflag:$0x1] =	stream.linear.gather [hbm4b:s5+s3], $0x1000, $0x38;
	[tilespmem:$0x12000] =	vst v63  }
0x93: {  	s18 =	simm.s32 $0x1;
	s15 =	sadd.s32 $0xF4280, s5  }
0x94: {  	[tilespmem:s24], [sflag:$0x1] =	stream.linear.gather [hbm4b:s15+s3], $0x1000, $0x38;
	[tilespmem:$0x12000] =	vst v63  }
0x95: {  	s19 =	simm.s32 $0x2;
	s22 =	simm.s32 $0x3;
	s16 =	sadd.s32 $0x1E8500, s5  }
0x96: {  	[tilespmem:s25], [sflag:$0x1] =	stream.linear.gather [hbm4b:s16+s3], $0x1000, $0x38;
	[tilespmem:$0x12000] =	vst v63  }
0x97: {  	v4 =	vmov s18;
	v5 =	vmov s19;
	s18 =	simm.s32 $0x9;
	s19 =	simm.s32 $0xA;
	v6 =	vmov s22;
	s5 =	sadd.s32 $0x2DC780, s5  }
0x98: {  	v10 =	vand.u32 $0x79, v4;
	v11 =	vand.u32 $0x7A, v5;
	v4 =	vshll.u32 v4, $0x3;
	[tilespmem:s26], [sflag:$0x1] =	stream.linear.gather [hbm4b:s5+s3], $0x1000, $0x38;
	[tilespmem:$0x12000] =	vst v63  }
0x99: {  	s23 =	simm.s32 $0x4;
	v5 =	vshll.u32 v5, $0x3;
	v20 =	vmov s18;
	v21 =	vmov s19;
	_ =	swait.ge [sflag:s13], $0x1000  }
0x9a: {  	s22 =	simm.s32 $0xB;
	v7 =	vmov s23;
	v12 =	vand.u32 $0x7B, v6;
	v6 =	vshll.u32 v6, $0x3;
	[sflag:s13] =	ssyncset.done $0x0  }
0x9b: {  	v4 =	vand.u32 $0xC00, v4;
	v5 =	vand.u32 $0xC00, v5;
	v22 =	vmov s22;
	[sflag:s13] =	ssyncadd.s32 $0xFFFFF000  }
0x9c: {  	v26 =	vand.u32 $0x79, v20;
	v27 =	vand.u32 $0x7A, v21;
	v13 =	vand.u32 $0x7C, v7;
	_ =	swait.ge [sflag:s13], $0x1000  }
0x9d: {  	s17 =	simm.s32 $0x0;
	s23 =	simm.s32 $0xC;
	v7 =	vshll.u32 v7, $0x3;
	v4 =	vor.u32 v10, v4;
	v6 =	vand.u32 $0xC00, v6;
	[sflag:s13] =	ssyncset.done $0x0  }
0x9e: {  	v5 =	vor.u32 v11, v5;
	v23 =	vmov s23;
	v2 =	vmov s17;
	s16 =	simm.s32 $0x7;
	[sflag:s13] =	ssyncadd.s32 $0xFFFFF000  }
0x9f: {  	v3 =	vand.u32 $0x78, v2;
	v2 =	vshll.u32 v2, $0x3;
	v16 =	vmov s16;
	_ =	swait.ge [sflag:s13], $0x1000  }
0xa0: {  	v28 =	vand.u32 $0x7B, v22;
	v2 =	vand.u32 $0xC00, v2;
	v17 =	vshll.u32 v16, $0x3;
	[sflag:s13] =	ssyncset.done $0x0  }
0xa1: {  	v2 =	vor.u32 v3, v2;
	v3 =	vand.u32 $0x7F, v16;
	v16 =	vand.u32 $0xC00, v17;
	[sflag:s13] =	ssyncadd.s32 $0xFFFFF000  }
0xa2: {  	v6 =	vor.u32 v12, v6;
	v7 =	vand.u32 $0xC00, v7;
	v3 =	vor.u32 v3, v16;
	_ =	swait.ge [sflag:s13], $0x1000  }
0xa3: {  	v11 =	vadd.s32 v0, v5;
	s29 =	simm.s32 $0x5;
	v12 =	vadd.s32 v0, v6;
	v10 =	vadd.s32 v0, v3;
	[sflag:s13] =	ssyncset.done $0x0  }
0xa4: {  	v7 =	vor.u32 v13, v7;
	v8 =	vmov s29;
	s15 =	simm.s32 $0x6;
	s5 =	simm.s32 @!p2 $0x4;
	v16 =	vadd.s32 v0, v4;
	[sflag:s13] =	ssyncadd.s32 $0xFFFFF000  }
0xa5: {  	v14 =	vand.u32 $0x7D, v8;
	v8 =	vshll.u32 v8, $0x3;
	v9 =	vmov s15;
	_ =	swait.ge @!p2 [sflag:s5], $0x4000  }
0xa6: {  	v8 =	vand.u32 $0xC00, v8;
	v15 =	vand.u32 $0x7E, v9;
	v9 =	vshll.u32 v9, $0x3;
	[sflag:s5] =	ssyncset.done @!p2 $0x0  }
0xa7: {  	v13 =	vadd.s32 v0, v7;
	v8 =	vor.u32 v14, v8;
	v9 =	vand.u32 $0xC00, v9;
	[sflag:s5] =	ssyncadd.s32 @!p2 $0xFFFFC000  }
0xa8: {  	v5 =	vadd.s32 v1, v5;
	v9 =	vor.u32 v15, v9;
	v15 =	vadd.s32 v0, v8;
	v10 =	vld.idx.msk [tilespmem:v10+s28+$0x0], $0xffff  }
0xa9: {  	v29 =	vand.u32 $0x7C, v23;
	v6 =	vadd.s32 v1, v6;
	s29 =	simm.s32 $0xD;
	v19 =	vadd.s32 v0, v9;
	v16 =	vld.idx.msk [tilespmem:v16+s28+$0x0], $0xffff  }
0xaa: {  	s17 =	simm.s32 $0x8;
	s12 =	simm.s32 $0xE;
	v7 =	vadd.s32 v1, v7;
	v24 =	vmov s29;
	v17 =	vadd.s32 v0, v2;
	v11 =	vld.idx.msk [tilespmem:v11+s28+$0x0], $0xffff  }
0xab: {  	v25 =	vmov s12;
	v14 =	vmov s17;
	v3 =	vadd.s32 v1, v3;
	v12 =	vld.idx.msk [tilespmem:v12+s28+$0x0], $0xffff  }
0xac: {  	v18 =	vand.u32 $0x78, v14;
	v14 =	vshll.u32 v14, $0x3;
	v4 =	vadd.s32 v1, v4;
	s5 =	simm.s32 $0xE080;
	v13 =	vld.idx.msk [tilespmem:v13+s28+$0x0], $0xffff  }
0xad: {  	v30 =	vand.u32 $0x7D, v24;
	v31 =	vand.u32 $0x7E, v25;
	v14 =	vand.u32 $0xC00, v14;
	v15 =	vld.idx.msk [tilespmem:v15+s28+$0x0], $0xffff;
	[tilespmem:s5+$0x60] =	vst v10  }
0xae: {  	v8 =	vadd.s32 v1, v8;
	v9 =	vadd.s32 v1, v9;
	v10 =	vld.idx.msk [tilespmem:v19+s28+$0x0], $0xffff;
	v19 =	vshll.u32 v20, $0x3;
	[tilespmem:s5+$0xFFFFFFA0] =	vst v16  }
0xaf: {  	s15 =	simm.s32 $0xF;
	v17 =	vld.idx.msk [tilespmem:v17+s28+$0x0], $0xffff;
	v20 =	vshll.u32 v21, $0x3;
	v21 =	vshll.u32 v22, $0x3;
	v16 =	vshll.u32 v23, $0x3;
	[tilespmem:s5+$0xFFFFFFC0] =	vst v11  }
0xb0: {  	v22 =	vmov s15;
	v23 =	vadd.s32 v1, v2;
	v11 =	vshll.u32 v24, $0x3;
	[tilespmem:s5+$0xFFFFFFE0] =	vst v12;
	v3 =	vld.idx.msk [tilespmem:v3+s28+$0x0], $0xffff  }
0xb1: {  	v24 =	vshll.u32 v25, $0x3;
	v2 =	vor.u32 v18, v14;
	[tilespmem:s5+$0x0] =	vst v13;
	v4 =	vld.idx.msk [tilespmem:v4+s28+$0x0], $0xffff;
	v25 =	vshll.u32 v22, $0x3  }
0xb2: {  	[tilespmem:s5+$0x20] =	vst v15;
	v5 =	vld.idx.msk [tilespmem:v5+s28+$0x0], $0xffff;
	v12 =	vand.u32 $0x7F, v22;
	v13 =	vadd.s32 v0, v2;
	v15 =	vand.u32 $0xC00, v20  }
0xb3: {  	v6 =	vld.idx.msk [tilespmem:v6+s28+$0x0], $0xffff;
	v18 =	vand.u32 $0xC00, v19;
	v14 =	vand.u32 $0xC00, v25;
	v15 =	vor.u32 v27, v15  }
0xb4: {  	[tilespmem:s5+$0xFFFFFF80] =	vst v17;
	v7 =	vld.idx.msk [tilespmem:v7+s28+$0x0], $0xffff;
	v19 =	vand.u32 $0xC00, v21;
	v12 =	vor.u32 v12, v14;
	v17 =	vadd.s32 v0, v15  }
0xb5: {  	s10 =	simm.s32 $0xE0;
	v8 =	vld.idx.msk [tilespmem:v8+s28+$0x0], $0xffff;
	v19 =	vor.u32 v28, v19;
	v14 =	vor.u32 v26, v18;
	v18 =	vadd.s32 v0, v12  }
0xb6: {  	s17 =	sor.u32 $0x70, s10;
	s16 =	simm.s32 $0x20;
	v11 =	vand.u32 $0xC00, v11;
	v20 =	vadd.s32 v0, v19;
	[tilespmem:s5+$0x40] =	vst v10;
	v21 =	vld.idx.msk [tilespmem:v23+s28+$0x0], $0xffff  }
0xb7: {  	s18 =	simm.s32 $0x40;
	s12 =	sor.u32 $0x30, s16;
	v16 =	vand.u32 $0xC00, v16;
	v11 =	vor.u32 v30, v11;
	v10 =	vadd.s32 v0, v14;
	v9 =	vld.idx.msk [tilespmem:v9+s28+$0x0], $0xffff;
	[tilespmem:s17+$0xE000] =	vst v3  }
0xb8: {  	s16 =	sor.u32 $0x50, s18;
	v16 =	vor.u32 v29, v16;
	v22 =	vadd.s32 v0, v11;
	[tilespmem:s12+$0xE000] =	vst v4;
	v3 =	vld.idx.msk [tilespmem:v13+s28+$0x0], $0xffff;
	v4 =	vand.u32 $0xC00, v24  }
0xb9: {  	s23 =	simm.s32 $0xA0;
	s18 =	simm.s32 $0x12;
	v13 =	vadd.s32 v0, v16;
	[tilespmem:s16+$0xE000] =	vst v5;
	v26 =	vor.u32 v31, v4;
	v17 =	vld.idx.msk [tilespmem:v17+s28+$0x0], $0xffff  }
0xba: {  	s19 =	simm.s32 $0x10;
	s15 =	sor.u32 $0x30, s23;
	v29 =	vmov s18;
	v33 =	vadd.s32 v1, v15;
	s17 =	simm.s32 $0x60;
	[tilespmem:s5+$0x10] =	vst v7;
	v27 =	vadd.s32 v0, v26;
	v18 =	vld.idx.msk [tilespmem:v18+s28+$0x0], $0xffff  }
0xbb: {  	s23 =	simm.s32 $0x15;
	v12 =	vadd.s32 v1, v12;
	v63 =	vadd.s32 v1, v14;
	v5 =	vmov s19;
	[tilespmem:s15+$0xE000] =	vst v8;
	s22 =	sor.u32 $0x70, s17;
	v32 =	vld.idx.msk [tilespmem:v20+s28+$0x0], $0xffff  }
0xbc: {  	s29 =	simm.s32 $0xC0;
	v14 =	vmov s23;
	s19 =	simm.s32 $0x13;
	v24 =	vadd.s32 v1, v19;
	v4 =	vand.u32 $0x78, v5;
	s17 =	simm.s32 $0x11;
	[tilespmem:s22+$0xE000] =	vst v6;
	v6 =	vld.idx.msk [tilespmem:v10+s28+$0x0], $0xffff  }
0xbd: {  	s16 =	sor.u32 $0x50, s29;
	v5 =	vshll.u32 v5, $0x3;
	v62 =	vmov s19;
	v28 =	vmov s17;
	v23 =	vld.idx.msk [tilespmem:v22+s28+$0x0], $0xffff;
	[tilespmem:s5+$0xFFFFFF90] =	vst v21  }
0xbe: {  	s29 =	simm.s32 $0x16;
	s12 =	simm.s32 $0xE180;
	s22 =	simm.s32 $0x14;
	v7 =	vand.u32 $0xC00, v5;
	v22 =	vadd.s32 v1, v16;
	v15 =	vadd.s32 v1, v26;
	[tilespmem:s16+$0xE000] =	vst v9;
	v25 =	vld.idx.msk [tilespmem:v13+s28+$0x0], $0xffff  }
0xbf: {  	v26 =	vshll.u32 v29, $0x3;
	v20 =	vmov s22;
	v21 =	vmov s29;
	v19 =	vld.idx.msk [tilespmem:v27+s28+$0x0], $0xffff;
	[tilespmem:s12+$0x60] =	vst v18  }
0xc0: {  	v10 =	vand.u32 $0x7A, v29;
	v8 =	vand.u32 $0x7C, v20;
	[tilespmem:s12+$0xFFFFFFC0] =	vst v17;
	v18 =	vadd.s32 v1, v11;
	v16 =	vld.idx.msk [tilespmem:v12+s28+$0x0], $0xffff  }
0xc1: {  	v13 =	vand.u32 $0x79, v28;
	v9 =	vand.u32 $0x7B, v62;
	v5 =	vand.u32 $0x7E, v21;
	[tilespmem:s12+$0xFFFFFFA0] =	vst v6;
	v12 =	vld.idx.msk [tilespmem:v33+s28+$0x0], $0xffff  }
0xc2: {  	s23 =	simm.s32 $0x18;
	s5 =	simm.s32 $0x17;
	v27 =	vshll.u32 v28, $0x3;
	v17 =	vshll.u32 v62, $0x3;
	[tilespmem:s12+$0xFFFFFFE0] =	vst v32;
	v6 =	vand.u32 $0x7D, v14;
	v11 =	vld.idx.msk [tilespmem:v63+s28+$0x0], $0xffff  }
.LBB2_5:
0xc3: {  	p2 =	slt.u32 s23, $0x1F8;
	v20 =	vshll.u32 v20, $0x3;
	v28 =	vmov s5;
	v29 =	vadd.s32 v1, v2;
	v24 =	vld.idx.msk [tilespmem:v24+s28+$0x0], $0xffff;
	[tilespmem:s12+$0x0] =	vst v25  }
0xc4: {  	v14 =	vshll.u32 v14, $0x3;
	v21 =	vshll.u32 v21, $0x3;
	s10 =	sadd.s32 $0x100, s10;
	v25 =	vshll.u32 v28, $0x3;
	v22 =	vld.idx.msk [tilespmem:v22+s28+$0x0], $0xffff;
	[tilespmem:s12+$0x20] =	vst v23  }
0xc5: {  	v2 =	vor.u32 v4, v7;
	v4 =	vand.u32 $0x7F, v28;
	s5 =	sadd.s32 $0xFFFFFF40, s10;
	s15 =	sadd.s32 $0xFFFFFF60, s10;
	s16 =	sor.u32 $0x70, s10;
	v7 =	vand.u32 $0xC00, v25;
	v18 =	vld.idx.msk [tilespmem:v18+s28+$0x0], $0xffff;
	[tilespmem:s12+$0x40] =	vst v19  }
0xc6: {  	v23 =	vand.u32 $0xC00, v27;
	s17 =	sadd.s32 $0xFFFFFF80, s10;
	s18 =	sadd.s32 $0xFFFFFFC0, s10;
	s19 =	sadd.s32 $0xFFFFFFE0, s10;
	v19 =	vadd.s32 v0, v2;
	v7 =	vor.u32 v4, v7;
	v15 =	vld.idx.msk [tilespmem:v15+s28+$0x0], $0xffff;
	[tilespmem:s16+$0xE000] =	vst v16  }
0xc7: {  	v13 =	vor.u32 v13, v23;
	s5 =	sor.u32 $0x30, s5;
	s15 =	sor.u32 $0x50, s15;
	v4 =	vand.u32 $0xC00, v26;
	s16 =	sor.u32 $0x70, s17;
	v16 =	vadd.s32 v0, v7;
	[tilespmem:s12+$0xFFFFFF80] =	vst v3  }
0xc8: {  	v23 =	vadd.s32 v0, v13;
	s17 =	sor.u32 $0x50, s19;
	v10 =	vor.u32 v10, v4;
	v3 =	vand.u32 $0xC00, v17;
	v17 =	vld.idx.msk [tilespmem:v29+s28+$0x0], $0xffff;
	[tilespmem:s5+$0xE000] =	vst v11;
	s5 =	sor.u32 $0x30, s18  }
0xc9: {  	v11 =	vadd.s32 v0, v10;
	v9 =	vor.u32 v9, v3;
	v3 =	vand.u32 $0xC00, v20;
	[tilespmem:s15+$0xE000] =	vst v12  }
0xca: {  	v4 =	vand.u32 $0xC00, v14;
	v12 =	vadd.s32 v0, v9;
	v8 =	vor.u32 v8, v3;
	[tilespmem:s16+$0xE000] =	vst v24  }
0xcb: {  	v6 =	vor.u32 v6, v4;
	v4 =	vand.u32 $0xC00, v21;
	v3 =	vld.idx.msk [tilespmem:v19+s28+$0x0], $0xffff;
	v19 =	vadd.s32 v0, v8;
	[tilespmem:s12+$0x10] =	vst v22  }
0xcc: {  	v14 =	vmov s23;
	v26 =	vor.u32 v5, v4;
	v22 =	vadd.s32 v0, v6;
	v5 =	vld.idx.msk [tilespmem:v16+s28+$0x0], $0xffff;
	[tilespmem:s5+$0xE000] =	vst v18  }
0xcd: {  	v4 =	vand.u32 $0x78, v14;
	s5 =	sadd.s32 $0x1, s23;
	v18 =	vadd.s32 v0, v26;
	v16 =	vld.idx.msk [tilespmem:v23+s28+$0x0], $0xffff;
	[tilespmem:s17+$0xE000] =	vst v15  }
0xce: {  	s15 =	sadd.s32 $0x3, s23;
	v15 =	vshll.u32 v14, $0x3;
	v27 =	vmov s5;
	s5 =	sadd.s32 $0x2, s23;
	v28 =	vld.idx.msk [tilespmem:v11+s28+$0x0], $0xffff;
	v11 =	vadd.s32 v1, v7;
	[tilespmem:s12+$0xFFFFFF90] =	vst v17  }
0xcf: {  	v30 =	vadd.s32 v1, v13;
	v29 =	vmov s15;
	s15 =	sadd.s32 $0x5, s23;
	v17 =	vmov s5;
	s5 =	sadd.s32 $0x4, s23;
	v31 =	vld.idx.msk [tilespmem:v12+s28+$0x0], $0xffff  }
0xd0: {  	v14 =	vmov s15;
	v20 =	vmov s5;
	s5 =	sadd.s32 $0x6, s23;
	v12 =	vadd.s32 v1, v10;
	v25 =	vld.idx.msk [tilespmem:v19+s28+$0x0], $0xffff  }
.Ltmp3:
0xd1: {  	v24 =	vadd.s32 v1, v9;
	v7 =	vand.u32 $0xC00, v15;
	s12 =	sadd.s32 $0x100, s12;
	v21 =	vmov s5;
	v23 =	vld.idx.msk [tilespmem:v22+s28+$0x0], $0xffff;
	(pc) =	sbr.rel @p2 .LBB2_5-.Ltmp3, $4  }
0xd2: {  	v13 =	vand.u32 $0x79, v27;
	v10 =	vand.u32 $0x7A, v17;
	v22 =	vadd.s32 v1, v8;
	v19 =	vld.idx.msk [tilespmem:v18+s28+$0x0], $0xffff;
	[tilespmem:s12+$0x60] =	vst v5  }
0xd3: {  	v9 =	vand.u32 $0x7B, v29;
	v8 =	vand.u32 $0x7C, v20;
	v18 =	vadd.s32 v1, v6;
	[tilespmem:s12+$0xFFFFFFA0] =	vst v16;
	v16 =	vld.idx.msk [tilespmem:v11+s28+$0x0], $0xffff  }
0xd4: {  	v15 =	vadd.s32 v1, v26;
	v6 =	vand.u32 $0x7D, v14;
	v5 =	vand.u32 $0x7E, v21;
	v11 =	vld.idx.msk [tilespmem:v30+s28+$0x0], $0xffff;
	[tilespmem:s12+$0xFFFFFFC0] =	vst v28  }
0xd5: {  	v27 =	vshll.u32 v27, $0x3;
	v26 =	vshll.u32 v17, $0x3;
	v17 =	vshll.u32 v29, $0x3;
	s5 =	sadd.s32 $0x7, s23;
	s23 =	sadd.s32 $0x8, s23;
	v12 =	vld.idx.msk [tilespmem:v12+s28+$0x0], $0xffff;
	[tilespmem:s12+$0xFFFFFFE0] =	vst v31  }
0xd6: {  	v28 =	vmov s5  }
0xd7: {  	v20 =	vshll.u32 v20, $0x3;
	v2 =	vadd.s32 v1, v2;
	v14 =	vshll.u32 v14, $0x3  }
0xd8: {  	[tilespmem:s12+$0x0] =	vst v25;
	v21 =	vshll.u32 v21, $0x3;
	v49 =	vand.u32 $0xC00, v27;
	v50 =	vand.u32 $0xC00, v26  }
0xd9: {  	[tilespmem:s12+$0x20] =	vst v23;
	v17 =	vand.u32 $0xC00, v17;
	v29 =	vshll.u32 v28, $0x3;
	v13 =	vor.u32 v13, v49  }
0xda: {  	s18 =	sadd.s32 $0x100, s10;
	v24 =	vld.idx.msk [tilespmem:v24+s28+$0x0], $0xffff;
	[tilespmem:s12+$0xFFFFFF80] =	vst v3;
	v47 =	vand.u32 $0x7F, v28;
	v10 =	vor.u32 v10, v50;
	v52 =	vadd.s32 v0, v13  }
0xdb: {  	[tilespmem:s12+$0x40] =	vst v19;
	s10 =	sor.u32 $0x70, s18;
	v22 =	vld.idx.msk [tilespmem:v22+s28+$0x0], $0xffff;
	s15 =	sadd.s32 $0xFFFFFF40, s18;
	v9 =	vor.u32 v9, v17;
	v53 =	vand.u32 $0xC00, v20;
	v3 =	vadd.s32 v0, v10  }
0xdc: {  	s19 =	sadd.s32 $0xFFFFFF60, s18;
	v18 =	vld.idx.msk [tilespmem:v18+s28+$0x0], $0xffff;
	v14 =	vand.u32 $0xC00, v14;
	[tilespmem:s10+$0xE000] =	vst v16;
	s15 =	sor.u32 $0x30, s15;
	v54 =	vadd.s32 v0, v9;
	v8 =	vor.u32 v8, v53  }
0xdd: {  	s16 =	sadd.s32 $0xFFFFFF80, s18;
	v56 =	vand.u32 $0xC00, v21;
	v15 =	vld.idx.msk [tilespmem:v15+s28+$0x0], $0xffff;
	s10 =	sor.u32 $0x50, s19;
	v6 =	vor.u32 v6, v14;
	[tilespmem:s15+$0xE000] =	vst v11;
	v55 =	vadd.s32 v0, v8  }
0xde: {  	v48 =	vand.u32 $0xC00, v29;
	s22 =	sor.u32 $0x70, s16;
	v5 =	vor.u32 v5, v56;
	v57 =	vadd.s32 v0, v6;
	[tilespmem:s10+$0xE000] =	vst v12;
	v2 =	vld.idx.msk [tilespmem:v2+s28+$0x0], $0xffff  }
0xdf: {  	s23 =	sadd.s32 $0xFFFFFFC0, s18;
	v25 =	vor.u32 v47, v48;
	v59 =	vadd.s32 v0, v5;
	[tilespmem:s22+$0xE000] =	vst v24;
	v16 =	vld.idx.msk [tilespmem:v52+s28+$0x0], $0xffff  }
0xe0: {  	v4 =	vor.u32 v4, v7;
	s29 =	sadd.s32 $0xFFFFFFE0, s18;
	v51 =	vadd.s32 v0, v25;
	s10 =	sor.u32 $0x30, s23;
	[tilespmem:s12+$0x10] =	vst v22;
	v3 =	vld.idx.msk [tilespmem:v3+s28+$0x0], $0xffff  }
0xe1: {  	v61 =	vadd.s32 v0, v4;
	s15 =	sor.u32 $0x50, s29;
	[tilespmem:s10+$0xE000] =	vst v18;
	v11 =	vld.idx.msk [tilespmem:v54+s28+$0x0], $0xffff  }
0xe2: {  	v10 =	vadd.s32 v1, v10;
	[tilespmem:s15+$0xE000] =	vst v15;
	v12 =	vld.idx.msk [tilespmem:v55+s28+$0x0], $0xffff  }
0xe3: {  	v9 =	vadd.s32 v1, v9;
	s10 =	sadd.s32 $0x100, s12;
	v62 =	vld.idx.msk [tilespmem:v57+s28+$0x0], $0xffff;
	[tilespmem:s12+$0xFFFFFF90] =	vst v2  }
0xe4: {  	v63 =	vld.idx.msk [tilespmem:v59+s28+$0x0], $0xffff;
	v2 =	vadd.s32 v1, v13;
	[tilespmem:s10+$0xFFFFFFA0] =	vst v16  }
0xe5: {  	v8 =	vadd.s32 v1, v8;
	v58 =	vld.idx.msk [tilespmem:v51+s28+$0x0], $0xffff;
	[tilespmem:s10+$0xFFFFFFC0] =	vst v3  }
0xe6: {  	v6 =	vadd.s32 v1, v6;
	v3 =	vld.idx.msk [tilespmem:v61+s28+$0x0], $0xffff;
	[tilespmem:s10+$0xFFFFFFE0] =	vst v11  }
0xe7: {  	v60 =	vadd.s32 v1, v25;
	[tilespmem:s10+$0x0] =	vst v12;
	v10 =	vld.idx.msk [tilespmem:v10+s28+$0x0], $0xffff  }
0xe8: {  	v5 =	vadd.s32 v1, v5;
	[tilespmem:s10+$0x20] =	vst v62;
	v9 =	vld.idx.msk [tilespmem:v9+s28+$0x0], $0xffff  }
0xe9: {  	v4 =	vadd.s32 v1, v4;
	s5 =	sadd.s32 $0x100, s18;
	[tilespmem:s10+$0x40] =	vst v63;
	v2 =	vld.idx.msk [tilespmem:v2+s28+$0x0], $0xffff  }
0xea: {  	s18 =	sadd.s32 $0xFFFFFF60, s5;
	[tilespmem:s10+$0x60] =	vst v58;
	v8 =	vld.idx.msk [tilespmem:v8+s28+$0x0], $0xffff  }
0xeb: {  	s19 =	sadd.s32 $0xFFFFFF80, s5;
	s12 =	sor.u32 $0x50, s18;
	v6 =	vld.idx.msk [tilespmem:v6+s28+$0x0], $0xffff;
	[tilespmem:s10+$0xFFFFFF80] =	vst v3  }
0xec: {  	s17 =	sadd.s32 $0xFFFFFF40, s5;
	s22 =	sor.u32 $0x70, s19;
	v7 =	vld.idx.msk [tilespmem:v60+s28+$0x0], $0xffff;
	[tilespmem:s12+$0xE000] =	vst v10  }
0xed: {  	s15 =	sor.u32 $0x30, s17;
	v3 =	vld.idx.msk [tilespmem:v5+s28+$0x0], $0xffff;
	[tilespmem:s22+$0xE000] =	vst v9  }
0xee: {  	s8 =	sadd.s32 $0x1, s8;
	s23 =	sadd.s32 $0xFFFFFFC0, s5;
	[tilespmem:s15+$0xE000] =	vst v2;
	v2 =	vld.idx.msk [tilespmem:v4+s28+$0x0], $0xffff  }
0xef: {  	s9 =	sshll.u32 s9, $0xE;
	p2 =	sne.s32 s8, $0x1E;
	s12 =	sor.u32 $0x30, s23;
	[tilespmem:s10+$0x10] =	vst v8  }
.Ltmp4:
0xf0: {  	s16 =	sor.u32 $0x70, s5;
	s5 =	sadd.s32 $0xFFFFFFE0, s5;
	[tilespmem:s12+$0xE000] =	vst v6;
	(pc) =	sbr.rel @p2 .LBB2_2-.Ltmp4, $4  }
0xf1: {  	s9 =	sadd.s32 s6, s9;
	s5 =	sor.u32 $0x50, s5;
	[tilespmem:s16+$0xE000] =	vst v7  }
0xf2: {  	s29 =	sshrl.u32 s9, $0x3;
	[tilespmem:s5+$0xE000] =	vst v3  }
0xf3: {  	s5 =	sadd.s32 s7, s29;
	[tilespmem:s10+$0xFFFFFF90] =	vst v2  }
0xf4: {  	[hbm4b:s5+s3] =	stream.linear.scatter [tilespmem:s14], [sflag:$0x4], $0x4000, $0x38;
	[tilespmem:$0x12000] =	vst v63  }
0xf5: {  	s5 =	simm.s32 $0x0  }
0xf6: {  	s17 =	simm.s32 $0x1;
	s8 =	simm.s32 $0x2;
	s18 =	simm.s32 $0x3  }
0xf7: {  	s19 =	simm.s32 $0x4;
	s9 =	simm.s32 $0x5;
	_ =	swait.ge [sflag:s1], $0x1000;
	v2 =	vmov s5;
	v4 =	vmov s17;
	v5 =	vmov s8  }
0xf8: {  	s22 =	simm.s32 $0x6;
	s23 =	simm.s32 $0x7;
	s10 =	simm.s32 $0x9;
	v6 =	vmov s18;
	v7 =	vmov s19;
	v8 =	vmov s9  }
0xf9: {  	s12 =	simm.s32 $0xA;
	s15 =	simm.s32 $0xB;
	s16 =	simm.s32 $0xC;
	v9 =	vmov s22;
	v16 =	vmov s23;
	v20 =	vmov s10  }
0xfa: {  	[sflag:s1] =	ssyncset.done $0x0;
	v21 =	vmov s12;
	v22 =	vmov s15;
	v23 =	vmov s16  }
0xfb: {  	v3 =	vand.u32 $0x78, v2;
	v2 =	vshll.u32 v2, $0x3;
	v10 =	vand.u32 $0x79, v4;
	[sflag:s1] =	ssyncadd.s32 $0xFFFFF000  }
0xfc: {  	v11 =	vand.u32 $0x7A, v5;
	v12 =	vand.u32 $0x7B, v6;
	v13 =	vand.u32 $0x7C, v7;
	_ =	swait.ge [sflag:s1], $0x1000  }
0xfd: {  	v14 =	vand.u32 $0x7D, v8;
	v15 =	vand.u32 $0x7E, v9;
	v4 =	vshll.u32 v4, $0x3;
	[sflag:s1] =	ssyncset.done $0x0  }
0xfe: {  	v5 =	vshll.u32 v5, $0x3;
	v6 =	vshll.u32 v6, $0x3;
	v7 =	vshll.u32 v7, $0x3;
	[sflag:s1] =	ssyncadd.s32 $0xFFFFF000  }
0xff: {  	s17 =	simm.s32 $0xD;
	s18 =	simm.s32 $0xE;
	v8 =	vshll.u32 v8, $0x3;
	v9 =	vshll.u32 v9, $0x3;
	v17 =	vshll.u32 v16, $0x3;
	_ =	swait.ge [sflag:s1], $0x1000  }
0x100: {  	v24 =	vmov s17;
	v25 =	vmov s18;
	v2 =	vand.u32 $0xC00, v2;
	[sflag:s1] =	ssyncset.done $0x0  }
0x101: {  	v2 =	vor.u32 v3, v2;
	v3 =	vand.u32 $0x7F, v16;
	v16 =	vand.u32 $0xC00, v17;
	[sflag:s1] =	ssyncadd.s32 $0xFFFFF000  }
0x102: {  	v26 =	vand.u32 $0x79, v20;
	v4 =	vand.u32 $0xC00, v4;
	v3 =	vor.u32 v3, v16;
	_ =	swait.ge [sflag:s1], $0x1000  }
0x103: {  	v5 =	vand.u32 $0xC00, v5;
	v4 =	vor.u32 v10, v4;
	v10 =	vadd.s32 v0, v3;
	[sflag:s1] =	ssyncset.done $0x0  }
0x104: {  	s29 =	simm.s32 $0x3;
	v6 =	vand.u32 $0xC00, v6;
	v5 =	vor.u32 v11, v5;
	v16 =	vadd.s32 v0, v4;
	[sflag:s1] =	ssyncadd.s32 $0xFFFFF000  }
0x105: {  	v7 =	vand.u32 $0xC00, v7;
	v6 =	vor.u32 v12, v6;
	v11 =	vadd.s32 v0, v5;
	_ =	swait.ge [sflag:s29], $0x4000  }
0x106: {  	v8 =	vand.u32 $0xC00, v8;
	v7 =	vor.u32 v13, v7;
	v12 =	vadd.s32 v0, v6;
	[sflag:s29] =	ssyncset.done $0x0  }
0x107: {  	v9 =	vand.u32 $0xC00, v9;
	v8 =	vor.u32 v14, v8;
	v13 =	vadd.s32 v0, v7;
	[sflag:s29] =	ssyncadd.s32 $0xFFFFC000  }
0x108: {  	v27 =	vand.u32 $0x7A, v21;
	v9 =	vor.u32 v15, v9;
	v15 =	vadd.s32 v0, v8;
	v10 =	vld.idx.msk [tilespmem:v10+s3+$0x0], $0xffff  }
0x109: {  	s9 =	simm.s32 $0x8;
	v28 =	vand.u32 $0x7B, v22;
	v29 =	vand.u32 $0x7C, v23;
	v19 =	vadd.s32 v0, v9;
	v16 =	vld.idx.msk [tilespmem:v16+s3+$0x0], $0xffff  }
0x10a: {  	v30 =	vand.u32 $0x7D, v24;
	v14 =	vmov s9;
	v17 =	vadd.s32 v0, v2;
	v11 =	vld.idx.msk [tilespmem:v11+s3+$0x0], $0xffff  }
0x10b: {  	v31 =	vand.u32 $0x7E, v25;
	v18 =	vand.u32 $0x78, v14;
	v3 =	vadd.s32 v1, v3;
	v12 =	vld.idx.msk [tilespmem:v12+s3+$0x0], $0xffff  }
0x10c: {  	s5 =	simm.s32 $0xA080;
	v4 =	vadd.s32 v1, v4;
	v5 =	vadd.s32 v1, v5;
	v6 =	vadd.s32 v1, v6;
	v13 =	vld.idx.msk [tilespmem:v13+s3+$0x0], $0xffff  }
0x10d: {  	v14 =	vshll.u32 v14, $0x3;
	v7 =	vadd.s32 v1, v7;
	v8 =	vadd.s32 v1, v8;
	v15 =	vld.idx.msk [tilespmem:v15+s3+$0x0], $0xffff;
	[tilespmem:s5+$0x60] =	vst v10  }
0x10e: {  	v9 =	vadd.s32 v1, v9;
	v14 =	vand.u32 $0xC00, v14;
	v10 =	vld.idx.msk [tilespmem:v19+s3+$0x0], $0xffff;
	v19 =	vshll.u32 v20, $0x3;
	[tilespmem:s5+$0xFFFFFFA0] =	vst v16  }
0x10f: {  	s19 =	simm.s32 $0xF;
	v17 =	vld.idx.msk [tilespmem:v17+s3+$0x0], $0xffff;
	v20 =	vshll.u32 v21, $0x3;
	v21 =	vshll.u32 v22, $0x3;
	v16 =	vshll.u32 v23, $0x3;
	[tilespmem:s5+$0xFFFFFFC0] =	vst v11  }
0x110: {  	v22 =	vmov s19;
	v23 =	vadd.s32 v1, v2;
	v11 =	vshll.u32 v24, $0x3;
	[tilespmem:s5+$0xFFFFFFE0] =	vst v12;
	v3 =	vld.idx.msk [tilespmem:v3+s3+$0x0], $0xffff  }
0x111: {  	v24 =	vshll.u32 v25, $0x3;
	v2 =	vor.u32 v18, v14;
	[tilespmem:s5+$0x0] =	vst v13;
	v4 =	vld.idx.msk [tilespmem:v4+s3+$0x0], $0xffff;
	v25 =	vshll.u32 v22, $0x3  }
0x112: {  	[tilespmem:s5+$0x20] =	vst v15;
	v5 =	vld.idx.msk [tilespmem:v5+s3+$0x0], $0xffff;
	v12 =	vand.u32 $0x7F, v22;
	v13 =	vadd.s32 v0, v2;
	v15 =	vand.u32 $0xC00, v20  }
0x113: {  	v6 =	vld.idx.msk [tilespmem:v6+s3+$0x0], $0xffff;
	v18 =	vand.u32 $0xC00, v19;
	v14 =	vand.u32 $0xC00, v25;
	v15 =	vor.u32 v27, v15  }
0x114: {  	[tilespmem:s5+$0xFFFFFF80] =	vst v17;
	v7 =	vld.idx.msk [tilespmem:v7+s3+$0x0], $0xffff;
	v19 =	vand.u32 $0xC00, v21;
	v12 =	vor.u32 v12, v14;
	v17 =	vadd.s32 v0, v15  }
0x115: {  	s8 =	simm.s32 $0xE0;
	v8 =	vld.idx.msk [tilespmem:v8+s3+$0x0], $0xffff;
	v19 =	vor.u32 v28, v19;
	v14 =	vor.u32 v26, v18;
	v18 =	vadd.s32 v0, v12  }
0x116: {  	s22 =	simm.s32 $0x20;
	s10 =	sor.u32 $0x70, s8;
	v11 =	vand.u32 $0xC00, v11;
	v20 =	vadd.s32 v0, v19;
	[tilespmem:s5+$0x40] =	vst v10;
	v21 =	vld.idx.msk [tilespmem:v23+s3+$0x0], $0xffff  }
0x117: {  	s12 =	simm.s32 $0x40;
	s9 =	sor.u32 $0x30, s22;
	v16 =	vand.u32 $0xC00, v16;
	v11 =	vor.u32 v30, v11;
	v10 =	vadd.s32 v0, v14;
	v9 =	vld.idx.msk [tilespmem:v9+s3+$0x0], $0xffff;
	[tilespmem:s10+$0xA000] =	vst v3  }
0x118: {  	s15 =	simm.s32 $0x60;
	s12 =	sor.u32 $0x50, s12;
	v16 =	vor.u32 v29, v16;
	v22 =	vadd.s32 v0, v11;
	[tilespmem:s9+$0xA000] =	vst v4;
	v3 =	vld.idx.msk [tilespmem:v13+s3+$0x0], $0xffff;
	v4 =	vand.u32 $0xC00, v24  }
0x119: {  	s17 =	simm.s32 $0x11;
	s29 =	sor.u32 $0x70, s15;
	s19 =	simm.s32 $0x13;
	v13 =	vadd.s32 v0, v16;
	[tilespmem:s12+$0xA000] =	vst v5;
	v26 =	vor.u32 v31, v4;
	v17 =	vld.idx.msk [tilespmem:v17+s3+$0x0], $0xffff  }
0x11a: {  	s18 =	simm.s32 $0x12;
	s15 =	simm.s32 $0xA0;
	v62 =	vmov s19;
	v28 =	vmov s17;
	[tilespmem:s29+$0xA000] =	vst v6;
	v27 =	vadd.s32 v0, v26;
	v18 =	vld.idx.msk [tilespmem:v18+s3+$0x0], $0xffff  }
0x11b: {  	s23 =	simm.s32 $0x10;
	v29 =	vmov s18;
	v33 =	vadd.s32 v1, v15;
	v12 =	vadd.s32 v1, v12;
	s10 =	sor.u32 $0x30, s15;
	[tilespmem:s5+$0x10] =	vst v7;
	v32 =	vld.idx.msk [tilespmem:v20+s3+$0x0], $0xffff  }
0x11c: {  	s16 =	simm.s32 $0xC0;
	v63 =	vadd.s32 v1, v14;
	v5 =	vmov s23;
	s23 =	simm.s32 $0x15;
	v24 =	vadd.s32 v1, v19;
	[tilespmem:s10+$0xA000] =	vst v8;
	v6 =	vld.idx.msk [tilespmem:v10+s3+$0x0], $0xffff  }
0x11d: {  	s22 =	simm.s32 $0x14;
	s12 =	sor.u32 $0x50, s16;
	v4 =	vand.u32 $0x78, v5;
	v5 =	vshll.u32 v5, $0x3;
	v14 =	vmov s23;
	v23 =	vld.idx.msk [tilespmem:v22+s3+$0x0], $0xffff;
	[tilespmem:s5+$0xFFFFFF90] =	vst v21  }
0x11e: {  	s9 =	simm.s32 $0xA180;
	v20 =	vmov s22;
	v7 =	vand.u32 $0xC00, v5;
	v22 =	vadd.s32 v1, v16;
	[tilespmem:s12+$0xA000] =	vst v9;
	v25 =	vld.idx.msk [tilespmem:v13+s3+$0x0], $0xffff  }
0x11f: {  	s29 =	simm.s32 $0x16;
	v15 =	vadd.s32 v1, v26;
	v26 =	vshll.u32 v29, $0x3;
	v8 =	vand.u32 $0x7C, v20;
	v19 =	vld.idx.msk [tilespmem:v27+s3+$0x0], $0xffff;
	[tilespmem:s9+$0x60] =	vst v18  }
0x120: {  	v21 =	vmov s29;
	v10 =	vand.u32 $0x7A, v29;
	[tilespmem:s9+$0xFFFFFFC0] =	vst v17;
	v18 =	vadd.s32 v1, v11;
	v16 =	vld.idx.msk [tilespmem:v12+s3+$0x0], $0xffff  }
0x121: {  	v13 =	vand.u32 $0x79, v28;
	v9 =	vand.u32 $0x7B, v62;
	v5 =	vand.u32 $0x7E, v21;
	[tilespmem:s9+$0xFFFFFFA0] =	vst v6;
	v12 =	vld.idx.msk [tilespmem:v33+s3+$0x0], $0xffff  }
0x122: {  	s10 =	simm.s32 $0x18;
	s5 =	simm.s32 $0x17;
	v27 =	vshll.u32 v28, $0x3;
	v17 =	vshll.u32 v62, $0x3;
	[tilespmem:s9+$0xFFFFFFE0] =	vst v32;
	v6 =	vand.u32 $0x7D, v14;
	v11 =	vld.idx.msk [tilespmem:v63+s3+$0x0], $0xffff  }
.LBB2_8:
0x123: {  	p2 =	slt.u32 s10, $0x1F8;
	v20 =	vshll.u32 v20, $0x3;
	v28 =	vmov s5;
	v29 =	vadd.s32 v1, v2;
	v24 =	vld.idx.msk [tilespmem:v24+s3+$0x0], $0xffff;
	[tilespmem:s9+$0x0] =	vst v25  }
0x124: {  	v14 =	vshll.u32 v14, $0x3;
	v21 =	vshll.u32 v21, $0x3;
	s8 =	sadd.s32 $0x100, s8;
	v25 =	vshll.u32 v28, $0x3;
	v22 =	vld.idx.msk [tilespmem:v22+s3+$0x0], $0xffff;
	[tilespmem:s9+$0x20] =	vst v23  }
0x125: {  	v2 =	vor.u32 v4, v7;
	v4 =	vand.u32 $0x7F, v28;
	s5 =	sadd.s32 $0xFFFFFF40, s8;
	s12 =	sadd.s32 $0xFFFFFF60, s8;
	s15 =	sor.u32 $0x70, s8;
	v7 =	vand.u32 $0xC00, v25;
	v18 =	vld.idx.msk [tilespmem:v18+s3+$0x0], $0xffff;
	[tilespmem:s9+$0x40] =	vst v19  }
0x126: {  	v23 =	vand.u32 $0xC00, v27;
	s16 =	sadd.s32 $0xFFFFFF80, s8;
	s17 =	sadd.s32 $0xFFFFFFC0, s8;
	s18 =	sadd.s32 $0xFFFFFFE0, s8;
	v19 =	vadd.s32 v0, v2;
	v7 =	vor.u32 v4, v7;
	v15 =	vld.idx.msk [tilespmem:v15+s3+$0x0], $0xffff;
	[tilespmem:s15+$0xA000] =	vst v16  }
0x127: {  	v13 =	vor.u32 v13, v23;
	s5 =	sor.u32 $0x30, s5;
	s12 =	sor.u32 $0x50, s12;
	v4 =	vand.u32 $0xC00, v26;
	s15 =	sor.u32 $0x70, s16;
	v16 =	vadd.s32 v0, v7;
	[tilespmem:s9+$0xFFFFFF80] =	vst v3  }
0x128: {  	v23 =	vadd.s32 v0, v13;
	s16 =	sor.u32 $0x50, s18;
	v10 =	vor.u32 v10, v4;
	v3 =	vand.u32 $0xC00, v17;
	v17 =	vld.idx.msk [tilespmem:v29+s3+$0x0], $0xffff;
	[tilespmem:s5+$0xA000] =	vst v11;
	s5 =	sor.u32 $0x30, s17  }
0x129: {  	v11 =	vadd.s32 v0, v10;
	v9 =	vor.u32 v9, v3;
	v3 =	vand.u32 $0xC00, v20;
	[tilespmem:s12+$0xA000] =	vst v12  }
0x12a: {  	v4 =	vand.u32 $0xC00, v14;
	v12 =	vadd.s32 v0, v9;
	v8 =	vor.u32 v8, v3;
	[tilespmem:s15+$0xA000] =	vst v24  }
0x12b: {  	v6 =	vor.u32 v6, v4;
	v4 =	vand.u32 $0xC00, v21;
	v3 =	vld.idx.msk [tilespmem:v19+s3+$0x0], $0xffff;
	v19 =	vadd.s32 v0, v8;
	[tilespmem:s9+$0x10] =	vst v22  }
0x12c: {  	v14 =	vmov s10;
	v26 =	vor.u32 v5, v4;
	v22 =	vadd.s32 v0, v6;
	v5 =	vld.idx.msk [tilespmem:v16+s3+$0x0], $0xffff;
	[tilespmem:s5+$0xA000] =	vst v18  }
0x12d: {  	v4 =	vand.u32 $0x78, v14;
	s5 =	sadd.s32 $0x1, s10;
	v18 =	vadd.s32 v0, v26;
	v16 =	vld.idx.msk [tilespmem:v23+s3+$0x0], $0xffff;
	[tilespmem:s16+$0xA000] =	vst v15  }
0x12e: {  	s12 =	sadd.s32 $0x3, s10;
	v15 =	vshll.u32 v14, $0x3;
	v27 =	vmov s5;
	s5 =	sadd.s32 $0x2, s10;
	v28 =	vld.idx.msk [tilespmem:v11+s3+$0x0], $0xffff;
	v11 =	vadd.s32 v1, v7;
	[tilespmem:s9+$0xFFFFFF90] =	vst v17  }
0x12f: {  	v30 =	vadd.s32 v1, v13;
	v29 =	vmov s12;
	s12 =	sadd.s32 $0x5, s10;
	v17 =	vmov s5;
	s5 =	sadd.s32 $0x4, s10;
	v31 =	vld.idx.msk [tilespmem:v12+s3+$0x0], $0xffff  }
0x130: {  	v14 =	vmov s12;
	v20 =	vmov s5;
	s5 =	sadd.s32 $0x6, s10;
	v12 =	vadd.s32 v1, v10;
	v25 =	vld.idx.msk [tilespmem:v19+s3+$0x0], $0xffff  }
.Ltmp5:
0x131: {  	v24 =	vadd.s32 v1, v9;
	v7 =	vand.u32 $0xC00, v15;
	s9 =	sadd.s32 $0x100, s9;
	v21 =	vmov s5;
	v23 =	vld.idx.msk [tilespmem:v22+s3+$0x0], $0xffff;
	(pc) =	sbr.rel @p2 .LBB2_8-.Ltmp5, $4  }
0x132: {  	v13 =	vand.u32 $0x79, v27;
	v10 =	vand.u32 $0x7A, v17;
	v22 =	vadd.s32 v1, v8;
	v19 =	vld.idx.msk [tilespmem:v18+s3+$0x0], $0xffff;
	[tilespmem:s9+$0x60] =	vst v5  }
0x133: {  	v9 =	vand.u32 $0x7B, v29;
	v8 =	vand.u32 $0x7C, v20;
	v18 =	vadd.s32 v1, v6;
	[tilespmem:s9+$0xFFFFFFA0] =	vst v16;
	v16 =	vld.idx.msk [tilespmem:v11+s3+$0x0], $0xffff  }
0x134: {  	v15 =	vadd.s32 v1, v26;
	v6 =	vand.u32 $0x7D, v14;
	v5 =	vand.u32 $0x7E, v21;
	v11 =	vld.idx.msk [tilespmem:v30+s3+$0x0], $0xffff;
	[tilespmem:s9+$0xFFFFFFC0] =	vst v28  }
0x135: {  	v27 =	vshll.u32 v27, $0x3;
	v26 =	vshll.u32 v17, $0x3;
	v17 =	vshll.u32 v29, $0x3;
	s5 =	sadd.s32 $0x7, s10;
	s10 =	sadd.s32 $0x8, s10;
	v12 =	vld.idx.msk [tilespmem:v12+s3+$0x0], $0xffff;
	[tilespmem:s9+$0xFFFFFFE0] =	vst v31  }
0x136: {  	v28 =	vmov s5  }
0x137: {  	v20 =	vshll.u32 v20, $0x3;
	v2 =	vadd.s32 v1, v2;
	v14 =	vshll.u32 v14, $0x3  }
0x138: {  	[tilespmem:s9+$0x0] =	vst v25;
	v21 =	vshll.u32 v21, $0x3;
	v49 =	vand.u32 $0xC00, v27;
	v50 =	vand.u32 $0xC00, v26  }
0x139: {  	[tilespmem:s9+$0x20] =	vst v23;
	v17 =	vand.u32 $0xC00, v17;
	v29 =	vshll.u32 v28, $0x3;
	v13 =	vor.u32 v13, v49  }
0x13a: {  	s19 =	sadd.s32 $0x100, s8;
	v24 =	vld.idx.msk [tilespmem:v24+s3+$0x0], $0xffff;
	[tilespmem:s9+$0xFFFFFF80] =	vst v3;
	v47 =	vand.u32 $0x7F, v28;
	v10 =	vor.u32 v10, v50;
	v52 =	vadd.s32 v0, v13  }
0x13b: {  	[tilespmem:s9+$0x40] =	vst v19;
	s8 =	sor.u32 $0x70, s19;
	v22 =	vld.idx.msk [tilespmem:v22+s3+$0x0], $0xffff;
	s10 =	sadd.s32 $0xFFFFFF40, s19;
	v9 =	vor.u32 v9, v17;
	v53 =	vand.u32 $0xC00, v20;
	v3 =	vadd.s32 v0, v10  }
0x13c: {  	s22 =	sadd.s32 $0xFFFFFF60, s19;
	v18 =	vld.idx.msk [tilespmem:v18+s3+$0x0], $0xffff;
	v14 =	vand.u32 $0xC00, v14;
	[tilespmem:s8+$0xA000] =	vst v16;
	s10 =	sor.u32 $0x30, s10;
	v54 =	vadd.s32 v0, v9;
	v8 =	vor.u32 v8, v53  }
0x13d: {  	s12 =	sadd.s32 $0xFFFFFF80, s19;
	v56 =	vand.u32 $0xC00, v21;
	v15 =	vld.idx.msk [tilespmem:v15+s3+$0x0], $0xffff;
	s8 =	sor.u32 $0x50, s22;
	v6 =	vor.u32 v6, v14;
	[tilespmem:s10+$0xA000] =	vst v11;
	v55 =	vadd.s32 v0, v8  }
0x13e: {  	v48 =	vand.u32 $0xC00, v29;
	s23 =	sor.u32 $0x70, s12;
	v5 =	vor.u32 v5, v56;
	v57 =	vadd.s32 v0, v6;
	[tilespmem:s8+$0xA000] =	vst v12;
	v2 =	vld.idx.msk [tilespmem:v2+s3+$0x0], $0xffff  }
0x13f: {  	s29 =	sadd.s32 $0xFFFFFFC0, s19;
	v25 =	vor.u32 v47, v48;
	v59 =	vadd.s32 v0, v5;
	[tilespmem:s23+$0xA000] =	vst v24;
	v16 =	vld.idx.msk [tilespmem:v52+s3+$0x0], $0xffff  }
0x140: {  	v4 =	vor.u32 v4, v7;
	s12 =	sadd.s32 $0xFFFFFFE0, s19;
	v51 =	vadd.s32 v0, v25;
	s8 =	sor.u32 $0x30, s29;
	[tilespmem:s9+$0x10] =	vst v22;
	v3 =	vld.idx.msk [tilespmem:v3+s3+$0x0], $0xffff  }
0x141: {  	v61 =	vadd.s32 v0, v4;
	s10 =	sor.u32 $0x50, s12;
	[tilespmem:s8+$0xA000] =	vst v18;
	v11 =	vld.idx.msk [tilespmem:v54+s3+$0x0], $0xffff  }
0x142: {  	v10 =	vadd.s32 v1, v10;
	[tilespmem:s10+$0xA000] =	vst v15;
	v12 =	vld.idx.msk [tilespmem:v55+s3+$0x0], $0xffff  }
0x143: {  	s15 =	sadd.s32 $0x100, s9;
	v9 =	vadd.s32 v1, v9;
	v62 =	vld.idx.msk [tilespmem:v57+s3+$0x0], $0xffff;
	[tilespmem:s9+$0xFFFFFF90] =	vst v2  }
0x144: {  	v63 =	vld.idx.msk [tilespmem:v59+s3+$0x0], $0xffff;
	v2 =	vadd.s32 v1, v13;
	[tilespmem:s15+$0xFFFFFFA0] =	vst v16  }
0x145: {  	v8 =	vadd.s32 v1, v8;
	v58 =	vld.idx.msk [tilespmem:v51+s3+$0x0], $0xffff;
	[tilespmem:s15+$0xFFFFFFC0] =	vst v3  }
0x146: {  	v6 =	vadd.s32 v1, v6;
	v3 =	vld.idx.msk [tilespmem:v61+s3+$0x0], $0xffff;
	[tilespmem:s15+$0xFFFFFFE0] =	vst v11  }
0x147: {  	v60 =	vadd.s32 v1, v25;
	[tilespmem:s15+$0x0] =	vst v12;
	v10 =	vld.idx.msk [tilespmem:v10+s3+$0x0], $0xffff  }
0x148: {  	v5 =	vadd.s32 v1, v5;
	[tilespmem:s15+$0x20] =	vst v62;
	v9 =	vld.idx.msk [tilespmem:v9+s3+$0x0], $0xffff  }
0x149: {  	v4 =	vadd.s32 v1, v4;
	s5 =	sadd.s32 $0x100, s19;
	[tilespmem:s15+$0x40] =	vst v63;
	v2 =	vld.idx.msk [tilespmem:v2+s3+$0x0], $0xffff  }
0x14a: {  	s18 =	sadd.s32 $0xFFFFFF60, s5;
	[tilespmem:s15+$0x60] =	vst v58;
	v8 =	vld.idx.msk [tilespmem:v8+s3+$0x0], $0xffff  }
0x14b: {  	s19 =	sadd.s32 $0xFFFFFF80, s5;
	s9 =	sor.u32 $0x50, s18;
	v6 =	vld.idx.msk [tilespmem:v6+s3+$0x0], $0xffff;
	[tilespmem:s15+$0xFFFFFF80] =	vst v3  }
0x14c: {  	s17 =	sadd.s32 $0xFFFFFF40, s5;
	s22 =	sor.u32 $0x70, s19;
	v7 =	vld.idx.msk [tilespmem:v60+s3+$0x0], $0xffff;
	[tilespmem:s9+$0xA000] =	vst v10  }
0x14d: {  	s10 =	sor.u32 $0x30, s17;
	v3 =	vld.idx.msk [tilespmem:v5+s3+$0x0], $0xffff;
	[tilespmem:s22+$0xA000] =	vst v9  }
0x14e: {  	s23 =	sadd.s32 $0xFFFFFFC0, s5;
	[tilespmem:s10+$0xA000] =	vst v2;
	v2 =	vld.idx.msk [tilespmem:v4+s3+$0x0], $0xffff  }
0x14f: {  	s9 =	sor.u32 $0x30, s23;
	[tilespmem:s15+$0x10] =	vst v8  }
0x150: {  	s16 =	sor.u32 $0x70, s5;
	s5 =	sadd.s32 $0xFFFFFFE0, s5;
	[tilespmem:s9+$0xA000] =	vst v6  }
0x151: {  	s5 =	sor.u32 $0x50, s5;
	[tilespmem:s16+$0xA000] =	vst v7  }
0x152: {  	[tilespmem:s5+$0xA000] =	vst v3  }
0x153: {  	[tilespmem:s15+$0xFFFFFF90] =	vst v2  }
0x154: {  	s5 =	rddreg [dreg:$0x7]  }
0x155: {  	[hbm4b:s5+s3] =	stream.linear.scatter [tilespmem:s0], [sflag:$0x5], $0x4000, $0x38;
	[tilespmem:$0x12000] =	vst v63  }
0x156: {  	_ =	swait.ge [sflag:s21], $0x4000  }
.Ltmp6:
0x157: {  	[sflag:s21] =	ssyncset.done $0x0;
	(pc) =	sbr.rel @p1 .LBB2_13-.Ltmp6, $4  }
0x158: {  	s29 =	simm.s32 $0x4;
	[sflag:s21] =	ssyncadd.s32 $0xFFFFC000  }
0x159: {  	_ =	swait.ge [sflag:s29], $0x4000  }
0x15a: {  	[sflag:s29] =	ssyncset.done $0x0  }
0x15b: {  	[sflag:s29] =	ssyncadd.s32 $0xFFFFC000  }
0x15c: {  	s8 =	simm.s32 $0x0;
	s5 =	rddreg [dreg:$0x8]  }
0x15d: {  	[tilespmem:s8], [sflag:$0x1] =	stream.linear.gather [hbm4b:s5+s8], $0x400, $0x38;
	[tilespmem:$0x12000] =	vst v63  }
0x15e: {  	s19 =	rddreg [dreg:$0x9]  }
0x15f: {  	[tilespmem:s24], [sflag:$0x1] =	stream.linear.gather [hbm4b:s19+s8], $0x400, $0x38;
	[tilespmem:$0x12000] =	vst v63  }
0x160: {  	s20 =	rddreg [dreg:$0xa]  }
0x161: {  	[tilespmem:s25], [sflag:$0x1] =	stream.linear.gather [hbm4b:s20+s8], $0x400, $0x38;
	[tilespmem:$0x12000] =	vst v63  }
0x162: {  	s21 =	rddreg [dreg:$0xb]  }
0x163: {  	[tilespmem:s26], [sflag:$0x1] =	stream.linear.gather [hbm4b:s21+s8], $0x400, $0x38;
	[tilespmem:$0x12000] =	vst v63  }
0x164: {  	_ =	swait.ge [sflag:s1], $0x400  }
0x165: {  	[sflag:s1] =	ssyncset.done $0x0  }
0x166: {  	[sflag:s1] =	ssyncadd.s32 $0xFFFFFC00  }
0x167: {  	_ =	swait.ge [sflag:s1], $0x400  }
0x168: {  	[sflag:s1] =	ssyncset.done $0x0  }
0x169: {  	[sflag:s1] =	ssyncadd.s32 $0xFFFFFC00  }
0x16a: {  	_ =	swait.ge [sflag:s1], $0x400  }
0x16b: {  	s22 =	simm.s32 $0x7;
	v2 =	vor.u32 s8, v0;
	[sflag:s1] =	ssyncset.done $0x0  }
0x16c: {  	s9 =	simm.s32 $0x1;
	v3 =	vor.u32 s22, v0;
	[sflag:s1] =	ssyncadd.s32 $0xFFFFFC00  }
0x16d: {  	s10 =	simm.s32 $0x2;
	v4 =	vor.u32 s9, v0;
	_ =	swait.ge [sflag:s1], $0x400  }
0x16e: {  	s12 =	simm.s32 $0x3;
	v5 =	vor.u32 s10, v0;
	[sflag:s1] =	ssyncset.done $0x0  }
0x16f: {  	s16 =	simm.s32 $0x5;
	v6 =	vor.u32 s12, v0;
	[sflag:s1] =	ssyncadd.s32 $0xFFFFFC00  }
0x170: {  	s17 =	simm.s32 $0x6;
	v8 =	vor.u32 s16, v0;
	v7 =	vld.idx.msk [tilespmem:v2+s3+$0x0], $0xffff  }
0x171: {  	v9 =	vor.u32 s17, v0;
	v12 =	vor.u32 s10, v1;
	s10 =	simm.s32 $0xF;
	v3 =	vld.idx.msk [tilespmem:v3+s3+$0x0], $0xffff  }
0x172: {  	s15 =	simm.s32 $0x4;
	v15 =	vor.u32 s10, v0;
	v4 =	vld.idx.msk [tilespmem:v4+s3+$0x0], $0xffff  }
0x173: {  	v2 =	vor.u32 s15, v0;
	v5 =	vld.idx.msk [tilespmem:v5+s3+$0x0], $0xffff  }
0x174: {  	v10 =	vor.u32 s22, v1;
	v6 =	vld.idx.msk [tilespmem:v6+s3+$0x0], $0xffff  }
0x175: {  	v11 =	vor.u32 s9, v1;
	v8 =	vld.idx.msk [tilespmem:v8+s3+$0x0], $0xffff  }
0x176: {  	s5 =	simm.s32 $0xA080;
	v9 =	vld.idx.msk [tilespmem:v9+s3+$0x0], $0xffff  }
0x177: {  	v13 =	vor.u32 s12, v1;
	v15 =	vld.idx.msk [tilespmem:v15+s3+$0x0], $0xffff;
	[tilespmem:s5+$0x60] =	vst v3  }
0x178: {  	v2 =	vld.idx.msk [tilespmem:v2+s3+$0x0], $0xffff;
	[tilespmem:s5+$0xFFFFFFA0] =	vst v4;
	v3 =	vor.u32 s16, v1  }
0x179: {  	[tilespmem:s5+$0xFFFFFFC0] =	vst v5;
	v5 =	vor.u32 s17, v1;
	v4 =	vld.idx.msk [tilespmem:v10+s3+$0x0], $0xffff  }
0x17a: {  	[tilespmem:s5+$0xFFFFFFE0] =	vst v6;
	v6 =	vor.u32 s8, v1;
	v10 =	vld.idx.msk [tilespmem:v11+s3+$0x0], $0xffff  }
0x17b: {  	v14 =	vor.u32 s15, v1;
	s12 =	simm.s32 $0xA;
	[tilespmem:s5+$0x20] =	vst v8;
	v12 =	vld.idx.msk [tilespmem:v12+s3+$0x0], $0xffff  }
0x17c: {  	s15 =	simm.s32 $0xC;
	[tilespmem:s5+$0x40] =	vst v9;
	v9 =	vor.u32 s12, v0;
	v13 =	vld.idx.msk [tilespmem:v13+s3+$0x0], $0xffff  }
0x17d: {  	s9 =	simm.s32 $0xE0;
	s16 =	simm.s32 $0x8;
	[tilespmem:s5+$0xFFFFFF80] =	vst v7;
	v7 =	vor.u32 s15, v0;
	v3 =	vld.idx.msk [tilespmem:v3+s3+$0x0], $0xffff  }
0x17e: {  	s18 =	simm.s32 $0x20;
	s23 =	sor.u32 $0x70, s9;
	s8 =	simm.s32 $0x9;
	v11 =	vor.u32 s16, v0;
	[tilespmem:s5+$0x0] =	vst v2;
	v5 =	vld.idx.msk [tilespmem:v5+s3+$0x0], $0xffff  }
0x17f: {  	s18 =	sor.u32 $0x30, s18;
	s19 =	simm.s32 $0x40;
	s17 =	simm.s32 $0xB;
	v8 =	vor.u32 s8, v0;
	v6 =	vld.idx.msk [tilespmem:v6+s3+$0x0], $0xffff;
	[tilespmem:s23+$0xA000] =	vst v4  }
0x180: {  	s19 =	sor.u32 $0x50, s19;
	s20 =	simm.s32 $0xD;
	v14 =	vld.idx.msk [tilespmem:v14+s3+$0x0], $0xffff;
	v4 =	vor.u32 s17, v0;
	s23 =	simm.s32 $0x60;
	[tilespmem:s18+$0xA000] =	vst v10  }
0x181: {  	v9 =	vld.idx.msk [tilespmem:v9+s3+$0x0], $0xffff;
	v10 =	vor.u32 s20, v0;
	[tilespmem:s19+$0xA000] =	vst v12;
	s29 =	sor.u32 $0x70, s23  }
0x182: {  	s21 =	simm.s32 $0xA0;
	v17 =	vld.idx.msk [tilespmem:v7+s3+$0x0], $0xffff;
	s23 =	simm.s32 $0xE;
	[tilespmem:s29+$0xA000] =	vst v13;
	v13 =	vor.u32 s10, v1;
	s10 =	simm.s32 $0xA180  }
0x183: {  	v2 =	vld.idx.msk [tilespmem:v11+s3+$0x0], $0xffff;
	s19 =	sor.u32 $0x30, s21;
	v12 =	vor.u32 s23, v0;
	[tilespmem:s10+$0x60] =	vst v15  }
0x184: {  	s22 =	simm.s32 $0xC0;
	v8 =	vld.idx.msk [tilespmem:v8+s3+$0x0], $0xffff;
	[tilespmem:s19+$0xA000] =	vst v3;
	v3 =	vor.u32 s12, v1  }
0x185: {  	s29 =	sor.u32 $0x50, s22;
	[tilespmem:s5+$0x10] =	vst v14;
	v14 =	vor.u32 s8, v1;
	v16 =	vld.idx.msk [tilespmem:v4+s3+$0x0], $0xffff  }
0x186: {  	v18 =	vor.u32 s17, v1;
	[tilespmem:s29+$0xA000] =	vst v5;
	v11 =	vld.idx.msk [tilespmem:v10+s3+$0x0], $0xffff  }
0x187: {  	[tilespmem:s5+$0xFFFFFF90] =	vst v6;
	v7 =	vld.idx.msk [tilespmem:v13+s3+$0x0], $0xffff;
	v13 =	vor.u32 s15, v1  }
0x188: {  	[tilespmem:s10+$0xFFFFFFC0] =	vst v9;
	v10 =	vld.idx.msk [tilespmem:v12+s3+$0x0], $0xffff;
	v12 =	vor.u32 s20, v1  }
0x189: {  	[tilespmem:s10+$0xFFFFFFA0] =	vst v8;
	s8 =	simm.s32 $0x10;
	v8 =	vor.u32 s23, v1;
	v5 =	vld.idx.msk [tilespmem:v3+s3+$0x0], $0xffff  }
0x18a: {  	s18 =	simm.s32 $0x18;
	s12 =	simm.s32 $0x12;
	v3 =	vor.u32 s8, v0;
	v4 =	vld.idx.msk [tilespmem:v14+s3+$0x0], $0xffff;
	[tilespmem:s10+$0xFFFFFFE0] =	vst v16  }
0x18b: {  	v9 =	vor.u32 s16, v1;
	[tilespmem:s10+$0x0] =	vst v17;
	s5 =	simm.s32 $0x11;
	s23 =	simm.s32 $0x13;
	s15 =	simm.s32 $0x17;
	v6 =	vld.idx.msk [tilespmem:v18+s3+$0x0], $0xffff  }
.LBB2_11:
0x18c: {  	p2 =	slt.u32 s18, $0x78;
	s16 =	sadd.s32 $0x4, s8;
	v14 =	vor.u32 s15, v0;
	v13 =	vld.idx.msk [tilespmem:v13+s3+$0x0], $0xffff;
	[tilespmem:s10+$0x20] =	vst v11;
	s9 =	sadd.s32 $0x100, s9  }
0x18d: {  	v11 =	vor.u32 s5, v0;
	s17 =	sadd.s32 $0xFFFFFF40, s9;
	s19 =	sadd.s32 $0xFFFFFF60, s9;
	v12 =	vld.idx.msk [tilespmem:v12+s3+$0x0], $0xffff;
	[tilespmem:s10+$0x40] =	vst v10;
	s20 =	sor.u32 $0x70, s9  }
0x18e: {  	v10 =	vor.u32 s12, v0;
	s21 =	sadd.s32 $0xFFFFFF80, s9;
	s22 =	sadd.s32 $0xFFFFFFC0, s9;
	s29 =	sadd.s32 $0xFFFFFFE0, s9;
	v8 =	vld.idx.msk [tilespmem:v8+s3+$0x0], $0xffff;
	[tilespmem:s20+$0xA000] =	vst v7  }
0x18f: {  	v7 =	vor.u32 s23, v0;
	s17 =	sor.u32 $0x30, s17;
	s19 =	sor.u32 $0x50, s19;
	s20 =	sor.u32 $0x70, s21;
	[tilespmem:s10+$0xFFFFFF80] =	vst v2;
	v2 =	vld.idx.msk [tilespmem:v3+s3+$0x0], $0xffff  }
0x190: {  	s21 =	sadd.s32 $0x5, s8;
	v3 =	vor.u32 s16, v0;
	v9 =	vld.idx.msk [tilespmem:v9+s3+$0x0], $0xffff;
	[tilespmem:s17+$0xA000] =	vst v4;
	s17 =	sor.u32 $0x30, s22;
	s22 =	sor.u32 $0x50, s29  }
0x191: {  	v4 =	vor.u32 s21, v0;
	s29 =	sadd.s32 $0x6, s8;
	v14 =	vld.idx.msk [tilespmem:v14+s3+$0x0], $0xffff;
	[tilespmem:s19+$0xA000] =	vst v5;
	s19 =	smov.u32 s8;
	s8 =	smov.u32 s18  }
0x192: {  	v15 =	vor.u32 s29, v0;
	v5 =	vld.idx.msk [tilespmem:v11+s3+$0x0], $0xffff;
	[tilespmem:s20+$0xA000] =	vst v6  }
0x193: {  	v16 =	vor.u32 s15, v1;
	v6 =	vld.idx.msk [tilespmem:v10+s3+$0x0], $0xffff;
	[tilespmem:s10+$0x10] =	vst v13  }
0x194: {  	v17 =	vor.u32 s5, v1;
	v18 =	vld.idx.msk [tilespmem:v7+s3+$0x0], $0xffff;
	[tilespmem:s17+$0xA000] =	vst v12  }
0x195: {  	v19 =	vor.u32 s12, v1;
	v20 =	vld.idx.msk [tilespmem:v3+s3+$0x0], $0xffff;
	[tilespmem:s22+$0xA000] =	vst v8  }
0x196: {  	v21 =	vor.u32 s23, v1;
	v11 =	vld.idx.msk [tilespmem:v4+s3+$0x0], $0xffff;
	[tilespmem:s10+$0xFFFFFF90] =	vst v9;
	s10 =	sadd.s32 $0x100, s10  }
.Ltmp7:
0x197: {  	v13 =	vor.u32 s16, v1;
	v10 =	vld.idx.msk [tilespmem:v15+s3+$0x0], $0xffff;
	[tilespmem:s10+$0x60] =	vst v14;
	(pc) =	sbr.rel @p2 .LBB2_11-.Ltmp7, $4  }
0x198: {  	v12 =	vor.u32 s21, v1;
	[tilespmem:s10+$0xFFFFFFA0] =	vst v5;
	v7 =	vld.idx.msk [tilespmem:v16+s3+$0x0], $0xffff  }
0x199: {  	v8 =	vor.u32 s29, v1;
	v4 =	vld.idx.msk [tilespmem:v17+s3+$0x0], $0xffff;
	[tilespmem:s10+$0xFFFFFFC0] =	vst v6  }
0x19a: {  	s5 =	sadd.s32 $0x1, s18;
	s12 =	sadd.s32 $0x2, s18;
	v3 =	vor.u32 s18, v0;
	v5 =	vld.idx.msk [tilespmem:v19+s3+$0x0], $0xffff;
	[tilespmem:s10+$0xFFFFFFE0] =	vst v18  }
0x19b: {  	s23 =	sadd.s32 $0x3, s8;
	s15 =	sadd.s32 $0x7, s8;
	s18 =	sadd.s32 $0x8, s18;
	v9 =	vor.u32 s19, v1;
	v6 =	vld.idx.msk [tilespmem:v21+s3+$0x0], $0xffff;
	[tilespmem:s10+$0x0] =	vst v20  }
0x19c: {  	_ =	sdelay $0x1  }
0x19d: {  	[tilespmem:s10+$0x20] =	vst v11  }
0x19e: {  	s9 =	sadd.s32 $0x100, s9;
	[tilespmem:s10+$0x40] =	vst v10  }
0x19f: {  	v41 =	vor.u32 s15, v0;
	v42 =	vld.idx.msk [tilespmem:v13+s3+$0x0], $0xffff;
	[tilespmem:s10+$0xFFFFFF80] =	vst v2;
	s16 =	sor.u32 $0x70, s9;
	s17 =	sadd.s32 $0xFFFFFF40, s9  }
0x1a0: {  	v43 =	vor.u32 s5, v0;
	s29 =	sadd.s32 $0xFFFFFF60, s9;
	v44 =	vld.idx.msk [tilespmem:v12+s3+$0x0], $0xffff;
	[tilespmem:s16+$0xA000] =	vst v7;
	s17 =	sor.u32 $0x30, s17  }
0x1a1: {  	v45 =	vor.u32 s12, v0;
	s19 =	sadd.s32 $0xFFFFFF80, s9;
	v2 =	vld.idx.msk [tilespmem:v8+s3+$0x0], $0xffff;
	s16 =	sor.u32 $0x50, s29;
	[tilespmem:s17+$0xA000] =	vst v4  }
0x1a2: {  	s18 =	sadd.s32 $0x4, s8;
	v46 =	vor.u32 s23, v0;
	v9 =	vld.idx.msk [tilespmem:v9+s3+$0x0], $0xffff;
	s19 =	sor.u32 $0x70, s19;
	[tilespmem:s16+$0xA000] =	vst v5  }
0x1a3: {  	s21 =	sadd.s32 $0x5, s8;
	v3 =	vld.idx.msk [tilespmem:v3+s3+$0x0], $0xffff;
	v47 =	vor.u32 s18, v0;
	s22 =	sadd.s32 $0xFFFFFFC0, s9;
	[tilespmem:s19+$0xA000] =	vst v6  }
0x1a4: {  	s20 =	sadd.s32 $0x6, s8;
	v48 =	vor.u32 s21, v0;
	s29 =	sadd.s32 $0xFFFFFFE0, s9;
	s16 =	sor.u32 $0x30, s22;
	v11 =	vld.idx.msk [tilespmem:v41+s3+$0x0], $0xffff;
	[tilespmem:s10+$0x10] =	vst v42  }
0x1a5: {  	v50 =	vor.u32 s20, v0;
	s17 =	sor.u32 $0x50, s29;
	v49 =	vld.idx.msk [tilespmem:v43+s3+$0x0], $0xffff;
	[tilespmem:s16+$0xA000] =	vst v44  }
0x1a6: {  	v52 =	vor.u32 s15, v1;
	v51 =	vld.idx.msk [tilespmem:v45+s3+$0x0], $0xffff;
	[tilespmem:s17+$0xA000] =	vst v2  }
0x1a7: {  	v53 =	vld.idx.msk [tilespmem:v46+s3+$0x0], $0xffff;
	v2 =	vor.u32 s5, v1;
	[tilespmem:s10+$0xFFFFFF90] =	vst v9;
	s17 =	sadd.s32 $0x100, s10  }
0x1a8: {  	v55 =	vor.u32 s23, v1;
	v4 =	vld.idx.msk [tilespmem:v47+s3+$0x0], $0xffff;
	[tilespmem:s17+$0xFFFFFF80] =	vst v3  }
0x1a9: {  	v54 =	vor.u32 s12, v1;
	v5 =	vld.idx.msk [tilespmem:v48+s3+$0x0], $0xffff;
	[tilespmem:s17+$0x60] =	vst v11  }
0x1aa: {  	v57 =	vor.u32 s18, v1;
	v56 =	vld.idx.msk [tilespmem:v50+s3+$0x0], $0xffff;
	[tilespmem:s17+$0xFFFFFFA0] =	vst v49  }
0x1ab: {  	v59 =	vor.u32 s20, v1;
	[tilespmem:s17+$0xFFFFFFC0] =	vst v51;
	v12 =	vld.idx.msk [tilespmem:v52+s3+$0x0], $0xffff  }
0x1ac: {  	v58 =	vor.u32 s21, v1;
	[tilespmem:s17+$0xFFFFFFE0] =	vst v53;
	v2 =	vld.idx.msk [tilespmem:v2+s3+$0x0], $0xffff  }
0x1ad: {  	v61 =	vor.u32 s8, v1;
	[tilespmem:s17+$0x0] =	vst v4;
	v62 =	vld.idx.msk [tilespmem:v55+s3+$0x0], $0xffff  }
0x1ae: {  	s19 =	sadd.s32 $0x100, s9;
	v60 =	vld.idx.msk [tilespmem:v54+s3+$0x0], $0xffff;
	[tilespmem:s17+$0x20] =	vst v5  }
0x1af: {  	s9 =	sor.u32 $0x70, s19;
	s20 =	sadd.s32 $0xFFFFFF40, s19;
	[tilespmem:s17+$0x40] =	vst v56;
	v6 =	vld.idx.msk [tilespmem:v57+s3+$0x0], $0xffff  }
0x1b0: {  	s22 =	sadd.s32 $0xFFFFFF80, s19;
	s10 =	sor.u32 $0x30, s20;
	v3 =	vld.idx.msk [tilespmem:v59+s3+$0x0], $0xffff;
	[tilespmem:s9+$0xA000] =	vst v12  }
0x1b1: {  	s21 =	sadd.s32 $0xFFFFFF60, s19;
	s23 =	sor.u32 $0x70, s22;
	v63 =	vld.idx.msk [tilespmem:v58+s3+$0x0], $0xffff;
	[tilespmem:s10+$0xA000] =	vst v2  }
0x1b2: {  	s9 =	sor.u32 $0x50, s21;
	v2 =	vld.idx.msk [tilespmem:v61+s3+$0x0], $0xffff;
	[tilespmem:s23+$0xA000] =	vst v62  }
0x1b3: {  	s8 =	sadd.s32 $0xFFFFFFE0, s19;
	[tilespmem:s9+$0xA000] =	vst v60  }
0x1b4: {  	s29 =	sadd.s32 $0xFFFFFFC0, s19;
	s8 =	sor.u32 $0x50, s8;
	[tilespmem:s17+$0x10] =	vst v6  }
0x1b5: {  	s9 =	sor.u32 $0x30, s29;
	[tilespmem:s8+$0xA000] =	vst v3  }
0x1b6: {  	[tilespmem:s9+$0xA000] =	vst v63  }
0x1b7: {  	[tilespmem:s17+$0xFFFFFF90] =	vst v2  }
0x1b8: {  	s21 =	simm.s32 $0x5;
	s5 =	rddreg [dreg:$0xd]  }
0x1b9: {  	[hbm4b:s5+s3] =	stream.linear.scatter [tilespmem:s0], [sflag:$0x5], $0x1000, $0x38;
	[tilespmem:$0x12000] =	vst v63  }
0x1ba: {  	_ =	swait.ge [sflag:s21], $0x1000  }
0x1bb: {  	[sflag:s21] =	ssyncset.done $0x0  }
0x1bc: {  	s20 =	simm.s32 $0x6400;
	[sflag:s21] =	ssyncadd.s32 $0xFFFFF000  }
.LBB2_13:
.Ltmp8:
0x1bd: {  	(pc) =	sbr.rel @p0 .LBB2_17-.Ltmp8, $2  }
0x1be: {  	_ =	sdelay $0x2  }
0x1bf: {  	s8 =	rddreg [dreg:$0x13]  }
0x1c0: {  	s5 =	simm.s32 $0x0;
	s9 =	rddreg [dreg:$0x10]  }
0x1c1: {  	[tilespmem:s5], [sflag:$0x1] =	stream.linear.gather [hbm4b:s9+s5], $0x40, $0x38;
	[tilespmem:$0x12000] =	vst v63  }
0x1c2: {  	s10 =	simm.s32 $0x80;
	s8 =	sadd.s32 $0x10, s9  }
0x1c3: {  	[tilespmem:s10], [sflag:$0x1] =	stream.linear.gather [hbm4b:s8+s5], $0x40, $0x38;
	[tilespmem:$0x12000] =	vst v63  }
0x1c4: {  	s12 =	simm.s32 $0x100;
	s10 =	sadd.s32 $0x20, s9  }
0x1c5: {  	[tilespmem:s12], [sflag:$0x1] =	stream.linear.gather [hbm4b:s10+s5], $0x40, $0x38;
	[tilespmem:$0x12000] =	vst v63  }
0x1c6: {  	s16 =	simm.s32 $0x180;
	s15 =	sadd.s32 $0x30, s9  }
0x1c7: {  	[tilespmem:s16], [sflag:$0x1] =	stream.linear.gather [hbm4b:s15+s5], $0x40, $0x38;
	[tilespmem:$0x12000] =	vst v63  }
0x1c8: {  	s18 =	simm.s32 $0x200;
	s17 =	sadd.s32 $0x40, s9  }
0x1c9: {  	[tilespmem:s18], [sflag:$0x1] =	stream.linear.gather [hbm4b:s17+s5], $0x40, $0x38;
	[tilespmem:$0x12000] =	vst v63  }
0x1ca: {  	s20 =	simm.s32 $0x280;
	s19 =	sadd.s32 $0x50, s9  }
0x1cb: {  	[tilespmem:s20], [sflag:$0x1] =	stream.linear.gather [hbm4b:s19+s5], $0x40, $0x38;
	[tilespmem:$0x12000] =	vst v63  }
0x1cc: {  	s22 =	simm.s32 $0x300;
	s21 =	sadd.s32 $0x60, s9  }
0x1cd: {  	[tilespmem:s22], [sflag:$0x1] =	stream.linear.gather [hbm4b:s21+s5], $0x40, $0x38;
	[tilespmem:$0x12000] =	vst v63  }
0x1ce: {  	s29 =	simm.s32 $0x380;
	s23 =	sadd.s32 $0x70, s9  }
0x1cf: {  	[tilespmem:s29], [sflag:$0x1] =	stream.linear.gather [hbm4b:s23+s5], $0x40, $0x38;
	[tilespmem:$0x12000] =	vst v63  }
0x1d0: {  	s9 =	rddreg [dreg:$0xc]  }
0x1d1: {  	[tilespmem:s24], [sflag:$0x1] =	stream.linear.gather [hbm4b:s9+s5], $0x40, $0x38;
	[tilespmem:$0x12000] =	vst v63  }
0x1d2: {  	s10 =	sadd.s32 $0x10, s9;
	s12 =	simm.s32 $0x1480  }
0x1d3: {  	[tilespmem:s12], [sflag:$0x1] =	stream.linear.gather [hbm4b:s10+s5], $0x40, $0x38;
	[tilespmem:$0x12000] =	vst v63  }
0x1d4: {  	s15 =	sadd.s32 $0x20, s9;
	s16 =	simm.s32 $0x1500  }
0x1d5: {  	[tilespmem:s16], [sflag:$0x1] =	stream.linear.gather [hbm4b:s15+s5], $0x40, $0x38;
	[tilespmem:$0x12000] =	vst v63  }
0x1d6: {  	s17 =	sadd.s32 $0x30, s9;
	s18 =	simm.s32 $0x1580  }
0x1d7: {  	[tilespmem:s18], [sflag:$0x1] =	stream.linear.gather [hbm4b:s17+s5], $0x40, $0x38;
	[tilespmem:$0x12000] =	vst v63  }
0x1d8: {  	s19 =	sadd.s32 $0x40, s9;
	s20 =	simm.s32 $0x1600  }
0x1d9: {  	[tilespmem:s20], [sflag:$0x1] =	stream.linear.gather [hbm4b:s19+s5], $0x40, $0x38;
	[tilespmem:$0x12000] =	vst v63  }
0x1da: {  	s21 =	sadd.s32 $0x50, s9;
	s22 =	simm.s32 $0x1680  }
0x1db: {  	[tilespmem:s22], [sflag:$0x1] =	stream.linear.gather [hbm4b:s21+s5], $0x40, $0x38;
	[tilespmem:$0x12000] =	vst v63  }
0x1dc: {  	s23 =	sadd.s32 $0x60, s9;
	s29 =	simm.s32 $0x1700  }
0x1dd: {  	[tilespmem:s29], [sflag:$0x1] =	stream.linear.gather [hbm4b:s23+s5], $0x40, $0x38;
	[tilespmem:$0x12000] =	vst v63  }
0x1de: {  	s10 =	sadd.s32 $0x70, s9;
	s12 =	simm.s32 $0x1780  }
0x1df: {  	[tilespmem:s12], [sflag:$0x1] =	stream.linear.gather [hbm4b:s10+s5], $0x40, $0x38;
	[tilespmem:$0x12000] =	vst v63  }
0x1e0: {  	s9 =	rddreg [dreg:$0xe]  }
0x1e1: {  	[tilespmem:s25], [sflag:$0x1] =	stream.linear.gather [hbm4b:s9+s5], $0x40, $0x38;
	[tilespmem:$0x12000] =	vst v63  }
0x1e2: {  	s15 =	sadd.s32 $0x10, s9;
	s16 =	simm.s32 $0x2880  }
0x1e3: {  	[tilespmem:s16], [sflag:$0x1] =	stream.linear.gather [hbm4b:s15+s5], $0x40, $0x38;
	[tilespmem:$0x12000] =	vst v63  }
0x1e4: {  	s17 =	sadd.s32 $0x20, s9;
	s18 =	simm.s32 $0x2900  }
0x1e5: {  	[tilespmem:s18], [sflag:$0x1] =	stream.linear.gather [hbm4b:s17+s5], $0x40, $0x38;
	[tilespmem:$0x12000] =	vst v63  }
0x1e6: {  	s19 =	sadd.s32 $0x30, s9;
	s20 =	simm.s32 $0x2980  }
0x1e7: {  	[tilespmem:s20], [sflag:$0x1] =	stream.linear.gather [hbm4b:s19+s5], $0x40, $0x38;
	[tilespmem:$0x12000] =	vst v63  }
0x1e8: {  	s21 =	sadd.s32 $0x40, s9;
	s22 =	simm.s32 $0x2A00  }
0x1e9: {  	[tilespmem:s22], [sflag:$0x1] =	stream.linear.gather [hbm4b:s21+s5], $0x40, $0x38;
	[tilespmem:$0x12000] =	vst v63  }
0x1ea: {  	s23 =	sadd.s32 $0x50, s9;
	s29 =	simm.s32 $0x2A80  }
0x1eb: {  	[tilespmem:s29], [sflag:$0x1] =	stream.linear.gather [hbm4b:s23+s5], $0x40, $0x38;
	[tilespmem:$0x12000] =	vst v63  }
0x1ec: {  	s10 =	sadd.s32 $0x60, s9;
	s12 =	simm.s32 $0x2B00  }
0x1ed: {  	[tilespmem:s12], [sflag:$0x1] =	stream.linear.gather [hbm4b:s10+s5], $0x40, $0x38;
	[tilespmem:$0x12000] =	vst v63  }
0x1ee: {  	s15 =	sadd.s32 $0x70, s9;
	s16 =	simm.s32 $0x2B80  }
0x1ef: {  	[tilespmem:s16], [sflag:$0x1] =	stream.linear.gather [hbm4b:s15+s5], $0x40, $0x38;
	[tilespmem:$0x12000] =	vst v63  }
0x1f0: {  	s9 =	rddreg [dreg:$0xf]  }
0x1f1: {  	[tilespmem:s26], [sflag:$0x1] =	stream.linear.gather [hbm4b:s9+s5], $0x40, $0x38;
	[tilespmem:$0x12000] =	vst v63  }
0x1f2: {  	s17 =	sadd.s32 $0x10, s9;
	s18 =	simm.s32 $0x3C80  }
0x1f3: {  	[tilespmem:s18], [sflag:$0x1] =	stream.linear.gather [hbm4b:s17+s5], $0x40, $0x38;
	[tilespmem:$0x12000] =	vst v63  }
0x1f4: {  	s19 =	sadd.s32 $0x20, s9;
	s20 =	simm.s32 $0x3D00  }
0x1f5: {  	[tilespmem:s20], [sflag:$0x1] =	stream.linear.gather [hbm4b:s19+s5], $0x40, $0x38;
	[tilespmem:$0x12000] =	vst v63  }
0x1f6: {  	s21 =	sadd.s32 $0x30, s9;
	s22 =	simm.s32 $0x3D80  }
0x1f7: {  	[tilespmem:s22], [sflag:$0x1] =	stream.linear.gather [hbm4b:s21+s5], $0x40, $0x38;
	[tilespmem:$0x12000] =	vst v63  }
0x1f8: {  	s23 =	sadd.s32 $0x40, s9;
	s29 =	simm.s32 $0x3E00  }
0x1f9: {  	[tilespmem:s29], [sflag:$0x1] =	stream.linear.gather [hbm4b:s23+s5], $0x40, $0x38;
	[tilespmem:$0x12000] =	vst v63  }
0x1fa: {  	s12 =	sadd.s32 $0x50, s9;
	s15 =	simm.s32 $0x3E80  }
0x1fb: {  	[tilespmem:s15], [sflag:$0x1] =	stream.linear.gather [hbm4b:s12+s5], $0x40, $0x38;
	[tilespmem:$0x12000] =	vst v63  }
0x1fc: {  	s16 =	sadd.s32 $0x60, s9;
	s17 =	simm.s32 $0x3F00  }
0x1fd: {  	[tilespmem:s17], [sflag:$0x1] =	stream.linear.gather [hbm4b:s16+s5], $0x40, $0x38;
	[tilespmem:$0x12000] =	vst v63  }
0x1fe: {  	s18 =	sadd.s32 $0x70, s9;
	s19 =	simm.s32 $0x3F80  }
0x1ff: {  	[tilespmem:s19], [sflag:$0x1] =	stream.linear.gather [hbm4b:s18+s5], $0x40, $0x38;
	[tilespmem:$0x12000] =	vst v63  }
0x200: {  	_ =	swait.ge [sflag:s1], $0x200  }
0x201: {  	[sflag:s1] =	ssyncset.done $0x0  }
0x202: {  	[sflag:s1] =	ssyncadd.s32 $0xFFFFFE00  }
0x203: {  	_ =	swait.ge [sflag:s1], $0x200  }
0x204: {  	[sflag:s1] =	ssyncset.done $0x0  }
0x205: {  	[sflag:s1] =	ssyncadd.s32 $0xFFFFFE00  }
0x206: {  	_ =	swait.ge [sflag:s1], $0x200  }
0x207: {  	v2 =	vor.u32 s5, v0;
	s20 =	simm.s32 $0x7;
	[sflag:s1] =	ssyncset.done $0x0  }
0x208: {  	v3 =	vor.u32 s20, v0;
	s21 =	simm.s32 $0x1;
	[sflag:s1] =	ssyncadd.s32 $0xFFFFFE00  }
0x209: {  	s22 =	simm.s32 $0x2;
	v4 =	vor.u32 s21, v0;
	_ =	swait.ge [sflag:s1], $0x200  }
0x20a: {  	v5 =	vor.u32 s22, v0;
	s12 =	simm.s32 $0x3;
	[sflag:s1] =	ssyncset.done $0x0  }
0x20b: {  	v6 =	vor.u32 s12, v0;
	s16 =	simm.s32 $0x5;
	[sflag:s1] =	ssyncadd.s32 $0xFFFFFE00  }
0x20c: {  	s17 =	simm.s32 $0x6;
	v8 =	vor.u32 s16, v0;
	v7 =	vld.idx.msk [tilespmem:v2+s3+$0x0], $0xffff  }
0x20d: {  	s15 =	simm.s32 $0x4;
	v9 =	vor.u32 s17, v0;
	v3 =	vld.idx.msk [tilespmem:v3+s3+$0x0], $0xffff  }
0x20e: {  	v2 =	vor.u32 s15, v0;
	v4 =	vld.idx.msk [tilespmem:v4+s3+$0x0], $0xffff  }
0x20f: {  	v10 =	vor.u32 s20, v1;
	v5 =	vld.idx.msk [tilespmem:v5+s3+$0x0], $0xffff  }
0x210: {  	v11 =	vor.u32 s21, v1;
	v6 =	vld.idx.msk [tilespmem:v6+s3+$0x0], $0xffff  }
0x211: {  	s8 =	simm.s32 $0xA080;
	v12 =	vor.u32 s22, v1;
	v8 =	vld.idx.msk [tilespmem:v8+s3+$0x0], $0xffff  }
0x212: {  	v13 =	vor.u32 s12, v1;
	v9 =	vld.idx.msk [tilespmem:v9+s3+$0x0], $0xffff;
	[tilespmem:s8+$0x60] =	vst v3  }
0x213: {  	v2 =	vld.idx.msk [tilespmem:v2+s3+$0x0], $0xffff;
	[tilespmem:s8+$0xFFFFFFA0] =	vst v4;
	v3 =	vor.u32 s16, v1  }
0x214: {  	[tilespmem:s8+$0xFFFFFFC0] =	vst v5;
	v5 =	vor.u32 s17, v1;
	v4 =	vld.idx.msk [tilespmem:v10+s3+$0x0], $0xffff  }
0x215: {  	v14 =	vor.u32 s15, v1;
	s15 =	simm.s32 $0xC;
	[tilespmem:s8+$0xFFFFFFE0] =	vst v6;
	v6 =	vor.u32 s5, v1;
	v10 =	vld.idx.msk [tilespmem:v11+s3+$0x0], $0xffff  }
0x216: {  	[tilespmem:s8+$0xFFFFFF80] =	vst v7;
	v7 =	vor.u32 s15, v0;
	v12 =	vld.idx.msk [tilespmem:v12+s3+$0x0], $0xffff  }
0x217: {  	s16 =	simm.s32 $0x8;
	[tilespmem:s8+$0x20] =	vst v8;
	v13 =	vld.idx.msk [tilespmem:v13+s3+$0x0], $0xffff  }
0x218: {  	s10 =	simm.s32 $0xF;
	[tilespmem:s8+$0x40] =	vst v9;
	v11 =	vor.u32 s16, v0;
	v3 =	vld.idx.msk [tilespmem:v3+s3+$0x0], $0xffff  }
0x219: {  	v15 =	vor.u32 s10, v0;
	s9 =	simm.s32 $0xE0;
	s5 =	simm.s32 $0x9;
	v5 =	vld.idx.msk [tilespmem:v5+s3+$0x0], $0xffff  }
0x21a: {  	s23 =	sor.u32 $0x70, s9;
	s12 =	simm.s32 $0xA;
	s18 =	simm.s32 $0x20;
	v8 =	vor.u32 s5, v0;
	[tilespmem:s8+$0x0] =	vst v2;
	v6 =	vld.idx.msk [tilespmem:v6+s3+$0x0], $0xffff  }
0x21b: {  	s19 =	simm.s32 $0x40;
	s18 =	sor.u32 $0x30, s18;
	s17 =	simm.s32 $0xB;
	v9 =	vor.u32 s12, v0;
	v17 =	vld.idx.msk [tilespmem:v7+s3+$0x0], $0xffff;
	[tilespmem:s23+$0xA000] =	vst v4  }
0x21c: {  	s20 =	simm.s32 $0x60;
	s21 =	simm.s32 $0xD;
	s19 =	sor.u32 $0x50, s19;
	v14 =	vld.idx.msk [tilespmem:v14+s3+$0x0], $0xffff;
	v4 =	vor.u32 s17, v0;
	[tilespmem:s18+$0xA000] =	vst v10  }
0x21d: {  	s20 =	sor.u32 $0x70, s20;
	s22 =	simm.s32 $0xE;
	s29 =	simm.s32 $0xA0;
	v2 =	vld.idx.msk [tilespmem:v11+s3+$0x0], $0xffff;
	v10 =	vor.u32 s21, v0;
	[tilespmem:s19+$0xA000] =	vst v12  }
0x21e: {  	v12 =	vld.idx.msk [tilespmem:v15+s3+$0x0], $0xffff;
	[tilespmem:s20+$0xA000] =	vst v13;
	s18 =	sor.u32 $0x30, s29;
	v13 =	vor.u32 s22, v0;
	s23 =	simm.s32 $0xC0  }
0x21f: {  	v8 =	vld.idx.msk [tilespmem:v8+s3+$0x0], $0xffff;
	v15 =	vor.u32 s10, v1;
	s29 =	sor.u32 $0x50, s23;
	[tilespmem:s18+$0xA000] =	vst v3  }
0x220: {  	v3 =	vld.idx.msk [tilespmem:v9+s3+$0x0], $0xffff;
	v9 =	vor.u32 s5, v1;
	[tilespmem:s29+$0xA000] =	vst v5  }
0x221: {  	v16 =	vor.u32 s12, v1;
	[tilespmem:s8+$0x10] =	vst v14;
	v14 =	vld.idx.msk [tilespmem:v4+s3+$0x0], $0xffff  }
0x222: {  	v18 =	vor.u32 s17, v1;
	s10 =	simm.s32 $0xA180;
	[tilespmem:s8+$0xFFFFFF90] =	vst v6;
	v11 =	vld.idx.msk [tilespmem:v10+s3+$0x0], $0xffff  }
0x223: {  	v10 =	vld.idx.msk [tilespmem:v13+s3+$0x0], $0xffff;
	[tilespmem:s10+$0x60] =	vst v12;
	v13 =	vor.u32 s15, v1  }
0x224: {  	[tilespmem:s10+$0xFFFFFFA0] =	vst v8;
	v12 =	vor.u32 s21, v1;
	v7 =	vld.idx.msk [tilespmem:v15+s3+$0x0], $0xffff  }
0x225: {  	s8 =	simm.s32 $0x10;
	v8 =	vor.u32 s22, v1;
	v4 =	vld.idx.msk [tilespmem:v9+s3+$0x0], $0xffff;
	[tilespmem:s10+$0xFFFFFFC0] =	vst v3  }
0x226: {  	s12 =	simm.s32 $0x12;
	s23 =	simm.s32 $0x13;
	v3 =	vor.u32 s8, v0;
	v5 =	vld.idx.msk [tilespmem:v16+s3+$0x0], $0xffff;
	[tilespmem:s10+$0xFFFFFFE0] =	vst v14  }
0x227: {  	s5 =	simm.s32 $0x11;
	s18 =	simm.s32 $0x18;
	[tilespmem:s10+$0x0] =	vst v17;
	s15 =	simm.s32 $0x17;
	v9 =	vor.u32 s16, v1;
	v6 =	vld.idx.msk [tilespmem:v18+s3+$0x0], $0xffff  }
.LBB2_15:
0x228: {  	p2 =	slt.u32 s18, $0x38;
	s16 =	sadd.s32 $0x4, s8;
	v14 =	vor.u32 s15, v0;
	v13 =	vld.idx.msk [tilespmem:v13+s3+$0x0], $0xffff;
	[tilespmem:s10+$0x20] =	vst v11;
	s9 =	sadd.s32 $0x100, s9  }
0x229: {  	v11 =	vor.u32 s5, v0;
	s17 =	sadd.s32 $0xFFFFFF40, s9;
	s19 =	sadd.s32 $0xFFFFFF60, s9;
	v12 =	vld.idx.msk [tilespmem:v12+s3+$0x0], $0xffff;
	[tilespmem:s10+$0x40] =	vst v10;
	s20 =	sor.u32 $0x70, s9  }
0x22a: {  	v10 =	vor.u32 s12, v0;
	s21 =	sadd.s32 $0xFFFFFF80, s9;
	s22 =	sadd.s32 $0xFFFFFFC0, s9;
	s29 =	sadd.s32 $0xFFFFFFE0, s9;
	v8 =	vld.idx.msk [tilespmem:v8+s3+$0x0], $0xffff;
	[tilespmem:s20+$0xA000] =	vst v7  }
0x22b: {  	v7 =	vor.u32 s23, v0;
	s17 =	sor.u32 $0x30, s17;
	s19 =	sor.u32 $0x50, s19;
	s20 =	sor.u32 $0x70, s21;
	[tilespmem:s10+$0xFFFFFF80] =	vst v2;
	v2 =	vld.idx.msk [tilespmem:v3+s3+$0x0], $0xffff  }
0x22c: {  	s21 =	sadd.s32 $0x5, s8;
	v3 =	vor.u32 s16, v0;
	v9 =	vld.idx.msk [tilespmem:v9+s3+$0x0], $0xffff;
	[tilespmem:s17+$0xA000] =	vst v4;
	s17 =	sor.u32 $0x30, s22;
	s22 =	sor.u32 $0x50, s29  }
0x22d: {  	v4 =	vor.u32 s21, v0;
	s29 =	sadd.s32 $0x6, s8;
	v14 =	vld.idx.msk [tilespmem:v14+s3+$0x0], $0xffff;
	[tilespmem:s19+$0xA000] =	vst v5;
	s19 =	smov.u32 s8;
	s8 =	smov.u32 s18  }
0x22e: {  	v15 =	vor.u32 s29, v0;
	v5 =	vld.idx.msk [tilespmem:v11+s3+$0x0], $0xffff;
	[tilespmem:s20+$0xA000] =	vst v6  }
0x22f: {  	v16 =	vor.u32 s15, v1;
	v6 =	vld.idx.msk [tilespmem:v10+s3+$0x0], $0xffff;
	[tilespmem:s10+$0x10] =	vst v13  }
0x230: {  	v17 =	vor.u32 s5, v1;
	v18 =	vld.idx.msk [tilespmem:v7+s3+$0x0], $0xffff;
	[tilespmem:s17+$0xA000] =	vst v12  }
0x231: {  	v19 =	vor.u32 s12, v1;
	v20 =	vld.idx.msk [tilespmem:v3+s3+$0x0], $0xffff;
	[tilespmem:s22+$0xA000] =	vst v8  }
0x232: {  	v21 =	vor.u32 s23, v1;
	v11 =	vld.idx.msk [tilespmem:v4+s3+$0x0], $0xffff;
	[tilespmem:s10+$0xFFFFFF90] =	vst v9;
	s10 =	sadd.s32 $0x100, s10  }
.Ltmp9:
0x233: {  	v13 =	vor.u32 s16, v1;
	v10 =	vld.idx.msk [tilespmem:v15+s3+$0x0], $0xffff;
	[tilespmem:s10+$0x60] =	vst v14;
	(pc) =	sbr.rel @p2 .LBB2_15-.Ltmp9, $4  }
0x234: {  	v12 =	vor.u32 s21, v1;
	[tilespmem:s10+$0xFFFFFFA0] =	vst v5;
	v7 =	vld.idx.msk [tilespmem:v16+s3+$0x0], $0xffff  }
0x235: {  	v8 =	vor.u32 s29, v1;
	v4 =	vld.idx.msk [tilespmem:v17+s3+$0x0], $0xffff;
	[tilespmem:s10+$0xFFFFFFC0] =	vst v6  }
0x236: {  	s5 =	sadd.s32 $0x1, s18;
	s12 =	sadd.s32 $0x2, s18;
	v3 =	vor.u32 s18, v0;
	v5 =	vld.idx.msk [tilespmem:v19+s3+$0x0], $0xffff;
	[tilespmem:s10+$0xFFFFFFE0] =	vst v18  }
0x237: {  	s23 =	sadd.s32 $0x3, s8;
	s15 =	sadd.s32 $0x7, s8;
	s18 =	sadd.s32 $0x8, s18;
	v9 =	vor.u32 s19, v1;
	v6 =	vld.idx.msk [tilespmem:v21+s3+$0x0], $0xffff;
	[tilespmem:s10+$0x0] =	vst v20  }
0x238: {  	_ =	sdelay $0x1  }
0x239: {  	[tilespmem:s10+$0x20] =	vst v11  }
0x23a: {  	s9 =	sadd.s32 $0x100, s9;
	[tilespmem:s10+$0x40] =	vst v10  }
0x23b: {  	v41 =	vor.u32 s15, v0;
	v42 =	vld.idx.msk [tilespmem:v13+s3+$0x0], $0xffff;
	[tilespmem:s10+$0xFFFFFF80] =	vst v2;
	s16 =	sor.u32 $0x70, s9;
	s17 =	sadd.s32 $0xFFFFFF40, s9  }
0x23c: {  	v43 =	vor.u32 s5, v0;
	s29 =	sadd.s32 $0xFFFFFF60, s9;
	v44 =	vld.idx.msk [tilespmem:v12+s3+$0x0], $0xffff;
	[tilespmem:s16+$0xA000] =	vst v7;
	s17 =	sor.u32 $0x30, s17  }
0x23d: {  	v45 =	vor.u32 s12, v0;
	s19 =	sadd.s32 $0xFFFFFF80, s9;
	v2 =	vld.idx.msk [tilespmem:v8+s3+$0x0], $0xffff;
	s16 =	sor.u32 $0x50, s29;
	[tilespmem:s17+$0xA000] =	vst v4  }
0x23e: {  	s18 =	sadd.s32 $0x4, s8;
	v46 =	vor.u32 s23, v0;
	v9 =	vld.idx.msk [tilespmem:v9+s3+$0x0], $0xffff;
	s19 =	sor.u32 $0x70, s19;
	[tilespmem:s16+$0xA000] =	vst v5  }
0x23f: {  	s21 =	sadd.s32 $0x5, s8;
	v3 =	vld.idx.msk [tilespmem:v3+s3+$0x0], $0xffff;
	v47 =	vor.u32 s18, v0;
	s22 =	sadd.s32 $0xFFFFFFC0, s9;
	[tilespmem:s19+$0xA000] =	vst v6  }
0x240: {  	s20 =	sadd.s32 $0x6, s8;
	v48 =	vor.u32 s21, v0;
	s29 =	sadd.s32 $0xFFFFFFE0, s9;
	s16 =	sor.u32 $0x30, s22;
	v11 =	vld.idx.msk [tilespmem:v41+s3+$0x0], $0xffff;
	[tilespmem:s10+$0x10] =	vst v42  }
0x241: {  	v50 =	vor.u32 s20, v0;
	s17 =	sor.u32 $0x50, s29;
	v49 =	vld.idx.msk [tilespmem:v43+s3+$0x0], $0xffff;
	[tilespmem:s16+$0xA000] =	vst v44  }
0x242: {  	v52 =	vor.u32 s15, v1;
	v51 =	vld.idx.msk [tilespmem:v45+s3+$0x0], $0xffff;
	[tilespmem:s17+$0xA000] =	vst v2  }
0x243: {  	v53 =	vld.idx.msk [tilespmem:v46+s3+$0x0], $0xffff;
	v2 =	vor.u32 s5, v1;
	[tilespmem:s10+$0xFFFFFF90] =	vst v9;
	s17 =	sadd.s32 $0x100, s10  }
0x244: {  	v55 =	vor.u32 s23, v1;
	v4 =	vld.idx.msk [tilespmem:v47+s3+$0x0], $0xffff;
	[tilespmem:s17+$0xFFFFFF80] =	vst v3  }
0x245: {  	v54 =	vor.u32 s12, v1;
	v5 =	vld.idx.msk [tilespmem:v48+s3+$0x0], $0xffff;
	[tilespmem:s17+$0x60] =	vst v11  }
0x246: {  	v57 =	vor.u32 s18, v1;
	v56 =	vld.idx.msk [tilespmem:v50+s3+$0x0], $0xffff;
	[tilespmem:s17+$0xFFFFFFA0] =	vst v49  }
0x247: {  	v59 =	vor.u32 s20, v1;
	[tilespmem:s17+$0xFFFFFFC0] =	vst v51;
	v12 =	vld.idx.msk [tilespmem:v52+s3+$0x0], $0xffff  }
0x248: {  	v58 =	vor.u32 s21, v1;
	[tilespmem:s17+$0xFFFFFFE0] =	vst v53;
	v2 =	vld.idx.msk [tilespmem:v2+s3+$0x0], $0xffff  }
0x249: {  	v61 =	vor.u32 s8, v1;
	[tilespmem:s17+$0x0] =	vst v4;
	v62 =	vld.idx.msk [tilespmem:v55+s3+$0x0], $0xffff  }
0x24a: {  	s19 =	sadd.s32 $0x100, s9;
	v60 =	vld.idx.msk [tilespmem:v54+s3+$0x0], $0xffff;
	[tilespmem:s17+$0x20] =	vst v5  }
0x24b: {  	s9 =	sor.u32 $0x70, s19;
	s20 =	sadd.s32 $0xFFFFFF40, s19;
	[tilespmem:s17+$0x40] =	vst v56;
	v6 =	vld.idx.msk [tilespmem:v57+s3+$0x0], $0xffff  }
0x24c: {  	s22 =	sadd.s32 $0xFFFFFF80, s19;
	s10 =	sor.u32 $0x30, s20;
	v3 =	vld.idx.msk [tilespmem:v59+s3+$0x0], $0xffff;
	[tilespmem:s9+$0xA000] =	vst v12  }
0x24d: {  	s21 =	sadd.s32 $0xFFFFFF60, s19;
	s23 =	sor.u32 $0x70, s22;
	v63 =	vld.idx.msk [tilespmem:v58+s3+$0x0], $0xffff;
	[tilespmem:s10+$0xA000] =	vst v2  }
0x24e: {  	s9 =	sor.u32 $0x50, s21;
	v2 =	vld.idx.msk [tilespmem:v61+s3+$0x0], $0xffff;
	[tilespmem:s23+$0xA000] =	vst v62  }
0x24f: {  	s8 =	sadd.s32 $0xFFFFFFE0, s19;
	[tilespmem:s9+$0xA000] =	vst v60  }
0x250: {  	s29 =	sadd.s32 $0xFFFFFFC0, s19;
	s8 =	sor.u32 $0x50, s8;
	[tilespmem:s17+$0x10] =	vst v6  }
0x251: {  	s9 =	sor.u32 $0x30, s29;
	[tilespmem:s8+$0xA000] =	vst v3  }
0x252: {  	[tilespmem:s9+$0xA000] =	vst v63  }
0x253: {  	[tilespmem:s17+$0xFFFFFF90] =	vst v2  }
.Ltmp10:
0x254: {  	s21 =	simm.s32 $0x5;
	s5 =	rddreg [dreg:$0x11];
	(pc) =	sbr.rel .LBB2_17-.Ltmp10, $4  }
0x255: {  	[hbm4b:s5+s3] =	stream.linear.scatter [tilespmem:s0], [sflag:$0x5], $0x800, $0x38;
	[tilespmem:$0x12000] =	vst v63  }
0x256: {  	_ =	swait.ge [sflag:s21], $0x800  }
0x257: {  	[sflag:s21] =	ssyncset.done $0x0  }
0x258: {  	s20 =	simm.s32 $0x6400;
	s8 =	rddreg [dreg:$0x13];
	[sflag:s21] =	ssyncadd.s32 $0xFFFFF800  }
.LBB2_18:
0x259: {  	_ =	sfence.sel $0x180000  }
0x25a: {  	[bflag:$0x0] =	sbarrier.arrive $0xFFFF  }
0x25b: {  	_ =	strace $0x90000047  }
0x25c: {  	s0 =	stileid.u32;
	[bflag:$0x2] =	sbarrier.arrive $0xFFFF  }
0x25d: {  	p0 =	sne.s32 s0, $0x0;
	s0 =	rddreg [dreg:$0x2]  }
0x25e: {  	s0 =	sadd.s32 @!p0 $0x100000, s0  }
0x25f: {  	[sflag:s0] =	ssyncadd.tile.s32 @!p0 $0x1;
	_ =	shalt  }
.Lfunc_end2:
_tile_overlayer_lowered:
.L_overlay_start_2:
0x260: {  	(tag) =	ssettag $0x2  }
0x261: {  	s0 =	rddreg [dreg:$0x0];
	s2 =	stileid.u32  }
0x262: {  	s1 =	rddreg [dreg:$0x1];
	p0 =	sne.s32 s2, $0x0  }
0x263: {  	s3 =	rddreg [dreg:$0x2];
	[bflag:$0x3] =	sbarrier.arrive $0xFFFF;
	s2 =	simm.s32 @!p0 $0x1C05  }
0x264: {  	[timem:s3], [sflag:s2] =	dma.local @!p0 [hbm:s0], s1  }
0x265: {  	s0 =	simm.s32 @!p0 $0x5  }
0x266: {  	_ =	swait.ge @!p0 [sflag:s0], s1  }
0x267: {  	s1 =	ssub.s32 @!p0 $0x0, s1;
	[sflag:s0] =	ssyncset.done @!p0 $0x0  }
0x268: {  	[sflag:s0] =	ssyncadd.s32 @!p0 s1  }
0x269: {  	[bflag:$0x3] =	sbarrier.arrive $0xFFFF  }
0x26a: {  	_ =	shalt  }

// kernel: kernel.7.cloned.1.call-start
scs
__scs_entry_jumppad:
0x0: {  	(pc) =	sbr.rel $0x88, $3  }
0x1: {  	(tag) =	ssettag $0x0;
	lr =	simm.s32 $0x1  }
0x2: {  	[smem:$0x3F9E] =	sst lr;
	_ =	strace $0xD0000000  }
0x3: {  	_ = 	snop  }
0x4: {  	_ = 	snop  }
0x5: {  	_ = 	snop  }
0x6: {  	_ = 	snop  }
0x7: {  	_ = 	snop  }
__scs_overlays_trampoline_lowered:
0x8: {  	[smem:$0x3FAD] =	sst s0  }
0x9: {  	[smem:$0x3FAE] =	sst s1  }
0xa: {  	[smem:$0x3FAF] =	sst s2  }
0xb: {  	[smem:$0x3FB0] =	sst s3  }
0xc: {  	[smem:$0x3FB1] =	sst s4  }
0xd: {  	[smem:$0x3FB2] =	sst s5  }
0xe: {  	[smem:$0x3FB3] =	sst s6  }
0xf: {  	[smem:$0x3FB4] =	sst s7  }
0x10: {  	[smem:$0x3FB5] =	sst s8  }
0x11: {  	[smem:$0x3FB6] =	sst s9;
	s0 =	simm.s32 @!p0 $0x0  }
0x12: {  	s1 =	sld [smem:$0x3F9C];
	s0 =	simm.s32 @p0 $0x1  }
0x13: {  	[smem:$0x3FB7] =	sst s0;
	s0 =	simm.s32 @!p1 $0x0  }
0x14: {  	s2 =	sld [smem:$0x3F9B];
	s0 =	simm.s32 @p1 $0x1  }
0x15: {  	[smem:$0x3FB8] =	sst s0;
	s0 =	simm.s32 @!p2 $0x0  }
0x16: {  	s3 =	sld [smem:$0x3FDB];
	s0 =	simm.s32 @p2 $0x1  }
0x17: {  	s4 =	simm.s32 $0x1BF5;
	[smem:$0x3FBA] =	sst s0  }
0x18: {  	s0 =	sld [smem:$0x3F9D];
	_ =	swait.ge [sflag:s4], $0x0  }
0x19: {  	s7 =	sld [smem:$0x3F9E]  }
0x1a: {  	s8 =	sadd.s32 $0xFFFFE003, lr  }
0x1b: {  	s9 =	sadd.s32 $0xFFFFFEF7, lr;
	s5 =	simm.s32 $0xFFFFFFFF;
	p2 =	slt.u32 s8, $0xFFFFF086  }
0x1c: {  	p1 =	slt.u32 s9, $0xF7A;
	s5 =	simm.s32 @!p2 $0x0  }
0x1d: {  	s5 =	simm.s32 @p1 $0x1;
	p0 =	seq.s32 s7, s2  }
0x1e: {  	s7 =	smul.u32 @!p0 $0xF7A, s2;
	p2 =	seq.s32 @!p0 s5, $0x0  }
0x1f: {  	s9 =	smul.u32 $0xF7A, s1;
	s8 =	simm.s32 @!p0 $0x1BF5;
	p2 =	por !p2, p0  }
0x20: {  	[sflag:s8] =	ssyncset.s32 @!p0 $0xFFFFF086;
	s6 =	sadd.s32 @!p0 s3, s7;
	s7 =	simm.s32 @!p0 $0x108  }
0x21: {  	s3 =	sadd.s32 s3, s9;
	s6 =	sadd.s32 @!p0 $0x88, s6;
	s7 =	simm.s32 @p2 $0x1082  }
0x22: {  	[simem:s7], [sflag:s8] =	dma.local @!p0 [hbm:s6], $0xF7A  }
0x23: {  	s9 =	sor.u32 $0xD0000000, s2;
	s6 =	simm.s32 $0x108;
	_ =	swait.ge @!p0 [sflag:s8], $0x0  }
0x24: {  	s3 =	sadd.s32 $0x88, s3;
	s6 =	simm.s32 @!p1 $0x1082;
	[sflag:s4] =	ssyncset.s32 $0xFFFFF086  }
0x25: {  	[simem:s6], [sflag:s4] =	dma.local [hbm:s3], $0xF7A  }
0x26: {  	[smem:$0x3F9E] =	sst s1;
	(tag) =	ssettag s2;
	_ =	strace s9  }
0x27: {  	s1 =	sld [smem:$0x3FAE]  }
0x28: {  	s2 =	sld [smem:$0x3FAF]  }
0x29: {  	s4 =	sld [smem:$0x3FB1]  }
0x2a: {  	p0 =	seq.s32 s5, $0x0;
	s5 =	sld [smem:$0x3FB2]  }
0x2b: {  	s6 =	sld [smem:$0x3FB3]  }
0x2c: {  	s7 =	sld [smem:$0x3FB4]  }
0x2d: {  	s3 =	simm.s32 $0x108;
	s8 =	sld [smem:$0x3FB5]  }
0x2e: {  	s3 =	simm.s32 @!p0 $0x1082;
	s9 =	sld [smem:$0x3FB6]  }
0x2f: {  	lr =	sadd.s32 s0, s3;
	s0 =	sld [smem:$0x3FAD]  }
0x30: {  	s3 =	sld [smem:$0x3FB0]  }
0x31: {  	[smem:$0x3FB9] =	sst s10  }
0x32: {  	s10 =	sld [smem:$0x3FB7];
	_ =	sdelay $0x3  }
0x33: {  	p0 =	seq.s32 s10, $0x1;
	s10 =	sld [smem:$0x3FB9];
	_ =	sdelay $0x3  }
0x34: {  	[smem:$0x3FB9] =	sst s10  }
0x35: {  	s10 =	sld [smem:$0x3FB8];
	_ =	sdelay $0x3  }
0x36: {  	p1 =	seq.s32 s10, $0x1;
	s10 =	sld [smem:$0x3FB9];
	_ =	sdelay $0x3  }
0x37: {  	[smem:$0x3FB9] =	sst s10  }
0x38: {  	s10 =	sld [smem:$0x3FBA]  }
0x39: {  	_ = 	snop;
	(pc) =	sbr.ind lr, $3  }
0x3a: {  	_ = 	snop  }
0x3b: {  	_ = 	snop  }
0x3c: {  	p2 =	seq.s32 s10, $0x1;
	s10 =	sld [smem:$0x3FB9]  }
0x3d: {  	_ =	shalt  }
0x3e: {  	_ =	shalt  }
0x3f: {  	_ =	shalt  }
0x40: {  	_ =	shalt  }
0x41: {  	_ =	shalt  }
0x42: {  	_ =	shalt  }
0x43: {  	_ =	shalt  }
0x44: {  	_ =	shalt  }
0x45: {  	_ =	shalt  }
0x46: {  	_ =	shalt  }
0x47: {  	_ =	shalt  }
0x48: {  	_ =	shalt  }
0x49: {  	_ =	shalt  }
0x4a: {  	_ =	shalt  }
0x4b: {  	_ =	shalt  }
0x4c: {  	_ =	shalt  }
0x4d: {  	_ =	shalt  }
0x4e: {  	_ =	shalt  }
0x4f: {  	_ =	shalt  }
0x50: {  	_ =	shalt  }
0x51: {  	_ =	shalt  }
0x52: {  	_ =	shalt  }
0x53: {  	_ =	shalt  }
0x54: {  	_ =	shalt  }
0x55: {  	_ =	shalt  }
0x56: {  	_ =	shalt  }
0x57: {  	_ =	shalt  }
0x58: {  	_ =	shalt  }
0x59: {  	_ =	shalt  }
0x5a: {  	_ =	shalt  }
0x5b: {  	_ =	shalt  }
0x5c: {  	_ =	shalt  }
0x5d: {  	_ =	shalt  }
0x5e: {  	_ =	shalt  }
0x5f: {  	_ =	shalt  }
0x60: {  	_ =	shalt  }
0x61: {  	_ =	shalt  }
0x62: {  	_ =	shalt  }
0x63: {  	_ =	shalt  }
0x64: {  	_ =	shalt  }
0x65: {  	_ =	shalt  }
0x66: {  	_ =	shalt  }
0x67: {  	_ =	shalt  }
0x68: {  	_ =	shalt  }
0x69: {  	_ =	shalt  }
0x6a: {  	_ =	shalt  }
0x6b: {  	_ =	shalt  }
0x6c: {  	_ =	shalt  }
0x6d: {  	_ =	shalt  }
0x6e: {  	_ =	shalt  }
0x6f: {  	_ =	shalt  }
0x70: {  	_ =	shalt  }
0x71: {  	_ =	shalt  }
0x72: {  	_ =	shalt  }
0x73: {  	_ =	shalt  }
0x74: {  	_ =	shalt  }
0x75: {  	_ =	shalt  }
0x76: {  	_ =	shalt  }
0x77: {  	_ =	shalt  }
0x78: {  	_ =	shalt  }
0x79: {  	_ =	shalt  }
0x7a: {  	_ =	shalt  }
0x7b: {  	_ =	shalt  }
0x7c: {  	_ =	shalt  }
0x7d: {  	_ =	shalt  }
0x7e: {  	_ =	shalt  }
0x7f: {  	_ =	shalt  }
0x80: {  	_ =	shalt  }
0x81: {  	_ =	shalt  }
0x82: {  	_ =	shalt  }
0x83: {  	_ =	shalt  }
0x84: {  	_ =	shalt  }
0x85: {  	_ =	shalt  }
0x86: {  	_ =	shalt  }
0x87: {  	_ =	shalt  }
.Lfunc_end0:
.L_simem_size_0:
called_computation.1_lowered:
.L_overlay_start_0:
0x88: {  	s2 =	sld [smem:$0x3FD9]  }
0x89: {  	s3 =	sld [smem:$0x3FFE];
	_ =	sdelay $0x1  }
0x8a: {  	s1 =	srdreg.scid  }
0x8b: {  	s0 =	sand.u32 $0x1, s1  }
0x8c: {  	s17 =	sshll.u32 s0, $0xA;
	s2 =	sadd.s32 s3, s2  }
0x8d: {  	s2 =	sadd.s32 s2, s17  }
0x8e: {  	[smem:$0x3FC5] =	sst s2  }
0x8f: {  	_ = 	snop  }
0x90: {  	s2 =	sld [smem:$0x3FD0];
	(tm) =	ssettm $0x1  }
0x91: {  	s18 =	sld [smem:$0x3FFB];
	_ =	sdelay $0x3  }
0x92: {  	_ =	strace s18  }
0x93: {  	s3 =	sld [smem:$0x3FFC];
	_ =	sdelay $0x3  }
0x94: {  	_ =	strace s3  }
0x95: {  	s3 =	sld [smem:$0x3FFD];
	_ =	sdelay $0x3  }
0x96: {  	_ =	strace s3  }
0x97: {  	_ =	strace $0x8FFFFFFF  }
0x98: {  	s19 =	sld [smem:$0x3FDB];
	_ =	sdelay $0x1  }
0x99: {  	s4 =	simm.s32 $_scs_section_size  }
0x9a: {  	s5 =	simm.s32 $_size__tile_overlayer_lowered;
	s6 =	simm.s32 $_tile_overlayer_lowered  }
0x9b: {  	s22 =	simm.s32 $0x1BFF;
	s21 =	sshll.u32 s6, $0x1;
	s3 =	sadd.s32 s4, s19  }
0x9c: {  	s7 =	simm.s32 $0x0;
	s20 =	sshll.u32 s5, $0x1;
	s5 =	sadd.s32 s21, s3  }
0x9d: {  	[timem:s7], [sflag:s22] =	dma.local [hbm:s5], s20  }
0x9e: {  	_ =	swait.ge [sflag:s22], s20  }
0x9f: {  	s4 =	ssub.s32 $0x0, s20;
	[sflag:s22] =	ssyncset.done $0x0  }
0xa0: {  	[sflag:s22] =	ssyncadd.s32 s4;
	_ =	sdelay $0x1  }
0xa1: {  	s23 =	simm.s32 $0x1B8B  }
0xa2: {  	_ =	swait.ge [sflag:s23], $0x1  }
0xa3: {  	[sflag:s23] =	ssyncset.done $0x0  }
0xa4: {  	s25 =	simm.s32 $0x1B8E;
	s24 =	sld [smem:$0x3FFE];
	[sflag:s23] =	ssyncadd.s32 $0xFFFFFFFF  }
0xa5: {  	s26 =	simm.s32 $execute0_lowered;
	[smem:$0x3FD2] =	sst s25  }
0xa6: {  	s5 =	sshll.u32 s26, $0x1;
	_ =	strace $0x80000049;
	[dreg:$0x1] =	wrdreg $0xFFFFFFFF  }
0xa7: {  	s28 =	simm.s32 $_size_execute0_lowered;
	s3 =	sadd.s32 s3, s5;
	[dreg:$0x0] =	wrdreg $0x0  }
0xa8: {  	s5 =	sshll.u32 s28, $0x1;
	[dreg:$0x2] =	wrdreg s3  }
0xa9: {  	[dreg:$0x3] =	wrdreg s5  }
0xaa: {  	[dreg:$0x4] =	wrdreg $0xC0  }
0xab: {  	_ =	task [dreg:s7], $0x5FFFF  }
0xac: {  	[dreg:$0x1] =	wrdreg $0xFFFFFFFF  }
0xad: {  	[dreg:$0x0] =	wrdreg $0x60  }
0xae: {  	[dreg:$0x2] =	wrdreg s2  }
0xaf: {  	[dreg:$0x3] =	wrdreg s24  }
0xb0: {  	[dreg:$0x4] =	wrdreg $0x9  }
0xb1: {  	_ =	task.clear_ibuf [dreg:s7], $0x5FFFF;
	_ =	strace $0x90000049  }
0xb2: {  	s29 =	simm.s32 $0x9;
	_ =	strace $0x8000004B  }
0xb3: {  	_ =	swait.ge [sflag:s29], $0x1  }
0xb4: {  	[sflag:s29] =	ssyncadd.s32 $0xFFFFFFFF  }
0xb5: {  	_ =	strace $0x9000004B  }
0xb6: {  	_ =	sfence  }
0xb7: {  	s30 =	sld [smem:$0x0];
	_ =	sdelay $0x2  }
0xb8: {  	s31 =	sshll.u32 s1, $0xD;
	s1 =	sshrl.u32 s1, $0x2  }
0xb9: {  	s3 =	sand.u32 $0x4000, s31;
	s1 =	sadd.s32 s1, s30  }
0xba: {  	s0 =	sor.u32 s3, s0;
	s1 =	sshll.u32 s1, $0x11  }
0xbb: {  	s0 =	sor.u32 s1, s0  }
0xbc: {  	s0 =	sadd.s32 $0x8F2B, s0  }
0xbd: {  	[sflag:s0] =	ssyncadd.remote.s32 $0x1  }
0xbe: {  	_ =	sfence.sel $0xFFFF  }
0xbf: {  	[dreg:$0x0] =	wrdreg $0xFFFFFFFF;
	(pc) =	sbr.abs _section_cstart, $3  }
0xc0: {  	[dreg:$0x1] =	wrdreg $0xFFFFFFFF  }
0xc1: {  	_ =	task.clear_ibuf [dreg:s7], $0x2FFFF;
	_ =	strace $0x9FFFFFFF  }
0xc2: {  	(tm) =	ssettm $0x7FFFFFFF  }
0xc3: {  	_ =	shalt  }
tec
execute0_lowered:
.L_overlay_start_1:
0x0: {  	(tag) =	ssettag $0x1  }
0x1: {  	s15 =	rddreg [dreg:$0x0]  }
0x2: {  	s0 =	rddreg [dreg:$0x1]  }
0x3: {  	s3 =	simm.s32 $0x0;
	s1 =	srdreg.scid;
	s2 =	stileid.u32  }
0x4: {  	s17 =	simm.s32 $0x3;
	s1 =	sand.u32 $0x1, s1;
	s2 =	sshll.u32 s2, $0x1  }
0x5: {  	s18 =	simm.s32 $0x80;
	s19 =	simm.s32 $0x1;
	s2 =	sor.u32 s1, s2  }
0x6: {  	s20 =	simm.s32 $0x4;
	s21 =	simm.s32 $0x14A00;
	s7 =	smul.u32 $0x3200, s2  }
0x7: {  	s22 =	simm.s32 $0x17480;
	s4 =	sadd.s32 $0x3D1600, s0;
	s2 =	smul.u32 $0x320, s2  }
0x8: {  	[smem:$0x7FF] =	sst s3;
	s5 =	sadd.s32 $0xC00, s0;
	s6 =	sadd.s32 $0x435600, s0  }
0x9: {  	_ =	strace $0x8000004A;
	s8 =	sadd.s32 s15, s7;
	[dreg:$0x3] =	wrdreg s2  }
0xa: {  	s26 =	sor.u32 $0x50, s7;
	s7 =	sadd.s32 s4, s7;
	[dreg:$0x4] =	wrdreg s8  }
0xb: {  	s1 =	ssub.s32 $0x2, s1;
	s29 =	sor.u32 $0xA, s2;
	[dreg:$0x5] =	wrdreg s7  }
0xc: {  	s25 =	sshrl.u32 s1, $0x1;
	s30 =	sor.u32 $0xF, s2;
	[dreg:$0x8] =	wrdreg s29  }
0xd: {  	s0 =	ssub.s32 s1, s25;
	s31 =	sor.u32 $0x5, s2;
	[dreg:$0x9] =	wrdreg s30  }
0xe: {  	v0 =	vlaneseq.u32;
	v1 =	vimm.s32 $0x65432107;
	s23 =	simm.s32 $0x19F00;
	s0 =	smax.u32 s0, $0x1;
	[dreg:$0xa] =	wrdreg s31  }
0xf: {  	s24 =	simm.s32 $0x500;
	v0 =	vmul.u32 $0x11, v0;
	v1 =	vunpack.c.l.s4.s8 v1;
	s28 =	sadd.s32 s15, s26;
	[dreg:$0xb] =	wrdreg s0  }
0x10: {  	s25 =	simm.s32 $0x5;
	s1 =	sadd.s32 s4, s26;
	[dreg:$0x6] =	wrdreg s28  }
0x11: {  	v0 =	vadd.s32 $0xF, v0;
	v1 =	vunpack.c.0.s8.s32 v1;
	s26 =	simm.s32 $0x2;
	[dreg:$0x7] =	wrdreg s1;
	s1 =	simm.s32 $0x0  }
.LBB2_1:
0x12: {  	[dreg:$0xc] =	wrdreg s1  }
0x13: {  	s0 =	rddreg [dreg:$0x4]  }
0x14: {  	[tilespmem:s3], [sflag:$0x3] =	stream.linear.gather [hbm4b:s0+s3], $0x280, $0x38;
	[tilespmem:$0x1CC00] =	vst v63  }
0x15: {  	s10 =	rddreg [dreg:$0x5];
	s11 =	simm.s32 $0x500  }
0x16: {  	[tilespmem:s11], [sflag:$0x3] =	stream.linear.gather [hbm4b:s10+s3], $0x280, $0x38;
	[tilespmem:$0x1CC00] =	vst v63  }
0x17: {  	_ =	swait.ge [sflag:s17], $0x280  }
0x18: {  	[sflag:s17] =	ssyncset.done $0x0  }
0x19: {  	[sflag:s17] =	ssyncadd.s32 $0xFFFFFD80  }
0x1a: {  	_ =	swait.ge [sflag:s17], $0x280  }
0x1b: {  	[sflag:s17] =	ssyncset.done $0x0  }
0x1c: {  	s12 =	simm.s32 $0xA00;
	[sflag:s17] =	ssyncadd.s32 $0xFFFFFD80  }
0x1d: {  	[tilespmem:s12], [sflag:$0x1] =	stream.indirect.gather [hbm4b:s5+s18], $0x20, s3, s18, $0xb8;
	[tilespmem:$0x1CC00] =	vst v63  }
0x1e: {  	s13 =	simm.s32 $0xAA00  }
0x1f: {  	[tilespmem:s13], [sflag:$0x1] =	stream.indirect.gather [hbm4b:s5+s18], $0x20, s11, s18, $0xb8;
	[tilespmem:$0x1CC00] =	vst v63  }
0x20: {  	s14 =	simm.s32 $0x1A00  }
0x21: {  	[tilespmem:s14], [sflag:$0x1] =	stream.indirect.gather [hbm4b:s5+s18], $0x20, s18, s18, $0xb8;
	[tilespmem:$0x1CC00] =	vst v63  }
0x22: {  	s16 =	simm.s32 $0x580;
	s29 =	simm.s32 $0xBA00  }
0x23: {  	[tilespmem:s29], [sflag:$0x1] =	stream.indirect.gather [hbm4b:s5+s18], $0x20, s16, s18, $0xb8;
	[tilespmem:$0x1CC00] =	vst v63  }
0x24: {  	s30 =	simm.s32 $0x100;
	s31 =	simm.s32 $0x2A00  }
0x25: {  	[tilespmem:s31], [sflag:$0x1] =	stream.indirect.gather [hbm4b:s5+s18], $0x20, s30, s18, $0xb8;
	[tilespmem:$0x1CC00] =	vst v63  }
0x26: {  	s1 =	simm.s32 $0x600;
	s2 =	simm.s32 $0xCA00  }
0x27: {  	[tilespmem:s2], [sflag:$0x1] =	stream.indirect.gather [hbm4b:s5+s18], $0x20, s1, s18, $0xb8;
	[tilespmem:$0x1CC00] =	vst v63  }
0x28: {  	s7 =	simm.s32 $0x180;
	s8 =	simm.s32 $0x3A00  }
0x29: {  	[tilespmem:s8], [sflag:$0x1] =	stream.indirect.gather [hbm4b:s5+s18], $0x20, s7, s18, $0xb8;
	[tilespmem:$0x1CC00] =	vst v63  }
0x2a: {  	s9 =	simm.s32 $0x680;
	s10 =	simm.s32 $0xDA00  }
0x2b: {  	[tilespmem:s10], [sflag:$0x1] =	stream.indirect.gather [hbm4b:s5+s18], $0x20, s9, s18, $0xb8;
	[tilespmem:$0x1CC00] =	vst v63  }
0x2c: {  	s12 =	simm.s32 $0x4A00;
	s11 =	simm.s32 $0x200  }
0x2d: {  	[tilespmem:s12], [sflag:$0x1] =	stream.indirect.gather [hbm4b:s5+s18], $0x20, s11, s18, $0xb8;
	[tilespmem:$0x1CC00] =	vst v63  }
0x2e: {  	s13 =	simm.s32 $0x700;
	s14 =	simm.s32 $0xEA00  }
0x2f: {  	[tilespmem:s14], [sflag:$0x1] =	stream.indirect.gather [hbm4b:s5+s18], $0x20, s13, s18, $0xb8;
	[tilespmem:$0x1CC00] =	vst v63  }
0x30: {  	s16 =	rddreg [dreg:$0x6];
	s29 =	simm.s32 $0x280  }
0x31: {  	[tilespmem:s29], [sflag:$0x4] =	stream.linear.gather [hbm4b:s16+s3], $0x280, $0x38;
	[tilespmem:$0x1CC00] =	vst v63  }
0x32: {  	s28 =	simm.s32 $0x0;
	s30 =	rddreg [dreg:$0x7];
	s31 =	simm.s32 $0x780  }
0x33: {  	[tilespmem:s31], [sflag:$0x4] =	stream.linear.gather [hbm4b:s30+s3], $0x280, $0x38;
	[tilespmem:$0x1CC00] =	vst v63  }
.LBB2_2:
0x34: {  	_ =	swait.ge [sflag:s19], $0x5000  }
0x35: {  	s29 =	sshll.u32 s28, $0x1;
	[sflag:s19] =	ssyncset.done $0x0  }
0x36: {  	s0 =	smin.u32 s29, $0x9D;
	[sflag:s19] =	ssyncadd.s32 $0xFFFFB000  }
0x37: {  	s0 =	smul.u32 $0x5, s0;
	_ =	swait.ge [sflag:s19], $0x5000  }
0x38: {  	s1 =	rddreg [dreg:$0x8]  }
0x39: {  	s0 =	sadd.s32 s0, s1  }
0x3a: {  	[sflag:s19] =	ssyncset.done $0x0;
	s0 =	sshll.u32 s0, $0x4  }
0x3b: {  	[sflag:s19] =	ssyncadd.s32 $0xFFFFB000;
	s9 =	sadd.s32 s15, s0  }
0x3c: {  	[tilespmem:s3], [sflag:$0x3] =	stream.linear.gather [hbm4b:s9+s3], $0x280, $0x38;
	[tilespmem:$0x1CC00] =	vst v63  }
0x3d: {  	s0 =	sadd.s32 s4, s0  }
0x3e: {  	[tilespmem:s24], [sflag:$0x3] =	stream.linear.gather [hbm4b:s0+s3], $0x280, $0x38;
	[tilespmem:$0x1CC00] =	vst v63  }
0x3f: {  	_ =	swait.ge [sflag:s20], $0x280  }
0x40: {  	[sflag:s20] =	ssyncset.done $0x0  }
0x41: {  	[sflag:s20] =	ssyncadd.s32 $0xFFFFFD80  }
0x42: {  	_ =	swait.ge [sflag:s20], $0x280  }
0x43: {  	[sflag:s20] =	ssyncset.done $0x0  }
0x44: {  	s10 =	simm.s32 $0x280;
	s11 =	simm.s32 $0x5A00;
	[sflag:s20] =	ssyncadd.s32 $0xFFFFFD80  }
0x45: {  	[tilespmem:s11], [sflag:$0x2] =	stream.indirect.gather [hbm4b:s5+s18], $0x20, s10, s18, $0xb8;
	[tilespmem:$0x1CC00] =	vst v63  }
0x46: {  	s12 =	simm.s32 $0x780;
	s13 =	simm.s32 $0xFA00  }
0x47: {  	[tilespmem:s13], [sflag:$0x2] =	stream.indirect.gather [hbm4b:s5+s18], $0x20, s12, s18, $0xb8;
	[tilespmem:$0x1CC00] =	vst v63  }
0x48: {  	s14 =	simm.s32 $0x300;
	s16 =	simm.s32 $0x6A00  }
0x49: {  	[tilespmem:s16], [sflag:$0x2] =	stream.indirect.gather [hbm4b:s5+s18], $0x20, s14, s18, $0xb8;
	[tilespmem:$0x1CC00] =	vst v63  }
0x4a: {  	s30 =	simm.s32 $0x800;
	s31 =	simm.s32 $0x10A00  }
0x4b: {  	[tilespmem:s31], [sflag:$0x2] =	stream.indirect.gather [hbm4b:s5+s18], $0x20, s30, s18, $0xb8;
	[tilespmem:$0x1CC00] =	vst v63  }
0x4c: {  	s2 =	simm.s32 $0x380;
	s7 =	simm.s32 $0x7A00;
	s8 =	simm.s32 $0x880  }
0x4d: {  	[tilespmem:s7], [sflag:$0x2] =	stream.indirect.gather [hbm4b:s5+s18], $0x20, s2, s18, $0xb8;
	[tilespmem:$0x1CC00] =	vst v63  }
0x4e: {  	s1 =	simm.s32 $0xA80;
	s9 =	simm.s32 $0x11A00;
	s0 =	simm.s32 $0xFFFFFFF8  }
0x4f: {  	[tilespmem:s9], [sflag:$0x2] =	stream.indirect.gather [hbm4b:s5+s18], $0x20, s8, s18, $0xb8;
	[tilespmem:$0x1CC00] =	vst v63  }
0x50: {  	s10 =	simm.s32 $0x400;
	s11 =	simm.s32 $0x8A00;
	s12 =	simm.s32 $0x900  }
0x51: {  	[tilespmem:s11], [sflag:$0x2] =	stream.indirect.gather [hbm4b:s5+s18], $0x20, s10, s18, $0xb8;
	[tilespmem:$0x1CC00] =	vst v63  }
0x52: {  	s13 =	simm.s32 $0x12A00;
	s14 =	simm.s32 $0x480;
	s16 =	simm.s32 $0x9A00  }
0x53: {  	[tilespmem:s13], [sflag:$0x2] =	stream.indirect.gather [hbm4b:s5+s18], $0x20, s12, s18, $0xb8;
	[tilespmem:$0x1CC00] =	vst v63  }
0x54: {  	s30 =	simm.s32 $0x980;
	s31 =	simm.s32 $0x13A00;
	s2 =	simm.s32 $0xAA80  }
0x55: {  	[tilespmem:s16], [sflag:$0x2] =	stream.indirect.gather [hbm4b:s5+s18], $0x20, s14, s18, $0xb8;
	[tilespmem:$0x1CC00] =	vst v63  }
0x56: {  	s7 =	simm.s32 $0x14A44;
	s9 =	simm.s32 $0x174C4;
	s10 =	simm.s32 $0x19F44  }
0x57: {  	[tilespmem:s31], [sflag:$0x2] =	stream.indirect.gather [hbm4b:s5+s18], $0x20, s30, s18, $0xb8;
	[tilespmem:$0x1CC00] =	vst v63  }
.LBB2_3:
0x58: {  	v2 =	vld [tilespmem:s1+$0xFFFFFF80]  }
0x59: {  	v3 =	vld [tilespmem:s1+$0xFFFFFF90]  }
0x5a: {  	v4 =	vld [tilespmem:s2+$0xFFFFFF80]  }
0x5b: {  	v5 =	vld [tilespmem:s2+$0xFFFFFF90]  }
0x5c: {  	v6 =	vld [tilespmem:s1+$0xFFFFFFA0]  }
0x5d: {  	v7 =	vld [tilespmem:s1+$0xFFFFFFB0]  }
0x5e: {  	v8 =	vld [tilespmem:s2+$0xFFFFFFA0]  }
0x5f: {  	v9 =	vld [tilespmem:s2+$0xFFFFFFB0]  }
0x60: {  	v10 =	vld [tilespmem:s1+$0xFFFFFFC0]  }
0x61: {  	v11 =	vld [tilespmem:s1+$0xFFFFFFD0]  }
0x62: {  	v14 =	vld [tilespmem:s2+$0xFFFFFFC0]  }
0x63: {  	v15 =	vld [tilespmem:s2+$0xFFFFFFD0]  }
0x64: {  	v55 =	vld [tilespmem:s1+$0xFFFFFFE0]  }
0x65: {  	v57 =	vld [tilespmem:s2+$0xFFFFFFE0];
	v12 =	vmul.f32 v4, v2;
	v13 =	vmul.f32 v5, v3  }
0x66: {  	v58 =	vld [tilespmem:s1+$0x0];
	v2 =	vmul.f32 v2, v2;
	v3 =	vmul.f32 v3, v3  }
0x67: {  	v59 =	vld [tilespmem:s1+$0x10];
	v4 =	vmul.f32 v4, v4;
	v5 =	vmul.f32 v5, v5;
	v12 =	vadd.f32 v13, v12  }
0x68: {  	v61 =	vld [tilespmem:s2+$0x0];
	v44 =	vmul.f32 v9, v7;
	v2 =	vadd.f32 v3, v2;
	v3 =	vmul.f32 v8, v6  }
0x69: {  	v63 =	vld [tilespmem:s2+$0x10];
	v45 =	vmul.f32 v6, v6;
	v46 =	vmul.f32 v7, v7;
	v4 =	vadd.f32 v5, v4;
	(xrf2) =	vadd.scan.msk.f32 $0xffff, v12  }
0x6a: {  	v22 =	vld [tilespmem:s1+$0x20];
	v47 =	vmul.f32 v9, v9;
	(xrf2) =	vadd.scan.msk.f32 $0xffff, v2;
	v2 =	vadd.f32 v44, v3;
	v3 =	vmul.f32 v8, v8  }
0x6b: {  	v24 =	vld [tilespmem:s1+$0x30];
	v49 =	vmul.f32 v14, v10;
	v50 =	vmul.f32 v15, v11;
	v48 =	vadd.f32 v46, v45;
	(xrf2) =	vadd.scan.msk.f32 $0xffff, v4  }
0x6c: {  	v26 =	vld [tilespmem:s2+$0x20];
	v51 =	vmul.f32 v11, v11;
	(xrf2) =	vadd.scan.msk.f32 $0xffff, v2;
	v2 =	vadd.f32 v47, v3;
	v3 =	vmul.f32 v10, v10  }
0x6d: {  	v28 =	vld [tilespmem:s2+$0x30];
	v52 =	vadd.f32 v50, v49;
	(xrf2) =	vadd.scan.msk.f32 $0xffff, v48  }
0x6e: {  	v43 =	vld [tilespmem:s2+$0x60];
	(xrf2) =	vadd.scan.msk.f32 $0xffff, v2;
	v2 =	vadd.f32 v51, v3  }
0x6f: {  	v3 =	vld [tilespmem:s1+$0xFFFFFFF0];
	(xrf2) =	vadd.scan.msk.f32 $0xffff, v52  }
0x70: {  	v53 =	vmul.f32 v14, v14;
	v54 =	vmul.f32 v15, v15;
	(xrf2) =	vadd.scan.msk.f32 $0xffff, v2;
	v2 =	vld [tilespmem:s2+$0xFFFFFFF0]  }
0x71: {  	v17 =	vld [tilespmem:s1+$0x40];
	v30 =	vmul.f32 v57, v55;
	v34 =	vmul.f32 v61, v58  }
0x72: {  	v18 =	vld [tilespmem:s1+$0x50];
	v35 =	vmul.f32 v63, v59;
	v36 =	vmul.f32 v59, v59  }
0x73: {  	v33 =	vld [tilespmem:s2+$0x40];
	v38 =	vmul.f32 v61, v61;
	v39 =	vmul.f32 v63, v63  }
0x74: {  	v19 =	vld [tilespmem:s2+$0x50];
	v41 =	vmul.f32 v26, v22;
	v42 =	vmul.f32 v28, v24  }
0x75: {  	v59 =	vmul.f32 v43, v43;
	v56 =	vadd.f32 v54, v53;
	v16 =	vmul.f32 v2, v3  }
0x76: {  	v37 =	vld [tilespmem:s1+$0x60];
	v8 =	vmul.f32 v55, v55;
	v3 =	vmul.f32 v3, v3  }
0x77: {  	v5 =	vmul.f32 v57, v57;
	(xrf2) =	vadd.scan.msk.f32 $0xffff, v56;
	v2 =	vmul.f32 v2, v2;
	v15 =	vadd.f32 v16, v30  }
0x78: {  	v45 =	vmul.f32 v24, v24;
	v49 =	vmul.f32 v33, v17;
	v3 =	vadd.f32 v3, v8  }
0x79: {  	v50 =	vmul.f32 v19, v18;
	v4 =	vmul.f32 v58, v58;
	v60, _, _ =	vpop (xrf2);
	v2 =	vadd.f32 v2, v5;
	(xrf2) =	vadd.scan.msk.f32 $0xffff, v15  }
0x7a: {  	v53 =	vmul.f32 v33, v33;
	v54 =	vmul.f32 v19, v19;
	v62, _, _ =	vpop (xrf2);
	(xrf2) =	vadd.scan.msk.f32 $0xffff, v3;
	v3 =	vadd.f32 v35, v34  }
0x7b: {  	v40 =	vld [tilespmem:s1+$0x70];
	v6 =	vmul.f32 v37, v37;
	v44 =	vmul.f32 v22, v22;
	v21, _, _ =	vpop (xrf2);
	(xrf2) =	vadd.scan.msk.f32 $0xffff, v2;
	v2 =	vadd.f32 v36, v4  }
0x7c: {  	v46 =	vld [tilespmem:s2+$0x70];
	v47 =	vmul.f32 v26, v26;
	[tilespmem:s7+$0xFFFFFFBC] =	vst v60;
	v23, _, _ =	vpop (xrf2);
	(xrf2) =	vadd.scan.msk.f32 $0xffff, v3;
	v3 =	vadd.f32 v39, v38  }
0x7d: {  	v48 =	vmul.f32 v28, v28;
	[tilespmem:s9+$0xFFFFFFBC] =	vst v62;
	v25, _, _ =	vpop (xrf2);
	(xrf2) =	vadd.scan.msk.f32 $0xffff, v2;
	v2 =	vadd.f32 v42, v41  }
0x7e: {  	v51 =	vmul.f32 v17, v17;
	[tilespmem:s10+$0xFFFFFFBC] =	vst v21;
	v27, _, _ =	vpop (xrf2);
	(xrf2) =	vadd.scan.msk.f32 $0xffff, v3;
	v3 =	vadd.f32 v45, v44  }
0x7f: {  	v52 =	vmul.f32 v18, v18;
	[tilespmem:s7+$0xFFFFFFCD] =	vst v23;
	v29, _, _ =	vpop (xrf2);
	(xrf2) =	vadd.scan.msk.f32 $0xffff, v2;
	v2 =	vadd.f32 v48, v47  }
0x80: {  	v55 =	vmul.f32 v43, v37;
	[tilespmem:s9+$0xFFFFFFCD] =	vst v25;
	v31, _, _ =	vpop (xrf2);
	(xrf2) =	vadd.scan.msk.f32 $0xffff, v3;
	v3 =	vadd.f32 v50, v49  }
0x81: {  	v56 =	vmul.f32 v46, v40;
	[tilespmem:s10+$0xFFFFFFCD] =	vst v27;
	v32, _, _ =	vpop (xrf2);
	(xrf2) =	vadd.scan.msk.f32 $0xffff, v2;
	v2 =	vadd.f32 v52, v51  }
0x82: {  	v57 =	vmul.f32 v40, v40;
	[tilespmem:s7+$0xFFFFFFDE] =	vst v29;
	(xrf2) =	vadd.scan.msk.f32 $0xffff, v3;
	v3 =	vadd.f32 v54, v53  }
0x83: {  	v60 =	vmul.f32 v46, v46;
	[tilespmem:s9+$0xFFFFFFDE] =	vst v31;
	v58, _, _ =	vpop (xrf2);
	(xrf2) =	vadd.scan.msk.f32 $0xffff, v2;
	v2 =	vadd.f32 v56, v55  }
0x84: {  	[tilespmem:s10+$0xFFFFFFDE] =	vst v32;
	v61, _, _ =	vpop (xrf2);
	(xrf2) =	vadd.scan.msk.f32 $0xffff, v3;
	v3 =	vadd.f32 v57, v6  }
0x85: {  	[tilespmem:s7+$0xFFFFFFEF] =	vst v58;
	v62, _, _ =	vpop (xrf2);
	(xrf2) =	vadd.scan.msk.f32 $0xffff, v2;
	v2 =	vadd.f32 v60, v59  }
0x86: {  	[tilespmem:s9+$0xFFFFFFEF] =	vst v61  }
0x87: {  	[tilespmem:s10+$0xFFFFFFEF] =	vst v62;
	v63, _, _ =	vpop (xrf2);
	(xrf2) =	vadd.scan.msk.f32 $0xffff, v3  }
0x88: {  	[tilespmem:s7+$0x0] =	vst v63;
	v3, _, _ =	vpop (xrf2);
	(xrf2) =	vadd.scan.msk.f32 $0xffff, v2  }
0x89: {  	v2, _, _ =	vpop (xrf2);
	[tilespmem:s9+$0x0] =	vst v3  }
0x8a: {  	v3, _, _ =	vpop (xrf2);
	[tilespmem:s10+$0x0] =	vst v2  }
0x8b: {  	v2, _, _ =	vpop (xrf2);
	[tilespmem:s7+$0x11] =	vst v3  }
0x8c: {  	v3, _, _ =	vpop (xrf2);
	[tilespmem:s9+$0x11] =	vst v2  }
0x8d: {  	s0 =	sadd.s32 $0x8, s0;
	v2, _, _ =	vpop (xrf2);
	[tilespmem:s10+$0x11] =	vst v3  }
0x8e: {  	p0 =	slt.u32 s0, $0x278;
	v3, _, _ =	vpop (xrf2);
	[tilespmem:s7+$0x22] =	vst v2  }
.Ltmp0:
0x8f: {  	v2, _, _ =	vpop (xrf2);
	[tilespmem:s9+$0x22] =	vst v3;
	(pc) =	sbr.rel @p0 .LBB2_3-.Ltmp0, $4  }
0x90: {  	v3, _, _ =	vpop (xrf2);
	[tilespmem:s10+$0x22] =	vst v2  }
0x91: {  	s30 =	simm.s32 $0x30;
	v2, _, _ =	vpop (xrf2);
	[tilespmem:s7+$0x33] =	vst v3  }
0x92: {  	s8 =	simm.s32 $0x0;
	s1 =	sadd.s32 $0x100, s1;
	s2 =	sadd.s32 $0x100, s2;
	[tilespmem:s9+$0x33] =	vst v2;
	v2, _, _ =	vpop (xrf2)  }
0x93: {  	s7 =	sadd.s32 $0x88, s7;
	s9 =	sadd.s32 $0x88, s9;
	[tilespmem:s10+$0x33] =	vst v2;
	s10 =	sadd.s32 $0x88, s10  }
0x94: {  	s2 =	simm.s32 $0x0  }
0x95: {  	v2 =	vmov s2  }
0x96: {  	s31 =	simm.s32 $0x20;
	v2 =	vmul.u32 $0x11, v2  }
0x97: {  	v3 =	vmov s31  }
0x98: {  	v3 =	vmul.u32 $0x11, v3;
	v2 =	vbroadcast v2, $0x0  }
0x99: {  	s0 =	simm.s32 $0x10  }
0x9a: {  	v4 =	vmov s0;
	v5 =	vbroadcast v3, $0x0;
	v2 =	vadd.s32 v0, v2  }
0x9b: {  	v4 =	vmul.u32 $0x11, v4;
	v2 =	vand.u32 $0xFFFFFFF8, v2  }
0x9c: {  	v5 =	vadd.s32 v0, v5;
	v3 =	vor.u32 v1, v2  }
0x9d: {  	v6 =	vmov s30;
	v5 =	vand.u32 $0xFFFFFFF8, v5;
	v2 =	vbroadcast v4, $0x0  }
0x9e: {  	v4 =	vmul.u32 $0x11, v6;
	v6 =	vor.u32 v1, v5  }
0x9f: {  	v2 =	vadd.s32 v0, v2  }
0xa0: {  	v4 =	vbroadcast v4, $0x0;
	v2 =	vand.u32 $0xFFFFFFF8, v2  }
0xa1: {  	v2 =	vor.u32 v1, v2;
	v5 =	vld.idx.msk [tilespmem:v3+s23+$0x0], $0xffff  }
0xa2: {  	v4 =	vadd.s32 v0, v4;
	v8 =	vld.idx.msk [tilespmem:v3+s22+$0x0], $0xffff  }
0xa3: {  	v4 =	vand.u32 $0xFFFFFFF8, v4;
	v10 =	vld.idx.msk [tilespmem:v6+s22+$0x0], $0xffff  }
0xa4: {  	v9 =	vld.idx.msk [tilespmem:v6+s23+$0x0], $0xffff;
	v4 =	vor.u32 v1, v4;
	_ =	sdelay $0x1  }
0xa5: {  	v11 =	vld.idx.msk [tilespmem:v2+s23+$0x0], $0xffff  }
0xa6: {  	v17 =	vld.idx.msk [tilespmem:v2+s22+$0x0], $0xffff;
	v5 =	vmax.f32 v5, $1.000000000e+00  }
0xa7: {  	v10 =	vmax.f32 v10, $1.000000000e+00;
	v12 =	vshra.s32 v5, $0x1;
	v7 =	vmul.f32 $5.000000000e-01, v5  }
0xa8: {  	v19 =	vmax.f32 v9, $1.000000000e+00;
	v13 =	vld.idx.msk [tilespmem:v4+s22+$0x0], $0xffff;
	v5 =	vmax.f32 v8, $1.000000000e+00;
	v14 =	vsub.s32 $0x5F3759DF, v12  }
0xa9: {  	v20 =	vshra.s32 v19, $0x1;
	v23 =	vmul.f32 $5.000000000e-01, v10;
	v12 =	vld.idx.msk [tilespmem:v4+s23+$0x0], $0xffff;
	v15 =	vmul.f32 v14, v7  }
0xaa: {  	v16 =	vshra.s32 v5, $0x1;
	v8 =	vmul.f32 $5.000000000e-01, v5;
	v20 =	vsub.s32 $0x5F3759DF, v20  }
0xab: {  	v11 =	vmax.f32 v11, $1.000000000e+00;
	v17 =	vmax.f32 v17, $1.000000000e+00;
	v18 =	vmul.f32 v14, v15  }
0xac: {  	v5 =	vmul.f32 $5.000000000e-01, v11;
	v15 =	vsub.s32 $0x5F3759DF, v16;
	v16 =	vshra.s32 v10, $0x1  }
0xad: {  	v11 =	vshra.s32 v11, $0x1;
	v9 =	vmul.f32 v15, v8;
	v21 =	vsub.s32 $0x5F3759DF, v16  }
0xae: {  	v13 =	vmax.f32 v13, $1.000000000e+00;
	v10 =	vmax.f32 v12, $1.000000000e+00;
	v12 =	vmul.f32 v21, v23  }
0xaf: {  	v24 =	vsub.s32 $0x5F3759DF, v11;
	v22 =	vshra.s32 v13, $0x1;
	v9 =	vmul.f32 v15, v9  }
0xb0: {  	v26 =	vmul.f32 v24, v5;
	v16 =	vshra.s32 v10, $0x1;
	v25 =	vmul.f32 v21, v12  }
0xb1: {  	v27 =	vsub.s32 $0x5F3759DF, v16;
	v12 =	vmul.f32 $5.000000000e-01, v10;
	v11 =	vsub.f32 $1.500000000e+00, v9  }
0xb2: {  	v16 =	vmul.f32 $5.000000000e-01, v13;
	v9 =	vmul.f32 $5.000000000e-01, v17;
	v10 =	vsub.f32 $1.500000000e+00, v25  }
0xb3: {  	v25 =	vmul.f32 v27, v12;
	v15 =	vmul.f32 v15, v11;
	v11 =	vsub.f32 $1.500000000e+00, v18  }
0xb4: {  	v22 =	vsub.s32 $0x5F3759DF, v22;
	v18 =	vmul.f32 v24, v26;
	v26 =	vmul.f32 v21, v10  }
0xb5: {  	v10 =	vshra.s32 v17, $0x1;
	v13 =	vmul.f32 v14, v11;
	v14 =	vmul.f32 v22, v16  }
0xb6: {  	v17 =	vsub.f32 $1.500000000e+00, v18;
	v11 =	vmul.f32 $5.000000000e-01, v19;
	v18 =	vmul.f32 v27, v25  }
0xb7: {  	v28 =	vsub.s32 $0x5F3759DF, v10;
	v21 =	vmul.f32 v15, v8;
	v19 =	vmul.f32 v26, v23  }
0xb8: {  	v14 =	vmul.f32 v22, v14;
	v25 =	vmul.f32 v20, v11;
	v18 =	vsub.f32 $1.500000000e+00, v18  }
0xb9: {  	v10 =	vmul.f32 v24, v17;
	v24 =	vmul.f32 v28, v9  }
0xba: {  	v19 =	vmul.f32 v19, v26;
	v18 =	vmul.f32 v27, v18  }
0xbb: {  	v14 =	vsub.f32 $1.500000000e+00, v14;
	v27 =	vmul.f32 v13, v7;
	v29 =	vmul.f32 v28, v24  }
0xbc: {  	v17 =	vmul.f32 v20, v25;
	v25 =	vmul.f32 v10, v5;
	v19 =	vsub.f32 $1.500000000e+00, v19  }
0xbd: {  	v22 =	vmul.f32 v22, v14;
	v24 =	vmul.f32 v27, v13;
	v27 =	vsub.f32 $1.500000000e+00, v29  }
0xbe: {  	v14 =	vmul.f32 v25, v10;
	v19 =	vmul.f32 v19, v26  }
0xbf: {  	v25 =	vsub.f32 $1.500000000e+00, v17;
	v26 =	vmul.f32 v18, v12;
	v17 =	vmul.f32 v28, v27  }
0xc0: {  	s9 =	simm.s32 $0x0;
	s10 =	simm.s32 $0x70;
	s1 =	simm.s32 $0x100;
	v27 =	vmul.f32 v22, v16;
	v23 =	vmul.f32 v19, v23  }
.LBB2_5:
0xc1: {  	s13 =	sadd.s32 $0xFFFFFFD0, s10;
	s7 =	sadd.s32 $0xFFFFFFE0, s10;
	s12 =	sadd.s32 $0xFFFFFFF0, s10;
	v24 =	vsub.f32 $1.500000000e+00, v24;
	v20 =	vmul.f32 v20, v25;
	v25 =	vmul.f32 v26, v18  }
0xc2: {  	s9 =	sadd.s32 $0x4, s9;
	v26 =	vmov s13;
	v28 =	vmov s7;
	v27 =	vmul.f32 v27, v22  }
0xc3: {  	v21 =	vmul.f32 v21, v15;
	p0 =	slt.u32 s9, $0x24;
	v26 =	vmul.u32 $0x11, v26;
	v28 =	vmul.u32 $0x11, v28  }
0xc4: {  	v29 =	vmov s12;
	v30 =	vmul.f32 v17, v9;
	v27 =	vsub.f32 $1.500000000e+00, v27  }
0xc5: {  	v29 =	vmul.u32 $0x11, v29;
	v21 =	vsub.f32 $1.500000000e+00, v21;
	v26 =	vbroadcast v26, $0x0  }
0xc6: {  	v31 =	vmul.f32 v20, v11;
	v25 =	vsub.f32 $1.500000000e+00, v25;
	v28 =	vbroadcast v28, $0x0  }
0xc7: {  	v29 =	vbroadcast v29, $0x0;
	v22 =	vmul.f32 v27, v22;
	v26 =	vadd.s32 v0, v26  }
0xc8: {  	v31 =	vmul.f32 v31, v20;
	v27 =	vmov s10;
	v26 =	vand.u32 $0xFFFFFFF8, v26  }
0xc9: {  	v23 =	vmul.f32 v23, v19;
	v28 =	vadd.s32 v0, v28;
	v27 =	vmul.u32 $0x11, v27  }
0xca: {  	v29 =	vadd.s32 v0, v29;
	v16 =	vmul.f32 v22, v16;
	v26 =	vor.u32 v1, v26  }
0xcb: {  	v15 =	vmul.f32 v21, v15;
	v29 =	vand.u32 $0xFFFFFFF8, v29;
	v27 =	vbroadcast v27, $0x0  }
0xcc: {  	v21 =	vand.u32 $0xFFFFFFF8, v28;
	v16 =	vmul.f32 v16, v22;
	v28 =	vld.idx.msk [tilespmem:v6+s21+$0x0], $0xffff;
	v6 =	vor.u32 v1, v29  }
0xcd: {  	v25 =	vmul.f32 v25, v18;
	v8 =	vmul.f32 v15, v8;
	v27 =	vadd.s32 v0, v27  }
0xce: {  	v23 =	vsub.f32 $1.500000000e+00, v23;
	v27 =	vand.u32 $0xFFFFFFF8, v27;
	v29 =	vmul.f32 v30, v17  }
0xcf: {  	v12 =	vmul.f32 v25, v12;
	v18 =	vor.u32 v1, v21;
	v21 =	vor.u32 v1, v27;
	v30 =	vld.idx.msk [tilespmem:v26+s23+$0x0], $0xffff  }
0xd0: {  	v19 =	vmul.f32 v23, v19;
	v8 =	vmul.f32 v8, v15;
	v16 =	vsub.f32 $1.500000000e+00, v16;
	v27 =	vld.idx.msk [tilespmem:v26+s22+$0x0], $0xffff  }
0xd1: {  	v13 =	vmul.f32 v24, v13;
	v24 =	vsub.f32 $1.500000000e+00, v31;
	v12 =	vmul.f32 v12, v25;
	v23 =	vld.idx.msk [tilespmem:v3+s21+$0x0], $0xffff;
	v3 =	vmovc v26  }
0xd2: {  	v8 =	vsub.f32 $1.500000000e+00, v8;
	v29 =	vsub.f32 $1.500000000e+00, v29;
	v19 =	vmul.f32 v19, v28;
	v26 =	vld.idx.msk [tilespmem:v6+s23+$0x0], $0xffff  }
0xd3: {  	v31 =	vmul.f32 v13, v7;
	v20 =	vmul.f32 v24, v20;
	v7 =	vsub.f32 $1.500000000e+00, v12;
	v28 =	vld.idx.msk [tilespmem:v6+s22+$0x0], $0xffff  }
0xd4: {  	v15 =	vmul.f32 v8, v15;
	v17 =	vmul.f32 v29, v17;
	v12 =	vld.idx.msk [tilespmem:v18+s23+$0x0], $0xffff  }
0xd5: {  	v11 =	vmul.f32 v20, v11;
	v25 =	vmul.f32 v7, v25;
	v8 =	vmax.f32 v30, $1.000000000e+00;
	v24 =	vld.idx.msk [tilespmem:v21+s22+$0x0], $0xffff  }
0xd6: {  	v29 =	vshra.s32 v8, $0x1;
	v7 =	vmul.f32 $5.000000000e-01, v8;
	v8 =	vmul.f32 v17, v9;
	v30 =	vld.idx.msk [tilespmem:v21+s23+$0x0], $0xffff  }
0xd7: {  	v31 =	vmul.f32 v31, v13;
	v16 =	vmul.f32 v16, v22;
	v29 =	vsub.s32 $0x5F3759DF, v29;
	v9 =	vld.idx.msk [tilespmem:v18+s22+$0x0], $0xffff  }
0xd8: {  	v22 =	vmax.f32 v27, $1.000000000e+00;
	v27 =	vmul.f32 v29, v7;
	v32 =	vmul.f32 v8, v17  }
0xd9: {  	v31 =	vsub.f32 $1.500000000e+00, v31;
	v33 =	vshra.s32 v22, $0x1;
	v28 =	vmax.f32 v28, $1.000000000e+00  }
0xda: {  	v8 =	vmul.f32 $5.000000000e-01, v22;
	v22 =	vmul.f32 v29, v27;
	v12 =	vmax.f32 v12, $1.000000000e+00  }
0xdb: {  	v13 =	vmul.f32 v31, v13;
	v26 =	vmax.f32 v26, $1.000000000e+00;
	v27 =	vmul.f32 $5.000000000e-01, v12  }
0xdc: {  	s14 =	sand.u32 $0xE00, s8;
	s8 =	smov.u32 s1;
	v15 =	vmul.f32 v15, v23;
	v31 =	vshra.s32 v26, $0x1;
	v30 =	vmax.f32 v30, $1.000000000e+00;
	v23 =	vld.idx.msk [tilespmem:v4+s21+$0x0], $0xffff;
	v4 =	vmovc v21  }
0xdd: {  	v14 =	vsub.f32 $1.500000000e+00, v14;
	s14 =	sshrl.u32 s14, $0x2;
	v9 =	vmax.f32 v9, $1.000000000e+00;
	v21 =	vmax.f32 v24, $1.000000000e+00  }
0xde: {  	s11 =	sand.u32 $0x40, s2;
	s2 =	smov.u32 s13;
	s14 =	sadd.s32 $0x1C980, s14;
	v13 =	vmul.f32 v13, v15;
	v24 =	vsub.s32 $0x5F3759DF, v33;
	v33 =	vshra.s32 v21, $0x1  }
0xdf: {  	v10 =	vmul.f32 v14, v10;
	s11 =	sor.u32 s11, s14;
	v34 =	vshra.s32 v28, $0x1;
	v15 =	vmul.f32 v24, v8  }
0xe0: {  	v11 =	vmul.f32 v11, v20;
	v34 =	vsub.s32 $0x5F3759DF, v34;
	v14 =	vshra.s32 v9, $0x1;
	[tilespmem:s11+$0x0] =	vst v13  }
0xe1: {  	v28 =	vmul.f32 $5.000000000e-01, v28;
	v12 =	vshra.s32 v12, $0x1;
	v13 =	vmul.f32 v10, v5;
	v5 =	vmovc v27  }
0xe2: {  	v15 =	vmul.f32 v24, v15;
	v27 =	vsub.s32 $0x5F3759DF, v12;
	v12 =	vmul.f32 v16, v23  }
0xe3: {  	v11 =	vsub.f32 $1.500000000e+00, v11;
	v16 =	vmul.f32 v34, v28;
	v23 =	vsub.s32 $0x5F3759DF, v33  }
0xe4: {  	s11 =	sand.u32 $0x70, s30;
	s30 =	smov.u32 s10;
	v15 =	vsub.f32 $1.500000000e+00, v15;
	v33 =	vmul.f32 v27, v5;
	v12 =	vmul.f32 v25, v12  }
0xe5: {  	v11 =	vmul.f32 v11, v20;
	v35 =	vsub.s32 $0x5F3759DF, v14;
	v14 =	vshra.s32 v30, $0x1;
	s11 =	sor.u32 s11, s14  }
0xe6: {  	v9 =	vmul.f32 $5.000000000e-01, v9;
	v14 =	vsub.s32 $0x5F3759DF, v14;
	v16 =	vmul.f32 v34, v16;
	[tilespmem:s11+$0x0] =	vst v12  }
0xe7: {  	v20 =	vsub.f32 $1.500000000e+00, v22;
	v15 =	vmul.f32 v24, v15;
	v12 =	vmul.f32 $5.000000000e-01, v30  }
0xe8: {  	v19 =	vmul.f32 v11, v19;
	v22 =	vmul.f32 v27, v33;
	v24 =	vsub.f32 $1.500000000e+00, v16  }
0xe9: {  	v16 =	vmul.f32 $5.000000000e-01, v21;
	v30 =	vsub.f32 $1.500000000e+00, v32;
	v21 =	vmul.f32 v14, v12;
	v25 =	vld.idx.msk [tilespmem:v2+s21+$0x0], $0xffff;
	v2 =	vmovc v18  }
0xea: {  	v18 =	vsub.f32 $1.500000000e+00, v22;
	v22 =	vmul.f32 v34, v24;
	v24 =	vmul.f32 v13, v10  }
0xeb: {  	v11 =	vmul.f32 $5.000000000e-01, v26;
	v13 =	vmul.f32 v29, v20  }
0xec: {  	v26 =	vmul.f32 v23, v16;
	v21 =	vmul.f32 v14, v21;
	v24 =	vsub.f32 $1.500000000e+00, v24  }
0xed: {  	v17 =	vmul.f32 v30, v17;
	v29 =	vmul.f32 v22, v28  }
0xee: {  	v20 =	vsub.s32 $0x5F3759DF, v31;
	v26 =	vmul.f32 v23, v26;
	v24 =	vmul.f32 v24, v10  }
0xef: {  	v30 =	vmul.f32 v20, v11;
	v31 =	vsub.f32 $1.500000000e+00, v21;
	v17 =	vmul.f32 v17, v25  }
0xf0: {  	v26 =	vsub.f32 $1.500000000e+00, v26;
	v21 =	vmul.f32 v15, v8;
	v25 =	vmul.f32 v29, v22  }
0xf1: {  	s11 =	sand.u32 $0x60, s31;
	s31 =	smov.u32 s12;
	v10 =	vmul.f32 v27, v18;
	v27 =	vmul.f32 v20, v30  }
0xf2: {  	s11 =	sor.u32 s11, s14;
	v29 =	vmul.f32 v35, v9;
	v18 =	vmul.f32 v14, v31;
	v30 =	vsub.f32 $1.500000000e+00, v25  }
0xf3: {  	s12 =	sand.u32 $0x50, s0;
	s0 =	smov.u32 s7;
	v14 =	vmul.f32 v10, v5;
	v17 =	vmul.f32 v24, v17;
	[tilespmem:s11+$0x0] =	vst v19  }
.Ltmp1:
0xf4: {  	s7 =	sor.u32 s12, s14;
	v24 =	vmul.f32 v13, v7;
	v29 =	vmul.f32 v35, v29;
	v25 =	vsub.f32 $1.500000000e+00, v27;
	(pc) =	sbr.rel @p0 .LBB2_5-.Ltmp1, $4  }
0xf5: {  	v19 =	vmul.f32 v30, v22;
	v22 =	vmul.f32 v23, v26;
	[tilespmem:s7+$0x0] =	vst v17  }
0xf6: {  	v24 =	vmul.f32 v24, v13;
	v26 =	vmul.f32 v18, v12;
	v17 =	vsub.f32 $1.500000000e+00, v29  }
0xf7: {  	v14 =	vmul.f32 v14, v10;
	v23 =	vmul.f32 v19, v28  }
0xf8: {  	s1 =	sadd.s32 $0x100, s1;
	s10 =	sadd.s32 $0x40, s10;
	v27 =	vmul.f32 v22, v16;
	v17 =	vmul.f32 v35, v17  }
0xf9: {  	v20 =	vmul.f32 v20, v25;
	v21 =	vmul.f32 v21, v15  }
0xfa: {  	v26 =	vmul.f32 v26, v18;
	v48 =	vmul.f32 v23, v19  }
0xfb: {  	v49 =	vsub.f32 $1.500000000e+00, v24;
	v14 =	vsub.f32 $1.500000000e+00, v14;
	v27 =	vmul.f32 v27, v22  }
0xfc: {  	v28 =	vmul.f32 v17, v9;
	v21 =	vsub.f32 $1.500000000e+00, v21;
	v43 =	vmul.f32 v20, v11  }
0xfd: {  	v45 =	vsub.f32 $1.500000000e+00, v26;
	v13 =	vmul.f32 v49, v13;
	v10 =	vmul.f32 v14, v10  }
0xfe: {  	v51 =	vmul.f32 v28, v17;
	v46 =	vmul.f32 v43, v20  }
0xff: {  	v42 =	vsub.f32 $1.500000000e+00, v27;
	v47 =	vmul.f32 v21, v15;
	v50 =	vmul.f32 v45, v18  }
0x100: {  	v7 =	vmul.f32 v13, v7;
	v5 =	vmul.f32 v10, v5  }
0x101: {  	v44 =	vmul.f32 v42, v22;
	v8 =	vmul.f32 v47, v8  }
0x102: {  	v54 =	vsub.f32 $1.500000000e+00, v51;
	v12 =	vmul.f32 v50, v12;
	v7 =	vmul.f32 v7, v13  }
0x103: {  	v53 =	vsub.f32 $1.500000000e+00, v46;
	v5 =	vmul.f32 v5, v10;
	v16 =	vmul.f32 v44, v16  }
0x104: {  	v56 =	vmul.f32 v54, v17;
	v8 =	vmul.f32 v8, v47  }
0x105: {  	v3 =	vld.idx.msk [tilespmem:v3+s21+$0x0], $0xffff;
	v55 =	vmul.f32 v53, v20;
	v16 =	vmul.f32 v16, v44  }
0x106: {  	v4 =	vld.idx.msk [tilespmem:v4+s21+$0x0], $0xffff;
	v12 =	vmul.f32 v12, v50;
	v7 =	vsub.f32 $1.500000000e+00, v7;
	v8 =	vsub.f32 $1.500000000e+00, v8  }
0x107: {  	v57 =	vmul.f32 v56, v9;
	v58 =	vmul.f32 v55, v11;
	v16 =	vsub.f32 $1.500000000e+00, v16  }
0x108: {  	v7 =	vmul.f32 v7, v13;
	v8 =	vmul.f32 v8, v47  }
0x109: {  	v6 =	vld.idx.msk [tilespmem:v6+s21+$0x0], $0xffff;
	v12 =	vsub.f32 $1.500000000e+00, v12;
	v9 =	vmul.f32 v57, v56;
	v59 =	vmul.f32 v16, v44  }
0x10a: {  	v2 =	vld.idx.msk [tilespmem:v2+s21+$0x0], $0xffff;
	s1 =	sand.u32 $0xE00, s8;
	v21 =	vsub.f32 $1.500000000e+00, v48;
	v11 =	vmul.f32 v58, v55;
	v3 =	vmul.f32 v8, v3  }
0x10b: {  	s1 =	sshrl.u32 s1, $0x2;
	v61 =	vmul.f32 v12, v50;
	v60 =	vsub.f32 $1.500000000e+00, v9;
	v4 =	vmul.f32 v59, v4  }
0x10c: {  	s2 =	sand.u32 $0x40, s2;
	s1 =	sadd.s32 $0x1C980, s1;
	v52 =	vmul.f32 v21, v19;
	v11 =	vsub.f32 $1.500000000e+00, v11;
	v3 =	vmul.f32 v7, v3  }
0x10d: {  	s7 =	sand.u32 $0x70, s30;
	s2 =	sor.u32 s2, s1;
	v5 =	vsub.f32 $1.500000000e+00, v5;
	v62 =	vmul.f32 v60, v56;
	v4 =	vmul.f32 v61, v4  }
0x10e: {  	s11 =	sor.u32 s7, s1;
	v6 =	vmul.f32 v52, v6;
	v63 =	vmul.f32 v11, v55;
	[tilespmem:s2+$0x0] =	vst v3  }
0x10f: {  	s30 =	smul.u32 $0xA, s28;
	v5 =	vmul.f32 v5, v10;
	v2 =	vmul.f32 v62, v2;
	[tilespmem:s11+$0x0] =	vst v4  }
0x110: {  	s12 =	sand.u32 $0x60, s31;
	v3 =	vmul.f32 v63, v6;
	s14 =	rddreg [dreg:$0x3]  }
0x111: {  	s0 =	sand.u32 $0x50, s0;
	s13 =	sor.u32 s12, s1;
	v2 =	vmul.f32 v5, v2;
	s7 =	sadd.s32 s14, s30  }
0x112: {  	s0 =	sor.u32 s0, s1;
	[tilespmem:s13+$0x0] =	vst v3;
	s16 =	sshll.u32 s7, $0x4  }
0x113: {  	s31 =	simm.s32 $0x0;
	s2 =	simm.s32 $0x1C980;
	[tilespmem:s0+$0x0] =	vst v2;
	s1 =	sadd.s32 s6, s16  }
0x114: {  	[hbm4b:s1+s31] =	stream.linear.scatter [tilespmem:s2], [sflag:$0x5], $0x280, $0x38;
	[tilespmem:$0x1CC00] =	vst v63  }
0x115: {  	_ =	swait.ge [sflag:s25], $0x280  }
0x116: {  	[sflag:s25] =	ssyncset.done $0x0  }
0x117: {  	[sflag:s25] =	ssyncadd.s32 $0xFFFFFD80  }
0x118: {  	_ =	swait.ge [sflag:s26], $0x5000  }
0x119: {  	[sflag:s26] =	ssyncset.done $0x0  }
0x11a: {  	s7 =	smin.u32 s29, $0x9C;
	[sflag:s26] =	ssyncadd.s32 $0xFFFFB000  }
0x11b: {  	s0 =	smul.u32 $0x5, s7;
	_ =	swait.ge [sflag:s26], $0x5000  }
0x11c: {  	s8 =	rddreg [dreg:$0x9]  }
0x11d: {  	s0 =	sadd.s32 s0, s8  }
0x11e: {  	[sflag:s26] =	ssyncset.done $0x0;
	s0 =	sshll.u32 s0, $0x4  }
0x11f: {  	s10 =	simm.s32 $0x280;
	[sflag:s26] =	ssyncadd.s32 $0xFFFFB000;
	s9 =	sadd.s32 s15, s0  }
0x120: {  	[tilespmem:s10], [sflag:$0x4] =	stream.linear.gather [hbm4b:s9+s31], $0x280, $0x38;
	[tilespmem:$0x1CC00] =	vst v63  }
0x121: {  	s11 =	simm.s32 $0x780;
	s0 =	sadd.s32 s4, s0  }
0x122: {  	[tilespmem:s11], [sflag:$0x4] =	stream.linear.gather [hbm4b:s0+s31], $0x280, $0x38;
	[tilespmem:$0x1CC00] =	vst v63  }
0x123: {  	_ =	swait.ge [sflag:s17], $0x280  }
0x124: {  	[sflag:s17] =	ssyncset.done $0x0  }
0x125: {  	[sflag:s17] =	ssyncadd.s32 $0xFFFFFD80  }
0x126: {  	_ =	swait.ge [sflag:s17], $0x280  }
0x127: {  	[sflag:s17] =	ssyncset.done $0x0  }
0x128: {  	s12 =	simm.s32 $0xA00;
	[sflag:s17] =	ssyncadd.s32 $0xFFFFFD80  }
0x129: {  	[tilespmem:s12], [sflag:$0x1] =	stream.indirect.gather [hbm4b:s5+s18], $0x20, s31, s18, $0xb8;
	[tilespmem:$0x1CC00] =	vst v63  }
0x12a: {  	s13 =	simm.s32 $0xAA00  }
0x12b: {  	[tilespmem:s13], [sflag:$0x1] =	stream.indirect.gather [hbm4b:s5+s18], $0x20, s24, s18, $0xb8;
	[tilespmem:$0x1CC00] =	vst v63  }
0x12c: {  	s14 =	simm.s32 $0x1A00  }
0x12d: {  	[tilespmem:s14], [sflag:$0x1] =	stream.indirect.gather [hbm4b:s5+s18], $0x20, s18, s18, $0xb8;
	[tilespmem:$0x1CC00] =	vst v63  }
0x12e: {  	s29 =	simm.s32 $0xBA00;
	s16 =	smov.u32 s15;
	s15 =	simm.s32 $0x580  }
0x12f: {  	[tilespmem:s29], [sflag:$0x1] =	stream.indirect.gather [hbm4b:s5+s18], $0x20, s15, s18, $0xb8;
	[tilespmem:$0x1CC00] =	vst v63  }
0x130: {  	s1 =	simm.s32 $0x100;
	s2 =	simm.s32 $0x2A00  }
0x131: {  	[tilespmem:s2], [sflag:$0x1] =	stream.indirect.gather [hbm4b:s5+s18], $0x20, s1, s18, $0xb8;
	[tilespmem:$0x1CC00] =	vst v63  }
0x132: {  	s7 =	simm.s32 $0x600;
	s8 =	simm.s32 $0xCA00;
	s9 =	simm.s32 $0x180  }
0x133: {  	[tilespmem:s8], [sflag:$0x1] =	stream.indirect.gather [hbm4b:s5+s18], $0x20, s7, s18, $0xb8;
	[tilespmem:$0x1CC00] =	vst v63  }
0x134: {  	s10 =	simm.s32 $0x3A00;
	s11 =	simm.s32 $0x680;
	s12 =	simm.s32 $0xDA00  }
0x135: {  	[tilespmem:s10], [sflag:$0x1] =	stream.indirect.gather [hbm4b:s5+s18], $0x20, s9, s18, $0xb8;
	[tilespmem:$0x1CC00] =	vst v63  }
0x136: {  	s13 =	simm.s32 $0x200;
	s14 =	simm.s32 $0x4A00;
	s15 =	simm.s32 $0x700  }
0x137: {  	[tilespmem:s12], [sflag:$0x1] =	stream.indirect.gather [hbm4b:s5+s18], $0x20, s11, s18, $0xb8;
	[tilespmem:$0x1CC00] =	vst v63  }
0x138: {  	s29 =	simm.s32 $0xEA00;
	s1 =	simm.s32 $0xFFFFFFF8;
	s2 =	simm.s32 $0x19F44  }
0x139: {  	[tilespmem:s14], [sflag:$0x1] =	stream.indirect.gather [hbm4b:s5+s18], $0x20, s13, s18, $0xb8;
	[tilespmem:$0x1CC00] =	vst v63  }
0x13a: {  	s7 =	simm.s32 $0x174C4;
	s8 =	simm.s32 $0x14A44;
	s9 =	simm.s32 $0x0  }
0x13b: {  	[tilespmem:s29], [sflag:$0x1] =	stream.indirect.gather [hbm4b:s5+s18], $0x20, s15, s18, $0xb8;
	[tilespmem:$0x1CC00] =	vst v63  }
.LBB2_7:
0x13c: {  	s0 =	sshra.s32 s9, $0x2  }
0x13d: {  	v2 =	vld [tilespmem:s0+$0x5A00]  }
0x13e: {  	v3 =	vld [tilespmem:s0+$0x5A10]  }
0x13f: {  	v4 =	vld [tilespmem:s0+$0xFA00]  }
0x140: {  	v5 =	vld [tilespmem:s0+$0xFA10]  }
0x141: {  	v6 =	vld [tilespmem:s0+$0x5A20]  }
0x142: {  	v7 =	vld [tilespmem:s0+$0x5A30]  }
0x143: {  	v8 =	vld [tilespmem:s0+$0xFA20]  }
0x144: {  	v9 =	vld [tilespmem:s0+$0xFA30]  }
0x145: {  	v10 =	vld [tilespmem:s0+$0x5A40]  }
0x146: {  	v11 =	vld [tilespmem:s0+$0x5A50]  }
0x147: {  	v14 =	vld [tilespmem:s0+$0xFA40]  }
0x148: {  	v15 =	vld [tilespmem:s0+$0xFA50]  }
0x149: {  	v55 =	vld [tilespmem:s0+$0x5A60]  }
0x14a: {  	v57 =	vld [tilespmem:s0+$0xFA60];
	v12 =	vmul.f32 v4, v2;
	v13 =	vmul.f32 v5, v3  }
0x14b: {  	v58 =	vld [tilespmem:s0+$0x5A80];
	v2 =	vmul.f32 v2, v2;
	v3 =	vmul.f32 v3, v3  }
0x14c: {  	v59 =	vld [tilespmem:s0+$0x5A90];
	v4 =	vmul.f32 v4, v4;
	v5 =	vmul.f32 v5, v5;
	v12 =	vadd.f32 v13, v12  }
0x14d: {  	v61 =	vld [tilespmem:s0+$0xFA80];
	v44 =	vmul.f32 v9, v7;
	v2 =	vadd.f32 v3, v2;
	v3 =	vmul.f32 v8, v6  }
0x14e: {  	v63 =	vld [tilespmem:s0+$0xFA90];
	v45 =	vmul.f32 v6, v6;
	v46 =	vmul.f32 v7, v7;
	v4 =	vadd.f32 v5, v4;
	(xrf2) =	vadd.scan.msk.f32 $0xffff, v12  }
0x14f: {  	v22 =	vld [tilespmem:s0+$0x5AA0];
	v47 =	vmul.f32 v9, v9;
	(xrf2) =	vadd.scan.msk.f32 $0xffff, v2;
	v2 =	vadd.f32 v44, v3;
	v3 =	vmul.f32 v8, v8  }
0x150: {  	v24 =	vld [tilespmem:s0+$0x5AB0];
	v49 =	vmul.f32 v14, v10;
	v50 =	vmul.f32 v15, v11;
	v48 =	vadd.f32 v46, v45;
	(xrf2) =	vadd.scan.msk.f32 $0xffff, v4  }
0x151: {  	v26 =	vld [tilespmem:s0+$0xFAA0];
	v51 =	vmul.f32 v11, v11;
	(xrf2) =	vadd.scan.msk.f32 $0xffff, v2;
	v2 =	vadd.f32 v47, v3;
	v3 =	vmul.f32 v10, v10  }
0x152: {  	v28 =	vld [tilespmem:s0+$0xFAB0];
	v52 =	vadd.f32 v50, v49;
	(xrf2) =	vadd.scan.msk.f32 $0xffff, v48  }
0x153: {  	v43 =	vld [tilespmem:s0+$0xFAE0];
	(xrf2) =	vadd.scan.msk.f32 $0xffff, v2;
	v2 =	vadd.f32 v51, v3  }
0x154: {  	v3 =	vld [tilespmem:s0+$0x5A70];
	(xrf2) =	vadd.scan.msk.f32 $0xffff, v52  }
0x155: {  	v53 =	vmul.f32 v14, v14;
	v54 =	vmul.f32 v15, v15;
	(xrf2) =	vadd.scan.msk.f32 $0xffff, v2;
	v2 =	vld [tilespmem:s0+$0xFA70]  }
0x156: {  	v17 =	vld [tilespmem:s0+$0x5AC0];
	v30 =	vmul.f32 v57, v55;
	v34 =	vmul.f32 v61, v58  }
0x157: {  	v18 =	vld [tilespmem:s0+$0x5AD0];
	v35 =	vmul.f32 v63, v59;
	v36 =	vmul.f32 v59, v59  }
0x158: {  	v33 =	vld [tilespmem:s0+$0xFAC0];
	v38 =	vmul.f32 v61, v61;
	v39 =	vmul.f32 v63, v63  }
0x159: {  	v19 =	vld [tilespmem:s0+$0xFAD0];
	v41 =	vmul.f32 v26, v22;
	v42 =	vmul.f32 v28, v24  }
0x15a: {  	v59 =	vmul.f32 v43, v43;
	v56 =	vadd.f32 v54, v53;
	v16 =	vmul.f32 v2, v3  }
0x15b: {  	v37 =	vld [tilespmem:s0+$0x5AE0];
	v8 =	vmul.f32 v55, v55;
	v3 =	vmul.f32 v3, v3  }
0x15c: {  	v5 =	vmul.f32 v57, v57;
	(xrf2) =	vadd.scan.msk.f32 $0xffff, v56;
	v2 =	vmul.f32 v2, v2;
	v15 =	vadd.f32 v16, v30  }
0x15d: {  	v45 =	vmul.f32 v24, v24;
	v49 =	vmul.f32 v33, v17;
	v3 =	vadd.f32 v3, v8  }
0x15e: {  	v50 =	vmul.f32 v19, v18;
	v4 =	vmul.f32 v58, v58;
	v60, _, _ =	vpop (xrf2);
	v2 =	vadd.f32 v2, v5;
	(xrf2) =	vadd.scan.msk.f32 $0xffff, v15  }
0x15f: {  	v53 =	vmul.f32 v33, v33;
	v54 =	vmul.f32 v19, v19;
	v62, _, _ =	vpop (xrf2);
	(xrf2) =	vadd.scan.msk.f32 $0xffff, v3;
	v3 =	vadd.f32 v35, v34  }
0x160: {  	v40 =	vld [tilespmem:s0+$0x5AF0];
	v6 =	vmul.f32 v37, v37;
	v44 =	vmul.f32 v22, v22;
	v21, _, _ =	vpop (xrf2);
	(xrf2) =	vadd.scan.msk.f32 $0xffff, v2;
	v2 =	vadd.f32 v36, v4  }
0x161: {  	v46 =	vld [tilespmem:s0+$0xFAF0];
	v47 =	vmul.f32 v26, v26;
	[tilespmem:s8+$0xFFFFFFBC] =	vst v60;
	v23, _, _ =	vpop (xrf2);
	(xrf2) =	vadd.scan.msk.f32 $0xffff, v3;
	v3 =	vadd.f32 v39, v38  }
0x162: {  	v48 =	vmul.f32 v28, v28;
	[tilespmem:s7+$0xFFFFFFBC] =	vst v62;
	v25, _, _ =	vpop (xrf2);
	(xrf2) =	vadd.scan.msk.f32 $0xffff, v2;
	v2 =	vadd.f32 v42, v41  }
0x163: {  	v51 =	vmul.f32 v17, v17;
	[tilespmem:s2+$0xFFFFFFBC] =	vst v21;
	v27, _, _ =	vpop (xrf2);
	(xrf2) =	vadd.scan.msk.f32 $0xffff, v3;
	v3 =	vadd.f32 v45, v44  }
0x164: {  	v52 =	vmul.f32 v18, v18;
	[tilespmem:s8+$0xFFFFFFCD] =	vst v23;
	v29, _, _ =	vpop (xrf2);
	(xrf2) =	vadd.scan.msk.f32 $0xffff, v2;
	v2 =	vadd.f32 v48, v47  }
0x165: {  	v55 =	vmul.f32 v43, v37;
	[tilespmem:s7+$0xFFFFFFCD] =	vst v25;
	v31, _, _ =	vpop (xrf2);
	(xrf2) =	vadd.scan.msk.f32 $0xffff, v3;
	v3 =	vadd.f32 v50, v49  }
0x166: {  	v56 =	vmul.f32 v46, v40;
	[tilespmem:s2+$0xFFFFFFCD] =	vst v27;
	v32, _, _ =	vpop (xrf2);
	(xrf2) =	vadd.scan.msk.f32 $0xffff, v2;
	v2 =	vadd.f32 v52, v51  }
0x167: {  	v57 =	vmul.f32 v40, v40;
	[tilespmem:s8+$0xFFFFFFDE] =	vst v29;
	(xrf2) =	vadd.scan.msk.f32 $0xffff, v3;
	v3 =	vadd.f32 v54, v53  }
0x168: {  	v60 =	vmul.f32 v46, v46;
	[tilespmem:s7+$0xFFFFFFDE] =	vst v31;
	v58, _, _ =	vpop (xrf2);
	(xrf2) =	vadd.scan.msk.f32 $0xffff, v2;
	v2 =	vadd.f32 v56, v55  }
0x169: {  	[tilespmem:s2+$0xFFFFFFDE] =	vst v32;
	v61, _, _ =	vpop (xrf2);
	(xrf2) =	vadd.scan.msk.f32 $0xffff, v3;
	v3 =	vadd.f32 v57, v6  }
0x16a: {  	[tilespmem:s8+$0xFFFFFFEF] =	vst v58;
	v62, _, _ =	vpop (xrf2);
	(xrf2) =	vadd.scan.msk.f32 $0xffff, v2;
	v2 =	vadd.f32 v60, v59  }
0x16b: {  	[tilespmem:s7+$0xFFFFFFEF] =	vst v61  }
0x16c: {  	[tilespmem:s2+$0xFFFFFFEF] =	vst v62;
	v63, _, _ =	vpop (xrf2);
	(xrf2) =	vadd.scan.msk.f32 $0xffff, v3  }
0x16d: {  	[tilespmem:s8+$0x0] =	vst v63;
	v3, _, _ =	vpop (xrf2);
	(xrf2) =	vadd.scan.msk.f32 $0xffff, v2  }
0x16e: {  	v2, _, _ =	vpop (xrf2);
	[tilespmem:s7+$0x0] =	vst v3  }
0x16f: {  	v3, _, _ =	vpop (xrf2);
	[tilespmem:s2+$0x0] =	vst v2  }
0x170: {  	v2, _, _ =	vpop (xrf2);
	[tilespmem:s8+$0x11] =	vst v3  }
0x171: {  	v3, _, _ =	vpop (xrf2);
	[tilespmem:s7+$0x11] =	vst v2  }
0x172: {  	s1 =	sadd.s32 $0x8, s1;
	v2, _, _ =	vpop (xrf2);
	[tilespmem:s2+$0x11] =	vst v3  }
0x173: {  	p0 =	slt.u32 s1, $0x278;
	v3, _, _ =	vpop (xrf2);
	[tilespmem:s8+$0x22] =	vst v2  }
.Ltmp2:
0x174: {  	v2, _, _ =	vpop (xrf2);
	[tilespmem:s7+$0x22] =	vst v3;
	(pc) =	sbr.rel @p0 .LBB2_7-.Ltmp2, $4  }
0x175: {  	v3, _, _ =	vpop (xrf2);
	[tilespmem:s2+$0x22] =	vst v2  }
0x176: {  	v2, _, _ =	vpop (xrf2);
	[tilespmem:s8+$0x33] =	vst v3  }
0x177: {  	s9 =	sadd.s32 $0x400, s9;
	s0 =	simm.s32 $0x30;
	[tilespmem:s7+$0x33] =	vst v2;
	v2, _, _ =	vpop (xrf2)  }
0x178: {  	s8 =	sadd.s32 $0x88, s8;
	s7 =	sadd.s32 $0x88, s7;
	[tilespmem:s2+$0x33] =	vst v2;
	s2 =	sadd.s32 $0x88, s2  }
0x179: {  	s8 =	simm.s32 $0x0  }
0x17a: {  	v2 =	vmov s8  }
0x17b: {  	s2 =	simm.s32 $0x20;
	v2 =	vmul.u32 $0x11, v2  }
0x17c: {  	v3 =	vmov s2  }
0x17d: {  	v3 =	vmul.u32 $0x11, v3;
	v2 =	vbroadcast v2, $0x0  }
0x17e: {  	s29 =	simm.s32 $0x10  }
0x17f: {  	v4 =	vmov s29;
	v5 =	vbroadcast v3, $0x0;
	v2 =	vadd.s32 v0, v2  }
0x180: {  	v4 =	vmul.u32 $0x11, v4;
	v2 =	vand.u32 $0xFFFFFFF8, v2  }
0x181: {  	v5 =	vadd.s32 v0, v5;
	v3 =	vor.u32 v1, v2  }
0x182: {  	v6 =	vmov s0;
	v5 =	vand.u32 $0xFFFFFFF8, v5;
	v2 =	vbroadcast v4, $0x0  }
0x183: {  	v4 =	vmul.u32 $0x11, v6;
	v6 =	vor.u32 v1, v5  }
0x184: {  	v2 =	vadd.s32 v0, v2  }
0x185: {  	v4 =	vbroadcast v4, $0x0;
	v2 =	vand.u32 $0xFFFFFFF8, v2  }
0x186: {  	v2 =	vor.u32 v1, v2;
	v5 =	vld.idx.msk [tilespmem:v3+s23+$0x0], $0xffff  }
0x187: {  	v4 =	vadd.s32 v0, v4;
	v8 =	vld.idx.msk [tilespmem:v3+s22+$0x0], $0xffff  }
0x188: {  	v4 =	vand.u32 $0xFFFFFFF8, v4;
	v10 =	vld.idx.msk [tilespmem:v6+s22+$0x0], $0xffff  }
0x189: {  	v9 =	vld.idx.msk [tilespmem:v6+s23+$0x0], $0xffff;
	v4 =	vor.u32 v1, v4;
	_ =	sdelay $0x1  }
0x18a: {  	v11 =	vld.idx.msk [tilespmem:v2+s23+$0x0], $0xffff  }
0x18b: {  	v17 =	vld.idx.msk [tilespmem:v2+s22+$0x0], $0xffff;
	v5 =	vmax.f32 v5, $1.000000000e+00  }
0x18c: {  	v10 =	vmax.f32 v10, $1.000000000e+00;
	v12 =	vshra.s32 v5, $0x1;
	v7 =	vmul.f32 $5.000000000e-01, v5  }
0x18d: {  	v19 =	vmax.f32 v9, $1.000000000e+00;
	v13 =	vld.idx.msk [tilespmem:v4+s22+$0x0], $0xffff;
	v5 =	vmax.f32 v8, $1.000000000e+00;
	v14 =	vsub.s32 $0x5F3759DF, v12  }
0x18e: {  	v20 =	vshra.s32 v19, $0x1;
	v23 =	vmul.f32 $5.000000000e-01, v10;
	v12 =	vld.idx.msk [tilespmem:v4+s23+$0x0], $0xffff;
	v15 =	vmul.f32 v14, v7  }
0x18f: {  	v16 =	vshra.s32 v5, $0x1;
	v8 =	vmul.f32 $5.000000000e-01, v5;
	v20 =	vsub.s32 $0x5F3759DF, v20  }
0x190: {  	v11 =	vmax.f32 v11, $1.000000000e+00;
	v17 =	vmax.f32 v17, $1.000000000e+00;
	v18 =	vmul.f32 v14, v15  }
0x191: {  	v5 =	vmul.f32 $5.000000000e-01, v11;
	v15 =	vsub.s32 $0x5F3759DF, v16;
	v16 =	vshra.s32 v10, $0x1  }
0x192: {  	v11 =	vshra.s32 v11, $0x1;
	v9 =	vmul.f32 v15, v8;
	v21 =	vsub.s32 $0x5F3759DF, v16  }
0x193: {  	v13 =	vmax.f32 v13, $1.000000000e+00;
	v10 =	vmax.f32 v12, $1.000000000e+00;
	v12 =	vmul.f32 v21, v23  }
0x194: {  	v24 =	vsub.s32 $0x5F3759DF, v11;
	v22 =	vshra.s32 v13, $0x1;
	v9 =	vmul.f32 v15, v9  }
0x195: {  	v26 =	vmul.f32 v24, v5;
	v16 =	vshra.s32 v10, $0x1;
	v25 =	vmul.f32 v21, v12  }
0x196: {  	v27 =	vsub.s32 $0x5F3759DF, v16;
	v12 =	vmul.f32 $5.000000000e-01, v10;
	v11 =	vsub.f32 $1.500000000e+00, v9  }
0x197: {  	v16 =	vmul.f32 $5.000000000e-01, v13;
	v9 =	vmul.f32 $5.000000000e-01, v17;
	v10 =	vsub.f32 $1.500000000e+00, v25  }
0x198: {  	v25 =	vmul.f32 v27, v12;
	v15 =	vmul.f32 v15, v11;
	v11 =	vsub.f32 $1.500000000e+00, v18  }
0x199: {  	v22 =	vsub.s32 $0x5F3759DF, v22;
	v18 =	vmul.f32 v24, v26;
	v26 =	vmul.f32 v21, v10  }
0x19a: {  	v10 =	vshra.s32 v17, $0x1;
	v13 =	vmul.f32 v14, v11;
	v14 =	vmul.f32 v22, v16  }
0x19b: {  	v17 =	vsub.f32 $1.500000000e+00, v18;
	v11 =	vmul.f32 $5.000000000e-01, v19;
	v18 =	vmul.f32 v27, v25  }
0x19c: {  	v28 =	vsub.s32 $0x5F3759DF, v10;
	v21 =	vmul.f32 v15, v8;
	v19 =	vmul.f32 v26, v23  }
0x19d: {  	v14 =	vmul.f32 v22, v14;
	v25 =	vmul.f32 v20, v11;
	v18 =	vsub.f32 $1.500000000e+00, v18  }
0x19e: {  	v10 =	vmul.f32 v24, v17;
	v24 =	vmul.f32 v28, v9  }
0x19f: {  	v19 =	vmul.f32 v19, v26;
	v18 =	vmul.f32 v27, v18  }
0x1a0: {  	v14 =	vsub.f32 $1.500000000e+00, v14;
	v27 =	vmul.f32 v13, v7;
	v29 =	vmul.f32 v28, v24  }
0x1a1: {  	v17 =	vmul.f32 v20, v25;
	v25 =	vmul.f32 v10, v5;
	v19 =	vsub.f32 $1.500000000e+00, v19  }
0x1a2: {  	v22 =	vmul.f32 v22, v14;
	v24 =	vmul.f32 v27, v13;
	v27 =	vsub.f32 $1.500000000e+00, v29  }
0x1a3: {  	v14 =	vmul.f32 v25, v10;
	v19 =	vmul.f32 v19, v26  }
0x1a4: {  	v25 =	vsub.f32 $1.500000000e+00, v17;
	v26 =	vmul.f32 v18, v12;
	v17 =	vmul.f32 v28, v27  }
0x1a5: {  	s9 =	simm.s32 $0x0;
	s10 =	simm.s32 $0x70;
	s1 =	simm.s32 $0x100;
	v27 =	vmul.f32 v22, v16;
	v23 =	vmul.f32 v19, v23  }
.LBB2_9:
0x1a6: {  	s13 =	sadd.s32 $0xFFFFFFD0, s10;
	s7 =	sadd.s32 $0xFFFFFFE0, s10;
	s12 =	sadd.s32 $0xFFFFFFF0, s10;
	v24 =	vsub.f32 $1.500000000e+00, v24;
	v20 =	vmul.f32 v20, v25;
	v25 =	vmul.f32 v26, v18  }
0x1a7: {  	s9 =	sadd.s32 $0x4, s9;
	v26 =	vmov s13;
	v28 =	vmov s7;
	v27 =	vmul.f32 v27, v22  }
0x1a8: {  	v21 =	vmul.f32 v21, v15;
	p0 =	slt.u32 s9, $0x24;
	v26 =	vmul.u32 $0x11, v26;
	v28 =	vmul.u32 $0x11, v28  }
0x1a9: {  	v29 =	vmov s12;
	v30 =	vmul.f32 v17, v9;
	v27 =	vsub.f32 $1.500000000e+00, v27  }
0x1aa: {  	v29 =	vmul.u32 $0x11, v29;
	v21 =	vsub.f32 $1.500000000e+00, v21;
	v26 =	vbroadcast v26, $0x0  }
0x1ab: {  	v31 =	vmul.f32 v20, v11;
	v25 =	vsub.f32 $1.500000000e+00, v25;
	v28 =	vbroadcast v28, $0x0  }
0x1ac: {  	v29 =	vbroadcast v29, $0x0;
	v22 =	vmul.f32 v27, v22;
	v26 =	vadd.s32 v0, v26  }
0x1ad: {  	v31 =	vmul.f32 v31, v20;
	v27 =	vmov s10;
	v26 =	vand.u32 $0xFFFFFFF8, v26  }
0x1ae: {  	v23 =	vmul.f32 v23, v19;
	v28 =	vadd.s32 v0, v28;
	v27 =	vmul.u32 $0x11, v27  }
0x1af: {  	v29 =	vadd.s32 v0, v29;
	v16 =	vmul.f32 v22, v16;
	v26 =	vor.u32 v1, v26  }
0x1b0: {  	v15 =	vmul.f32 v21, v15;
	v29 =	vand.u32 $0xFFFFFFF8, v29;
	v27 =	vbroadcast v27, $0x0  }
0x1b1: {  	v21 =	vand.u32 $0xFFFFFFF8, v28;
	v16 =	vmul.f32 v16, v22;
	v28 =	vld.idx.msk [tilespmem:v6+s21+$0x0], $0xffff;
	v6 =	vor.u32 v1, v29  }
0x1b2: {  	v25 =	vmul.f32 v25, v18;
	v8 =	vmul.f32 v15, v8;
	v27 =	vadd.s32 v0, v27  }
0x1b3: {  	v23 =	vsub.f32 $1.500000000e+00, v23;
	v27 =	vand.u32 $0xFFFFFFF8, v27;
	v29 =	vmul.f32 v30, v17  }
0x1b4: {  	v12 =	vmul.f32 v25, v12;
	v18 =	vor.u32 v1, v21;
	v21 =	vor.u32 v1, v27;
	v30 =	vld.idx.msk [tilespmem:v26+s23+$0x0], $0xffff  }
0x1b5: {  	v19 =	vmul.f32 v23, v19;
	v8 =	vmul.f32 v8, v15;
	v16 =	vsub.f32 $1.500000000e+00, v16;
	v27 =	vld.idx.msk [tilespmem:v26+s22+$0x0], $0xffff  }
0x1b6: {  	v13 =	vmul.f32 v24, v13;
	v24 =	vsub.f32 $1.500000000e+00, v31;
	v12 =	vmul.f32 v12, v25;
	v23 =	vld.idx.msk [tilespmem:v3+s21+$0x0], $0xffff;
	v3 =	vmovc v26  }
0x1b7: {  	v8 =	vsub.f32 $1.500000000e+00, v8;
	v29 =	vsub.f32 $1.500000000e+00, v29;
	v19 =	vmul.f32 v19, v28;
	v26 =	vld.idx.msk [tilespmem:v6+s23+$0x0], $0xffff  }
0x1b8: {  	v31 =	vmul.f32 v13, v7;
	v20 =	vmul.f32 v24, v20;
	v7 =	vsub.f32 $1.500000000e+00, v12;
	v28 =	vld.idx.msk [tilespmem:v6+s22+$0x0], $0xffff  }
0x1b9: {  	v15 =	vmul.f32 v8, v15;
	v17 =	vmul.f32 v29, v17;
	v12 =	vld.idx.msk [tilespmem:v18+s23+$0x0], $0xffff  }
0x1ba: {  	v11 =	vmul.f32 v20, v11;
	v25 =	vmul.f32 v7, v25;
	v8 =	vmax.f32 v30, $1.000000000e+00;
	v24 =	vld.idx.msk [tilespmem:v21+s22+$0x0], $0xffff  }
0x1bb: {  	v29 =	vshra.s32 v8, $0x1;
	v7 =	vmul.f32 $5.000000000e-01, v8;
	v8 =	vmul.f32 v17, v9;
	v30 =	vld.idx.msk [tilespmem:v21+s23+$0x0], $0xffff  }
0x1bc: {  	v31 =	vmul.f32 v31, v13;
	v16 =	vmul.f32 v16, v22;
	v29 =	vsub.s32 $0x5F3759DF, v29;
	v9 =	vld.idx.msk [tilespmem:v18+s22+$0x0], $0xffff  }
0x1bd: {  	v22 =	vmax.f32 v27, $1.000000000e+00;
	v27 =	vmul.f32 v29, v7;
	v32 =	vmul.f32 v8, v17  }
0x1be: {  	v31 =	vsub.f32 $1.500000000e+00, v31;
	v33 =	vshra.s32 v22, $0x1;
	v28 =	vmax.f32 v28, $1.000000000e+00  }
0x1bf: {  	v8 =	vmul.f32 $5.000000000e-01, v22;
	v22 =	vmul.f32 v29, v27;
	v12 =	vmax.f32 v12, $1.000000000e+00  }
0x1c0: {  	v13 =	vmul.f32 v31, v13;
	v26 =	vmax.f32 v26, $1.000000000e+00;
	v27 =	vmul.f32 $5.000000000e-01, v12  }
0x1c1: {  	s11 =	sand.u32 $0xE00, s31;
	s31 =	smov.u32 s1;
	v15 =	vmul.f32 v15, v23;
	v31 =	vshra.s32 v26, $0x1;
	v30 =	vmax.f32 v30, $1.000000000e+00;
	v23 =	vld.idx.msk [tilespmem:v4+s21+$0x0], $0xffff;
	v4 =	vmovc v21  }
0x1c2: {  	v14 =	vsub.f32 $1.500000000e+00, v14;
	s11 =	sshrl.u32 s11, $0x2;
	v9 =	vmax.f32 v9, $1.000000000e+00;
	v21 =	vmax.f32 v24, $1.000000000e+00  }
0x1c3: {  	s15 =	sand.u32 $0x40, s8;
	s8 =	smov.u32 s13;
	s14 =	sadd.s32 $0x1C980, s11;
	v13 =	vmul.f32 v13, v15;
	v24 =	vsub.s32 $0x5F3759DF, v33;
	v33 =	vshra.s32 v21, $0x1  }
0x1c4: {  	v10 =	vmul.f32 v14, v10;
	s11 =	sor.u32 s15, s14;
	v34 =	vshra.s32 v28, $0x1;
	v15 =	vmul.f32 v24, v8  }
0x1c5: {  	v11 =	vmul.f32 v11, v20;
	v34 =	vsub.s32 $0x5F3759DF, v34;
	v14 =	vshra.s32 v9, $0x1;
	[tilespmem:s11+$0x0] =	vst v13  }
0x1c6: {  	v28 =	vmul.f32 $5.000000000e-01, v28;
	v12 =	vshra.s32 v12, $0x1;
	v13 =	vmul.f32 v10, v5;
	v5 =	vmovc v27  }
0x1c7: {  	v15 =	vmul.f32 v24, v15;
	v27 =	vsub.s32 $0x5F3759DF, v12;
	v12 =	vmul.f32 v16, v23  }
0x1c8: {  	v11 =	vsub.f32 $1.500000000e+00, v11;
	v16 =	vmul.f32 v34, v28;
	v23 =	vsub.s32 $0x5F3759DF, v33  }
0x1c9: {  	s11 =	sand.u32 $0x70, s0;
	s0 =	smov.u32 s10;
	v15 =	vsub.f32 $1.500000000e+00, v15;
	v33 =	vmul.f32 v27, v5;
	v12 =	vmul.f32 v25, v12  }
0x1ca: {  	v11 =	vmul.f32 v11, v20;
	v35 =	vsub.s32 $0x5F3759DF, v14;
	v14 =	vshra.s32 v30, $0x1;
	s11 =	sor.u32 s11, s14  }
0x1cb: {  	v9 =	vmul.f32 $5.000000000e-01, v9;
	v14 =	vsub.s32 $0x5F3759DF, v14;
	v16 =	vmul.f32 v34, v16;
	[tilespmem:s11+$0x0] =	vst v12  }
0x1cc: {  	v20 =	vsub.f32 $1.500000000e+00, v22;
	v15 =	vmul.f32 v24, v15;
	v12 =	vmul.f32 $5.000000000e-01, v30  }
0x1cd: {  	v19 =	vmul.f32 v11, v19;
	v22 =	vmul.f32 v27, v33;
	v24 =	vsub.f32 $1.500000000e+00, v16  }
0x1ce: {  	v16 =	vmul.f32 $5.000000000e-01, v21;
	v30 =	vsub.f32 $1.500000000e+00, v32;
	v21 =	vmul.f32 v14, v12;
	v25 =	vld.idx.msk [tilespmem:v2+s21+$0x0], $0xffff;
	v2 =	vmovc v18  }
0x1cf: {  	v18 =	vsub.f32 $1.500000000e+00, v22;
	v22 =	vmul.f32 v34, v24;
	v24 =	vmul.f32 v13, v10  }
0x1d0: {  	v11 =	vmul.f32 $5.000000000e-01, v26;
	v13 =	vmul.f32 v29, v20  }
0x1d1: {  	v26 =	vmul.f32 v23, v16;
	v21 =	vmul.f32 v14, v21;
	v24 =	vsub.f32 $1.500000000e+00, v24  }
0x1d2: {  	v17 =	vmul.f32 v30, v17;
	v29 =	vmul.f32 v22, v28  }
0x1d3: {  	v20 =	vsub.s32 $0x5F3759DF, v31;
	v26 =	vmul.f32 v23, v26;
	v24 =	vmul.f32 v24, v10  }
0x1d4: {  	v30 =	vmul.f32 v20, v11;
	v31 =	vsub.f32 $1.500000000e+00, v21;
	v17 =	vmul.f32 v17, v25  }
0x1d5: {  	v26 =	vsub.f32 $1.500000000e+00, v26;
	v21 =	vmul.f32 v15, v8;
	v25 =	vmul.f32 v29, v22  }
0x1d6: {  	s11 =	sand.u32 $0x60, s2;
	s2 =	smov.u32 s12;
	v10 =	vmul.f32 v27, v18;
	v27 =	vmul.f32 v20, v30  }
0x1d7: {  	s11 =	sor.u32 s11, s14;
	v29 =	vmul.f32 v35, v9;
	v18 =	vmul.f32 v14, v31;
	v30 =	vsub.f32 $1.500000000e+00, v25  }
0x1d8: {  	s12 =	sand.u32 $0x50, s29;
	s29 =	smov.u32 s7;
	v14 =	vmul.f32 v10, v5;
	v17 =	vmul.f32 v24, v17;
	[tilespmem:s11+$0x0] =	vst v19  }
.Ltmp3:
0x1d9: {  	s7 =	sor.u32 s12, s14;
	v24 =	vmul.f32 v13, v7;
	v29 =	vmul.f32 v35, v29;
	v25 =	vsub.f32 $1.500000000e+00, v27;
	(pc) =	sbr.rel @p0 .LBB2_9-.Ltmp3, $4  }
0x1da: {  	v19 =	vmul.f32 v30, v22;
	v22 =	vmul.f32 v23, v26;
	[tilespmem:s7+$0x0] =	vst v17  }
0x1db: {  	v24 =	vmul.f32 v24, v13;
	v26 =	vmul.f32 v18, v12;
	v17 =	vsub.f32 $1.500000000e+00, v29  }
0x1dc: {  	v14 =	vmul.f32 v14, v10;
	v23 =	vmul.f32 v19, v28  }
0x1dd: {  	s1 =	sadd.s32 $0x100, s1;
	s10 =	sadd.s32 $0x40, s10;
	v27 =	vmul.f32 v22, v16;
	v17 =	vmul.f32 v35, v17  }
0x1de: {  	v20 =	vmul.f32 v20, v25;
	v21 =	vmul.f32 v21, v15  }
0x1df: {  	v26 =	vmul.f32 v26, v18;
	v48 =	vmul.f32 v23, v19  }
0x1e0: {  	v49 =	vsub.f32 $1.500000000e+00, v24;
	v14 =	vsub.f32 $1.500000000e+00, v14;
	v27 =	vmul.f32 v27, v22  }
0x1e1: {  	v28 =	vmul.f32 v17, v9;
	v21 =	vsub.f32 $1.500000000e+00, v21;
	v43 =	vmul.f32 v20, v11  }
0x1e2: {  	v45 =	vsub.f32 $1.500000000e+00, v26;
	v13 =	vmul.f32 v49, v13;
	v10 =	vmul.f32 v14, v10  }
0x1e3: {  	v51 =	vmul.f32 v28, v17;
	v46 =	vmul.f32 v43, v20  }
0x1e4: {  	v42 =	vsub.f32 $1.500000000e+00, v27;
	v47 =	vmul.f32 v21, v15;
	v50 =	vmul.f32 v45, v18  }
0x1e5: {  	v21 =	vsub.f32 $1.500000000e+00, v48;
	v7 =	vmul.f32 v13, v7;
	v5 =	vmul.f32 v10, v5  }
0x1e6: {  	v6 =	vld.idx.msk [tilespmem:v6+s21+$0x0], $0xffff;
	v44 =	vmul.f32 v42, v22;
	v8 =	vmul.f32 v47, v8  }
0x1e7: {  	v12 =	vmul.f32 v50, v12;
	v52 =	vmul.f32 v21, v19  }
0x1e8: {  	v54 =	vsub.f32 $1.500000000e+00, v51;
	v7 =	vmul.f32 v7, v13;
	v5 =	vmul.f32 v5, v10  }
0x1e9: {  	v53 =	vsub.f32 $1.500000000e+00, v46;
	v16 =	vmul.f32 v44, v16;
	v8 =	vmul.f32 v8, v47  }
0x1ea: {  	v3 =	vld.idx.msk [tilespmem:v3+s21+$0x0], $0xffff;
	v56 =	vmul.f32 v54, v17;
	v12 =	vmul.f32 v12, v50  }
0x1eb: {  	v6 =	vmul.f32 v52, v6;
	v55 =	vmul.f32 v53, v20;
	v8 =	vsub.f32 $1.500000000e+00, v8  }
0x1ec: {  	v7 =	vsub.f32 $1.500000000e+00, v7;
	v16 =	vmul.f32 v16, v44;
	v57 =	vmul.f32 v56, v9  }
0x1ed: {  	v4 =	vld.idx.msk [tilespmem:v4+s21+$0x0], $0xffff;
	v58 =	vmul.f32 v55, v11;
	v8 =	vmul.f32 v8, v47  }
0x1ee: {  	v7 =	vmul.f32 v7, v13;
	v16 =	vsub.f32 $1.500000000e+00, v16;
	v9 =	vmul.f32 v57, v56  }
0x1ef: {  	v2 =	vld.idx.msk [tilespmem:v2+s21+$0x0], $0xffff;
	s1 =	sand.u32 $0xE00, s31;
	v12 =	vsub.f32 $1.500000000e+00, v12;
	v11 =	vmul.f32 v58, v55;
	v3 =	vmul.f32 v8, v3  }
0x1f0: {  	s1 =	sshrl.u32 s1, $0x2;
	v5 =	vsub.f32 $1.500000000e+00, v5;
	v59 =	vmul.f32 v16, v44;
	v60 =	vsub.f32 $1.500000000e+00, v9  }
0x1f1: {  	s7 =	sand.u32 $0x40, s8;
	s1 =	sadd.s32 $0x1C980, s1;
	v61 =	vmul.f32 v12, v50;
	v11 =	vsub.f32 $1.500000000e+00, v11;
	v3 =	vmul.f32 v7, v3  }
0x1f2: {  	s7 =	sor.u32 s7, s1;
	v4 =	vmul.f32 v59, v4;
	v62 =	vmul.f32 v60, v56  }
0x1f3: {  	v5 =	vmul.f32 v5, v10;
	v63 =	vmul.f32 v11, v55;
	[tilespmem:s7+$0x0] =	vst v3  }
0x1f4: {  	s0 =	sand.u32 $0x70, s0;
	s2 =	sand.u32 $0x60, s2;
	v4 =	vmul.f32 v61, v4;
	v2 =	vmul.f32 v62, v2;
	s7 =	rddreg [dreg:$0xa]  }
0x1f5: {  	s14 =	sand.u32 $0x50, s29;
	s0 =	sor.u32 s0, s1;
	v3 =	vmul.f32 v63, v6;
	s7 =	sadd.s32 s30, s7  }
0x1f6: {  	s28 =	sadd.s32 $0x1, s28;
	s13 =	sor.u32 s2, s1;
	[tilespmem:s0+$0x0] =	vst v4;
	v2 =	vmul.f32 v5, v2;
	s7 =	sshll.u32 s7, $0x4  }
0x1f7: {  	p0 =	sne.s32 s28, $0x50;
	s15 =	sor.u32 s14, s1;
	[tilespmem:s13+$0x0] =	vst v3;
	s29 =	sand.u32 $0x1FFFFFF0, s7  }
.Ltmp4:
0x1f8: {  	s31 =	simm.s32 $0x1C980;
	[tilespmem:s15+$0x0] =	vst v2;
	s30 =	sadd.s32 s6, s29;
	(pc) =	sbr.rel @p0 .LBB2_2-.Ltmp4, $4  }
0x1f9: {  	[hbm4b:s30+s3] =	stream.linear.scatter [tilespmem:s31], [sflag:$0x5], $0x280, $0x38;
	[tilespmem:$0x1CC00] =	vst v63  }
0x1fa: {  	_ =	swait.ge [sflag:s25], $0x280  }
0x1fb: {  	[sflag:s25] =	ssyncset.done $0x0  }
0x1fc: {  	s15 =	smov.u32 s16;
	[sflag:s25] =	ssyncadd.s32 $0xFFFFFD80  }
0x1fd: {  	_ =	swait.ge [sflag:s19], $0x5000  }
0x1fe: {  	[sflag:s19] =	ssyncset.done $0x0  }
0x1ff: {  	[sflag:s19] =	ssyncadd.s32 $0xFFFFB000  }
0x200: {  	_ =	swait.ge [sflag:s19], $0x5000  }
0x201: {  	[sflag:s19] =	ssyncset.done $0x0  }
0x202: {  	[sflag:s19] =	ssyncadd.s32 $0xFFFFB000  }
0x203: {  	_ =	swait.ge [sflag:s20], $0x280  }
0x204: {  	[sflag:s20] =	ssyncset.done $0x0  }
0x205: {  	[sflag:s20] =	ssyncadd.s32 $0xFFFFFD80  }
0x206: {  	_ =	swait.ge [sflag:s20], $0x280  }
0x207: {  	s1 =	rddreg [dreg:$0xc]  }
0x208: {  	s0 =	rddreg [dreg:$0xb];
	s1 =	sadd.s32 $0x1, s1  }
0x209: {  	p0 =	sne.s32 s1, s0  }
.Ltmp5:
0x20a: {  	_ = 	snop;
	(pc) =	sbr.rel @p0 .LBB2_1-.Ltmp5, $3  }
0x20b: {  	_ =	sdelay $0x1  }
0x20c: {  	[sflag:s20] =	ssyncset.done $0x0  }
0x20d: {  	[sflag:s20] =	ssyncadd.s32 $0xFFFFFD80  }
0x20e: {  	_ =	sfence.sel $0x180000  }
0x20f: {  	[bflag:$0x0] =	sbarrier.arrive $0xFFFF  }
0x210: {  	_ =	strace $0x9000004A  }
0x211: {  	s0 =	stileid.u32;
	[bflag:$0x2] =	sbarrier.arrive $0xFFFF  }
0x212: {  	p0 =	sne.s32 s0, $0x0;
	s0 =	rddreg [dreg:$0x2]  }
0x213: {  	s0 =	sadd.s32 @!p0 $0x100000, s0  }
0x214: {  	[sflag:s0] =	ssyncadd.tile.s32 @!p0 $0x1;
	_ =	shalt  }
.Lfunc_end2:
_tile_overlayer_lowered:
.L_overlay_start_2:
0x215: {  	(tag) =	ssettag $0x2  }
0x216: {  	s0 =	rddreg [dreg:$0x0];
	s2 =	stileid.u32  }
0x217: {  	s1 =	rddreg [dreg:$0x1];
	p0 =	sne.s32 s2, $0x0  }
0x218: {  	s3 =	rddreg [dreg:$0x2];
	[bflag:$0x3] =	sbarrier.arrive $0xFFFF;
	s2 =	simm.s32 @!p0 $0x1C05  }
0x219: {  	[timem:s3], [sflag:s2] =	dma.local @!p0 [hbm:s0], s1  }
0x21a: {  	s0 =	simm.s32 @!p0 $0x5  }
0x21b: {  	_ =	swait.ge @!p0 [sflag:s0], s1  }
0x21c: {  	s1 =	ssub.s32 @!p0 $0x0, s1;
	[sflag:s0] =	ssyncset.done @!p0 $0x0  }
0x21d: {  	[sflag:s0] =	ssyncadd.s32 @!p0 s1  }
0x21e: {  	[bflag:$0x3] =	sbarrier.arrive $0xFFFF  }
0x21f: {  	_ =	shalt  }

</sc_bundles>
